<compile_context>
chip_gen: v7x
topology: tpu7x:2x2x1
jax: 0.10.2.dev20260603
libtpu: 0.0.44.dev20260713+nightly
codegen_flags: <defaults>
</compile_context>

<pallas_src>
import functools

import jax
import jax.numpy as jnp
from jax import lax
from jax.experimental import pallas as pl
from jax.experimental.pallas import tpu as pltpu
from jax.experimental.pallas import tpu_sc as plsc

NQ, NC, K, C, H = 4096, 16384, 16, 128, 8
AUX = 16
TN_ATTN = 512
TN_PROJ = 512
CH = 128
NBUF = 4
LANES = 16
CPAD = 16

SC_CORES = 2
SC_SUBCORES = 16
NW = SC_CORES * SC_SUBCORES

BF = jnp.bfloat16
F32 = jnp.float32
I32 = jnp.int32



def _table_body(cf_ref, wk_ref, bk_ref, wv_ref, bv_ref, out_ref):
    cf = cf_ref[...].astype(BF)
    k = jnp.dot(cf, wk_ref[...].astype(BF), preferred_element_type=F32) \
        + bk_ref[...]
    v = jnp.dot(cf, wv_ref[...].astype(BF), preferred_element_type=F32) \
        + bv_ref[...]
    kb = lax.bitcast_convert_type(k.astype(BF), jnp.uint16).astype(I32)
    vb = lax.bitcast_convert_type(v.astype(BF), jnp.uint16).astype(I32)
    out_ref[...] = (kb << 16) | vb


def _attn_body(g_ref, aux_ref, qc_ref, qf_ref, w16_ref, bp1_ref, wq_ref,
               bq_ref, wp2_ref, bp2_ref, ww1_ref, bw1_ref, ww2_ref, bw2_ref,
               wo_ref, bo_ref, out_ref):
    tn = qf_ref.shape[0]
    kt = K * tn
    u = g_ref[...]
    kg = lax.bitcast_convert_type(u, F32)
    vg = lax.bitcast_convert_type(u << 16, F32)

    qf = qf_ref[...]
    w16 = w16_ref[...]
    qp = qc_ref[...] @ w16 + bp1_ref[...]
    q = (jnp.dot(qf.astype(BF), wq_ref[...].astype(BF),
                 preferred_element_type=F32) + bq_ref[...])

    auxp = aux_ref[...]
    auxt = jnp.transpose(auxp, (0, 1, 3, 2)).reshape(kt, 3)
    cpw = (auxt @ w16_ref[0:3, :]).reshape(K, tn, C)

    posw = qp[None, :, :] - cpw
    pw = jnp.maximum(posw.astype(BF), 0).reshape(kt, C)
    pe = (jnp.dot(pw, wp2_ref[...].astype(BF), preferred_element_type=F32)
          + bp2_ref[...])
    rel = (q[None, :, :] - kg).reshape(kt, C) + pe
    t = jnp.maximum(
        (jnp.dot(rel.astype(BF), ww1_ref[...].astype(BF),
                 preferred_element_type=F32) + bw1_ref[...]).astype(BF), 0)
    w = (jnp.dot(t, ww2_ref[...].astype(BF),
                 preferred_element_type=F32) + bw2_ref[...])

    w3 = w.reshape(K, tn, H)
    m = jnp.max(w3, axis=0)
    e = jnp.exp(w3 - m[None])
    s = jnp.sum(e, axis=0)
    attn = (e / s[None]).reshape(kt, H)

    hc = lax.broadcasted_iota(I32, (H, C), 1) // (C // H)
    hr = lax.broadcasted_iota(I32, (H, C), 0)
    expand = (hc == hr).astype(F32)
    af = (attn @ expand).reshape(K, tn, C)

    val = vg + pe.reshape(K, tn, C)
    out = jnp.sum(af * val, axis=0)
    out_ref[...] = (qf
                    + jnp.dot(out.astype(BF), wo_ref[...].astype(BF),
                              preferred_element_type=F32) + bo_ref[...])



def _table(cf, wk, bk, wv, bv):
    m = cf.shape[0]
    grid = (m // TN_PROJ,)
    full = lambda shape: pl.BlockSpec(shape, lambda i: (0, 0))
    return pl.pallas_call(
        _table_body,
        grid=grid,
        in_specs=[
            pl.BlockSpec((TN_PROJ, C), lambda i: (i, 0)),
            full((C, C)), full((1, C)), full((C, C)), full((1, C)),
        ],
        out_specs=pl.BlockSpec((TN_PROJ, C), lambda i: (i, 0)),
        out_shape=jax.ShapeDtypeStruct((m, C), I32),
    )(cf, wk, bk.reshape(1, C), wv, bv.reshape(1, C))


def _attention(g3, aux4, qc16, qf, w16, p):
    n = qf.shape[0]
    grid = (n // TN_ATTN,)
    full = lambda shape: pl.BlockSpec(shape, lambda i: (0, 0))
    return pl.pallas_call(
        _attn_body,
        grid=grid,
        in_specs=[
            pl.BlockSpec((K, TN_ATTN, C), lambda i: (0, i, 0)),
            pl.BlockSpec((K, TN_ATTN // CH, 3, CH), lambda i: (0, i, 0, 0)),
            pl.BlockSpec((TN_ATTN, AUX), lambda i: (i, 0)),
            pl.BlockSpec((TN_ATTN, C), lambda i: (i, 0)),
            full((AUX, C)), full((1, C)),
            full((C, C)), full((1, C)),
            full((C, C)), full((1, C)),
            full((C, C)), full((1, C)),
            full((C, H)), full((1, H)),
            full((C, C)), full((1, C)),
        ],
        out_specs=pl.BlockSpec((TN_ATTN, C), lambda i: (i, 0)),
        out_shape=jax.ShapeDtypeStruct((n, C), F32),
    )(g3, aux4, qc16, qf,
      w16, p['bp1'].reshape(1, C),
      p['Wq'], p['bq'].reshape(1, C),
      p['Wp2'], p['bp2'].reshape(1, C),
      p['Ww1'], p['bw1'].reshape(1, C),
      p['Ww2'], p['bw2'].reshape(1, H),
      p['Wo'], p['bo'].reshape(1, C))



def _sc_gather(table, coords_flat, idx):
    b = idx.shape[0]
    per_w = b // NW
    nch = per_w // CH
    ngrp = nch // NBUF
    mesh = plsc.VectorSubcoreMesh(core_axis_name="c", subcore_axis_name="s")

    @functools.partial(
        pl.kernel,
        mesh=mesh,
        out_type=[jax.ShapeDtypeStruct((b, C), I32),
                  jax.ShapeDtypeStruct((b * 3,), F32)],
        scratch_types=(
            [pltpu.VMEM((per_w,), I32)]
            + [pltpu.VMEM((CH, C), I32) for _ in range(NBUF)]
            + [pltpu.VMEM((3 * CH,), I32) for _ in range(NBUF)]
            + [pltpu.VMEM((3 * CH,), F32) for _ in range(NBUF)]
            + [pltpu.SemaphoreType.DMA for _ in range(4 * NBUF)]
        ),
    )
    def gk(table_hbm, coords_hbm, idx_hbm, kv_hbm, cc_hbm, idx_v, *rest):
        kvb = rest[:NBUF]
        posb = rest[NBUF:2 * NBUF]
        cb = rest[2 * NBUF:3 * NBUF]
        gsems = rest[3 * NBUF:4 * NBUF]
        csems = rest[4 * NBUF:5 * NBUF]
        s1sems = rest[5 * NBUF:6 * NBUF]
        s2sems = rest[6 * NBUF:7 * NBUF]
        wid = lax.axis_index("s") * SC_CORES + lax.axis_index("c")
        base = wid * per_w
        pltpu.sync_copy(idx_hbm.at[pl.ds(base, per_w)], idx_v)

        def group(grp, carry):
            cbase = grp * (NBUF * CH)
            kvcps, ccps = [], []
            for bi in range(NBUF):
                @pl.when(grp > 0)
                def _drain(bi=bi):
                    pltpu.make_async_copy(
                        kvb[bi], kv_hbm.at[pl.ds(base, CH)],
                        s1sems[bi]).wait()
                    pltpu.make_async_copy(
                        cb[bi], cc_hbm.at[pl.ds(0, 3 * CH)],
                        s2sems[bi]).wait()
                coff = cbase + bi * CH
                kvcps.append(pltpu.async_copy(
                    table_hbm.at[idx_v.at[pl.ds(coff, CH)]],
                    kvb[bi], gsems[bi]))
                for j in range(CH // LANES):
                    iv = idx_v[pl.ds(coff + j * LANES, LANES)]
                    p16 = iv * CPAD
                    for c3 in range(3):
                        posb[bi][pl.ds(c3 * CH + j * LANES, LANES)] = p16 + c3
                ccps.append(pltpu.async_copy(
                    coords_hbm.at[posb[bi]], cb[bi], csems[bi]))
            for bi in range(NBUF):
                coff = cbase + bi * CH
                kvcps[bi].wait()
                ccps[bi].wait()
                pltpu.async_copy(
                    kvb[bi], kv_hbm.at[pl.ds(base + coff, CH)], s1sems[bi])
                pltpu.async_copy(
                    cb[bi], cc_hbm.at[pl.ds((base + coff) * 3, 3 * CH)],
                    s2sems[bi])
            return carry

        lax.fori_loop(0, ngrp, group, 0)
        for bi in range(NBUF):
            pltpu.make_async_copy(
                kvb[bi], kv_hbm.at[pl.ds(base, CH)], s1sems[bi]).wait()
            pltpu.make_async_copy(
                cb[bi], cc_hbm.at[pl.ds(0, 3 * CH)], s2sems[bi]).wait()

    return gk(table, coords_flat, idx)



def _block(p, w16, qfeat, qc16, cfeat, ccflat, knn):
    n = qfeat.shape[0]
    tbl = _table(cfeat, p['Wk'], p['bk'], p['Wv'], p['bv'])
    idx = knn.astype(I32).T.reshape(-1)
    kv, cc = _sc_gather(tbl, ccflat, idx)
    g3 = kv.reshape(K, n, C)
    aux4 = cc.reshape(K, n // CH, 3, CH)
    return _attention(g3, aux4, qc16, qfeat, w16, p)


def _pad_aux(x):
    return jnp.pad(x, ((0, 0), (0, AUX - x.shape[1])))


def kernel(query_coord, query_feat, query_offset, context_coord, context_feat,
           context_offset, knn_query2query, knn_query2context,
           knn_context2query, params_query_attn, params_context_attn):
    qc16 = _pad_aux(query_coord)
    qcflat = qc16.reshape(-1)
    ccflat = _pad_aux(context_coord).reshape(-1)
    w16_q = jnp.pad(params_query_attn['Wp1'], ((0, AUX - 3), (0, 0)))
    w16_c = jnp.pad(params_context_attn['Wp1'], ((0, AUX - 3), (0, 0)))

    qf = _block(params_query_attn, w16_q, query_feat, qc16,
                query_feat, qcflat, knn_query2query)
    qf = _block(params_context_attn, w16_c, qf, qc16,
                context_feat, ccflat, knn_query2context)
    cf = _block(params_context_attn, w16_c, context_feat,
                _pad_aux(context_coord), qf, qcflat, knn_context2query)
    return (query_coord, qf, query_offset, context_coord, cf, context_offset)

# --- scband reference (transcript-rebuilt; emitter-appended) ---
"""Pipeline reference for scband-point-samblock-22823456211288 (READ-ONLY COPY).

The authoritative reference and input builder live on the scoring server;
editing this copy changes nothing except your own understanding.
"""

import jax, jax.numpy as jnp
import numpy as np

NQ, NC, K, C, H = 4096, 16384, 16, 128, 8

def _pt_params(key, C, H):
    ks = jax.random.split(key, 8)
    s = 1.0 / np.sqrt(C)
    return {
        'Wq': jax.random.normal(ks[0], (C, C)) * s, 'bq': jnp.zeros((C,)),
        'Wk': jax.random.normal(ks[1], (C, C)) * s, 'bk': jnp.zeros((C,)),
        'Wv': jax.random.normal(ks[2], (C, C)) * s, 'bv': jnp.zeros((C,)),
        'Wp1': jax.random.normal(ks[3], (3, C)) * (1.0 / np.sqrt(3.0)), 'bp1': jnp.zeros((C,)),
        'Wp2': jax.random.normal(ks[4], (C, C)) * s, 'bp2': jnp.zeros((C,)),
        'Ww1': jax.random.normal(ks[5], (C, C)) * s, 'bw1': jnp.zeros((C,)),
        'Ww2': jax.random.normal(ks[6], (C, H)) * s, 'bw2': jnp.zeros((H,)),
        'Wo': jax.random.normal(ks[7], (C, C)) * s, 'bo': jnp.zeros((C,)),
    }

def _point_transformer(p, query_feat, coord, context_feat, context_coord, knn):
    N, Cdim = query_feat.shape
    Hh = p['Ww2'].shape[1]
    d = Cdim // Hh
    q = query_feat @ p['Wq'] + p['bq']
    k = context_feat @ p['Wk'] + p['bk']
    v = context_feat @ p['Wv'] + p['bv']
    kg = jnp.take(k, knn, axis=0)
    vg = jnp.take(v, knn, axis=0)
    pos = coord[:, None, :] - jnp.take(context_coord, knn, axis=0)
    pe = jax.nn.relu(pos @ p['Wp1'] + p['bp1']) @ p['Wp2'] + p['bp2']
    rel = q[:, None, :] - kg + pe
    w = jax.nn.relu(rel @ p['Ww1'] + p['bw1']) @ p['Ww2'] + p['bw2']
    attn = jax.nn.softmax(w, axis=1)
    val = (vg + pe).reshape(N, -1, Hh, d)
    out = jnp.einsum('nkh,nkhd->nhd', attn, val).reshape(N, Cdim)
    return query_feat + (out @ p['Wo'] + p['bo'])

def setup_inputs(seed: int = 0):
    key = jax.random.key(seed)
    ks = jax.random.split(key, 9)
    return {
        'query_coord': jax.random.uniform(ks[0], (NQ, 3), dtype=jnp.float32),
        'query_feat': jax.random.normal(ks[1], (NQ, C), dtype=jnp.float32),
        'query_offset': jnp.array([NQ], dtype=jnp.int32),
        'context_coord': jax.random.uniform(ks[2], (NC, 3), dtype=jnp.float32),
        'context_feat': jax.random.normal(ks[3], (NC, C), dtype=jnp.float32),
        'context_offset': jnp.array([NC], dtype=jnp.int32),
        'knn_query2query': jax.random.randint(ks[4], (NQ, K), 0, NQ),
        'knn_query2context': jax.random.randint(ks[5], (NQ, K), 0, NC),
        'knn_context2query': jax.random.randint(ks[6], (NC, K), 0, NQ),
        'params_query_attn': _pt_params(ks[7], C, H),
        'params_context_attn': _pt_params(ks[8], C, H),
    }

def reference(query_coord, query_feat, query_offset, context_coord, context_feat, context_offset, knn_query2query, knn_query2context, knn_context2query, params_query_attn, params_context_attn):
    qf = _point_transformer(params_query_attn, query_feat, query_coord, query_feat, query_coord, knn_query2query)
    qf = _point_transformer(params_context_attn, qf, query_coord, context_feat, context_coord, knn_query2context)
    cf = _point_transformer(params_context_attn, context_feat, context_coord, qf, query_coord, knn_context2query)
    return (query_coord, qf, query_offset, context_coord, cf, context_offset)

if __name__ == "__main__":
    import jax
    _d = setup_inputs()
    print(jax.jit(kernel)(*tuple(_d.values())))

</pallas_src>

<mosaic_0001>
#map = affine_map<(d0, d1) -> (0, 0)>
#map1 = affine_map<(d0, d1) -> (0)>
module attributes {stable_mosaic.version = 14 : i64} {
  func.func @gk(%arg0: i32, %arg1: i32, %arg2: memref<4096x128xi32, #tpu.memory_space<hbm>>, %arg3: memref<65536xf32, #tpu.memory_space<hbm>>, %arg4: memref<262144xi32, #tpu.memory_space<hbm>>, %arg5: memref<262144x128xi32, #tpu.memory_space<hbm>>, %arg6: memref<786432xf32, #tpu.memory_space<hbm>>, %arg7: memref<8192xi32, #tpu.memory_space<vmem>>, %arg8: memref<128x128xi32, #tpu.memory_space<vmem>>, %arg9: memref<128x128xi32, #tpu.memory_space<vmem>>, %arg10: memref<128x128xi32, #tpu.memory_space<vmem>>, %arg11: memref<128x128xi32, #tpu.memory_space<vmem>>, %arg12: memref<384xi32, #tpu.memory_space<vmem>>, %arg13: memref<384xi32, #tpu.memory_space<vmem>>, %arg14: memref<384xi32, #tpu.memory_space<vmem>>, %arg15: memref<384xi32, #tpu.memory_space<vmem>>, %arg16: memref<384xf32, #tpu.memory_space<vmem>>, %arg17: memref<384xf32, #tpu.memory_space<vmem>>, %arg18: memref<384xf32, #tpu.memory_space<vmem>>, %arg19: memref<384xf32, #tpu.memory_space<vmem>>, %arg20: memref<!tpu.dma_semaphore, #tpu.memory_space<semaphore_mem>>, %arg21: memref<!tpu.dma_semaphore, #tpu.memory_space<semaphore_mem>>, %arg22: memref<!tpu.dma_semaphore, #tpu.memory_space<semaphore_mem>>, %arg23: memref<!tpu.dma_semaphore, #tpu.memory_space<semaphore_mem>>, %arg24: memref<!tpu.dma_semaphore, #tpu.memory_space<semaphore_mem>>, %arg25: memref<!tpu.dma_semaphore, #tpu.memory_space<semaphore_mem>>, %arg26: memref<!tpu.dma_semaphore, #tpu.memory_space<semaphore_mem>>, %arg27: memref<!tpu.dma_semaphore, #tpu.memory_space<semaphore_mem>>, %arg28: memref<!tpu.dma_semaphore, #tpu.memory_space<semaphore_mem>>, %arg29: memref<!tpu.dma_semaphore, #tpu.memory_space<semaphore_mem>>, %arg30: memref<!tpu.dma_semaphore, #tpu.memory_space<semaphore_mem>>, %arg31: memref<!tpu.dma_semaphore, #tpu.memory_space<semaphore_mem>>, %arg32: memref<!tpu.dma_semaphore, #tpu.memory_space<semaphore_mem>>, %arg33: memref<!tpu.dma_semaphore, #tpu.memory_space<semaphore_mem>>, %arg34: memref<!tpu.dma_semaphore, #tpu.memory_space<semaphore_mem>>, %arg35: memref<!tpu.dma_semaphore, #tpu.memory_space<semaphore_mem>>) attributes {dimension_semantics = [#tpu.dimension_semantics<core_parallel>, #tpu.dimension_semantics<subcore_parallel>], iteration_bounds = array<i64: 2, 16>, scalar_prefetch = 0 : i64, scratch_operands = 29 : i64, tpu.core_type = #tpu.core_type<sc_vector_subcore>, window_params = [{transform_indices = #map}, {transform_indices = #map1}, {transform_indices = #map1}, {transform_indices = #map}, {transform_indices = #map1}]} {
    %mul3A = arith.constant 2 : i32
    %mul3A_0 = arith.muli %arg1, %mul3A : i32
    %add3A = arith.addi %mul3A_0, %arg0 : i32
    %mul3A_1 = arith.constant 8192 : i32
    %mul3A_2 = arith.muli %add3A, %mul3A_1 : i32
    "tpu.region"() ({
      %run_scoped3A = tpu.sem_alloc : memref<!tpu.dma_semaphore, #tpu.memory_space<semaphore_mem>>
      %dma_start3A = tpu.memref_slice %arg4[%mul3A_2] : memref<262144xi32, #tpu.memory_space<hbm>> -> memref<8192xi32, #tpu.memory_space<hbm>>
      %dma_start3A_39 = tpu.memref_slice %arg4[%mul3A_2] : memref<262144xi32, #tpu.memory_space<hbm>> -> memref<8192xi32, #tpu.memory_space<hbm>>
      tpu.enqueue_dma source(%dma_start3A_39 : memref<8192xi32, #tpu.memory_space<hbm>>) target(%arg7 : memref<8192xi32, #tpu.memory_space<vmem>>) target_semaphore(%run_scoped3A : memref<!tpu.dma_semaphore, #tpu.memory_space<semaphore_mem>>)
      %dma_wait3A_40 = tpu.memref_slice %arg4[%mul3A_2] : memref<262144xi32, #tpu.memory_space<hbm>> -> memref<8192xi32, #tpu.memory_space<hbm>>
      %dma_wait3A_41 = tpu.memref_slice %arg4[%mul3A_2] : memref<262144xi32, #tpu.memory_space<hbm>> -> memref<8192xi32, #tpu.memory_space<hbm>>
      tpu.wait_dma2 semaphore(%run_scoped3A : memref<!tpu.dma_semaphore, #tpu.memory_space<semaphore_mem>>) src(%dma_wait3A_41 : memref<8192xi32, #tpu.memory_space<hbm>>) dst(%arg7 : memref<8192xi32, #tpu.memory_space<vmem>>)
      tpu.yield
    }) : () -> ()
    %scan3A = arith.constant 0 : i32
    %scan3A_3 = arith.constant 0 : i32
    %scan3A_4 = arith.constant 16 : i32
    %scan3A_5 = arith.addi %scan3A_3, %scan3A_4 : i32
    %scan3A_6 = arith.constant 1 : i32
    scf.for %scan3A_39 = %scan3A_3 to %scan3A_5 step %scan3A_6  : i32 {
      %mul3A_40 = arith.constant 512 : i32
      %mul3A_41 = arith.muli %scan3A_39, %mul3A_40 : i32
      %gt3A = arith.constant 0 : i32
      %gt3A_42 = arith.cmpi sgt, %scan3A_39, %gt3A : i32
      %convert_element_type3A = arith.extui %gt3A_42 : i1 to i32
      %cond3A = arith.constant 0 : i32
      %cond3A_43 = arith.cmpi ne, %convert_element_type3A, %cond3A : i32
      scf.if %cond3A_43 {
        %dma_wait3A_1088 = arith.constant 0 : i32
        %dma_wait3A_1089 = tpu.memref_slice %arg5[%mul3A_2, %dma_wait3A_1088] : memref<262144x128xi32, #tpu.memory_space<hbm>> -> memref<128x128xi32, #tpu.memory_space<hbm>>
        %dma_wait3A_1090 = arith.constant 0 : i32
        %dma_wait3A_1091 = tpu.memref_slice %arg5[%mul3A_2, %dma_wait3A_1090] : memref<262144x128xi32, #tpu.memory_space<hbm>> -> memref<128x128xi32, #tpu.memory_space<hbm>>
        tpu.wait_dma2 semaphore(%arg28 : memref<!tpu.dma_semaphore, #tpu.memory_space<semaphore_mem>>) src(%arg8 : memref<128x128xi32, #tpu.memory_space<vmem>>) dst(%dma_wait3A_1091 : memref<128x128xi32, #tpu.memory_space<hbm>>)
        %dma_wait3A_1092 = arith.constant 0 : i32
        %dma_wait3A_1093 = tpu.memref_slice %arg6[%dma_wait3A_1092] : memref<786432xf32, #tpu.memory_space<hbm>> -> memref<384xf32, #tpu.memory_space<hbm>>
        %dma_wait3A_1094 = arith.constant 0 : i32
        %dma_wait3A_1095 = tpu.memref_slice %arg6[%dma_wait3A_1094] : memref<786432xf32, #tpu.memory_space<hbm>> -> memref<384xf32, #tpu.memory_space<hbm>>
        tpu.wait_dma2 semaphore(%arg32 : memref<!tpu.dma_semaphore, #tpu.memory_space<semaphore_mem>>) src(%arg16 : memref<384xf32, #tpu.memory_space<vmem>>) dst(%dma_wait3A_1095 : memref<384xf32, #tpu.memory_space<hbm>>)
      } else {
      }
      %add3A_44 = arith.constant 0 : i32
      %add3A_45 = arith.addi %mul3A_41, %add3A_44 : i32
      %dma_start3A = tpu.memref_slice %arg7[%add3A_45] : memref<8192xi32, #tpu.memory_space<vmem>> -> memref<128xi32, #tpu.memory_space<vmem>>
      %dma_start3A_46 = arith.constant 0 : i32
      %dma_start3A_47 = arith.constant 0 : i32
      %dma_start3A_48 = tpu.memref_slice %arg2[%dma_start3A_46, %dma_start3A_47] : memref<4096x128xi32, #tpu.memory_space<hbm>> -> memref<4096x128xi32, #tpu.memory_space<hbm>>
      tpu.enqueue_indirect_dma source(%dma_start3A_48 : memref<4096x128xi32, #tpu.memory_space<hbm>>) target(%arg8 : memref<128x128xi32, #tpu.memory_space<vmem>>) offsets(%dma_start3A : memref<128xi32, #tpu.memory_space<vmem>>) semaphore(%arg20 : memref<!tpu.dma_semaphore, #tpu.memory_space<semaphore_mem>>)
      %add3A_49 = arith.constant 0 : i32
      %add3A_50 = arith.addi %add3A_45, %add3A_49 : i32
      %get3A = arith.index_cast %add3A_50 : i32 to index
      %get3A_51 = tpu.vector_load %arg7[%get3A] {strides = array<i32>} : memref<8192xi32, #tpu.memory_space<vmem>>, vector<16xi32>,
      %get3A_52 = vector.shape_cast %get3A_51 : vector<16xi32> to vector<16xi32>
      %mul3A_53 = arith.constant 16 : i32
      %mul3A_54 = vector.broadcast %mul3A_53 : i32 to vector<16xi32>
      %mul3A_55 = arith.muli %get3A_52, %mul3A_54 : vector<16xi32>
      %add3A_56 = arith.constant 0 : i32
      %add3A_57 = vector.broadcast %add3A_56 : i32 to vector<16xi32>
      %add3A_58 = arith.addi %mul3A_55, %add3A_57 : vector<16xi32>
      %swap3A = arith.constant 0 : index
      %swap3A_59 = tpu.vector_load %arg12[%swap3A] {strides = array<i32>} : memref<384xi32, #tpu.memory_space<vmem>>, vector<16xi32>,
      %swap3A_60 = vector.shape_cast %swap3A_59 : vector<16xi32> to vector<16xi32>
      %swap3A_61 = vector.shape_cast %add3A_58 : vector<16xi32> to vector<16xi32>
      tpu.vector_store %arg12[%swap3A], %swap3A_61 {strides = array<i32>} : memref<384xi32, #tpu.memory_space<vmem>>, vector<16xi32>,
      %add3A_62 = arith.constant 1 : i32
      %add3A_63 = vector.broadcast %add3A_62 : i32 to vector<16xi32>
      %add3A_64 = arith.addi %mul3A_55, %add3A_63 : vector<16xi32>
      %swap3A_65 = arith.constant 128 : index
      %swap3A_66 = tpu.vector_load %arg12[%swap3A_65] {strides = array<i32>} : memref<384xi32, #tpu.memory_space<vmem>>, vector<16xi32>,
      %swap3A_67 = vector.shape_cast %swap3A_66 : vector<16xi32> to vector<16xi32>
      %swap3A_68 = vector.shape_cast %add3A_64 : vector<16xi32> to vector<16xi32>
      tpu.vector_store %arg12[%swap3A_65], %swap3A_68 {strides = array<i32>} : memref<384xi32, #tpu.memory_space<vmem>>, vector<16xi32>,
      %add3A_69 = arith.constant 2 : i32
      %add3A_70 = vector.broadcast %add3A_69 : i32 to vector<16xi32>
      %add3A_71 = arith.addi %mul3A_55, %add3A_70 : vector<16xi32>
      %swap3A_72 = arith.constant 256 : index
      %swap3A_73 = tpu.vector_load %arg12[%swap3A_72] {strides = array<i32>} : memref<384xi32, #tpu.memory_space<vmem>>, vector<16xi32>,
      %swap3A_74 = vector.shape_cast %swap3A_73 : vector<16xi32> to vector<16xi32>
      %swap3A_75 = vector.shape_cast %add3A_71 : vector<16xi32> to vector<16xi32>
      tpu.vector_store %arg12[%swap3A_72], %swap3A_75 {strides = array<i32>} : memref<384xi32, #tpu.memory_space<vmem>>, vector<16xi32>,
      %add3A_76 = arith.constant 16 : i32
      %add3A_77 = arith.addi %add3A_45, %add3A_76 : i32
      %get3A_78 = arith.index_cast %add3A_77 : i32 to index
      %get3A_79 = tpu.vector_load %arg7[%get3A_78] {strides = array<i32>} : memref<8192xi32, #tpu.memory_space<vmem>>, vector<16xi32>,
      %get3A_80 = vector.shape_cast %get3A_79 : vector<16xi32> to vector<16xi32>
      %mul3A_81 = arith.constant 16 : i32
      %mul3A_82 = vector.broadcast %mul3A_81 : i32 to vector<16xi32>
      %mul3A_83 = arith.muli %get3A_80, %mul3A_82 : vector<16xi32>
      %add3A_84 = arith.constant 0 : i32
      %add3A_85 = vector.broadcast %add3A_84 : i32 to vector<16xi32>
      %add3A_86 = arith.addi %mul3A_83, %add3A_85 : vector<16xi32>
      %swap3A_87 = arith.constant 16 : index
      %swap3A_88 = tpu.vector_load %arg12[%swap3A_87] {strides = array<i32>} : memref<384xi32, #tpu.memory_space<vmem>>, vector<16xi32>,
      %swap3A_89 = vector.shape_cast %swap3A_88 : vector<16xi32> to vector<16xi32>
      %swap3A_90 = vector.shape_cast %add3A_86 : vector<16xi32> to vector<16xi32>
      tpu.vector_store %arg12[%swap3A_87], %swap3A_90 {strides = array<i32>} : memref<384xi32, #tpu.memory_space<vmem>>, vector<16xi32>,
      %add3A_91 = arith.constant 1 : i32
      %add3A_92 = vector.broadcast %add3A_91 : i32 to vector<16xi32>
      %add3A_93 = arith.addi %mul3A_83, %add3A_92 : vector<16xi32>
      %swap3A_94 = arith.constant 144 : index
      %swap3A_95 = tpu.vector_load %arg12[%swap3A_94] {strides = array<i32>} : memref<384xi32, #tpu.memory_space<vmem>>, vector<16xi32>,
      %swap3A_96 = vector.shape_cast %swap3A_95 : vector<16xi32> to vector<16xi32>
      %swap3A_97 = vector.shape_cast %add3A_93 : vector<16xi32> to vector<16xi32>
      tpu.vector_store %arg12[%swap3A_94], %swap3A_97 {strides = array<i32>} : memref<384xi32, #tpu.memory_space<vmem>>, vector<16xi32>,
      %add3A_98 = arith.constant 2 : i32
      %add3A_99 = vector.broadcast %add3A_98 : i32 to vector<16xi32>
      %add3A_100 = arith.addi %mul3A_83, %add3A_99 : vector<16xi32>
      %swap3A_101 = arith.constant 272 : index
      %swap3A_102 = tpu.vector_load %arg12[%swap3A_101] {strides = array<i32>} : memref<384xi32, #tpu.memory_space<vmem>>, vector<16xi32>,
      %swap3A_103 = vector.shape_cast %swap3A_102 : vector<16xi32> to vector<16xi32>
      %swap3A_104 = vector.shape_cast %add3A_100 : vector<16xi32> to vector<16xi32>
      tpu.vector_store %arg12[%swap3A_101], %swap3A_104 {strides = array<i32>} : memref<384xi32, #tpu.memory_space<vmem>>, vector<16xi32>,
      %add3A_105 = arith.constant 32 : i32
      %add3A_106 = arith.addi %add3A_45, %add3A_105 : i32
      %get3A_107 = arith.index_cast %add3A_106 : i32 to index
      %get3A_108 = tpu.vector_load %arg7[%get3A_107] {strides = array<i32>} : memref<8192xi32, #tpu.memory_space<vmem>>, vector<16xi32>,
      %get3A_109 = vector.shape_cast %get3A_108 : vector<16xi32> to vector<16xi32>
      %mul3A_110 = arith.constant 16 : i32
      %mul3A_111 = vector.broadcast %mul3A_110 : i32 to vector<16xi32>
      %mul3A_112 = arith.muli %get3A_109, %mul3A_111 : vector<16xi32>
      %add3A_113 = arith.constant 0 : i32
      %add3A_114 = vector.broadcast %add3A_113 : i32 to vector<16xi32>
      %add3A_115 = arith.addi %mul3A_112, %add3A_114 : vector<16xi32>
      %swap3A_116 = arith.constant 32 : index
      %swap3A_117 = tpu.vector_load %arg12[%swap3A_116] {strides = array<i32>} : memref<384xi32, #tpu.memory_space<vmem>>, vector<16xi32>,
      %swap3A_118 = vector.shape_cast %swap3A_117 : vector<16xi32> to vector<16xi32>
      %swap3A_119 = vector.shape_cast %add3A_115 : vector<16xi32> to vector<16xi32>
      tpu.vector_store %arg12[%swap3A_116], %swap3A_119 {strides = array<i32>} : memref<384xi32, #tpu.memory_space<vmem>>, vector<16xi32>,
      %add3A_120 = arith.constant 1 : i32
      %add3A_121 = vector.broadcast %add3A_120 : i32 to vector<16xi32>
      %add3A_122 = arith.addi %mul3A_112, %add3A_121 : vector<16xi32>
      %swap3A_123 = arith.constant 160 : index
      %swap3A_124 = tpu.vector_load %arg12[%swap3A_123] {strides = array<i32>} : memref<384xi32, #tpu.memory_space<vmem>>, vector<16xi32>,
      %swap3A_125 = vector.shape_cast %swap3A_124 : vector<16xi32> to vector<16xi32>
      %swap3A_126 = vector.shape_cast %add3A_122 : vector<16xi32> to vector<16xi32>
      tpu.vector_store %arg12[%swap3A_123], %swap3A_126 {strides = array<i32>} : memref<384xi32, #tpu.memory_space<vmem>>, vector<16xi32>,
      %add3A_127 = arith.constant 2 : i32
      %add3A_128 = vector.broadcast %add3A_127 : i32 to vector<16xi32>
      %add3A_129 = arith.addi %mul3A_112, %add3A_128 : vector<16xi32>
      %swap3A_130 = arith.constant 288 : index
      %swap3A_131 = tpu.vector_load %arg12[%swap3A_130] {strides = array<i32>} : memref<384xi32, #tpu.memory_space<vmem>>, vector<16xi32>,
      %swap3A_132 = vector.shape_cast %swap3A_131 : vector<16xi32> to vector<16xi32>
      %swap3A_133 = vector.shape_cast %add3A_129 : vector<16xi32> to vector<16xi32>
      tpu.vector_store %arg12[%swap3A_130], %swap3A_133 {strides = array<i32>} : memref<384xi32, #tpu.memory_space<vmem>>, vector<16xi32>,
      %add3A_134 = arith.constant 48 : i32
      %add3A_135 = arith.addi %add3A_45, %add3A_134 : i32
      %get3A_136 = arith.index_cast %add3A_135 : i32 to index
      %get3A_137 = tpu.vector_load %arg7[%get3A_136] {strides = array<i32>} : memref<8192xi32, #tpu.memory_space<vmem>>, vector<16xi32>,
      %get3A_138 = vector.shape_cast %get3A_137 : vector<16xi32> to vector<16xi32>
      %mul3A_139 = arith.constant 16 : i32
      %mul3A_140 = vector.broadcast %mul3A_139 : i32 to vector<16xi32>
      %mul3A_141 = arith.muli %get3A_138, %mul3A_140 : vector<16xi32>
      %add3A_142 = arith.constant 0 : i32
      %add3A_143 = vector.broadcast %add3A_142 : i32 to vector<16xi32>
      %add3A_144 = arith.addi %mul3A_141, %add3A_143 : vector<16xi32>
      %swap3A_145 = arith.constant 48 : index
      %swap3A_146 = tpu.vector_load %arg12[%swap3A_145] {strides = array<i32>} : memref<384xi32, #tpu.memory_space<vmem>>, vector<16xi32>,
      %swap3A_147 = vector.shape_cast %swap3A_146 : vector<16xi32> to vector<16xi32>
      %swap3A_148 = vector.shape_cast %add3A_144 : vector<16xi32> to vector<16xi32>
      tpu.vector_store %arg12[%swap3A_145], %swap3A_148 {strides = array<i32>} : memref<384xi32, #tpu.memory_space<vmem>>, vector<16xi32>,
      %add3A_149 = arith.constant 1 : i32
      %add3A_150 = vector.broadcast %add3A_149 : i32 to vector<16xi32>
      %add3A_151 = arith.addi %mul3A_141, %add3A_150 : vector<16xi32>
      %swap3A_152 = arith.constant 176 : index
      %swap3A_153 = tpu.vector_load %arg12[%swap3A_152] {strides = array<i32>} : memref<384xi32, #tpu.memory_space<vmem>>, vector<16xi32>,
      %swap3A_154 = vector.shape_cast %swap3A_153 : vector<16xi32> to vector<16xi32>
      %swap3A_155 = vector.shape_cast %add3A_151 : vector<16xi32> to vector<16xi32>
      tpu.vector_store %arg12[%swap3A_152], %swap3A_155 {strides = array<i32>} : memref<384xi32, #tpu.memory_space<vmem>>, vector<16xi32>,
      %add3A_156 = arith.constant 2 : i32
      %add3A_157 = vector.broadcast %add3A_156 : i32 to vector<16xi32>
      %add3A_158 = arith.addi %mul3A_141, %add3A_157 : vector<16xi32>
      %swap3A_159 = arith.constant 304 : index
      %swap3A_160 = tpu.vector_load %arg12[%swap3A_159] {strides = array<i32>} : memref<384xi32, #tpu.memory_space<vmem>>, vector<16xi32>,
      %swap3A_161 = vector.shape_cast %swap3A_160 : vector<16xi32> to vector<16xi32>
      %swap3A_162 = vector.shape_cast %add3A_158 : vector<16xi32> to vector<16xi32>
      tpu.vector_store %arg12[%swap3A_159], %swap3A_162 {strides = array<i32>} : memref<384xi32, #tpu.memory_space<vmem>>, vector<16xi32>,
      %add3A_163 = arith.constant 64 : i32
      %add3A_164 = arith.addi %add3A_45, %add3A_163 : i32
      %get3A_165 = arith.index_cast %add3A_164 : i32 to index
      %get3A_166 = tpu.vector_load %arg7[%get3A_165] {strides = array<i32>} : memref<8192xi32, #tpu.memory_space<vmem>>, vector<16xi32>,
      %get3A_167 = vector.shape_cast %get3A_166 : vector<16xi32> to vector<16xi32>
      %mul3A_168 = arith.constant 16 : i32
      %mul3A_169 = vector.broadcast %mul3A_168 : i32 to vector<16xi32>
      %mul3A_170 = arith.muli %get3A_167, %mul3A_169 : vector<16xi32>
      %add3A_171 = arith.constant 0 : i32
      %add3A_172 = vector.broadcast %add3A_171 : i32 to vector<16xi32>
      %add3A_173 = arith.addi %mul3A_170, %add3A_172 : vector<16xi32>
      %swap3A_174 = arith.constant 64 : index
      %swap3A_175 = tpu.vector_load %arg12[%swap3A_174] {strides = array<i32>} : memref<384xi32, #tpu.memory_space<vmem>>, vector<16xi32>,
      %swap3A_176 = vector.shape_cast %swap3A_175 : vector<16xi32> to vector<16xi32>
      %swap3A_177 = vector.shape_cast %add3A_173 : vector<16xi32> to vector<16xi32>
      tpu.vector_store %arg12[%swap3A_174], %swap3A_177 {strides = array<i32>} : memref<384xi32, #tpu.memory_space<vmem>>, vector<16xi32>,
      %add3A_178 = arith.constant 1 : i32
      %add3A_179 = vector.broadcast %add3A_178 : i32 to vector<16xi32>
      %add3A_180 = arith.addi %mul3A_170, %add3A_179 : vector<16xi32>
      %swap3A_181 = arith.constant 192 : index
      %swap3A_182 = tpu.vector_load %arg12[%swap3A_181] {strides = array<i32>} : memref<384xi32, #tpu.memory_space<vmem>>, vector<16xi32>,
      %swap3A_183 = vector.shape_cast %swap3A_182 : vector<16xi32> to vector<16xi32>
      %swap3A_184 = vector.shape_cast %add3A_180 : vector<16xi32> to vector<16xi32>
      tpu.vector_store %arg12[%swap3A_181], %swap3A_184 {strides = array<i32>} : memref<384xi32, #tpu.memory_space<vmem>>, vector<16xi32>,
      %add3A_185 = arith.constant 2 : i32
      %add3A_186 = vector.broadcast %add3A_185 : i32 to vector<16xi32>
      %add3A_187 = arith.addi %mul3A_170, %add3A_186 : vector<16xi32>
      %swap3A_188 = arith.constant 320 : index
      %swap3A_189 = tpu.vector_load %arg12[%swap3A_188] {strides = array<i32>} : memref<384xi32, #tpu.memory_space<vmem>>, vector<16xi32>,
      %swap3A_190 = vector.shape_cast %swap3A_189 : vector<16xi32> to vector<16xi32>
      %swap3A_191 = vector.shape_cast %add3A_187 : vector<16xi32> to vector<16xi32>
      tpu.vector_store %arg12[%swap3A_188], %swap3A_191 {strides = array<i32>} : memref<384xi32, #tpu.memory_space<vmem>>, vector<16xi32>,
      %add3A_192 = arith.constant 80 : i32
      %add3A_193 = arith.addi %add3A_45, %add3A_192 : i32
      %get3A_194 = arith.index_cast %add3A_193 : i32 to index
      %get3A_195 = tpu.vector_load %arg7[%get3A_194] {strides = array<i32>} : memref<8192xi32, #tpu.memory_space<vmem>>, vector<16xi32>,
      %get3A_196 = vector.shape_cast %get3A_195 : vector<16xi32> to vector<16xi32>
      %mul3A_197 = arith.constant 16 : i32
      %mul3A_198 = vector.broadcast %mul3A_197 : i32 to vector<16xi32>
      %mul3A_199 = arith.muli %get3A_196, %mul3A_198 : vector<16xi32>
      %add3A_200 = arith.constant 0 : i32
      %add3A_201 = vector.broadcast %add3A_200 : i32 to vector<16xi32>
      %add3A_202 = arith.addi %mul3A_199, %add3A_201 : vector<16xi32>
      %swap3A_203 = arith.constant 80 : index
      %swap3A_204 = tpu.vector_load %arg12[%swap3A_203] {strides = array<i32>} : memref<384xi32, #tpu.memory_space<vmem>>, vector<16xi32>,
      %swap3A_205 = vector.shape_cast %swap3A_204 : vector<16xi32> to vector<16xi32>
      %swap3A_206 = vector.shape_cast %add3A_202 : vector<16xi32> to vector<16xi32>
      tpu.vector_store %arg12[%swap3A_203], %swap3A_206 {strides = array<i32>} : memref<384xi32, #tpu.memory_space<vmem>>, vector<16xi32>,
      %add3A_207 = arith.constant 1 : i32
      %add3A_208 = vector.broadcast %add3A_207 : i32 to vector<16xi32>
      %add3A_209 = arith.addi %mul3A_199, %add3A_208 : vector<16xi32>
      %swap3A_210 = arith.constant 208 : index
      %swap3A_211 = tpu.vector_load %arg12[%swap3A_210] {strides = array<i32>} : memref<384xi32, #tpu.memory_space<vmem>>, vector<16xi32>,
      %swap3A_212 = vector.shape_cast %swap3A_211 : vector<16xi32> to vector<16xi32>
      %swap3A_213 = vector.shape_cast %add3A_209 : vector<16xi32> to vector<16xi32>
      tpu.vector_store %arg12[%swap3A_210], %swap3A_213 {strides = array<i32>} : memref<384xi32, #tpu.memory_space<vmem>>, vector<16xi32>,
      %add3A_214 = arith.constant 2 : i32
      %add3A_215 = vector.broadcast %add3A_214 : i32 to vector<16xi32>
      %add3A_216 = arith.addi %mul3A_199, %add3A_215 : vector<16xi32>
      %swap3A_217 = arith.constant 336 : index
      %swap3A_218 = tpu.vector_load %arg12[%swap3A_217] {strides = array<i32>} : memref<384xi32, #tpu.memory_space<vmem>>, vector<16xi32>,
      %swap3A_219 = vector.shape_cast %swap3A_218 : vector<16xi32> to vector<16xi32>
      %swap3A_220 = vector.shape_cast %add3A_216 : vector<16xi32> to vector<16xi32>
      tpu.vector_store %arg12[%swap3A_217], %swap3A_220 {strides = array<i32>} : memref<384xi32, #tpu.memory_space<vmem>>, vector<16xi32>,
      %add3A_221 = arith.constant 96 : i32
      %add3A_222 = arith.addi %add3A_45, %add3A_221 : i32
      %get3A_223 = arith.index_cast %add3A_222 : i32 to index
      %get3A_224 = tpu.vector_load %arg7[%get3A_223] {strides = array<i32>} : memref<8192xi32, #tpu.memory_space<vmem>>, vector<16xi32>,
      %get3A_225 = vector.shape_cast %get3A_224 : vector<16xi32> to vector<16xi32>
      %mul3A_226 = arith.constant 16 : i32
      %mul3A_227 = vector.broadcast %mul3A_226 : i32 to vector<16xi32>
      %mul3A_228 = arith.muli %get3A_225, %mul3A_227 : vector<16xi32>
      %add3A_229 = arith.constant 0 : i32
      %add3A_230 = vector.broadcast %add3A_229 : i32 to vector<16xi32>
      %add3A_231 = arith.addi %mul3A_228, %add3A_230 : vector<16xi32>
      %swap3A_232 = arith.constant 96 : index
      %swap3A_233 = tpu.vector_load %arg12[%swap3A_232] {strides = array<i32>} : memref<384xi32, #tpu.memory_space<vmem>>, vector<16xi32>,
      %swap3A_234 = vector.shape_cast %swap3A_233 : vector<16xi32> to vector<16xi32>
      %swap3A_235 = vector.shape_cast %add3A_231 : vector<16xi32> to vector<16xi32>
      tpu.vector_store %arg12[%swap3A_232], %swap3A_235 {strides = array<i32>} : memref<384xi32, #tpu.memory_space<vmem>>, vector<16xi32>,
      %add3A_236 = arith.constant 1 : i32
      %add3A_237 = vector.broadcast %add3A_236 : i32 to vector<16xi32>
      %add3A_238 = arith.addi %mul3A_228, %add3A_237 : vector<16xi32>
      %swap3A_239 = arith.constant 224 : index
      %swap3A_240 = tpu.vector_load %arg12[%swap3A_239] {strides = array<i32>} : memref<384xi32, #tpu.memory_space<vmem>>, vector<16xi32>,
      %swap3A_241 = vector.shape_cast %swap3A_240 : vector<16xi32> to vector<16xi32>
      %swap3A_242 = vector.shape_cast %add3A_238 : vector<16xi32> to vector<16xi32>
      tpu.vector_store %arg12[%swap3A_239], %swap3A_242 {strides = array<i32>} : memref<384xi32, #tpu.memory_space<vmem>>, vector<16xi32>,
      %add3A_243 = arith.constant 2 : i32
      %add3A_244 = vector.broadcast %add3A_243 : i32 to vector<16xi32>
      %add3A_245 = arith.addi %mul3A_228, %add3A_244 : vector<16xi32>
      %swap3A_246 = arith.constant 352 : index
      %swap3A_247 = tpu.vector_load %arg12[%swap3A_246] {strides = array<i32>} : memref<384xi32, #tpu.memory_space<vmem>>, vector<16xi32>,
      %swap3A_248 = vector.shape_cast %swap3A_247 : vector<16xi32> to vector<16xi32>
      %swap3A_249 = vector.shape_cast %add3A_245 : vector<16xi32> to vector<16xi32>
      tpu.vector_store %arg12[%swap3A_246], %swap3A_249 {strides = array<i32>} : memref<384xi32, #tpu.memory_space<vmem>>, vector<16xi32>,
      %add3A_250 = arith.constant 112 : i32
      %add3A_251 = arith.addi %add3A_45, %add3A_250 : i32
      %get3A_252 = arith.index_cast %add3A_251 : i32 to index
      %get3A_253 = tpu.vector_load %arg7[%get3A_252] {strides = array<i32>} : memref<8192xi32, #tpu.memory_space<vmem>>, vector<16xi32>,
      %get3A_254 = vector.shape_cast %get3A_253 : vector<16xi32> to vector<16xi32>
      %mul3A_255 = arith.constant 16 : i32
      %mul3A_256 = vector.broadcast %mul3A_255 : i32 to vector<16xi32>
      %mul3A_257 = arith.muli %get3A_254, %mul3A_256 : vector<16xi32>
      %add3A_258 = arith.constant 0 : i32
      %add3A_259 = vector.broadcast %add3A_258 : i32 to vector<16xi32>
      %add3A_260 = arith.addi %mul3A_257, %add3A_259 : vector<16xi32>
      %swap3A_261 = arith.constant 112 : index
      %swap3A_262 = tpu.vector_load %arg12[%swap3A_261] {strides = array<i32>} : memref<384xi32, #tpu.memory_space<vmem>>, vector<16xi32>,
      %swap3A_263 = vector.shape_cast %swap3A_262 : vector<16xi32> to vector<16xi32>
      %swap3A_264 = vector.shape_cast %add3A_260 : vector<16xi32> to vector<16xi32>
      tpu.vector_store %arg12[%swap3A_261], %swap3A_264 {strides = array<i32>} : memref<384xi32, #tpu.memory_space<vmem>>, vector<16xi32>,
      %add3A_265 = arith.constant 1 : i32
      %add3A_266 = vector.broadcast %add3A_265 : i32 to vector<16xi32>
      %add3A_267 = arith.addi %mul3A_257, %add3A_266 : vector<16xi32>
      %swap3A_268 = arith.constant 240 : index
      %swap3A_269 = tpu.vector_load %arg12[%swap3A_268] {strides = array<i32>} : memref<384xi32, #tpu.memory_space<vmem>>, vector<16xi32>,
      %swap3A_270 = vector.shape_cast %swap3A_269 : vector<16xi32> to vector<16xi32>
      %swap3A_271 = vector.shape_cast %add3A_267 : vector<16xi32> to vector<16xi32>
      tpu.vector_store %arg12[%swap3A_268], %swap3A_271 {strides = array<i32>} : memref<384xi32, #tpu.memory_space<vmem>>, vector<16xi32>,
      %add3A_272 = arith.constant 2 : i32
      %add3A_273 = vector.broadcast %add3A_272 : i32 to vector<16xi32>
      %add3A_274 = arith.addi %mul3A_257, %add3A_273 : vector<16xi32>
      %swap3A_275 = arith.constant 368 : index
      %swap3A_276 = tpu.vector_load %arg12[%swap3A_275] {strides = array<i32>} : memref<384xi32, #tpu.memory_space<vmem>>, vector<16xi32>,
      %swap3A_277 = vector.shape_cast %swap3A_276 : vector<16xi32> to vector<16xi32>
      %swap3A_278 = vector.shape_cast %add3A_274 : vector<16xi32> to vector<16xi32>
      tpu.vector_store %arg12[%swap3A_275], %swap3A_278 {strides = array<i32>} : memref<384xi32, #tpu.memory_space<vmem>>, vector<16xi32>,
      %dma_start3A_279 = arith.constant 0 : i32
      %dma_start3A_280 = tpu.memref_slice %arg3[%dma_start3A_279] : memref<65536xf32, #tpu.memory_space<hbm>> -> memref<65536xf32, #tpu.memory_space<hbm>>
      tpu.enqueue_indirect_dma source(%dma_start3A_280 : memref<65536xf32, #tpu.memory_space<hbm>>) target(%arg16 : memref<384xf32, #tpu.memory_space<vmem>>) offsets(%arg12 : memref<384xi32, #tpu.memory_space<vmem>>) semaphore(%arg24 : memref<!tpu.dma_semaphore, #tpu.memory_space<semaphore_mem>>)
      %gt3A_281 = arith.constant 0 : i32
      %gt3A_282 = arith.cmpi sgt, %scan3A_39, %gt3A_281 : i32
      %convert_element_type3A_283 = arith.extui %gt3A_282 : i1 to i32
      %cond3A_284 = arith.constant 0 : i32
      %cond3A_285 = arith.cmpi ne, %convert_element_type3A_283, %cond3A_284 : i32
      scf.if %cond3A_285 {
        %dma_wait3A_1088 = arith.constant 0 : i32
        %dma_wait3A_1089 = tpu.memref_slice %arg5[%mul3A_2, %dma_wait3A_1088] : memref<262144x128xi32, #tpu.memory_space<hbm>> -> memref<128x128xi32, #tpu.memory_space<hbm>>
        %dma_wait3A_1090 = arith.constant 0 : i32
        %dma_wait3A_1091 = tpu.memref_slice %arg5[%mul3A_2, %dma_wait3A_1090] : memref<262144x128xi32, #tpu.memory_space<hbm>> -> memref<128x128xi32, #tpu.memory_space<hbm>>
        tpu.wait_dma2 semaphore(%arg29 : memref<!tpu.dma_semaphore, #tpu.memory_space<semaphore_mem>>) src(%arg9 : memref<128x128xi32, #tpu.memory_space<vmem>>) dst(%dma_wait3A_1091 : memref<128x128xi32, #tpu.memory_space<hbm>>)
        %dma_wait3A_1092 = arith.constant 0 : i32
        %dma_wait3A_1093 = tpu.memref_slice %arg6[%dma_wait3A_1092] : memref<786432xf32, #tpu.memory_space<hbm>> -> memref<384xf32, #tpu.memory_space<hbm>>
        %dma_wait3A_1094 = arith.constant 0 : i32
        %dma_wait3A_1095 = tpu.memref_slice %arg6[%dma_wait3A_1094] : memref<786432xf32, #tpu.memory_space<hbm>> -> memref<384xf32, #tpu.memory_space<hbm>>
        tpu.wait_dma2 semaphore(%arg33 : memref<!tpu.dma_semaphore, #tpu.memory_space<semaphore_mem>>) src(%arg17 : memref<384xf32, #tpu.memory_space<vmem>>) dst(%dma_wait3A_1095 : memref<384xf32, #tpu.memory_space<hbm>>)
      } else {
      }
      %add3A_286 = arith.constant 128 : i32
      %add3A_287 = arith.addi %mul3A_41, %add3A_286 : i32
      %dma_start3A_288 = tpu.memref_slice %arg7[%add3A_287] : memref<8192xi32, #tpu.memory_space<vmem>> -> memref<128xi32, #tpu.memory_space<vmem>>
      %dma_start3A_289 = arith.constant 0 : i32
      %dma_start3A_290 = arith.constant 0 : i32
      %dma_start3A_291 = tpu.memref_slice %arg2[%dma_start3A_289, %dma_start3A_290] : memref<4096x128xi32, #tpu.memory_space<hbm>> -> memref<4096x128xi32, #tpu.memory_space<hbm>>
      tpu.enqueue_indirect_dma source(%dma_start3A_291 : memref<4096x128xi32, #tpu.memory_space<hbm>>) target(%arg9 : memref<128x128xi32, #tpu.memory_space<vmem>>) offsets(%dma_start3A_288 : memref<128xi32, #tpu.memory_space<vmem>>) semaphore(%arg21 : memref<!tpu.dma_semaphore, #tpu.memory_space<semaphore_mem>>)
      %add3A_292 = arith.constant 0 : i32
      %add3A_293 = arith.addi %add3A_287, %add3A_292 : i32
      %get3A_294 = arith.index_cast %add3A_293 : i32 to index
      %get3A_295 = tpu.vector_load %arg7[%get3A_294] {strides = array<i32>} : memref<8192xi32, #tpu.memory_space<vmem>>, vector<16xi32>,
      %get3A_296 = vector.shape_cast %get3A_295 : vector<16xi32> to vector<16xi32>
      %mul3A_297 = arith.constant 16 : i32
      %mul3A_298 = vector.broadcast %mul3A_297 : i32 to vector<16xi32>
      %mul3A_299 = arith.muli %get3A_296, %mul3A_298 : vector<16xi32>
      %add3A_300 = arith.constant 0 : i32
      %add3A_301 = vector.broadcast %add3A_300 : i32 to vector<16xi32>
      %add3A_302 = arith.addi %mul3A_299, %add3A_301 : vector<16xi32>
      %swap3A_303 = arith.constant 0 : index
      %swap3A_304 = tpu.vector_load %arg13[%swap3A_303] {strides = array<i32>} : memref<384xi32, #tpu.memory_space<vmem>>, vector<16xi32>,
      %swap3A_305 = vector.shape_cast %swap3A_304 : vector<16xi32> to vector<16xi32>
      %swap3A_306 = vector.shape_cast %add3A_302 : vector<16xi32> to vector<16xi32>
      tpu.vector_store %arg13[%swap3A_303], %swap3A_306 {strides = array<i32>} : memref<384xi32, #tpu.memory_space<vmem>>, vector<16xi32>,
      %add3A_307 = arith.constant 1 : i32
      %add3A_308 = vector.broadcast %add3A_307 : i32 to vector<16xi32>
      %add3A_309 = arith.addi %mul3A_299, %add3A_308 : vector<16xi32>
      %swap3A_310 = arith.constant 128 : index
      %swap3A_311 = tpu.vector_load %arg13[%swap3A_310] {strides = array<i32>} : memref<384xi32, #tpu.memory_space<vmem>>, vector<16xi32>,
      %swap3A_312 = vector.shape_cast %swap3A_311 : vector<16xi32> to vector<16xi32>
      %swap3A_313 = vector.shape_cast %add3A_309 : vector<16xi32> to vector<16xi32>
      tpu.vector_store %arg13[%swap3A_310], %swap3A_313 {strides = array<i32>} : memref<384xi32, #tpu.memory_space<vmem>>, vector<16xi32>,
      %add3A_314 = arith.constant 2 : i32
      %add3A_315 = vector.broadcast %add3A_314 : i32 to vector<16xi32>
      %add3A_316 = arith.addi %mul3A_299, %add3A_315 : vector<16xi32>
      %swap3A_317 = arith.constant 256 : index
      %swap3A_318 = tpu.vector_load %arg13[%swap3A_317] {strides = array<i32>} : memref<384xi32, #tpu.memory_space<vmem>>, vector<16xi32>,
      %swap3A_319 = vector.shape_cast %swap3A_318 : vector<16xi32> to vector<16xi32>
      %swap3A_320 = vector.shape_cast %add3A_316 : vector<16xi32> to vector<16xi32>
      tpu.vector_store %arg13[%swap3A_317], %swap3A_320 {strides = array<i32>} : memref<384xi32, #tpu.memory_space<vmem>>, vector<16xi32>,
      %add3A_321 = arith.constant 16 : i32
      %add3A_322 = arith.addi %add3A_287, %add3A_321 : i32
      %get3A_323 = arith.index_cast %add3A_322 : i32 to index
      %get3A_324 = tpu.vector_load %arg7[%get3A_323] {strides = array<i32>} : memref<8192xi32, #tpu.memory_space<vmem>>, vector<16xi32>,
      %get3A_325 = vector.shape_cast %get3A_324 : vector<16xi32> to vector<16xi32>
      %mul3A_326 = arith.constant 16 : i32
      %mul3A_327 = vector.broadcast %mul3A_326 : i32 to vector<16xi32>
      %mul3A_328 = arith.muli %get3A_325, %mul3A_327 : vector<16xi32>
      %add3A_329 = arith.constant 0 : i32
      %add3A_330 = vector.broadcast %add3A_329 : i32 to vector<16xi32>
      %add3A_331 = arith.addi %mul3A_328, %add3A_330 : vector<16xi32>
      %swap3A_332 = arith.constant 16 : index
      %swap3A_333 = tpu.vector_load %arg13[%swap3A_332] {strides = array<i32>} : memref<384xi32, #tpu.memory_space<vmem>>, vector<16xi32>,
      %swap3A_334 = vector.shape_cast %swap3A_333 : vector<16xi32> to vector<16xi32>
      %swap3A_335 = vector.shape_cast %add3A_331 : vector<16xi32> to vector<16xi32>
      tpu.vector_store %arg13[%swap3A_332], %swap3A_335 {strides = array<i32>} : memref<384xi32, #tpu.memory_space<vmem>>, vector<16xi32>,
      %add3A_336 = arith.constant 1 : i32
      %add3A_337 = vector.broadcast %add3A_336 : i32 to vector<16xi32>
      %add3A_338 = arith.addi %mul3A_328, %add3A_337 : vector<16xi32>
      %swap3A_339 = arith.constant 144 : index
      %swap3A_340 = tpu.vector_load %arg13[%swap3A_339] {strides = array<i32>} : memref<384xi32, #tpu.memory_space<vmem>>, vector<16xi32>,
      %swap3A_341 = vector.shape_cast %swap3A_340 : vector<16xi32> to vector<16xi32>
      %swap3A_342 = vector.shape_cast %add3A_338 : vector<16xi32> to vector<16xi32>
      tpu.vector_store %arg13[%swap3A_339], %swap3A_342 {strides = array<i32>} : memref<384xi32, #tpu.memory_space<vmem>>, vector<16xi32>,
      %add3A_343 = arith.constant 2 : i32
      %add3A_344 = vector.broadcast %add3A_343 : i32 to vector<16xi32>
      %add3A_345 = arith.addi %mul3A_328, %add3A_344 : vector<16xi32>
      %swap3A_346 = arith.constant 272 : index
      %swap3A_347 = tpu.vector_load %arg13[%swap3A_346] {strides = array<i32>} : memref<384xi32, #tpu.memory_space<vmem>>, vector<16xi32>,
      %swap3A_348 = vector.shape_cast %swap3A_347 : vector<16xi32> to vector<16xi32>
      %swap3A_349 = vector.shape_cast %add3A_345 : vector<16xi32> to vector<16xi32>
      tpu.vector_store %arg13[%swap3A_346], %swap3A_349 {strides = array<i32>} : memref<384xi32, #tpu.memory_space<vmem>>, vector<16xi32>,
      %add3A_350 = arith.constant 32 : i32
      %add3A_351 = arith.addi %add3A_287, %add3A_350 : i32
      %get3A_352 = arith.index_cast %add3A_351 : i32 to index
      %get3A_353 = tpu.vector_load %arg7[%get3A_352] {strides = array<i32>} : memref<8192xi32, #tpu.memory_space<vmem>>, vector<16xi32>,
      %get3A_354 = vector.shape_cast %get3A_353 : vector<16xi32> to vector<16xi32>
      %mul3A_355 = arith.constant 16 : i32
      %mul3A_356 = vector.broadcast %mul3A_355 : i32 to vector<16xi32>
      %mul3A_357 = arith.muli %get3A_354, %mul3A_356 : vector<16xi32>
      %add3A_358 = arith.constant 0 : i32
      %add3A_359 = vector.broadcast %add3A_358 : i32 to vector<16xi32>
      %add3A_360 = arith.addi %mul3A_357, %add3A_359 : vector<16xi32>
      %swap3A_361 = arith.constant 32 : index
      %swap3A_362 = tpu.vector_load %arg13[%swap3A_361] {strides = array<i32>} : memref<384xi32, #tpu.memory_space<vmem>>, vector<16xi32>,
      %swap3A_363 = vector.shape_cast %swap3A_362 : vector<16xi32> to vector<16xi32>
      %swap3A_364 = vector.shape_cast %add3A_360 : vector<16xi32> to vector<16xi32>
      tpu.vector_store %arg13[%swap3A_361], %swap3A_364 {strides = array<i32>} : memref<384xi32, #tpu.memory_space<vmem>>, vector<16xi32>,
      %add3A_365 = arith.constant 1 : i32
      %add3A_366 = vector.broadcast %add3A_365 : i32 to vector<16xi32>
      %add3A_367 = arith.addi %mul3A_357, %add3A_366 : vector<16xi32>
      %swap3A_368 = arith.constant 160 : index
      %swap3A_369 = tpu.vector_load %arg13[%swap3A_368] {strides = array<i32>} : memref<384xi32, #tpu.memory_space<vmem>>, vector<16xi32>,
      %swap3A_370 = vector.shape_cast %swap3A_369 : vector<16xi32> to vector<16xi32>
      %swap3A_371 = vector.shape_cast %add3A_367 : vector<16xi32> to vector<16xi32>
      tpu.vector_store %arg13[%swap3A_368], %swap3A_371 {strides = array<i32>} : memref<384xi32, #tpu.memory_space<vmem>>, vector<16xi32>,
      %add3A_372 = arith.constant 2 : i32
      %add3A_373 = vector.broadcast %add3A_372 : i32 to vector<16xi32>
      %add3A_374 = arith.addi %mul3A_357, %add3A_373 : vector<16xi32>
      %swap3A_375 = arith.constant 288 : index
      %swap3A_376 = tpu.vector_load %arg13[%swap3A_375] {strides = array<i32>} : memref<384xi32, #tpu.memory_space<vmem>>, vector<16xi32>,
      %swap3A_377 = vector.shape_cast %swap3A_376 : vector<16xi32> to vector<16xi32>
      %swap3A_378 = vector.shape_cast %add3A_374 : vector<16xi32> to vector<16xi32>
      tpu.vector_store %arg13[%swap3A_375], %swap3A_378 {strides = array<i32>} : memref<384xi32, #tpu.memory_space<vmem>>, vector<16xi32>,
      %add3A_379 = arith.constant 48 : i32
      %add3A_380 = arith.addi %add3A_287, %add3A_379 : i32
      %get3A_381 = arith.index_cast %add3A_380 : i32 to index
      %get3A_382 = tpu.vector_load %arg7[%get3A_381] {strides = array<i32>} : memref<8192xi32, #tpu.memory_space<vmem>>, vector<16xi32>,
      %get3A_383 = vector.shape_cast %get3A_382 : vector<16xi32> to vector<16xi32>
      %mul3A_384 = arith.constant 16 : i32
      %mul3A_385 = vector.broadcast %mul3A_384 : i32 to vector<16xi32>
      %mul3A_386 = arith.muli %get3A_383, %mul3A_385 : vector<16xi32>
      %add3A_387 = arith.constant 0 : i32
      %add3A_388 = vector.broadcast %add3A_387 : i32 to vector<16xi32>
      %add3A_389 = arith.addi %mul3A_386, %add3A_388 : vector<16xi32>
      %swap3A_390 = arith.constant 48 : index
      %swap3A_391 = tpu.vector_load %arg13[%swap3A_390] {strides = array<i32>} : memref<384xi32, #tpu.memory_space<vmem>>, vector<16xi32>,
      %swap3A_392 = vector.shape_cast %swap3A_391 : vector<16xi32> to vector<16xi32>
      %swap3A_393 = vector.shape_cast %add3A_389 : vector<16xi32> to vector<16xi32>
      tpu.vector_store %arg13[%swap3A_390], %swap3A_393 {strides = array<i32>} : memref<384xi32, #tpu.memory_space<vmem>>, vector<16xi32>,
      %add3A_394 = arith.constant 1 : i32
      %add3A_395 = vector.broadcast %add3A_394 : i32 to vector<16xi32>
      %add3A_396 = arith.addi %mul3A_386, %add3A_395 : vector<16xi32>
      %swap3A_397 = arith.constant 176 : index
      %swap3A_398 = tpu.vector_load %arg13[%swap3A_397] {strides = array<i32>} : memref<384xi32, #tpu.memory_space<vmem>>, vector<16xi32>,
      %swap3A_399 = vector.shape_cast %swap3A_398 : vector<16xi32> to vector<16xi32>
      %swap3A_400 = vector.shape_cast %add3A_396 : vector<16xi32> to vector<16xi32>
      tpu.vector_store %arg13[%swap3A_397], %swap3A_400 {strides = array<i32>} : memref<384xi32, #tpu.memory_space<vmem>>, vector<16xi32>,
      %add3A_401 = arith.constant 2 : i32
      %add3A_402 = vector.broadcast %add3A_401 : i32 to vector<16xi32>
      %add3A_403 = arith.addi %mul3A_386, %add3A_402 : vector<16xi32>
      %swap3A_404 = arith.constant 304 : index
      %swap3A_405 = tpu.vector_load %arg13[%swap3A_404] {strides = array<i32>} : memref<384xi32, #tpu.memory_space<vmem>>, vector<16xi32>,
      %swap3A_406 = vector.shape_cast %swap3A_405 : vector<16xi32> to vector<16xi32>
      %swap3A_407 = vector.shape_cast %add3A_403 : vector<16xi32> to vector<16xi32>
      tpu.vector_store %arg13[%swap3A_404], %swap3A_407 {strides = array<i32>} : memref<384xi32, #tpu.memory_space<vmem>>, vector<16xi32>,
      %add3A_408 = arith.constant 64 : i32
      %add3A_409 = arith.addi %add3A_287, %add3A_408 : i32
      %get3A_410 = arith.index_cast %add3A_409 : i32 to index
      %get3A_411 = tpu.vector_load %arg7[%get3A_410] {strides = array<i32>} : memref<8192xi32, #tpu.memory_space<vmem>>, vector<16xi32>,
      %get3A_412 = vector.shape_cast %get3A_411 : vector<16xi32> to vector<16xi32>
      %mul3A_413 = arith.constant 16 : i32
      %mul3A_414 = vector.broadcast %mul3A_413 : i32 to vector<16xi32>
      %mul3A_415 = arith.muli %get3A_412, %mul3A_414 : vector<16xi32>
      %add3A_416 = arith.constant 0 : i32
      %add3A_417 = vector.broadcast %add3A_416 : i32 to vector<16xi32>
      %add3A_418 = arith.addi %mul3A_415, %add3A_417 : vector<16xi32>
      %swap3A_419 = arith.constant 64 : index
      %swap3A_420 = tpu.vector_load %arg13[%swap3A_419] {strides = array<i32>} : memref<384xi32, #tpu.memory_space<vmem>>, vector<16xi32>,
      %swap3A_421 = vector.shape_cast %swap3A_420 : vector<16xi32> to vector<16xi32>
      %swap3A_422 = vector.shape_cast %add3A_418 : vector<16xi32> to vector<16xi32>
      tpu.vector_store %arg13[%swap3A_419], %swap3A_422 {strides = array<i32>} : memref<384xi32, #tpu.memory_space<vmem>>, vector<16xi32>,
      %add3A_423 = arith.constant 1 : i32
      %add3A_424 = vector.broadcast %add3A_423 : i32 to vector<16xi32>
      %add3A_425 = arith.addi %mul3A_415, %add3A_424 : vector<16xi32>
      %swap3A_426 = arith.constant 192 : index
      %swap3A_427 = tpu.vector_load %arg13[%swap3A_426] {strides = array<i32>} : memref<384xi32, #tpu.memory_space<vmem>>, vector<16xi32>,
      %swap3A_428 = vector.shape_cast %swap3A_427 : vector<16xi32> to vector<16xi32>
      %swap3A_429 = vector.shape_cast %add3A_425 : vector<16xi32> to vector<16xi32>
      tpu.vector_store %arg13[%swap3A_426], %swap3A_429 {strides = array<i32>} : memref<384xi32, #tpu.memory_space<vmem>>, vector<16xi32>,
      %add3A_430 = arith.constant 2 : i32
      %add3A_431 = vector.broadcast %add3A_430 : i32 to vector<16xi32>
      %add3A_432 = arith.addi %mul3A_415, %add3A_431 : vector<16xi32>
      %swap3A_433 = arith.constant 320 : index
      %swap3A_434 = tpu.vector_load %arg13[%swap3A_433] {strides = array<i32>} : memref<384xi32, #tpu.memory_space<vmem>>, vector<16xi32>,
      %swap3A_435 = vector.shape_cast %swap3A_434 : vector<16xi32> to vector<16xi32>
      %swap3A_436 = vector.shape_cast %add3A_432 : vector<16xi32> to vector<16xi32>
      tpu.vector_store %arg13[%swap3A_433], %swap3A_436 {strides = array<i32>} : memref<384xi32, #tpu.memory_space<vmem>>, vector<16xi32>,
      %add3A_437 = arith.constant 80 : i32
      %add3A_438 = arith.addi %add3A_287, %add3A_437 : i32
      %get3A_439 = arith.index_cast %add3A_438 : i32 to index
      %get3A_440 = tpu.vector_load %arg7[%get3A_439] {strides = array<i32>} : memref<8192xi32, #tpu.memory_space<vmem>>, vector<16xi32>,
      %get3A_441 = vector.shape_cast %get3A_440 : vector<16xi32> to vector<16xi32>
      %mul3A_442 = arith.constant 16 : i32
      %mul3A_443 = vector.broadcast %mul3A_442 : i32 to vector<16xi32>
      %mul3A_444 = arith.muli %get3A_441, %mul3A_443 : vector<16xi32>
      %add3A_445 = arith.constant 0 : i32
      %add3A_446 = vector.broadcast %add3A_445 : i32 to vector<16xi32>
      %add3A_447 = arith.addi %mul3A_444, %add3A_446 : vector<16xi32>
      %swap3A_448 = arith.constant 80 : index
      %swap3A_449 = tpu.vector_load %arg13[%swap3A_448] {strides = array<i32>} : memref<384xi32, #tpu.memory_space<vmem>>, vector<16xi32>,
      %swap3A_450 = vector.shape_cast %swap3A_449 : vector<16xi32> to vector<16xi32>
      %swap3A_451 = vector.shape_cast %add3A_447 : vector<16xi32> to vector<16xi32>
      tpu.vector_store %arg13[%swap3A_448], %swap3A_451 {strides = array<i32>} : memref<384xi32, #tpu.memory_space<vmem>>, vector<16xi32>,
      %add3A_452 = arith.constant 1 : i32
      %add3A_453 = vector.broadcast %add3A_452 : i32 to vector<16xi32>
      %add3A_454 = arith.addi %mul3A_444, %add3A_453 : vector<16xi32>
      %swap3A_455 = arith.constant 208 : index
      %swap3A_456 = tpu.vector_load %arg13[%swap3A_455] {strides = array<i32>} : memref<384xi32, #tpu.memory_space<vmem>>, vector<16xi32>,
      %swap3A_457 = vector.shape_cast %swap3A_456 : vector<16xi32> to vector<16xi32>
      %swap3A_458 = vector.shape_cast %add3A_454 : vector<16xi32> to vector<16xi32>
      tpu.vector_store %arg13[%swap3A_455], %swap3A_458 {strides = array<i32>} : memref<384xi32, #tpu.memory_space<vmem>>, vector<16xi32>,
      %add3A_459 = arith.constant 2 : i32
      %add3A_460 = vector.broadcast %add3A_459 : i32 to vector<16xi32>
      %add3A_461 = arith.addi %mul3A_444, %add3A_460 : vector<16xi32>
      %swap3A_462 = arith.constant 336 : index
      %swap3A_463 = tpu.vector_load %arg13[%swap3A_462] {strides = array<i32>} : memref<384xi32, #tpu.memory_space<vmem>>, vector<16xi32>,
      %swap3A_464 = vector.shape_cast %swap3A_463 : vector<16xi32> to vector<16xi32>
      %swap3A_465 = vector.shape_cast %add3A_461 : vector<16xi32> to vector<16xi32>
      tpu.vector_store %arg13[%swap3A_462], %swap3A_465 {strides = array<i32>} : memref<384xi32, #tpu.memory_space<vmem>>, vector<16xi32>,
      %add3A_466 = arith.constant 96 : i32
      %add3A_467 = arith.addi %add3A_287, %add3A_466 : i32
      %get3A_468 = arith.index_cast %add3A_467 : i32 to index
      %get3A_469 = tpu.vector_load %arg7[%get3A_468] {strides = array<i32>} : memref<8192xi32, #tpu.memory_space<vmem>>, vector<16xi32>,
      %get3A_470 = vector.shape_cast %get3A_469 : vector<16xi32> to vector<16xi32>
      %mul3A_471 = arith.constant 16 : i32
      %mul3A_472 = vector.broadcast %mul3A_471 : i32 to vector<16xi32>
      %mul3A_473 = arith.muli %get3A_470, %mul3A_472 : vector<16xi32>
      %add3A_474 = arith.constant 0 : i32
      %add3A_475 = vector.broadcast %add3A_474 : i32 to vector<16xi32>
      %add3A_476 = arith.addi %mul3A_473, %add3A_475 : vector<16xi32>
      %swap3A_477 = arith.constant 96 : index
      %swap3A_478 = tpu.vector_load %arg13[%swap3A_477] {strides = array<i32>} : memref<384xi32, #tpu.memory_space<vmem>>, vector<16xi32>,
      %swap3A_479 = vector.shape_cast %swap3A_478 : vector<16xi32> to vector<16xi32>
      %swap3A_480 = vector.shape_cast %add3A_476 : vector<16xi32> to vector<16xi32>
      tpu.vector_store %arg13[%swap3A_477], %swap3A_480 {strides = array<i32>} : memref<384xi32, #tpu.memory_space<vmem>>, vector<16xi32>,
      %add3A_481 = arith.constant 1 : i32
      %add3A_482 = vector.broadcast %add3A_481 : i32 to vector<16xi32>
      %add3A_483 = arith.addi %mul3A_473, %add3A_482 : vector<16xi32>
      %swap3A_484 = arith.constant 224 : index
      %swap3A_485 = tpu.vector_load %arg13[%swap3A_484] {strides = array<i32>} : memref<384xi32, #tpu.memory_space<vmem>>, vector<16xi32>,
      %swap3A_486 = vector.shape_cast %swap3A_485 : vector<16xi32> to vector<16xi32>
      %swap3A_487 = vector.shape_cast %add3A_483 : vector<16xi32> to vector<16xi32>
      tpu.vector_store %arg13[%swap3A_484], %swap3A_487 {strides = array<i32>} : memref<384xi32, #tpu.memory_space<vmem>>, vector<16xi32>,
      %add3A_488 = arith.constant 2 : i32
      %add3A_489 = vector.broadcast %add3A_488 : i32 to vector<16xi32>
      %add3A_490 = arith.addi %mul3A_473, %add3A_489 : vector<16xi32>
      %swap3A_491 = arith.constant 352 : index
      %swap3A_492 = tpu.vector_load %arg13[%swap3A_491] {strides = array<i32>} : memref<384xi32, #tpu.memory_space<vmem>>, vector<16xi32>,
      %swap3A_493 = vector.shape_cast %swap3A_492 : vector<16xi32> to vector<16xi32>
      %swap3A_494 = vector.shape_cast %add3A_490 : vector<16xi32> to vector<16xi32>
      tpu.vector_store %arg13[%swap3A_491], %swap3A_494 {strides = array<i32>} : memref<384xi32, #tpu.memory_space<vmem>>, vector<16xi32>,
      %add3A_495 = arith.constant 112 : i32
      %add3A_496 = arith.addi %add3A_287, %add3A_495 : i32
      %get3A_497 = arith.index_cast %add3A_496 : i32 to index
      %get3A_498 = tpu.vector_load %arg7[%get3A_497] {strides = array<i32>} : memref<8192xi32, #tpu.memory_space<vmem>>, vector<16xi32>,
      %get3A_499 = vector.shape_cast %get3A_498 : vector<16xi32> to vector<16xi32>
      %mul3A_500 = arith.constant 16 : i32
      %mul3A_501 = vector.broadcast %mul3A_500 : i32 to vector<16xi32>
      %mul3A_502 = arith.muli %get3A_499, %mul3A_501 : vector<16xi32>
      %add3A_503 = arith.constant 0 : i32
      %add3A_504 = vector.broadcast %add3A_503 : i32 to vector<16xi32>
      %add3A_505 = arith.addi %mul3A_502, %add3A_504 : vector<16xi32>
      %swap3A_506 = arith.constant 112 : index
      %swap3A_507 = tpu.vector_load %arg13[%swap3A_506] {strides = array<i32>} : memref<384xi32, #tpu.memory_space<vmem>>, vector<16xi32>,
      %swap3A_508 = vector.shape_cast %swap3A_507 : vector<16xi32> to vector<16xi32>
      %swap3A_509 = vector.shape_cast %add3A_505 : vector<16xi32> to vector<16xi32>
      tpu.vector_store %arg13[%swap3A_506], %swap3A_509 {strides = array<i32>} : memref<384xi32, #tpu.memory_space<vmem>>, vector<16xi32>,
      %add3A_510 = arith.constant 1 : i32
      %add3A_511 = vector.broadcast %add3A_510 : i32 to vector<16xi32>
      %add3A_512 = arith.addi %mul3A_502, %add3A_511 : vector<16xi32>
      %swap3A_513 = arith.constant 240 : index
      %swap3A_514 = tpu.vector_load %arg13[%swap3A_513] {strides = array<i32>} : memref<384xi32, #tpu.memory_space<vmem>>, vector<16xi32>,
      %swap3A_515 = vector.shape_cast %swap3A_514 : vector<16xi32> to vector<16xi32>
      %swap3A_516 = vector.shape_cast %add3A_512 : vector<16xi32> to vector<16xi32>
      tpu.vector_store %arg13[%swap3A_513], %swap3A_516 {strides = array<i32>} : memref<384xi32, #tpu.memory_space<vmem>>, vector<16xi32>,
      %add3A_517 = arith.constant 2 : i32
      %add3A_518 = vector.broadcast %add3A_517 : i32 to vector<16xi32>
      %add3A_519 = arith.addi %mul3A_502, %add3A_518 : vector<16xi32>
      %swap3A_520 = arith.constant 368 : index
      %swap3A_521 = tpu.vector_load %arg13[%swap3A_520] {strides = array<i32>} : memref<384xi32, #tpu.memory_space<vmem>>, vector<16xi32>,
      %swap3A_522 = vector.shape_cast %swap3A_521 : vector<16xi32> to vector<16xi32>
      %swap3A_523 = vector.shape_cast %add3A_519 : vector<16xi32> to vector<16xi32>
      tpu.vector_store %arg13[%swap3A_520], %swap3A_523 {strides = array<i32>} : memref<384xi32, #tpu.memory_space<vmem>>, vector<16xi32>,
      %dma_start3A_524 = arith.constant 0 : i32
      %dma_start3A_525 = tpu.memref_slice %arg3[%dma_start3A_524] : memref<65536xf32, #tpu.memory_space<hbm>> -> memref<65536xf32, #tpu.memory_space<hbm>>
      tpu.enqueue_indirect_dma source(%dma_start3A_525 : memref<65536xf32, #tpu.memory_space<hbm>>) target(%arg17 : memref<384xf32, #tpu.memory_space<vmem>>) offsets(%arg13 : memref<384xi32, #tpu.memory_space<vmem>>) semaphore(%arg25 : memref<!tpu.dma_semaphore, #tpu.memory_space<semaphore_mem>>)
      %gt3A_526 = arith.constant 0 : i32
      %gt3A_527 = arith.cmpi sgt, %scan3A_39, %gt3A_526 : i32
      %convert_element_type3A_528 = arith.extui %gt3A_527 : i1 to i32
      %cond3A_529 = arith.constant 0 : i32
      %cond3A_530 = arith.cmpi ne, %convert_element_type3A_528, %cond3A_529 : i32
      scf.if %cond3A_530 {
        %dma_wait3A_1088 = arith.constant 0 : i32
        %dma_wait3A_1089 = tpu.memref_slice %arg5[%mul3A_2, %dma_wait3A_1088] : memref<262144x128xi32, #tpu.memory_space<hbm>> -> memref<128x128xi32, #tpu.memory_space<hbm>>
        %dma_wait3A_1090 = arith.constant 0 : i32
        %dma_wait3A_1091 = tpu.memref_slice %arg5[%mul3A_2, %dma_wait3A_1090] : memref<262144x128xi32, #tpu.memory_space<hbm>> -> memref<128x128xi32, #tpu.memory_space<hbm>>
        tpu.wait_dma2 semaphore(%arg30 : memref<!tpu.dma_semaphore, #tpu.memory_space<semaphore_mem>>) src(%arg10 : memref<128x128xi32, #tpu.memory_space<vmem>>) dst(%dma_wait3A_1091 : memref<128x128xi32, #tpu.memory_space<hbm>>)
        %dma_wait3A_1092 = arith.constant 0 : i32
        %dma_wait3A_1093 = tpu.memref_slice %arg6[%dma_wait3A_1092] : memref<786432xf32, #tpu.memory_space<hbm>> -> memref<384xf32, #tpu.memory_space<hbm>>
        %dma_wait3A_1094 = arith.constant 0 : i32
        %dma_wait3A_1095 = tpu.memref_slice %arg6[%dma_wait3A_1094] : memref<786432xf32, #tpu.memory_space<hbm>> -> memref<384xf32, #tpu.memory_space<hbm>>
        tpu.wait_dma2 semaphore(%arg34 : memref<!tpu.dma_semaphore, #tpu.memory_space<semaphore_mem>>) src(%arg18 : memref<384xf32, #tpu.memory_space<vmem>>) dst(%dma_wait3A_1095 : memref<384xf32, #tpu.memory_space<hbm>>)
      } else {
      }
      %add3A_531 = arith.constant 256 : i32
      %add3A_532 = arith.addi %mul3A_41, %add3A_531 : i32
      %dma_start3A_533 = tpu.memref_slice %arg7[%add3A_532] : memref<8192xi32, #tpu.memory_space<vmem>> -> memref<128xi32, #tpu.memory_space<vmem>>
      %dma_start3A_534 = arith.constant 0 : i32
      %dma_start3A_535 = arith.constant 0 : i32
      %dma_start3A_536 = tpu.memref_slice %arg2[%dma_start3A_534, %dma_start3A_535] : memref<4096x128xi32, #tpu.memory_space<hbm>> -> memref<4096x128xi32, #tpu.memory_space<hbm>>
      tpu.enqueue_indirect_dma source(%dma_start3A_536 : memref<4096x128xi32, #tpu.memory_space<hbm>>) target(%arg10 : memref<128x128xi32, #tpu.memory_space<vmem>>) offsets(%dma_start3A_533 : memref<128xi32, #tpu.memory_space<vmem>>) semaphore(%arg22 : memref<!tpu.dma_semaphore, #tpu.memory_space<semaphore_mem>>)
      %add3A_537 = arith.constant 0 : i32
      %add3A_538 = arith.addi %add3A_532, %add3A_537 : i32
      %get3A_539 = arith.index_cast %add3A_538 : i32 to index
      %get3A_540 = tpu.vector_load %arg7[%get3A_539] {strides = array<i32>} : memref<8192xi32, #tpu.memory_space<vmem>>, vector<16xi32>,
      %get3A_541 = vector.shape_cast %get3A_540 : vector<16xi32> to vector<16xi32>
      %mul3A_542 = arith.constant 16 : i32
      %mul3A_543 = vector.broadcast %mul3A_542 : i32 to vector<16xi32>
      %mul3A_544 = arith.muli %get3A_541, %mul3A_543 : vector<16xi32>
      %add3A_545 = arith.constant 0 : i32
      %add3A_546 = vector.broadcast %add3A_545 : i32 to vector<16xi32>
      %add3A_547 = arith.addi %mul3A_544, %add3A_546 : vector<16xi32>
      %swap3A_548 = arith.constant 0 : index
      %swap3A_549 = tpu.vector_load %arg14[%swap3A_548] {strides = array<i32>} : memref<384xi32, #tpu.memory_space<vmem>>, vector<16xi32>,
      %swap3A_550 = vector.shape_cast %swap3A_549 : vector<16xi32> to vector<16xi32>
      %swap3A_551 = vector.shape_cast %add3A_547 : vector<16xi32> to vector<16xi32>
      tpu.vector_store %arg14[%swap3A_548], %swap3A_551 {strides = array<i32>} : memref<384xi32, #tpu.memory_space<vmem>>, vector<16xi32>,
      %add3A_552 = arith.constant 1 : i32
      %add3A_553 = vector.broadcast %add3A_552 : i32 to vector<16xi32>
      %add3A_554 = arith.addi %mul3A_544, %add3A_553 : vector<16xi32>
      %swap3A_555 = arith.constant 128 : index
      %swap3A_556 = tpu.vector_load %arg14[%swap3A_555] {strides = array<i32>} : memref<384xi32, #tpu.memory_space<vmem>>, vector<16xi32>,
      %swap3A_557 = vector.shape_cast %swap3A_556 : vector<16xi32> to vector<16xi32>
      %swap3A_558 = vector.shape_cast %add3A_554 : vector<16xi32> to vector<16xi32>
      tpu.vector_store %arg14[%swap3A_555], %swap3A_558 {strides = array<i32>} : memref<384xi32, #tpu.memory_space<vmem>>, vector<16xi32>,
      %add3A_559 = arith.constant 2 : i32
      %add3A_560 = vector.broadcast %add3A_559 : i32 to vector<16xi32>
      %add3A_561 = arith.addi %mul3A_544, %add3A_560 : vector<16xi32>
      %swap3A_562 = arith.constant 256 : index
      %swap3A_563 = tpu.vector_load %arg14[%swap3A_562] {strides = array<i32>} : memref<384xi32, #tpu.memory_space<vmem>>, vector<16xi32>,
      %swap3A_564 = vector.shape_cast %swap3A_563 : vector<16xi32> to vector<16xi32>
      %swap3A_565 = vector.shape_cast %add3A_561 : vector<16xi32> to vector<16xi32>
      tpu.vector_store %arg14[%swap3A_562], %swap3A_565 {strides = array<i32>} : memref<384xi32, #tpu.memory_space<vmem>>, vector<16xi32>,
      %add3A_566 = arith.constant 16 : i32
      %add3A_567 = arith.addi %add3A_532, %add3A_566 : i32
      %get3A_568 = arith.index_cast %add3A_567 : i32 to index
      %get3A_569 = tpu.vector_load %arg7[%get3A_568] {strides = array<i32>} : memref<8192xi32, #tpu.memory_space<vmem>>, vector<16xi32>,
      %get3A_570 = vector.shape_cast %get3A_569 : vector<16xi32> to vector<16xi32>
      %mul3A_571 = arith.constant 16 : i32
      %mul3A_572 = vector.broadcast %mul3A_571 : i32 to vector<16xi32>
      %mul3A_573 = arith.muli %get3A_570, %mul3A_572 : vector<16xi32>
      %add3A_574 = arith.constant 0 : i32
      %add3A_575 = vector.broadcast %add3A_574 : i32 to vector<16xi32>
      %add3A_576 = arith.addi %mul3A_573, %add3A_575 : vector<16xi32>
      %swap3A_577 = arith.constant 16 : index
      %swap3A_578 = tpu.vector_load %arg14[%swap3A_577] {strides = array<i32>} : memref<384xi32, #tpu.memory_space<vmem>>, vector<16xi32>,
      %swap3A_579 = vector.shape_cast %swap3A_578 : vector<16xi32> to vector<16xi32>
      %swap3A_580 = vector.shape_cast %add3A_576 : vector<16xi32> to vector<16xi32>
      tpu.vector_store %arg14[%swap3A_577], %swap3A_580 {strides = array<i32>} : memref<384xi32, #tpu.memory_space<vmem>>, vector<16xi32>,
      %add3A_581 = arith.constant 1 : i32
      %add3A_582 = vector.broadcast %add3A_581 : i32 to vector<16xi32>
      %add3A_583 = arith.addi %mul3A_573, %add3A_582 : vector<16xi32>
      %swap3A_584 = arith.constant 144 : index
      %swap3A_585 = tpu.vector_load %arg14[%swap3A_584] {strides = array<i32>} : memref<384xi32, #tpu.memory_space<vmem>>, vector<16xi32>,
      %swap3A_586 = vector.shape_cast %swap3A_585 : vector<16xi32> to vector<16xi32>
      %swap3A_587 = vector.shape_cast %add3A_583 : vector<16xi32> to vector<16xi32>
      tpu.vector_store %arg14[%swap3A_584], %swap3A_587 {strides = array<i32>} : memref<384xi32, #tpu.memory_space<vmem>>, vector<16xi32>,
      %add3A_588 = arith.constant 2 : i32
      %add3A_589 = vector.broadcast %add3A_588 : i32 to vector<16xi32>
      %add3A_590 = arith.addi %mul3A_573, %add3A_589 : vector<16xi32>
      %swap3A_591 = arith.constant 272 : index
      %swap3A_592 = tpu.vector_load %arg14[%swap3A_591] {strides = array<i32>} : memref<384xi32, #tpu.memory_space<vmem>>, vector<16xi32>,
      %swap3A_593 = vector.shape_cast %swap3A_592 : vector<16xi32> to vector<16xi32>
      %swap3A_594 = vector.shape_cast %add3A_590 : vector<16xi32> to vector<16xi32>
      tpu.vector_store %arg14[%swap3A_591], %swap3A_594 {strides = array<i32>} : memref<384xi32, #tpu.memory_space<vmem>>, vector<16xi32>,
      %add3A_595 = arith.constant 32 : i32
      %add3A_596 = arith.addi %add3A_532, %add3A_595 : i32
      %get3A_597 = arith.index_cast %add3A_596 : i32 to index
      %get3A_598 = tpu.vector_load %arg7[%get3A_597] {strides = array<i32>} : memref<8192xi32, #tpu.memory_space<vmem>>, vector<16xi32>,
      %get3A_599 = vector.shape_cast %get3A_598 : vector<16xi32> to vector<16xi32>
      %mul3A_600 = arith.constant 16 : i32
      %mul3A_601 = vector.broadcast %mul3A_600 : i32 to vector<16xi32>
      %mul3A_602 = arith.muli %get3A_599, %mul3A_601 : vector<16xi32>
      %add3A_603 = arith.constant 0 : i32
      %add3A_604 = vector.broadcast %add3A_603 : i32 to vector<16xi32>
      %add3A_605 = arith.addi %mul3A_602, %add3A_604 : vector<16xi32>
      %swap3A_606 = arith.constant 32 : index
      %swap3A_607 = tpu.vector_load %arg14[%swap3A_606] {strides = array<i32>} : memref<384xi32, #tpu.memory_space<vmem>>, vector<16xi32>,
      %swap3A_608 = vector.shape_cast %swap3A_607 : vector<16xi32> to vector<16xi32>
      %swap3A_609 = vector.shape_cast %add3A_605 : vector<16xi32> to vector<16xi32>
      tpu.vector_store %arg14[%swap3A_606], %swap3A_609 {strides = array<i32>} : memref<384xi32, #tpu.memory_space<vmem>>, vector<16xi32>,
      %add3A_610 = arith.constant 1 : i32
      %add3A_611 = vector.broadcast %add3A_610 : i32 to vector<16xi32>
      %add3A_612 = arith.addi %mul3A_602, %add3A_611 : vector<16xi32>
      %swap3A_613 = arith.constant 160 : index
      %swap3A_614 = tpu.vector_load %arg14[%swap3A_613] {strides = array<i32>} : memref<384xi32, #tpu.memory_space<vmem>>, vector<16xi32>,
      %swap3A_615 = vector.shape_cast %swap3A_614 : vector<16xi32> to vector<16xi32>
      %swap3A_616 = vector.shape_cast %add3A_612 : vector<16xi32> to vector<16xi32>
      tpu.vector_store %arg14[%swap3A_613], %swap3A_616 {strides = array<i32>} : memref<384xi32, #tpu.memory_space<vmem>>, vector<16xi32>,
      %add3A_617 = arith.constant 2 : i32
      %add3A_618 = vector.broadcast %add3A_617 : i32 to vector<16xi32>
      %add3A_619 = arith.addi %mul3A_602, %add3A_618 : vector<16xi32>
      %swap3A_620 = arith.constant 288 : index
      %swap3A_621 = tpu.vector_load %arg14[%swap3A_620] {strides = array<i32>} : memref<384xi32, #tpu.memory_space<vmem>>, vector<16xi32>,
      %swap3A_622 = vector.shape_cast %swap3A_621 : vector<16xi32> to vector<16xi32>
      %swap3A_623 = vector.shape_cast %add3A_619 : vector<16xi32> to vector<16xi32>
      tpu.vector_store %arg14[%swap3A_620], %swap3A_623 {strides = array<i32>} : memref<384xi32, #tpu.memory_space<vmem>>, vector<16xi32>,
      %add3A_624 = arith.constant 48 : i32
      %add3A_625 = arith.addi %add3A_532, %add3A_624 : i32
      %get3A_626 = arith.index_cast %add3A_625 : i32 to index
      %get3A_627 = tpu.vector_load %arg7[%get3A_626] {strides = array<i32>} : memref<8192xi32, #tpu.memory_space<vmem>>, vector<16xi32>,
      %get3A_628 = vector.shape_cast %get3A_627 : vector<16xi32> to vector<16xi32>
      %mul3A_629 = arith.constant 16 : i32
      %mul3A_630 = vector.broadcast %mul3A_629 : i32 to vector<16xi32>
      %mul3A_631 = arith.muli %get3A_628, %mul3A_630 : vector<16xi32>
      %add3A_632 = arith.constant 0 : i32
      %add3A_633 = vector.broadcast %add3A_632 : i32 to vector<16xi32>
      %add3A_634 = arith.addi %mul3A_631, %add3A_633 : vector<16xi32>
      %swap3A_635 = arith.constant 48 : index
      %swap3A_636 = tpu.vector_load %arg14[%swap3A_635] {strides = array<i32>} : memref<384xi32, #tpu.memory_space<vmem>>, vector<16xi32>,
      %swap3A_637 = vector.shape_cast %swap3A_636 : vector<16xi32> to vector<16xi32>
      %swap3A_638 = vector.shape_cast %add3A_634 : vector<16xi32> to vector<16xi32>
      tpu.vector_store %arg14[%swap3A_635], %swap3A_638 {strides = array<i32>} : memref<384xi32, #tpu.memory_space<vmem>>, vector<16xi32>,
      %add3A_639 = arith.constant 1 : i32
      %add3A_640 = vector.broadcast %add3A_639 : i32 to vector<16xi32>
      %add3A_641 = arith.addi %mul3A_631, %add3A_640 : vector<16xi32>
      %swap3A_642 = arith.constant 176 : index
      %swap3A_643 = tpu.vector_load %arg14[%swap3A_642] {strides = array<i32>} : memref<384xi32, #tpu.memory_space<vmem>>, vector<16xi32>,
      %swap3A_644 = vector.shape_cast %swap3A_643 : vector<16xi32> to vector<16xi32>
      %swap3A_645 = vector.shape_cast %add3A_641 : vector<16xi32> to vector<16xi32>
      tpu.vector_store %arg14[%swap3A_642], %swap3A_645 {strides = array<i32>} : memref<384xi32, #tpu.memory_space<vmem>>, vector<16xi32>,
      %add3A_646 = arith.constant 2 : i32
      %add3A_647 = vector.broadcast %add3A_646 : i32 to vector<16xi32>
      %add3A_648 = arith.addi %mul3A_631, %add3A_647 : vector<16xi32>
      %swap3A_649 = arith.constant 304 : index
      %swap3A_650 = tpu.vector_load %arg14[%swap3A_649] {strides = array<i32>} : memref<384xi32, #tpu.memory_space<vmem>>, vector<16xi32>,
      %swap3A_651 = vector.shape_cast %swap3A_650 : vector<16xi32> to vector<16xi32>
      %swap3A_652 = vector.shape_cast %add3A_648 : vector<16xi32> to vector<16xi32>
      tpu.vector_store %arg14[%swap3A_649], %swap3A_652 {strides = array<i32>} : memref<384xi32, #tpu.memory_space<vmem>>, vector<16xi32>,
      %add3A_653 = arith.constant 64 : i32
      %add3A_654 = arith.addi %add3A_532, %add3A_653 : i32
      %get3A_655 = arith.index_cast %add3A_654 : i32 to index
      %get3A_656 = tpu.vector_load %arg7[%get3A_655] {strides = array<i32>} : memref<8192xi32, #tpu.memory_space<vmem>>, vector<16xi32>,
      %get3A_657 = vector.shape_cast %get3A_656 : vector<16xi32> to vector<16xi32>
      %mul3A_658 = arith.constant 16 : i32
      %mul3A_659 = vector.broadcast %mul3A_658 : i32 to vector<16xi32>
      %mul3A_660 = arith.muli %get3A_657, %mul3A_659 : vector<16xi32>
      %add3A_661 = arith.constant 0 : i32
      %add3A_662 = vector.broadcast %add3A_661 : i32 to vector<16xi32>
      %add3A_663 = arith.addi %mul3A_660, %add3A_662 : vector<16xi32>
      %swap3A_664 = arith.constant 64 : index
      %swap3A_665 = tpu.vector_load %arg14[%swap3A_664] {strides = array<i32>} : memref<384xi32, #tpu.memory_space<vmem>>, vector<16xi32>,
      %swap3A_666 = vector.shape_cast %swap3A_665 : vector<16xi32> to vector<16xi32>
      %swap3A_667 = vector.shape_cast %add3A_663 : vector<16xi32> to vector<16xi32>
      tpu.vector_store %arg14[%swap3A_664], %swap3A_667 {strides = array<i32>} : memref<384xi32, #tpu.memory_space<vmem>>, vector<16xi32>,
      %add3A_668 = arith.constant 1 : i32
      %add3A_669 = vector.broadcast %add3A_668 : i32 to vector<16xi32>
      %add3A_670 = arith.addi %mul3A_660, %add3A_669 : vector<16xi32>
      %swap3A_671 = arith.constant 192 : index
      %swap3A_672 = tpu.vector_load %arg14[%swap3A_671] {strides = array<i32>} : memref<384xi32, #tpu.memory_space<vmem>>, vector<16xi32>,
      %swap3A_673 = vector.shape_cast %swap3A_672 : vector<16xi32> to vector<16xi32>
      %swap3A_674 = vector.shape_cast %add3A_670 : vector<16xi32> to vector<16xi32>
      tpu.vector_store %arg14[%swap3A_671], %swap3A_674 {strides = array<i32>} : memref<384xi32, #tpu.memory_space<vmem>>, vector<16xi32>,
      %add3A_675 = arith.constant 2 : i32
      %add3A_676 = vector.broadcast %add3A_675 : i32 to vector<16xi32>
      %add3A_677 = arith.addi %mul3A_660, %add3A_676 : vector<16xi32>
      %swap3A_678 = arith.constant 320 : index
      %swap3A_679 = tpu.vector_load %arg14[%swap3A_678] {strides = array<i32>} : memref<384xi32, #tpu.memory_space<vmem>>, vector<16xi32>,
      %swap3A_680 = vector.shape_cast %swap3A_679 : vector<16xi32> to vector<16xi32>
      %swap3A_681 = vector.shape_cast %add3A_677 : vector<16xi32> to vector<16xi32>
      tpu.vector_store %arg14[%swap3A_678], %swap3A_681 {strides = array<i32>} : memref<384xi32, #tpu.memory_space<vmem>>, vector<16xi32>,
      %add3A_682 = arith.constant 80 : i32
      %add3A_683 = arith.addi %add3A_532, %add3A_682 : i32
      %get3A_684 = arith.index_cast %add3A_683 : i32 to index
      %get3A_685 = tpu.vector_load %arg7[%get3A_684] {strides = array<i32>} : memref<8192xi32, #tpu.memory_space<vmem>>, vector<16xi32>,
      %get3A_686 = vector.shape_cast %get3A_685 : vector<16xi32> to vector<16xi32>
      %mul3A_687 = arith.constant 16 : i32
      %mul3A_688 = vector.broadcast %mul3A_687 : i32 to vector<16xi32>
      %mul3A_689 = arith.muli %get3A_686, %mul3A_688 : vector<16xi32>
      %add3A_690 = arith.constant 0 : i32
      %add3A_691 = vector.broadcast %add3A_690 : i32 to vector<16xi32>
      %add3A_692 = arith.addi %mul3A_689, %add3A_691 : vector<16xi32>
      %swap3A_693 = arith.constant 80 : index
      %swap3A_694 = tpu.vector_load %arg14[%swap3A_693] {strides = array<i32>} : memref<384xi32, #tpu.memory_space<vmem>>, vector<16xi32>,
      %swap3A_695 = vector.shape_cast %swap3A_694 : vector<16xi32> to vector<16xi32>
      %swap3A_696 = vector.shape_cast %add3A_692 : vector<16xi32> to vector<16xi32>
      tpu.vector_store %arg14[%swap3A_693], %swap3A_696 {strides = array<i32>} : memref<384xi32, #tpu.memory_space<vmem>>, vector<16xi32>,
      %add3A_697 = arith.constant 1 : i32
      %add3A_698 = vector.broadcast %add3A_697 : i32 to vector<16xi32>
      %add3A_699 = arith.addi %mul3A_689, %add3A_698 : vector<16xi32>
      %swap3A_700 = arith.constant 208 : index
      %swap3A_701 = tpu.vector_load %arg14[%swap3A_700] {strides = array<i32>} : memref<384xi32, #tpu.memory_space<vmem>>, vector<16xi32>,
      %swap3A_702 = vector.shape_cast %swap3A_701 : vector<16xi32> to vector<16xi32>
      %swap3A_703 = vector.shape_cast %add3A_699 : vector<16xi32> to vector<16xi32>
      tpu.vector_store %arg14[%swap3A_700], %swap3A_703 {strides = array<i32>} : memref<384xi32, #tpu.memory_space<vmem>>, vector<16xi32>,
      %add3A_704 = arith.constant 2 : i32
      %add3A_705 = vector.broadcast %add3A_704 : i32 to vector<16xi32>
      %add3A_706 = arith.addi %mul3A_689, %add3A_705 : vector<16xi32>
      %swap3A_707 = arith.constant 336 : index
      %swap3A_708 = tpu.vector_load %arg14[%swap3A_707] {strides = array<i32>} : memref<384xi32, #tpu.memory_space<vmem>>, vector<16xi32>,
      %swap3A_709 = vector.shape_cast %swap3A_708 : vector<16xi32> to vector<16xi32>
      %swap3A_710 = vector.shape_cast %add3A_706 : vector<16xi32> to vector<16xi32>
      tpu.vector_store %arg14[%swap3A_707], %swap3A_710 {strides = array<i32>} : memref<384xi32, #tpu.memory_space<vmem>>, vector<16xi32>,
      %add3A_711 = arith.constant 96 : i32
      %add3A_712 = arith.addi %add3A_532, %add3A_711 : i32
      %get3A_713 = arith.index_cast %add3A_712 : i32 to index
      %get3A_714 = tpu.vector_load %arg7[%get3A_713] {strides = array<i32>} : memref<8192xi32, #tpu.memory_space<vmem>>, vector<16xi32>,
      %get3A_715 = vector.shape_cast %get3A_714 : vector<16xi32> to vector<16xi32>
      %mul3A_716 = arith.constant 16 : i32
      %mul3A_717 = vector.broadcast %mul3A_716 : i32 to vector<16xi32>
      %mul3A_718 = arith.muli %get3A_715, %mul3A_717 : vector<16xi32>
      %add3A_719 = arith.constant 0 : i32
      %add3A_720 = vector.broadcast %add3A_719 : i32 to vector<16xi32>
      %add3A_721 = arith.addi %mul3A_718, %add3A_720 : vector<16xi32>
      %swap3A_722 = arith.constant 96 : index
      %swap3A_723 = tpu.vector_load %arg14[%swap3A_722] {strides = array<i32>} : memref<384xi32, #tpu.memory_space<vmem>>, vector<16xi32>,
      %swap3A_724 = vector.shape_cast %swap3A_723 : vector<16xi32> to vector<16xi32>
      %swap3A_725 = vector.shape_cast %add3A_721 : vector<16xi32> to vector<16xi32>
      tpu.vector_store %arg14[%swap3A_722], %swap3A_725 {strides = array<i32>} : memref<384xi32, #tpu.memory_space<vmem>>, vector<16xi32>,
      %add3A_726 = arith.constant 1 : i32
      %add3A_727 = vector.broadcast %add3A_726 : i32 to vector<16xi32>
      %add3A_728 = arith.addi %mul3A_718, %add3A_727 : vector<16xi32>
      %swap3A_729 = arith.constant 224 : index
      %swap3A_730 = tpu.vector_load %arg14[%swap3A_729] {strides = array<i32>} : memref<384xi32, #tpu.memory_space<vmem>>, vector<16xi32>,
      %swap3A_731 = vector.shape_cast %swap3A_730 : vector<16xi32> to vector<16xi32>
      %swap3A_732 = vector.shape_cast %add3A_728 : vector<16xi32> to vector<16xi32>
      tpu.vector_store %arg14[%swap3A_729], %swap3A_732 {strides = array<i32>} : memref<384xi32, #tpu.memory_space<vmem>>, vector<16xi32>,
      %add3A_733 = arith.constant 2 : i32
      %add3A_734 = vector.broadcast %add3A_733 : i32 to vector<16xi32>
      %add3A_735 = arith.addi %mul3A_718, %add3A_734 : vector<16xi32>
      %swap3A_736 = arith.constant 352 : index
      %swap3A_737 = tpu.vector_load %arg14[%swap3A_736] {strides = array<i32>} : memref<384xi32, #tpu.memory_space<vmem>>, vector<16xi32>,
      %swap3A_738 = vector.shape_cast %swap3A_737 : vector<16xi32> to vector<16xi32>
      %swap3A_739 = vector.shape_cast %add3A_735 : vector<16xi32> to vector<16xi32>
      tpu.vector_store %arg14[%swap3A_736], %swap3A_739 {strides = array<i32>} : memref<384xi32, #tpu.memory_space<vmem>>, vector<16xi32>,
      %add3A_740 = arith.constant 112 : i32
      %add3A_741 = arith.addi %add3A_532, %add3A_740 : i32
      %get3A_742 = arith.index_cast %add3A_741 : i32 to index
      %get3A_743 = tpu.vector_load %arg7[%get3A_742] {strides = array<i32>} : memref<8192xi32, #tpu.memory_space<vmem>>, vector<16xi32>,
      %get3A_744 = vector.shape_cast %get3A_743 : vector<16xi32> to vector<16xi32>
      %mul3A_745 = arith.constant 16 : i32
      %mul3A_746 = vector.broadcast %mul3A_745 : i32 to vector<16xi32>
      %mul3A_747 = arith.muli %get3A_744, %mul3A_746 : vector<16xi32>
      %add3A_748 = arith.constant 0 : i32
      %add3A_749 = vector.broadcast %add3A_748 : i32 to vector<16xi32>
      %add3A_750 = arith.addi %mul3A_747, %add3A_749 : vector<16xi32>
      %swap3A_751 = arith.constant 112 : index
      %swap3A_752 = tpu.vector_load %arg14[%swap3A_751] {strides = array<i32>} : memref<384xi32, #tpu.memory_space<vmem>>, vector<16xi32>,
      %swap3A_753 = vector.shape_cast %swap3A_752 : vector<16xi32> to vector<16xi32>
      %swap3A_754 = vector.shape_cast %add3A_750 : vector<16xi32> to vector<16xi32>
      tpu.vector_store %arg14[%swap3A_751], %swap3A_754 {strides = array<i32>} : memref<384xi32, #tpu.memory_space<vmem>>, vector<16xi32>,
      %add3A_755 = arith.constant 1 : i32
      %add3A_756 = vector.broadcast %add3A_755 : i32 to vector<16xi32>
      %add3A_757 = arith.addi %mul3A_747, %add3A_756 : vector<16xi32>
      %swap3A_758 = arith.constant 240 : index
      %swap3A_759 = tpu.vector_load %arg14[%swap3A_758] {strides = array<i32>} : memref<384xi32, #tpu.memory_space<vmem>>, vector<16xi32>,
      %swap3A_760 = vector.shape_cast %swap3A_759 : vector<16xi32> to vector<16xi32>
      %swap3A_761 = vector.shape_cast %add3A_757 : vector<16xi32> to vector<16xi32>
      tpu.vector_store %arg14[%swap3A_758], %swap3A_761 {strides = array<i32>} : memref<384xi32, #tpu.memory_space<vmem>>, vector<16xi32>,
      %add3A_762 = arith.constant 2 : i32
      %add3A_763 = vector.broadcast %add3A_762 : i32 to vector<16xi32>
      %add3A_764 = arith.addi %mul3A_747, %add3A_763 : vector<16xi32>
      %swap3A_765 = arith.constant 368 : index
      %swap3A_766 = tpu.vector_load %arg14[%swap3A_765] {strides = array<i32>} : memref<384xi32, #tpu.memory_space<vmem>>, vector<16xi32>,
      %swap3A_767 = vector.shape_cast %swap3A_766 : vector<16xi32> to vector<16xi32>
      %swap3A_768 = vector.shape_cast %add3A_764 : vector<16xi32> to vector<16xi32>
      tpu.vector_store %arg14[%swap3A_765], %swap3A_768 {strides = array<i32>} : memref<384xi32, #tpu.memory_space<vmem>>, vector<16xi32>,
      %dma_start3A_769 = arith.constant 0 : i32
      %dma_start3A_770 = tpu.memref_slice %arg3[%dma_start3A_769] : memref<65536xf32, #tpu.memory_space<hbm>> -> memref<65536xf32, #tpu.memory_space<hbm>>
      tpu.enqueue_indirect_dma source(%dma_start3A_770 : memref<65536xf32, #tpu.memory_space<hbm>>) target(%arg18 : memref<384xf32, #tpu.memory_space<vmem>>) offsets(%arg14 : memref<384xi32, #tpu.memory_space<vmem>>) semaphore(%arg26 : memref<!tpu.dma_semaphore, #tpu.memory_space<semaphore_mem>>)
      %gt3A_771 = arith.constant 0 : i32
      %gt3A_772 = arith.cmpi sgt, %scan3A_39, %gt3A_771 : i32
      %convert_element_type3A_773 = arith.extui %gt3A_772 : i1 to i32
      %cond3A_774 = arith.constant 0 : i32
      %cond3A_775 = arith.cmpi ne, %convert_element_type3A_773, %cond3A_774 : i32
      scf.if %cond3A_775 {
        %dma_wait3A_1088 = arith.constant 0 : i32
        %dma_wait3A_1089 = tpu.memref_slice %arg5[%mul3A_2, %dma_wait3A_1088] : memref<262144x128xi32, #tpu.memory_space<hbm>> -> memref<128x128xi32, #tpu.memory_space<hbm>>
        %dma_wait3A_1090 = arith.constant 0 : i32
        %dma_wait3A_1091 = tpu.memref_slice %arg5[%mul3A_2, %dma_wait3A_1090] : memref<262144x128xi32, #tpu.memory_space<hbm>> -> memref<128x128xi32, #tpu.memory_space<hbm>>
        tpu.wait_dma2 semaphore(%arg31 : memref<!tpu.dma_semaphore, #tpu.memory_space<semaphore_mem>>) src(%arg11 : memref<128x128xi32, #tpu.memory_space<vmem>>) dst(%dma_wait3A_1091 : memref<128x128xi32, #tpu.memory_space<hbm>>)
        %dma_wait3A_1092 = arith.constant 0 : i32
        %dma_wait3A_1093 = tpu.memref_slice %arg6[%dma_wait3A_1092] : memref<786432xf32, #tpu.memory_space<hbm>> -> memref<384xf32, #tpu.memory_space<hbm>>
        %dma_wait3A_1094 = arith.constant 0 : i32
        %dma_wait3A_1095 = tpu.memref_slice %arg6[%dma_wait3A_1094] : memref<786432xf32, #tpu.memory_space<hbm>> -> memref<384xf32, #tpu.memory_space<hbm>>
        tpu.wait_dma2 semaphore(%arg35 : memref<!tpu.dma_semaphore, #tpu.memory_space<semaphore_mem>>) src(%arg19 : memref<384xf32, #tpu.memory_space<vmem>>) dst(%dma_wait3A_1095 : memref<384xf32, #tpu.memory_space<hbm>>)
      } else {
      }
      %add3A_776 = arith.constant 384 : i32
      %add3A_777 = arith.addi %mul3A_41, %add3A_776 : i32
      %dma_start3A_778 = tpu.memref_slice %arg7[%add3A_777] : memref<8192xi32, #tpu.memory_space<vmem>> -> memref<128xi32, #tpu.memory_space<vmem>>
      %dma_start3A_779 = arith.constant 0 : i32
      %dma_start3A_780 = arith.constant 0 : i32
      %dma_start3A_781 = tpu.memref_slice %arg2[%dma_start3A_779, %dma_start3A_780] : memref<4096x128xi32, #tpu.memory_space<hbm>> -> memref<4096x128xi32, #tpu.memory_space<hbm>>
      tpu.enqueue_indirect_dma source(%dma_start3A_781 : memref<4096x128xi32, #tpu.memory_space<hbm>>) target(%arg11 : memref<128x128xi32, #tpu.memory_space<vmem>>) offsets(%dma_start3A_778 : memref<128xi32, #tpu.memory_space<vmem>>) semaphore(%arg23 : memref<!tpu.dma_semaphore, #tpu.memory_space<semaphore_mem>>)
      %add3A_782 = arith.constant 0 : i32
      %add3A_783 = arith.addi %add3A_777, %add3A_782 : i32
      %get3A_784 = arith.index_cast %add3A_783 : i32 to index
      %get3A_785 = tpu.vector_load %arg7[%get3A_784] {strides = array<i32>} : memref<8192xi32, #tpu.memory_space<vmem>>, vector<16xi32>,
      %get3A_786 = vector.shape_cast %get3A_785 : vector<16xi32> to vector<16xi32>
      %mul3A_787 = arith.constant 16 : i32
      %mul3A_788 = vector.broadcast %mul3A_787 : i32 to vector<16xi32>
      %mul3A_789 = arith.muli %get3A_786, %mul3A_788 : vector<16xi32>
      %add3A_790 = arith.constant 0 : i32
      %add3A_791 = vector.broadcast %add3A_790 : i32 to vector<16xi32>
      %add3A_792 = arith.addi %mul3A_789, %add3A_791 : vector<16xi32>
      %swap3A_793 = arith.constant 0 : index
      %swap3A_794 = tpu.vector_load %arg15[%swap3A_793] {strides = array<i32>} : memref<384xi32, #tpu.memory_space<vmem>>, vector<16xi32>,
      %swap3A_795 = vector.shape_cast %swap3A_794 : vector<16xi32> to vector<16xi32>
      %swap3A_796 = vector.shape_cast %add3A_792 : vector<16xi32> to vector<16xi32>
      tpu.vector_store %arg15[%swap3A_793], %swap3A_796 {strides = array<i32>} : memref<384xi32, #tpu.memory_space<vmem>>, vector<16xi32>,
      %add3A_797 = arith.constant 1 : i32
      %add3A_798 = vector.broadcast %add3A_797 : i32 to vector<16xi32>
      %add3A_799 = arith.addi %mul3A_789, %add3A_798 : vector<16xi32>
      %swap3A_800 = arith.constant 128 : index
      %swap3A_801 = tpu.vector_load %arg15[%swap3A_800] {strides = array<i32>} : memref<384xi32, #tpu.memory_space<vmem>>, vector<16xi32>,
      %swap3A_802 = vector.shape_cast %swap3A_801 : vector<16xi32> to vector<16xi32>
      %swap3A_803 = vector.shape_cast %add3A_799 : vector<16xi32> to vector<16xi32>
      tpu.vector_store %arg15[%swap3A_800], %swap3A_803 {strides = array<i32>} : memref<384xi32, #tpu.memory_space<vmem>>, vector<16xi32>,
      %add3A_804 = arith.constant 2 : i32
      %add3A_805 = vector.broadcast %add3A_804 : i32 to vector<16xi32>
      %add3A_806 = arith.addi %mul3A_789, %add3A_805 : vector<16xi32>
      %swap3A_807 = arith.constant 256 : index
      %swap3A_808 = tpu.vector_load %arg15[%swap3A_807] {strides = array<i32>} : memref<384xi32, #tpu.memory_space<vmem>>, vector<16xi32>,
      %swap3A_809 = vector.shape_cast %swap3A_808 : vector<16xi32> to vector<16xi32>
      %swap3A_810 = vector.shape_cast %add3A_806 : vector<16xi32> to vector<16xi32>
      tpu.vector_store %arg15[%swap3A_807], %swap3A_810 {strides = array<i32>} : memref<384xi32, #tpu.memory_space<vmem>>, vector<16xi32>,
      %add3A_811 = arith.constant 16 : i32
      %add3A_812 = arith.addi %add3A_777, %add3A_811 : i32
      %get3A_813 = arith.index_cast %add3A_812 : i32 to index
      %get3A_814 = tpu.vector_load %arg7[%get3A_813] {strides = array<i32>} : memref<8192xi32, #tpu.memory_space<vmem>>, vector<16xi32>,
      %get3A_815 = vector.shape_cast %get3A_814 : vector<16xi32> to vector<16xi32>
      %mul3A_816 = arith.constant 16 : i32
      %mul3A_817 = vector.broadcast %mul3A_816 : i32 to vector<16xi32>
      %mul3A_818 = arith.muli %get3A_815, %mul3A_817 : vector<16xi32>
      %add3A_819 = arith.constant 0 : i32
      %add3A_820 = vector.broadcast %add3A_819 : i32 to vector<16xi32>
      %add3A_821 = arith.addi %mul3A_818, %add3A_820 : vector<16xi32>
      %swap3A_822 = arith.constant 16 : index
      %swap3A_823 = tpu.vector_load %arg15[%swap3A_822] {strides = array<i32>} : memref<384xi32, #tpu.memory_space<vmem>>, vector<16xi32>,
      %swap3A_824 = vector.shape_cast %swap3A_823 : vector<16xi32> to vector<16xi32>
      %swap3A_825 = vector.shape_cast %add3A_821 : vector<16xi32> to vector<16xi32>
      tpu.vector_store %arg15[%swap3A_822], %swap3A_825 {strides = array<i32>} : memref<384xi32, #tpu.memory_space<vmem>>, vector<16xi32>,
      %add3A_826 = arith.constant 1 : i32
      %add3A_827 = vector.broadcast %add3A_826 : i32 to vector<16xi32>
      %add3A_828 = arith.addi %mul3A_818, %add3A_827 : vector<16xi32>
      %swap3A_829 = arith.constant 144 : index
      %swap3A_830 = tpu.vector_load %arg15[%swap3A_829] {strides = array<i32>} : memref<384xi32, #tpu.memory_space<vmem>>, vector<16xi32>,
      %swap3A_831 = vector.shape_cast %swap3A_830 : vector<16xi32> to vector<16xi32>
      %swap3A_832 = vector.shape_cast %add3A_828 : vector<16xi32> to vector<16xi32>
      tpu.vector_store %arg15[%swap3A_829], %swap3A_832 {strides = array<i32>} : memref<384xi32, #tpu.memory_space<vmem>>, vector<16xi32>,
      %add3A_833 = arith.constant 2 : i32
      %add3A_834 = vector.broadcast %add3A_833 : i32 to vector<16xi32>
      %add3A_835 = arith.addi %mul3A_818, %add3A_834 : vector<16xi32>
      %swap3A_836 = arith.constant 272 : index
      %swap3A_837 = tpu.vector_load %arg15[%swap3A_836] {strides = array<i32>} : memref<384xi32, #tpu.memory_space<vmem>>, vector<16xi32>,
      %swap3A_838 = vector.shape_cast %swap3A_837 : vector<16xi32> to vector<16xi32>
      %swap3A_839 = vector.shape_cast %add3A_835 : vector<16xi32> to vector<16xi32>
      tpu.vector_store %arg15[%swap3A_836], %swap3A_839 {strides = array<i32>} : memref<384xi32, #tpu.memory_space<vmem>>, vector<16xi32>,
      %add3A_840 = arith.constant 32 : i32
      %add3A_841 = arith.addi %add3A_777, %add3A_840 : i32
      %get3A_842 = arith.index_cast %add3A_841 : i32 to index
      %get3A_843 = tpu.vector_load %arg7[%get3A_842] {strides = array<i32>} : memref<8192xi32, #tpu.memory_space<vmem>>, vector<16xi32>,
      %get3A_844 = vector.shape_cast %get3A_843 : vector<16xi32> to vector<16xi32>
      %mul3A_845 = arith.constant 16 : i32
      %mul3A_846 = vector.broadcast %mul3A_845 : i32 to vector<16xi32>
      %mul3A_847 = arith.muli %get3A_844, %mul3A_846 : vector<16xi32>
      %add3A_848 = arith.constant 0 : i32
      %add3A_849 = vector.broadcast %add3A_848 : i32 to vector<16xi32>
      %add3A_850 = arith.addi %mul3A_847, %add3A_849 : vector<16xi32>
      %swap3A_851 = arith.constant 32 : index
      %swap3A_852 = tpu.vector_load %arg15[%swap3A_851] {strides = array<i32>} : memref<384xi32, #tpu.memory_space<vmem>>, vector<16xi32>,
      %swap3A_853 = vector.shape_cast %swap3A_852 : vector<16xi32> to vector<16xi32>
      %swap3A_854 = vector.shape_cast %add3A_850 : vector<16xi32> to vector<16xi32>
      tpu.vector_store %arg15[%swap3A_851], %swap3A_854 {strides = array<i32>} : memref<384xi32, #tpu.memory_space<vmem>>, vector<16xi32>,
      %add3A_855 = arith.constant 1 : i32
      %add3A_856 = vector.broadcast %add3A_855 : i32 to vector<16xi32>
      %add3A_857 = arith.addi %mul3A_847, %add3A_856 : vector<16xi32>
      %swap3A_858 = arith.constant 160 : index
      %swap3A_859 = tpu.vector_load %arg15[%swap3A_858] {strides = array<i32>} : memref<384xi32, #tpu.memory_space<vmem>>, vector<16xi32>,
      %swap3A_860 = vector.shape_cast %swap3A_859 : vector<16xi32> to vector<16xi32>
      %swap3A_861 = vector.shape_cast %add3A_857 : vector<16xi32> to vector<16xi32>
      tpu.vector_store %arg15[%swap3A_858], %swap3A_861 {strides = array<i32>} : memref<384xi32, #tpu.memory_space<vmem>>, vector<16xi32>,
      %add3A_862 = arith.constant 2 : i32
      %add3A_863 = vector.broadcast %add3A_862 : i32 to vector<16xi32>
      %add3A_864 = arith.addi %mul3A_847, %add3A_863 : vector<16xi32>
      %swap3A_865 = arith.constant 288 : index
      %swap3A_866 = tpu.vector_load %arg15[%swap3A_865] {strides = array<i32>} : memref<384xi32, #tpu.memory_space<vmem>>, vector<16xi32>,
      %swap3A_867 = vector.shape_cast %swap3A_866 : vector<16xi32> to vector<16xi32>
      %swap3A_868 = vector.shape_cast %add3A_864 : vector<16xi32> to vector<16xi32>
      tpu.vector_store %arg15[%swap3A_865], %swap3A_868 {strides = array<i32>} : memref<384xi32, #tpu.memory_space<vmem>>, vector<16xi32>,
      %add3A_869 = arith.constant 48 : i32
      %add3A_870 = arith.addi %add3A_777, %add3A_869 : i32
      %get3A_871 = arith.index_cast %add3A_870 : i32 to index
      %get3A_872 = tpu.vector_load %arg7[%get3A_871] {strides = array<i32>} : memref<8192xi32, #tpu.memory_space<vmem>>, vector<16xi32>,
      %get3A_873 = vector.shape_cast %get3A_872 : vector<16xi32> to vector<16xi32>
      %mul3A_874 = arith.constant 16 : i32
      %mul3A_875 = vector.broadcast %mul3A_874 : i32 to vector<16xi32>
      %mul3A_876 = arith.muli %get3A_873, %mul3A_875 : vector<16xi32>
      %add3A_877 = arith.constant 0 : i32
      %add3A_878 = vector.broadcast %add3A_877 : i32 to vector<16xi32>
      %add3A_879 = arith.addi %mul3A_876, %add3A_878 : vector<16xi32>
      %swap3A_880 = arith.constant 48 : index
      %swap3A_881 = tpu.vector_load %arg15[%swap3A_880] {strides = array<i32>} : memref<384xi32, #tpu.memory_space<vmem>>, vector<16xi32>,
      %swap3A_882 = vector.shape_cast %swap3A_881 : vector<16xi32> to vector<16xi32>
      %swap3A_883 = vector.shape_cast %add3A_879 : vector<16xi32> to vector<16xi32>
      tpu.vector_store %arg15[%swap3A_880], %swap3A_883 {strides = array<i32>} : memref<384xi32, #tpu.memory_space<vmem>>, vector<16xi32>,
      %add3A_884 = arith.constant 1 : i32
      %add3A_885 = vector.broadcast %add3A_884 : i32 to vector<16xi32>
      %add3A_886 = arith.addi %mul3A_876, %add3A_885 : vector<16xi32>
      %swap3A_887 = arith.constant 176 : index
      %swap3A_888 = tpu.vector_load %arg15[%swap3A_887] {strides = array<i32>} : memref<384xi32, #tpu.memory_space<vmem>>, vector<16xi32>,
      %swap3A_889 = vector.shape_cast %swap3A_888 : vector<16xi32> to vector<16xi32>
      %swap3A_890 = vector.shape_cast %add3A_886 : vector<16xi32> to vector<16xi32>
      tpu.vector_store %arg15[%swap3A_887], %swap3A_890 {strides = array<i32>} : memref<384xi32, #tpu.memory_space<vmem>>, vector<16xi32>,
      %add3A_891 = arith.constant 2 : i32
      %add3A_892 = vector.broadcast %add3A_891 : i32 to vector<16xi32>
      %add3A_893 = arith.addi %mul3A_876, %add3A_892 : vector<16xi32>
      %swap3A_894 = arith.constant 304 : index
      %swap3A_895 = tpu.vector_load %arg15[%swap3A_894] {strides = array<i32>} : memref<384xi32, #tpu.memory_space<vmem>>, vector<16xi32>,
      %swap3A_896 = vector.shape_cast %swap3A_895 : vector<16xi32> to vector<16xi32>
      %swap3A_897 = vector.shape_cast %add3A_893 : vector<16xi32> to vector<16xi32>
      tpu.vector_store %arg15[%swap3A_894], %swap3A_897 {strides = array<i32>} : memref<384xi32, #tpu.memory_space<vmem>>, vector<16xi32>,
      %add3A_898 = arith.constant 64 : i32
      %add3A_899 = arith.addi %add3A_777, %add3A_898 : i32
      %get3A_900 = arith.index_cast %add3A_899 : i32 to index
      %get3A_901 = tpu.vector_load %arg7[%get3A_900] {strides = array<i32>} : memref<8192xi32, #tpu.memory_space<vmem>>, vector<16xi32>,
      %get3A_902 = vector.shape_cast %get3A_901 : vector<16xi32> to vector<16xi32>
      %mul3A_903 = arith.constant 16 : i32
      %mul3A_904 = vector.broadcast %mul3A_903 : i32 to vector<16xi32>
      %mul3A_905 = arith.muli %get3A_902, %mul3A_904 : vector<16xi32>
      %add3A_906 = arith.constant 0 : i32
      %add3A_907 = vector.broadcast %add3A_906 : i32 to vector<16xi32>
      %add3A_908 = arith.addi %mul3A_905, %add3A_907 : vector<16xi32>
      %swap3A_909 = arith.constant 64 : index
      %swap3A_910 = tpu.vector_load %arg15[%swap3A_909] {strides = array<i32>} : memref<384xi32, #tpu.memory_space<vmem>>, vector<16xi32>,
      %swap3A_911 = vector.shape_cast %swap3A_910 : vector<16xi32> to vector<16xi32>
      %swap3A_912 = vector.shape_cast %add3A_908 : vector<16xi32> to vector<16xi32>
      tpu.vector_store %arg15[%swap3A_909], %swap3A_912 {strides = array<i32>} : memref<384xi32, #tpu.memory_space<vmem>>, vector<16xi32>,
      %add3A_913 = arith.constant 1 : i32
      %add3A_914 = vector.broadcast %add3A_913 : i32 to vector<16xi32>
      %add3A_915 = arith.addi %mul3A_905, %add3A_914 : vector<16xi32>
      %swap3A_916 = arith.constant 192 : index
      %swap3A_917 = tpu.vector_load %arg15[%swap3A_916] {strides = array<i32>} : memref<384xi32, #tpu.memory_space<vmem>>, vector<16xi32>,
      %swap3A_918 = vector.shape_cast %swap3A_917 : vector<16xi32> to vector<16xi32>
      %swap3A_919 = vector.shape_cast %add3A_915 : vector<16xi32> to vector<16xi32>
      tpu.vector_store %arg15[%swap3A_916], %swap3A_919 {strides = array<i32>} : memref<384xi32, #tpu.memory_space<vmem>>, vector<16xi32>,
      %add3A_920 = arith.constant 2 : i32
      %add3A_921 = vector.broadcast %add3A_920 : i32 to vector<16xi32>
      %add3A_922 = arith.addi %mul3A_905, %add3A_921 : vector<16xi32>
      %swap3A_923 = arith.constant 320 : index
      %swap3A_924 = tpu.vector_load %arg15[%swap3A_923] {strides = array<i32>} : memref<384xi32, #tpu.memory_space<vmem>>, vector<16xi32>,
      %swap3A_925 = vector.shape_cast %swap3A_924 : vector<16xi32> to vector<16xi32>
      %swap3A_926 = vector.shape_cast %add3A_922 : vector<16xi32> to vector<16xi32>
      tpu.vector_store %arg15[%swap3A_923], %swap3A_926 {strides = array<i32>} : memref<384xi32, #tpu.memory_space<vmem>>, vector<16xi32>,
      %add3A_927 = arith.constant 80 : i32
      %add3A_928 = arith.addi %add3A_777, %add3A_927 : i32
      %get3A_929 = arith.index_cast %add3A_928 : i32 to index
      %get3A_930 = tpu.vector_load %arg7[%get3A_929] {strides = array<i32>} : memref<8192xi32, #tpu.memory_space<vmem>>, vector<16xi32>,
      %get3A_931 = vector.shape_cast %get3A_930 : vector<16xi32> to vector<16xi32>
      %mul3A_932 = arith.constant 16 : i32
      %mul3A_933 = vector.broadcast %mul3A_932 : i32 to vector<16xi32>
      %mul3A_934 = arith.muli %get3A_931, %mul3A_933 : vector<16xi32>
      %add3A_935 = arith.constant 0 : i32
      %add3A_936 = vector.broadcast %add3A_935 : i32 to vector<16xi32>
      %add3A_937 = arith.addi %mul3A_934, %add3A_936 : vector<16xi32>
      %swap3A_938 = arith.constant 80 : index
      %swap3A_939 = tpu.vector_load %arg15[%swap3A_938] {strides = array<i32>} : memref<384xi32, #tpu.memory_space<vmem>>, vector<16xi32>,
      %swap3A_940 = vector.shape_cast %swap3A_939 : vector<16xi32> to vector<16xi32>
      %swap3A_941 = vector.shape_cast %add3A_937 : vector<16xi32> to vector<16xi32>
      tpu.vector_store %arg15[%swap3A_938], %swap3A_941 {strides = array<i32>} : memref<384xi32, #tpu.memory_space<vmem>>, vector<16xi32>,
      %add3A_942 = arith.constant 1 : i32
      %add3A_943 = vector.broadcast %add3A_942 : i32 to vector<16xi32>
      %add3A_944 = arith.addi %mul3A_934, %add3A_943 : vector<16xi32>
      %swap3A_945 = arith.constant 208 : index
      %swap3A_946 = tpu.vector_load %arg15[%swap3A_945] {strides = array<i32>} : memref<384xi32, #tpu.memory_space<vmem>>, vector<16xi32>,
      %swap3A_947 = vector.shape_cast %swap3A_946 : vector<16xi32> to vector<16xi32>
      %swap3A_948 = vector.shape_cast %add3A_944 : vector<16xi32> to vector<16xi32>
      tpu.vector_store %arg15[%swap3A_945], %swap3A_948 {strides = array<i32>} : memref<384xi32, #tpu.memory_space<vmem>>, vector<16xi32>,
      %add3A_949 = arith.constant 2 : i32
      %add3A_950 = vector.broadcast %add3A_949 : i32 to vector<16xi32>
      %add3A_951 = arith.addi %mul3A_934, %add3A_950 : vector<16xi32>
      %swap3A_952 = arith.constant 336 : index
      %swap3A_953 = tpu.vector_load %arg15[%swap3A_952] {strides = array<i32>} : memref<384xi32, #tpu.memory_space<vmem>>, vector<16xi32>,
      %swap3A_954 = vector.shape_cast %swap3A_953 : vector<16xi32> to vector<16xi32>
      %swap3A_955 = vector.shape_cast %add3A_951 : vector<16xi32> to vector<16xi32>
      tpu.vector_store %arg15[%swap3A_952], %swap3A_955 {strides = array<i32>} : memref<384xi32, #tpu.memory_space<vmem>>, vector<16xi32>,
      %add3A_956 = arith.constant 96 : i32
      %add3A_957 = arith.addi %add3A_777, %add3A_956 : i32
      %get3A_958 = arith.index_cast %add3A_957 : i32 to index
      %get3A_959 = tpu.vector_load %arg7[%get3A_958] {strides = array<i32>} : memref<8192xi32, #tpu.memory_space<vmem>>, vector<16xi32>,
      %get3A_960 = vector.shape_cast %get3A_959 : vector<16xi32> to vector<16xi32>
      %mul3A_961 = arith.constant 16 : i32
      %mul3A_962 = vector.broadcast %mul3A_961 : i32 to vector<16xi32>
      %mul3A_963 = arith.muli %get3A_960, %mul3A_962 : vector<16xi32>
      %add3A_964 = arith.constant 0 : i32
      %add3A_965 = vector.broadcast %add3A_964 : i32 to vector<16xi32>
      %add3A_966 = arith.addi %mul3A_963, %add3A_965 : vector<16xi32>
      %swap3A_967 = arith.constant 96 : index
      %swap3A_968 = tpu.vector_load %arg15[%swap3A_967] {strides = array<i32>} : memref<384xi32, #tpu.memory_space<vmem>>, vector<16xi32>,
      %swap3A_969 = vector.shape_cast %swap3A_968 : vector<16xi32> to vector<16xi32>
      %swap3A_970 = vector.shape_cast %add3A_966 : vector<16xi32> to vector<16xi32>
      tpu.vector_store %arg15[%swap3A_967], %swap3A_970 {strides = array<i32>} : memref<384xi32, #tpu.memory_space<vmem>>, vector<16xi32>,
      %add3A_971 = arith.constant 1 : i32
      %add3A_972 = vector.broadcast %add3A_971 : i32 to vector<16xi32>
      %add3A_973 = arith.addi %mul3A_963, %add3A_972 : vector<16xi32>
      %swap3A_974 = arith.constant 224 : index
      %swap3A_975 = tpu.vector_load %arg15[%swap3A_974] {strides = array<i32>} : memref<384xi32, #tpu.memory_space<vmem>>, vector<16xi32>,
      %swap3A_976 = vector.shape_cast %swap3A_975 : vector<16xi32> to vector<16xi32>
      %swap3A_977 = vector.shape_cast %add3A_973 : vector<16xi32> to vector<16xi32>
      tpu.vector_store %arg15[%swap3A_974], %swap3A_977 {strides = array<i32>} : memref<384xi32, #tpu.memory_space<vmem>>, vector<16xi32>,
      %add3A_978 = arith.constant 2 : i32
      %add3A_979 = vector.broadcast %add3A_978 : i32 to vector<16xi32>
      %add3A_980 = arith.addi %mul3A_963, %add3A_979 : vector<16xi32>
      %swap3A_981 = arith.constant 352 : index
      %swap3A_982 = tpu.vector_load %arg15[%swap3A_981] {strides = array<i32>} : memref<384xi32, #tpu.memory_space<vmem>>, vector<16xi32>,
      %swap3A_983 = vector.shape_cast %swap3A_982 : vector<16xi32> to vector<16xi32>
      %swap3A_984 = vector.shape_cast %add3A_980 : vector<16xi32> to vector<16xi32>
      tpu.vector_store %arg15[%swap3A_981], %swap3A_984 {strides = array<i32>} : memref<384xi32, #tpu.memory_space<vmem>>, vector<16xi32>,
      %add3A_985 = arith.constant 112 : i32
      %add3A_986 = arith.addi %add3A_777, %add3A_985 : i32
      %get3A_987 = arith.index_cast %add3A_986 : i32 to index
      %get3A_988 = tpu.vector_load %arg7[%get3A_987] {strides = array<i32>} : memref<8192xi32, #tpu.memory_space<vmem>>, vector<16xi32>,
      %get3A_989 = vector.shape_cast %get3A_988 : vector<16xi32> to vector<16xi32>
      %mul3A_990 = arith.constant 16 : i32
      %mul3A_991 = vector.broadcast %mul3A_990 : i32 to vector<16xi32>
      %mul3A_992 = arith.muli %get3A_989, %mul3A_991 : vector<16xi32>
      %add3A_993 = arith.constant 0 : i32
      %add3A_994 = vector.broadcast %add3A_993 : i32 to vector<16xi32>
      %add3A_995 = arith.addi %mul3A_992, %add3A_994 : vector<16xi32>
      %swap3A_996 = arith.constant 112 : index
      %swap3A_997 = tpu.vector_load %arg15[%swap3A_996] {strides = array<i32>} : memref<384xi32, #tpu.memory_space<vmem>>, vector<16xi32>,
      %swap3A_998 = vector.shape_cast %swap3A_997 : vector<16xi32> to vector<16xi32>
      %swap3A_999 = vector.shape_cast %add3A_995 : vector<16xi32> to vector<16xi32>
      tpu.vector_store %arg15[%swap3A_996], %swap3A_999 {strides = array<i32>} : memref<384xi32, #tpu.memory_space<vmem>>, vector<16xi32>,
      %add3A_1000 = arith.constant 1 : i32
      %add3A_1001 = vector.broadcast %add3A_1000 : i32 to vector<16xi32>
      %add3A_1002 = arith.addi %mul3A_992, %add3A_1001 : vector<16xi32>
      %swap3A_1003 = arith.constant 240 : index
      %swap3A_1004 = tpu.vector_load %arg15[%swap3A_1003] {strides = array<i32>} : memref<384xi32, #tpu.memory_space<vmem>>, vector<16xi32>,
      %swap3A_1005 = vector.shape_cast %swap3A_1004 : vector<16xi32> to vector<16xi32>
      %swap3A_1006 = vector.shape_cast %add3A_1002 : vector<16xi32> to vector<16xi32>
      tpu.vector_store %arg15[%swap3A_1003], %swap3A_1006 {strides = array<i32>} : memref<384xi32, #tpu.memory_space<vmem>>, vector<16xi32>,
      %add3A_1007 = arith.constant 2 : i32
      %add3A_1008 = vector.broadcast %add3A_1007 : i32 to vector<16xi32>
      %add3A_1009 = arith.addi %mul3A_992, %add3A_1008 : vector<16xi32>
      %swap3A_1010 = arith.constant 368 : index
      %swap3A_1011 = tpu.vector_load %arg15[%swap3A_1010] {strides = array<i32>} : memref<384xi32, #tpu.memory_space<vmem>>, vector<16xi32>,
      %swap3A_1012 = vector.shape_cast %swap3A_1011 : vector<16xi32> to vector<16xi32>
      %swap3A_1013 = vector.shape_cast %add3A_1009 : vector<16xi32> to vector<16xi32>
      tpu.vector_store %arg15[%swap3A_1010], %swap3A_1013 {strides = array<i32>} : memref<384xi32, #tpu.memory_space<vmem>>, vector<16xi32>,
      %dma_start3A_1014 = arith.constant 0 : i32
      %dma_start3A_1015 = tpu.memref_slice %arg3[%dma_start3A_1014] : memref<65536xf32, #tpu.memory_space<hbm>> -> memref<65536xf32, #tpu.memory_space<hbm>>
      tpu.enqueue_indirect_dma source(%dma_start3A_1015 : memref<65536xf32, #tpu.memory_space<hbm>>) target(%arg19 : memref<384xf32, #tpu.memory_space<vmem>>) offsets(%arg15 : memref<384xi32, #tpu.memory_space<vmem>>) semaphore(%arg27 : memref<!tpu.dma_semaphore, #tpu.memory_space<semaphore_mem>>)
      %add3A_1016 = arith.constant 0 : i32
      %add3A_1017 = arith.addi %mul3A_41, %add3A_1016 : i32
      %dma_wait3A_1018 = tpu.memref_slice %arg7[%add3A_45] : memref<8192xi32, #tpu.memory_space<vmem>> -> memref<128xi32, #tpu.memory_space<vmem>>
      %dma_wait3A_1019 = arith.constant 0 : i32
      %dma_wait3A_1020 = arith.constant 0 : i32
      %dma_wait3A_1021 = tpu.memref_slice %arg2[%dma_wait3A_1019, %dma_wait3A_1020] : memref<4096x128xi32, #tpu.memory_space<hbm>> -> memref<4096x128xi32, #tpu.memory_space<hbm>>
      tpu.wait_indirect_dma semaphore(%arg20 : memref<!tpu.dma_semaphore, #tpu.memory_space<semaphore_mem>>) src(%dma_wait3A_1021 : memref<4096x128xi32, #tpu.memory_space<hbm>>) dst(%arg8 : memref<128x128xi32, #tpu.memory_space<vmem>>)
      %dma_wait3A_1022 = arith.constant 0 : i32
      %dma_wait3A_1023 = tpu.memref_slice %arg3[%dma_wait3A_1022] : memref<65536xf32, #tpu.memory_space<hbm>> -> memref<65536xf32, #tpu.memory_space<hbm>>
      tpu.wait_indirect_dma semaphore(%arg24 : memref<!tpu.dma_semaphore, #tpu.memory_space<semaphore_mem>>) src(%dma_wait3A_1023 : memref<65536xf32, #tpu.memory_space<hbm>>) dst(%arg16 : memref<384xf32, #tpu.memory_space<vmem>>)
      %add3A_1024 = arith.addi %mul3A_2, %add3A_1017 : i32
      %dma_start3A_1025 = arith.constant 0 : i32
      %dma_start3A_1026 = tpu.memref_slice %arg5[%add3A_1024, %dma_start3A_1025] : memref<262144x128xi32, #tpu.memory_space<hbm>> -> memref<128x128xi32, #tpu.memory_space<hbm>>
      %dma_start3A_1027 = arith.constant 0 : i32
      %dma_start3A_1028 = tpu.memref_slice %arg5[%add3A_1024, %dma_start3A_1027] : memref<262144x128xi32, #tpu.memory_space<hbm>> -> memref<128x128xi32, #tpu.memory_space<hbm>>
      tpu.enqueue_dma source(%arg8 : memref<128x128xi32, #tpu.memory_space<vmem>>) target(%dma_start3A_1028 : memref<128x128xi32, #tpu.memory_space<hbm>>) target_semaphore(%arg28 : memref<!tpu.dma_semaphore, #tpu.memory_space<semaphore_mem>>)
      %add3A_1029 = arith.addi %mul3A_2, %add3A_1017 : i32
      %mul3A_1030 = arith.constant 3 : i32
      %mul3A_1031 = arith.muli %add3A_1029, %mul3A_1030 : i32
      %dma_start3A_1032 = tpu.memref_slice %arg6[%mul3A_1031] : memref<786432xf32, #tpu.memory_space<hbm>> -> memref<384xf32, #tpu.memory_space<hbm>>
      %dma_start3A_1033 = tpu.memref_slice %arg6[%mul3A_1031] : memref<786432xf32, #tpu.memory_space<hbm>> -> memref<384xf32, #tpu.memory_space<hbm>>
      tpu.enqueue_dma source(%arg16 : memref<384xf32, #tpu.memory_space<vmem>>) target(%dma_start3A_1033 : memref<384xf32, #tpu.memory_space<hbm>>) target_semaphore(%arg32 : memref<!tpu.dma_semaphore, #tpu.memory_space<semaphore_mem>>)
      %add3A_1034 = arith.constant 128 : i32
      %add3A_1035 = arith.addi %mul3A_41, %add3A_1034 : i32
      %dma_wait3A_1036 = tpu.memref_slice %arg7[%add3A_287] : memref<8192xi32, #tpu.memory_space<vmem>> -> memref<128xi32, #tpu.memory_space<vmem>>
      %dma_wait3A_1037 = arith.constant 0 : i32
      %dma_wait3A_1038 = arith.constant 0 : i32
      %dma_wait3A_1039 = tpu.memref_slice %arg2[%dma_wait3A_1037, %dma_wait3A_1038] : memref<4096x128xi32, #tpu.memory_space<hbm>> -> memref<4096x128xi32, #tpu.memory_space<hbm>>
      tpu.wait_indirect_dma semaphore(%arg21 : memref<!tpu.dma_semaphore, #tpu.memory_space<semaphore_mem>>) src(%dma_wait3A_1039 : memref<4096x128xi32, #tpu.memory_space<hbm>>) dst(%arg9 : memref<128x128xi32, #tpu.memory_space<vmem>>)
      %dma_wait3A_1040 = arith.constant 0 : i32
      %dma_wait3A_1041 = tpu.memref_slice %arg3[%dma_wait3A_1040] : memref<65536xf32, #tpu.memory_space<hbm>> -> memref<65536xf32, #tpu.memory_space<hbm>>
      tpu.wait_indirect_dma semaphore(%arg25 : memref<!tpu.dma_semaphore, #tpu.memory_space<semaphore_mem>>) src(%dma_wait3A_1041 : memref<65536xf32, #tpu.memory_space<hbm>>) dst(%arg17 : memref<384xf32, #tpu.memory_space<vmem>>)
      %add3A_1042 = arith.addi %mul3A_2, %add3A_1035 : i32
      %dma_start3A_1043 = arith.constant 0 : i32
      %dma_start3A_1044 = tpu.memref_slice %arg5[%add3A_1042, %dma_start3A_1043] : memref<262144x128xi32, #tpu.memory_space<hbm>> -> memref<128x128xi32, #tpu.memory_space<hbm>>
      %dma_start3A_1045 = arith.constant 0 : i32
      %dma_start3A_1046 = tpu.memref_slice %arg5[%add3A_1042, %dma_start3A_1045] : memref<262144x128xi32, #tpu.memory_space<hbm>> -> memref<128x128xi32, #tpu.memory_space<hbm>>
      tpu.enqueue_dma source(%arg9 : memref<128x128xi32, #tpu.memory_space<vmem>>) target(%dma_start3A_1046 : memref<128x128xi32, #tpu.memory_space<hbm>>) target_semaphore(%arg29 : memref<!tpu.dma_semaphore, #tpu.memory_space<semaphore_mem>>)
      %add3A_1047 = arith.addi %mul3A_2, %add3A_1035 : i32
      %mul3A_1048 = arith.constant 3 : i32
      %mul3A_1049 = arith.muli %add3A_1047, %mul3A_1048 : i32
      %dma_start3A_1050 = tpu.memref_slice %arg6[%mul3A_1049] : memref<786432xf32, #tpu.memory_space<hbm>> -> memref<384xf32, #tpu.memory_space<hbm>>
      %dma_start3A_1051 = tpu.memref_slice %arg6[%mul3A_1049] : memref<786432xf32, #tpu.memory_space<hbm>> -> memref<384xf32, #tpu.memory_space<hbm>>
      tpu.enqueue_dma source(%arg17 : memref<384xf32, #tpu.memory_space<vmem>>) target(%dma_start3A_1051 : memref<384xf32, #tpu.memory_space<hbm>>) target_semaphore(%arg33 : memref<!tpu.dma_semaphore, #tpu.memory_space<semaphore_mem>>)
      %add3A_1052 = arith.constant 256 : i32
      %add3A_1053 = arith.addi %mul3A_41, %add3A_1052 : i32
      %dma_wait3A_1054 = tpu.memref_slice %arg7[%add3A_532] : memref<8192xi32, #tpu.memory_space<vmem>> -> memref<128xi32, #tpu.memory_space<vmem>>
      %dma_wait3A_1055 = arith.constant 0 : i32
      %dma_wait3A_1056 = arith.constant 0 : i32
      %dma_wait3A_1057 = tpu.memref_slice %arg2[%dma_wait3A_1055, %dma_wait3A_1056] : memref<4096x128xi32, #tpu.memory_space<hbm>> -> memref<4096x128xi32, #tpu.memory_space<hbm>>
      tpu.wait_indirect_dma semaphore(%arg22 : memref<!tpu.dma_semaphore, #tpu.memory_space<semaphore_mem>>) src(%dma_wait3A_1057 : memref<4096x128xi32, #tpu.memory_space<hbm>>) dst(%arg10 : memref<128x128xi32, #tpu.memory_space<vmem>>)
      %dma_wait3A_1058 = arith.constant 0 : i32
      %dma_wait3A_1059 = tpu.memref_slice %arg3[%dma_wait3A_1058] : memref<65536xf32, #tpu.memory_space<hbm>> -> memref<65536xf32, #tpu.memory_space<hbm>>
      tpu.wait_indirect_dma semaphore(%arg26 : memref<!tpu.dma_semaphore, #tpu.memory_space<semaphore_mem>>) src(%dma_wait3A_1059 : memref<65536xf32, #tpu.memory_space<hbm>>) dst(%arg18 : memref<384xf32, #tpu.memory_space<vmem>>)
      %add3A_1060 = arith.addi %mul3A_2, %add3A_1053 : i32
      %dma_start3A_1061 = arith.constant 0 : i32
      %dma_start3A_1062 = tpu.memref_slice %arg5[%add3A_1060, %dma_start3A_1061] : memref<262144x128xi32, #tpu.memory_space<hbm>> -> memref<128x128xi32, #tpu.memory_space<hbm>>
      %dma_start3A_1063 = arith.constant 0 : i32
      %dma_start3A_1064 = tpu.memref_slice %arg5[%add3A_1060, %dma_start3A_1063] : memref<262144x128xi32, #tpu.memory_space<hbm>> -> memref<128x128xi32, #tpu.memory_space<hbm>>
      tpu.enqueue_dma source(%arg10 : memref<128x128xi32, #tpu.memory_space<vmem>>) target(%dma_start3A_1064 : memref<128x128xi32, #tpu.memory_space<hbm>>) target_semaphore(%arg30 : memref<!tpu.dma_semaphore, #tpu.memory_space<semaphore_mem>>)
      %add3A_1065 = arith.addi %mul3A_2, %add3A_1053 : i32
      %mul3A_1066 = arith.constant 3 : i32
      %mul3A_1067 = arith.muli %add3A_1065, %mul3A_1066 : i32
      %dma_start3A_1068 = tpu.memref_slice %arg6[%mul3A_1067] : memref<786432xf32, #tpu.memory_space<hbm>> -> memref<384xf32, #tpu.memory_space<hbm>>
      %dma_start3A_1069 = tpu.memref_slice %arg6[%mul3A_1067] : memref<786432xf32, #tpu.memory_space<hbm>> -> memref<384xf32, #tpu.memory_space<hbm>>
      tpu.enqueue_dma source(%arg18 : memref<384xf32, #tpu.memory_space<vmem>>) target(%dma_start3A_1069 : memref<384xf32, #tpu.memory_space<hbm>>) target_semaphore(%arg34 : memref<!tpu.dma_semaphore, #tpu.memory_space<semaphore_mem>>)
      %add3A_1070 = arith.constant 384 : i32
      %add3A_1071 = arith.addi %mul3A_41, %add3A_1070 : i32
      %dma_wait3A_1072 = tpu.memref_slice %arg7[%add3A_777] : memref<8192xi32, #tpu.memory_space<vmem>> -> memref<128xi32, #tpu.memory_space<vmem>>
      %dma_wait3A_1073 = arith.constant 0 : i32
      %dma_wait3A_1074 = arith.constant 0 : i32
      %dma_wait3A_1075 = tpu.memref_slice %arg2[%dma_wait3A_1073, %dma_wait3A_1074] : memref<4096x128xi32, #tpu.memory_space<hbm>> -> memref<4096x128xi32, #tpu.memory_space<hbm>>
      tpu.wait_indirect_dma semaphore(%arg23 : memref<!tpu.dma_semaphore, #tpu.memory_space<semaphore_mem>>) src(%dma_wait3A_1075 : memref<4096x128xi32, #tpu.memory_space<hbm>>) dst(%arg11 : memref<128x128xi32, #tpu.memory_space<vmem>>)
      %dma_wait3A_1076 = arith.constant 0 : i32
      %dma_wait3A_1077 = tpu.memref_slice %arg3[%dma_wait3A_1076] : memref<65536xf32, #tpu.memory_space<hbm>> -> memref<65536xf32, #tpu.memory_space<hbm>>
      tpu.wait_indirect_dma semaphore(%arg27 : memref<!tpu.dma_semaphore, #tpu.memory_space<semaphore_mem>>) src(%dma_wait3A_1077 : memref<65536xf32, #tpu.memory_space<hbm>>) dst(%arg19 : memref<384xf32, #tpu.memory_space<vmem>>)
      %add3A_1078 = arith.addi %mul3A_2, %add3A_1071 : i32
      %dma_start3A_1079 = arith.constant 0 : i32
      %dma_start3A_1080 = tpu.memref_slice %arg5[%add3A_1078, %dma_start3A_1079] : memref<262144x128xi32, #tpu.memory_space<hbm>> -> memref<128x128xi32, #tpu.memory_space<hbm>>
      %dma_start3A_1081 = arith.constant 0 : i32
      %dma_start3A_1082 = tpu.memref_slice %arg5[%add3A_1078, %dma_start3A_1081] : memref<262144x128xi32, #tpu.memory_space<hbm>> -> memref<128x128xi32, #tpu.memory_space<hbm>>
      tpu.enqueue_dma source(%arg11 : memref<128x128xi32, #tpu.memory_space<vmem>>) target(%dma_start3A_1082 : memref<128x128xi32, #tpu.memory_space<hbm>>) target_semaphore(%arg31 : memref<!tpu.dma_semaphore, #tpu.memory_space<semaphore_mem>>)
      %add3A_1083 = arith.addi %mul3A_2, %add3A_1071 : i32
      %mul3A_1084 = arith.constant 3 : i32
      %mul3A_1085 = arith.muli %add3A_1083, %mul3A_1084 : i32
      %dma_start3A_1086 = tpu.memref_slice %arg6[%mul3A_1085] : memref<786432xf32, #tpu.memory_space<hbm>> -> memref<384xf32, #tpu.memory_space<hbm>>
      %dma_start3A_1087 = tpu.memref_slice %arg6[%mul3A_1085] : memref<786432xf32, #tpu.memory_space<hbm>> -> memref<384xf32, #tpu.memory_space<hbm>>
      tpu.enqueue_dma source(%arg19 : memref<384xf32, #tpu.memory_space<vmem>>) target(%dma_start3A_1087 : memref<384xf32, #tpu.memory_space<hbm>>) target_semaphore(%arg35 : memref<!tpu.dma_semaphore, #tpu.memory_space<semaphore_mem>>)
    }
    %scan3A_7 = arith.constant 16 : i32
    %dma_wait3A = arith.constant 0 : i32
    %dma_wait3A_8 = tpu.memref_slice %arg5[%mul3A_2, %dma_wait3A] : memref<262144x128xi32, #tpu.memory_space<hbm>> -> memref<128x128xi32, #tpu.memory_space<hbm>>
    %dma_wait3A_9 = arith.constant 0 : i32
    %dma_wait3A_10 = tpu.memref_slice %arg5[%mul3A_2, %dma_wait3A_9] : memref<262144x128xi32, #tpu.memory_space<hbm>> -> memref<128x128xi32, #tpu.memory_space<hbm>>
    tpu.wait_dma2 semaphore(%arg28 : memref<!tpu.dma_semaphore, #tpu.memory_space<semaphore_mem>>) src(%arg8 : memref<128x128xi32, #tpu.memory_space<vmem>>) dst(%dma_wait3A_10 : memref<128x128xi32, #tpu.memory_space<hbm>>)
    %dma_wait3A_11 = arith.constant 0 : i32
    %dma_wait3A_12 = tpu.memref_slice %arg6[%dma_wait3A_11] : memref<786432xf32, #tpu.memory_space<hbm>> -> memref<384xf32, #tpu.memory_space<hbm>>
    %dma_wait3A_13 = arith.constant 0 : i32
    %dma_wait3A_14 = tpu.memref_slice %arg6[%dma_wait3A_13] : memref<786432xf32, #tpu.memory_space<hbm>> -> memref<384xf32, #tpu.memory_space<hbm>>
    tpu.wait_dma2 semaphore(%arg32 : memref<!tpu.dma_semaphore, #tpu.memory_space<semaphore_mem>>) src(%arg16 : memref<384xf32, #tpu.memory_space<vmem>>) dst(%dma_wait3A_14 : memref<384xf32, #tpu.memory_space<hbm>>)
    %dma_wait3A_15 = arith.constant 0 : i32
    %dma_wait3A_16 = tpu.memref_slice %arg5[%mul3A_2, %dma_wait3A_15] : memref<262144x128xi32, #tpu.memory_space<hbm>> -> memref<128x128xi32, #tpu.memory_space<hbm>>
    %dma_wait3A_17 = arith.constant 0 : i32
    %dma_wait3A_18 = tpu.memref_slice %arg5[%mul3A_2, %dma_wait3A_17] : memref<262144x128xi32, #tpu.memory_space<hbm>> -> memref<128x128xi32, #tpu.memory_space<hbm>>
    tpu.wait_dma2 semaphore(%arg29 : memref<!tpu.dma_semaphore, #tpu.memory_space<semaphore_mem>>) src(%arg9 : memref<128x128xi32, #tpu.memory_space<vmem>>) dst(%dma_wait3A_18 : memref<128x128xi32, #tpu.memory_space<hbm>>)
    %dma_wait3A_19 = arith.constant 0 : i32
    %dma_wait3A_20 = tpu.memref_slice %arg6[%dma_wait3A_19] : memref<786432xf32, #tpu.memory_space<hbm>> -> memref<384xf32, #tpu.memory_space<hbm>>
    %dma_wait3A_21 = arith.constant 0 : i32
    %dma_wait3A_22 = tpu.memref_slice %arg6[%dma_wait3A_21] : memref<786432xf32, #tpu.memory_space<hbm>> -> memref<384xf32, #tpu.memory_space<hbm>>
    tpu.wait_dma2 semaphore(%arg33 : memref<!tpu.dma_semaphore, #tpu.memory_space<semaphore_mem>>) src(%arg17 : memref<384xf32, #tpu.memory_space<vmem>>) dst(%dma_wait3A_22 : memref<384xf32, #tpu.memory_space<hbm>>)
    %dma_wait3A_23 = arith.constant 0 : i32
    %dma_wait3A_24 = tpu.memref_slice %arg5[%mul3A_2, %dma_wait3A_23] : memref<262144x128xi32, #tpu.memory_space<hbm>> -> memref<128x128xi32, #tpu.memory_space<hbm>>
    %dma_wait3A_25 = arith.constant 0 : i32
    %dma_wait3A_26 = tpu.memref_slice %arg5[%mul3A_2, %dma_wait3A_25] : memref<262144x128xi32, #tpu.memory_space<hbm>> -> memref<128x128xi32, #tpu.memory_space<hbm>>
    tpu.wait_dma2 semaphore(%arg30 : memref<!tpu.dma_semaphore, #tpu.memory_space<semaphore_mem>>) src(%arg10 : memref<128x128xi32, #tpu.memory_space<vmem>>) dst(%dma_wait3A_26 : memref<128x128xi32, #tpu.memory_space<hbm>>)
    %dma_wait3A_27 = arith.constant 0 : i32
    %dma_wait3A_28 = tpu.memref_slice %arg6[%dma_wait3A_27] : memref<786432xf32, #tpu.memory_space<hbm>> -> memref<384xf32, #tpu.memory_space<hbm>>
    %dma_wait3A_29 = arith.constant 0 : i32
    %dma_wait3A_30 = tpu.memref_slice %arg6[%dma_wait3A_29] : memref<786432xf32, #tpu.memory_space<hbm>> -> memref<384xf32, #tpu.memory_space<hbm>>
    tpu.wait_dma2 semaphore(%arg34 : memref<!tpu.dma_semaphore, #tpu.memory_space<semaphore_mem>>) src(%arg18 : memref<384xf32, #tpu.memory_space<vmem>>) dst(%dma_wait3A_30 : memref<384xf32, #tpu.memory_space<hbm>>)
    %dma_wait3A_31 = arith.constant 0 : i32
    %dma_wait3A_32 = tpu.memref_slice %arg5[%mul3A_2, %dma_wait3A_31] : memref<262144x128xi32, #tpu.memory_space<hbm>> -> memref<128x128xi32, #tpu.memory_space<hbm>>
    %dma_wait3A_33 = arith.constant 0 : i32
    %dma_wait3A_34 = tpu.memref_slice %arg5[%mul3A_2, %dma_wait3A_33] : memref<262144x128xi32, #tpu.memory_space<hbm>> -> memref<128x128xi32, #tpu.memory_space<hbm>>
    tpu.wait_dma2 semaphore(%arg31 : memref<!tpu.dma_semaphore, #tpu.memory_space<semaphore_mem>>) src(%arg11 : memref<128x128xi32, #tpu.memory_space<vmem>>) dst(%dma_wait3A_34 : memref<128x128xi32, #tpu.memory_space<hbm>>)
    %dma_wait3A_35 = arith.constant 0 : i32
    %dma_wait3A_36 = tpu.memref_slice %arg6[%dma_wait3A_35] : memref<786432xf32, #tpu.memory_space<hbm>> -> memref<384xf32, #tpu.memory_space<hbm>>
    %dma_wait3A_37 = arith.constant 0 : i32
    %dma_wait3A_38 = tpu.memref_slice %arg6[%dma_wait3A_37] : memref<786432xf32, #tpu.memory_space<hbm>> -> memref<384xf32, #tpu.memory_space<hbm>>
    tpu.wait_dma2 semaphore(%arg35 : memref<!tpu.dma_semaphore, #tpu.memory_space<semaphore_mem>>) src(%arg19 : memref<384xf32, #tpu.memory_space<vmem>>) dst(%dma_wait3A_38 : memref<384xf32, #tpu.memory_space<hbm>>)
    return
  }
}

#map = affine_map<(d0, d1) -> (0, 0)>
#map1 = affine_map<(d0, d1) -> (0)>
module attributes {stable_mosaic.version = 14 : i64} {
  func.func @gk(%arg0: i32, %arg1: i32, %arg2: memref<16384x128xi32, #tpu.memory_space<hbm>>, %arg3: memref<262144xf32, #tpu.memory_space<hbm>>, %arg4: memref<65536xi32, #tpu.memory_space<hbm>>, %arg5: memref<65536x128xi32, #tpu.memory_space<hbm>>, %arg6: memref<196608xf32, #tpu.memory_space<hbm>>, %arg7: memref<2048xi32, #tpu.memory_space<vmem>>, %arg8: memref<128x128xi32, #tpu.memory_space<vmem>>, %arg9: memref<128x128xi32, #tpu.memory_space<vmem>>, %arg10: memref<128x128xi32, #tpu.memory_space<vmem>>, %arg11: memref<128x128xi32, #tpu.memory_space<vmem>>, %arg12: memref<384xi32, #tpu.memory_space<vmem>>, %arg13: memref<384xi32, #tpu.memory_space<vmem>>, %arg14: memref<384xi32, #tpu.memory_space<vmem>>, %arg15: memref<384xi32, #tpu.memory_space<vmem>>, %arg16: memref<384xf32, #tpu.memory_space<vmem>>, %arg17: memref<384xf32, #tpu.memory_space<vmem>>, %arg18: memref<384xf32, #tpu.memory_space<vmem>>, %arg19: memref<384xf32, #tpu.memory_space<vmem>>, %arg20: memref<!tpu.dma_semaphore, #tpu.memory_space<semaphore_mem>>, %arg21: memref<!tpu.dma_semaphore, #tpu.memory_space<semaphore_mem>>, %arg22: memref<!tpu.dma_semaphore, #tpu.memory_space<semaphore_mem>>, %arg23: memref<!tpu.dma_semaphore, #tpu.memory_space<semaphore_mem>>, %arg24: memref<!tpu.dma_semaphore, #tpu.memory_space<semaphore_mem>>, %arg25: memref<!tpu.dma_semaphore, #tpu.memory_space<semaphore_mem>>, %arg26: memref<!tpu.dma_semaphore, #tpu.memory_space<semaphore_mem>>, %arg27: memref<!tpu.dma_semaphore, #tpu.memory_space<semaphore_mem>>, %arg28: memref<!tpu.dma_semaphore, #tpu.memory_space<semaphore_mem>>, %arg29: memref<!tpu.dma_semaphore, #tpu.memory_space<semaphore_mem>>, %arg30: memref<!tpu.dma_semaphore, #tpu.memory_space<semaphore_mem>>, %arg31: memref<!tpu.dma_semaphore, #tpu.memory_space<semaphore_mem>>, %arg32: memref<!tpu.dma_semaphore, #tpu.memory_space<semaphore_mem>>, %arg33: memref<!tpu.dma_semaphore, #tpu.memory_space<semaphore_mem>>, %arg34: memref<!tpu.dma_semaphore, #tpu.memory_space<semaphore_mem>>, %arg35: memref<!tpu.dma_semaphore, #tpu.memory_space<semaphore_mem>>) attributes {dimension_semantics = [#tpu.dimension_semantics<core_parallel>, #tpu.dimension_semantics<subcore_parallel>], iteration_bounds = array<i64: 2, 16>, scalar_prefetch = 0 : i64, scratch_operands = 29 : i64, tpu.core_type = #tpu.core_type<sc_vector_subcore>, window_params = [{transform_indices = #map}, {transform_indices = #map1}, {transform_indices = #map1}, {transform_indices = #map}, {transform_indices = #map1}]} {
    %mul3A = arith.constant 2 : i32
    %mul3A_0 = arith.muli %arg1, %mul3A : i32
    %add3A = arith.addi %mul3A_0, %arg0 : i32
    %mul3A_1 = arith.constant 2048 : i32
    %mul3A_2 = arith.muli %add3A, %mul3A_1 : i32
    "tpu.region"() ({
      %run_scoped3A = tpu.sem_alloc : memref<!tpu.dma_semaphore, #tpu.memory_space<semaphore_mem>>
      %dma_start3A = tpu.memref_slice %arg4[%mul3A_2] : memref<65536xi32, #tpu.memory_space<hbm>> -> memref<2048xi32, #tpu.memory_space<hbm>>
      %dma_start3A_39 = tpu.memref_slice %arg4[%mul3A_2] : memref<65536xi32, #tpu.memory_space<hbm>> -> memref<2048xi32, #tpu.memory_space<hbm>>
      tpu.enqueue_dma source(%dma_start3A_39 : memref<2048xi32, #tpu.memory_space<hbm>>) target(%arg7 : memref<2048xi32, #tpu.memory_space<vmem>>) target_semaphore(%run_scoped3A : memref<!tpu.dma_semaphore, #tpu.memory_space<semaphore_mem>>)
      %dma_wait3A_40 = tpu.memref_slice %arg4[%mul3A_2] : memref<65536xi32, #tpu.memory_space<hbm>> -> memref<2048xi32, #tpu.memory_space<hbm>>
      %dma_wait3A_41 = tpu.memref_slice %arg4[%mul3A_2] : memref<65536xi32, #tpu.memory_space<hbm>> -> memref<2048xi32, #tpu.memory_space<hbm>>
      tpu.wait_dma2 semaphore(%run_scoped3A : memref<!tpu.dma_semaphore, #tpu.memory_space<semaphore_mem>>) src(%dma_wait3A_41 : memref<2048xi32, #tpu.memory_space<hbm>>) dst(%arg7 : memref<2048xi32, #tpu.memory_space<vmem>>)
      tpu.yield
    }) : () -> ()
    %scan3A = arith.constant 0 : i32
    %scan3A_3 = arith.constant 0 : i32
    %scan3A_4 = arith.constant 4 : i32
    %scan3A_5 = arith.addi %scan3A_3, %scan3A_4 : i32
    %scan3A_6 = arith.constant 1 : i32
    scf.for %scan3A_39 = %scan3A_3 to %scan3A_5 step %scan3A_6  : i32 {
      %mul3A_40 = arith.constant 512 : i32
      %mul3A_41 = arith.muli %scan3A_39, %mul3A_40 : i32
      %gt3A = arith.constant 0 : i32
      %gt3A_42 = arith.cmpi sgt, %scan3A_39, %gt3A : i32
      %convert_element_type3A = arith.extui %gt3A_42 : i1 to i32
      %cond3A = arith.constant 0 : i32
      %cond3A_43 = arith.cmpi ne, %convert_element_type3A, %cond3A : i32
      scf.if %cond3A_43 {
        %dma_wait3A_1088 = arith.constant 0 : i32
        %dma_wait3A_1089 = tpu.memref_slice %arg5[%mul3A_2, %dma_wait3A_1088] : memref<65536x128xi32, #tpu.memory_space<hbm>> -> memref<128x128xi32, #tpu.memory_space<hbm>>
        %dma_wait3A_1090 = arith.constant 0 : i32
        %dma_wait3A_1091 = tpu.memref_slice %arg5[%mul3A_2, %dma_wait3A_1090] : memref<65536x128xi32, #tpu.memory_space<hbm>> -> memref<128x128xi32, #tpu.memory_space<hbm>>
        tpu.wait_dma2 semaphore(%arg28 : memref<!tpu.dma_semaphore, #tpu.memory_space<semaphore_mem>>) src(%arg8 : memref<128x128xi32, #tpu.memory_space<vmem>>) dst(%dma_wait3A_1091 : memref<128x128xi32, #tpu.memory_space<hbm>>)
        %dma_wait3A_1092 = arith.constant 0 : i32
        %dma_wait3A_1093 = tpu.memref_slice %arg6[%dma_wait3A_1092] : memref<196608xf32, #tpu.memory_space<hbm>> -> memref<384xf32, #tpu.memory_space<hbm>>
        %dma_wait3A_1094 = arith.constant 0 : i32
        %dma_wait3A_1095 = tpu.memref_slice %arg6[%dma_wait3A_1094] : memref<196608xf32, #tpu.memory_space<hbm>> -> memref<384xf32, #tpu.memory_space<hbm>>
        tpu.wait_dma2 semaphore(%arg32 : memref<!tpu.dma_semaphore, #tpu.memory_space<semaphore_mem>>) src(%arg16 : memref<384xf32, #tpu.memory_space<vmem>>) dst(%dma_wait3A_1095 : memref<384xf32, #tpu.memory_space<hbm>>)
      } else {
      }
      %add3A_44 = arith.constant 0 : i32
      %add3A_45 = arith.addi %mul3A_41, %add3A_44 : i32
      %dma_start3A = tpu.memref_slice %arg7[%add3A_45] : memref<2048xi32, #tpu.memory_space<vmem>> -> memref<128xi32, #tpu.memory_space<vmem>>
      %dma_start3A_46 = arith.constant 0 : i32
      %dma_start3A_47 = arith.constant 0 : i32
      %dma_start3A_48 = tpu.memref_slice %arg2[%dma_start3A_46, %dma_start3A_47] : memref<16384x128xi32, #tpu.memory_space<hbm>> -> memref<16384x128xi32, #tpu.memory_space<hbm>>
      tpu.enqueue_indirect_dma source(%dma_start3A_48 : memref<16384x128xi32, #tpu.memory_space<hbm>>) target(%arg8 : memref<128x128xi32, #tpu.memory_space<vmem>>) offsets(%dma_start3A : memref<128xi32, #tpu.memory_space<vmem>>) semaphore(%arg20 : memref<!tpu.dma_semaphore, #tpu.memory_space<semaphore_mem>>)
      %add3A_49 = arith.constant 0 : i32
      %add3A_50 = arith.addi %add3A_45, %add3A_49 : i32
      %get3A = arith.index_cast %add3A_50 : i32 to index
      %get3A_51 = tpu.vector_load %arg7[%get3A] {strides = array<i32>} : memref<2048xi32, #tpu.memory_space<vmem>>, vector<16xi32>,
      %get3A_52 = vector.shape_cast %get3A_51 : vector<16xi32> to vector<16xi32>
      %mul3A_53 = arith.constant 16 : i32
      %mul3A_54 = vector.broadcast %mul3A_53 : i32 to vector<16xi32>
      %mul3A_55 = arith.muli %get3A_52, %mul3A_54 : vector<16xi32>
      %add3A_56 = arith.constant 0 : i32
      %add3A_57 = vector.broadcast %add3A_56 : i32 to vector<16xi32>
      %add3A_58 = arith.addi %mul3A_55, %add3A_57 : vector<16xi32>
      %swap3A = arith.constant 0 : index
      %swap3A_59 = tpu.vector_load %arg12[%swap3A] {strides = array<i32>} : memref<384xi32, #tpu.memory_space<vmem>>, vector<16xi32>,
      %swap3A_60 = vector.shape_cast %swap3A_59 : vector<16xi32> to vector<16xi32>
      %swap3A_61 = vector.shape_cast %add3A_58 : vector<16xi32> to vector<16xi32>
      tpu.vector_store %arg12[%swap3A], %swap3A_61 {strides = array<i32>} : memref<384xi32, #tpu.memory_space<vmem>>, vector<16xi32>,
      %add3A_62 = arith.constant 1 : i32
      %add3A_63 = vector.broadcast %add3A_62 : i32 to vector<16xi32>
      %add3A_64 = arith.addi %mul3A_55, %add3A_63 : vector<16xi32>
      %swap3A_65 = arith.constant 128 : index
      %swap3A_66 = tpu.vector_load %arg12[%swap3A_65] {strides = array<i32>} : memref<384xi32, #tpu.memory_space<vmem>>, vector<16xi32>,
      %swap3A_67 = vector.shape_cast %swap3A_66 : vector<16xi32> to vector<16xi32>
      %swap3A_68 = vector.shape_cast %add3A_64 : vector<16xi32> to vector<16xi32>
      tpu.vector_store %arg12[%swap3A_65], %swap3A_68 {strides = array<i32>} : memref<384xi32, #tpu.memory_space<vmem>>, vector<16xi32>,
      %add3A_69 = arith.constant 2 : i32
      %add3A_70 = vector.broadcast %add3A_69 : i32 to vector<16xi32>
      %add3A_71 = arith.addi %mul3A_55, %add3A_70 : vector<16xi32>
      %swap3A_72 = arith.constant 256 : index
      %swap3A_73 = tpu.vector_load %arg12[%swap3A_72] {strides = array<i32>} : memref<384xi32, #tpu.memory_space<vmem>>, vector<16xi32>,
      %swap3A_74 = vector.shape_cast %swap3A_73 : vector<16xi32> to vector<16xi32>
      %swap3A_75 = vector.shape_cast %add3A_71 : vector<16xi32> to vector<16xi32>
      tpu.vector_store %arg12[%swap3A_72], %swap3A_75 {strides = array<i32>} : memref<384xi32, #tpu.memory_space<vmem>>, vector<16xi32>,
      %add3A_76 = arith.constant 16 : i32
      %add3A_77 = arith.addi %add3A_45, %add3A_76 : i32
      %get3A_78 = arith.index_cast %add3A_77 : i32 to index
      %get3A_79 = tpu.vector_load %arg7[%get3A_78] {strides = array<i32>} : memref<2048xi32, #tpu.memory_space<vmem>>, vector<16xi32>,
      %get3A_80 = vector.shape_cast %get3A_79 : vector<16xi32> to vector<16xi32>
      %mul3A_81 = arith.constant 16 : i32
      %mul3A_82 = vector.broadcast %mul3A_81 : i32 to vector<16xi32>
      %mul3A_83 = arith.muli %get3A_80, %mul3A_82 : vector<16xi32>
      %add3A_84 = arith.constant 0 : i32
      %add3A_85 = vector.broadcast %add3A_84 : i32 to vector<16xi32>
      %add3A_86 = arith.addi %mul3A_83, %add3A_85 : vector<16xi32>
      %swap3A_87 = arith.constant 16 : index
      %swap3A_88 = tpu.vector_load %arg12[%swap3A_87] {strides = array<i32>} : memref<384xi32, #tpu.memory_space<vmem>>, vector<16xi32>,
      %swap3A_89 = vector.shape_cast %swap3A_88 : vector<16xi32> to vector<16xi32>
      %swap3A_90 = vector.shape_cast %add3A_86 : vector<16xi32> to vector<16xi32>
      tpu.vector_store %arg12[%swap3A_87], %swap3A_90 {strides = array<i32>} : memref<384xi32, #tpu.memory_space<vmem>>, vector<16xi32>,
      %add3A_91 = arith.constant 1 : i32
      %add3A_92 = vector.broadcast %add3A_91 : i32 to vector<16xi32>
      %add3A_93 = arith.addi %mul3A_83, %add3A_92 : vector<16xi32>
      %swap3A_94 = arith.constant 144 : index
      %swap3A_95 = tpu.vector_load %arg12[%swap3A_94] {strides = array<i32>} : memref<384xi32, #tpu.memory_space<vmem>>, vector<16xi32>,
      %swap3A_96 = vector.shape_cast %swap3A_95 : vector<16xi32> to vector<16xi32>
      %swap3A_97 = vector.shape_cast %add3A_93 : vector<16xi32> to vector<16xi32>
      tpu.vector_store %arg12[%swap3A_94], %swap3A_97 {strides = array<i32>} : memref<384xi32, #tpu.memory_space<vmem>>, vector<16xi32>,
      %add3A_98 = arith.constant 2 : i32
      %add3A_99 = vector.broadcast %add3A_98 : i32 to vector<16xi32>
      %add3A_100 = arith.addi %mul3A_83, %add3A_99 : vector<16xi32>
      %swap3A_101 = arith.constant 272 : index
      %swap3A_102 = tpu.vector_load %arg12[%swap3A_101] {strides = array<i32>} : memref<384xi32, #tpu.memory_space<vmem>>, vector<16xi32>,
      %swap3A_103 = vector.shape_cast %swap3A_102 : vector<16xi32> to vector<16xi32>
      %swap3A_104 = vector.shape_cast %add3A_100 : vector<16xi32> to vector<16xi32>
      tpu.vector_store %arg12[%swap3A_101], %swap3A_104 {strides = array<i32>} : memref<384xi32, #tpu.memory_space<vmem>>, vector<16xi32>,
      %add3A_105 = arith.constant 32 : i32
      %add3A_106 = arith.addi %add3A_45, %add3A_105 : i32
      %get3A_107 = arith.index_cast %add3A_106 : i32 to index
      %get3A_108 = tpu.vector_load %arg7[%get3A_107] {strides = array<i32>} : memref<2048xi32, #tpu.memory_space<vmem>>, vector<16xi32>,
      %get3A_109 = vector.shape_cast %get3A_108 : vector<16xi32> to vector<16xi32>
      %mul3A_110 = arith.constant 16 : i32
      %mul3A_111 = vector.broadcast %mul3A_110 : i32 to vector<16xi32>
      %mul3A_112 = arith.muli %get3A_109, %mul3A_111 : vector<16xi32>
      %add3A_113 = arith.constant 0 : i32
      %add3A_114 = vector.broadcast %add3A_113 : i32 to vector<16xi32>
      %add3A_115 = arith.addi %mul3A_112, %add3A_114 : vector<16xi32>
      %swap3A_116 = arith.constant 32 : index
      %swap3A_117 = tpu.vector_load %arg12[%swap3A_116] {strides = array<i32>} : memref<384xi32, #tpu.memory_space<vmem>>, vector<16xi32>,
      %swap3A_118 = vector.shape_cast %swap3A_117 : vector<16xi32> to vector<16xi32>
      %swap3A_119 = vector.shape_cast %add3A_115 : vector<16xi32> to vector<16xi32>
      tpu.vector_store %arg12[%swap3A_116], %swap3A_119 {strides = array<i32>} : memref<384xi32, #tpu.memory_space<vmem>>, vector<16xi32>,
      %add3A_120 = arith.constant 1 : i32
      %add3A_121 = vector.broadcast %add3A_120 : i32 to vector<16xi32>
      %add3A_122 = arith.addi %mul3A_112, %add3A_121 : vector<16xi32>
      %swap3A_123 = arith.constant 160 : index
      %swap3A_124 = tpu.vector_load %arg12[%swap3A_123] {strides = array<i32>} : memref<384xi32, #tpu.memory_space<vmem>>, vector<16xi32>,
      %swap3A_125 = vector.shape_cast %swap3A_124 : vector<16xi32> to vector<16xi32>
      %swap3A_126 = vector.shape_cast %add3A_122 : vector<16xi32> to vector<16xi32>
      tpu.vector_store %arg12[%swap3A_123], %swap3A_126 {strides = array<i32>} : memref<384xi32, #tpu.memory_space<vmem>>, vector<16xi32>,
      %add3A_127 = arith.constant 2 : i32
      %add3A_128 = vector.broadcast %add3A_127 : i32 to vector<16xi32>
      %add3A_129 = arith.addi %mul3A_112, %add3A_128 : vector<16xi32>
      %swap3A_130 = arith.constant 288 : index
      %swap3A_131 = tpu.vector_load %arg12[%swap3A_130] {strides = array<i32>} : memref<384xi32, #tpu.memory_space<vmem>>, vector<16xi32>,
      %swap3A_132 = vector.shape_cast %swap3A_131 : vector<16xi32> to vector<16xi32>
      %swap3A_133 = vector.shape_cast %add3A_129 : vector<16xi32> to vector<16xi32>
      tpu.vector_store %arg12[%swap3A_130], %swap3A_133 {strides = array<i32>} : memref<384xi32, #tpu.memory_space<vmem>>, vector<16xi32>,
      %add3A_134 = arith.constant 48 : i32
      %add3A_135 = arith.addi %add3A_45, %add3A_134 : i32
      %get3A_136 = arith.index_cast %add3A_135 : i32 to index
      %get3A_137 = tpu.vector_load %arg7[%get3A_136] {strides = array<i32>} : memref<2048xi32, #tpu.memory_space<vmem>>, vector<16xi32>,
      %get3A_138 = vector.shape_cast %get3A_137 : vector<16xi32> to vector<16xi32>
      %mul3A_139 = arith.constant 16 : i32
      %mul3A_140 = vector.broadcast %mul3A_139 : i32 to vector<16xi32>
      %mul3A_141 = arith.muli %get3A_138, %mul3A_140 : vector<16xi32>
      %add3A_142 = arith.constant 0 : i32
      %add3A_143 = vector.broadcast %add3A_142 : i32 to vector<16xi32>
      %add3A_144 = arith.addi %mul3A_141, %add3A_143 : vector<16xi32>
      %swap3A_145 = arith.constant 48 : index
      %swap3A_146 = tpu.vector_load %arg12[%swap3A_145] {strides = array<i32>} : memref<384xi32, #tpu.memory_space<vmem>>, vector<16xi32>,
      %swap3A_147 = vector.shape_cast %swap3A_146 : vector<16xi32> to vector<16xi32>
      %swap3A_148 = vector.shape_cast %add3A_144 : vector<16xi32> to vector<16xi32>
      tpu.vector_store %arg12[%swap3A_145], %swap3A_148 {strides = array<i32>} : memref<384xi32, #tpu.memory_space<vmem>>, vector<16xi32>,
      %add3A_149 = arith.constant 1 : i32
      %add3A_150 = vector.broadcast %add3A_149 : i32 to vector<16xi32>
      %add3A_151 = arith.addi %mul3A_141, %add3A_150 : vector<16xi32>
      %swap3A_152 = arith.constant 176 : index
      %swap3A_153 = tpu.vector_load %arg12[%swap3A_152] {strides = array<i32>} : memref<384xi32, #tpu.memory_space<vmem>>, vector<16xi32>,
      %swap3A_154 = vector.shape_cast %swap3A_153 : vector<16xi32> to vector<16xi32>
      %swap3A_155 = vector.shape_cast %add3A_151 : vector<16xi32> to vector<16xi32>
      tpu.vector_store %arg12[%swap3A_152], %swap3A_155 {strides = array<i32>} : memref<384xi32, #tpu.memory_space<vmem>>, vector<16xi32>,
      %add3A_156 = arith.constant 2 : i32
      %add3A_157 = vector.broadcast %add3A_156 : i32 to vector<16xi32>
      %add3A_158 = arith.addi %mul3A_141, %add3A_157 : vector<16xi32>
      %swap3A_159 = arith.constant 304 : index
      %swap3A_160 = tpu.vector_load %arg12[%swap3A_159] {strides = array<i32>} : memref<384xi32, #tpu.memory_space<vmem>>, vector<16xi32>,
      %swap3A_161 = vector.shape_cast %swap3A_160 : vector<16xi32> to vector<16xi32>
      %swap3A_162 = vector.shape_cast %add3A_158 : vector<16xi32> to vector<16xi32>
      tpu.vector_store %arg12[%swap3A_159], %swap3A_162 {strides = array<i32>} : memref<384xi32, #tpu.memory_space<vmem>>, vector<16xi32>,
      %add3A_163 = arith.constant 64 : i32
      %add3A_164 = arith.addi %add3A_45, %add3A_163 : i32
      %get3A_165 = arith.index_cast %add3A_164 : i32 to index
      %get3A_166 = tpu.vector_load %arg7[%get3A_165] {strides = array<i32>} : memref<2048xi32, #tpu.memory_space<vmem>>, vector<16xi32>,
      %get3A_167 = vector.shape_cast %get3A_166 : vector<16xi32> to vector<16xi32>
      %mul3A_168 = arith.constant 16 : i32
      %mul3A_169 = vector.broadcast %mul3A_168 : i32 to vector<16xi32>
      %mul3A_170 = arith.muli %get3A_167, %mul3A_169 : vector<16xi32>
      %add3A_171 = arith.constant 0 : i32
      %add3A_172 = vector.broadcast %add3A_171 : i32 to vector<16xi32>
      %add3A_173 = arith.addi %mul3A_170, %add3A_172 : vector<16xi32>
      %swap3A_174 = arith.constant 64 : index
      %swap3A_175 = tpu.vector_load %arg12[%swap3A_174] {strides = array<i32>} : memref<384xi32, #tpu.memory_space<vmem>>, vector<16xi32>,
      %swap3A_176 = vector.shape_cast %swap3A_175 : vector<16xi32> to vector<16xi32>
      %swap3A_177 = vector.shape_cast %add3A_173 : vector<16xi32> to vector<16xi32>
      tpu.vector_store %arg12[%swap3A_174], %swap3A_177 {strides = array<i32>} : memref<384xi32, #tpu.memory_space<vmem>>, vector<16xi32>,
      %add3A_178 = arith.constant 1 : i32
      %add3A_179 = vector.broadcast %add3A_178 : i32 to vector<16xi32>
      %add3A_180 = arith.addi %mul3A_170, %add3A_179 : vector<16xi32>
      %swap3A_181 = arith.constant 192 : index
      %swap3A_182 = tpu.vector_load %arg12[%swap3A_181] {strides = array<i32>} : memref<384xi32, #tpu.memory_space<vmem>>, vector<16xi32>,
      %swap3A_183 = vector.shape_cast %swap3A_182 : vector<16xi32> to vector<16xi32>
      %swap3A_184 = vector.shape_cast %add3A_180 : vector<16xi32> to vector<16xi32>
      tpu.vector_store %arg12[%swap3A_181], %swap3A_184 {strides = array<i32>} : memref<384xi32, #tpu.memory_space<vmem>>, vector<16xi32>,
      %add3A_185 = arith.constant 2 : i32
      %add3A_186 = vector.broadcast %add3A_185 : i32 to vector<16xi32>
      %add3A_187 = arith.addi %mul3A_170, %add3A_186 : vector<16xi32>
      %swap3A_188 = arith.constant 320 : index
      %swap3A_189 = tpu.vector_load %arg12[%swap3A_188] {strides = array<i32>} : memref<384xi32, #tpu.memory_space<vmem>>, vector<16xi32>,
      %swap3A_190 = vector.shape_cast %swap3A_189 : vector<16xi32> to vector<16xi32>
      %swap3A_191 = vector.shape_cast %add3A_187 : vector<16xi32> to vector<16xi32>
      tpu.vector_store %arg12[%swap3A_188], %swap3A_191 {strides = array<i32>} : memref<384xi32, #tpu.memory_space<vmem>>, vector<16xi32>,
      %add3A_192 = arith.constant 80 : i32
      %add3A_193 = arith.addi %add3A_45, %add3A_192 : i32
      %get3A_194 = arith.index_cast %add3A_193 : i32 to index
      %get3A_195 = tpu.vector_load %arg7[%get3A_194] {strides = array<i32>} : memref<2048xi32, #tpu.memory_space<vmem>>, vector<16xi32>,
      %get3A_196 = vector.shape_cast %get3A_195 : vector<16xi32> to vector<16xi32>
      %mul3A_197 = arith.constant 16 : i32
      %mul3A_198 = vector.broadcast %mul3A_197 : i32 to vector<16xi32>
      %mul3A_199 = arith.muli %get3A_196, %mul3A_198 : vector<16xi32>
      %add3A_200 = arith.constant 0 : i32
      %add3A_201 = vector.broadcast %add3A_200 : i32 to vector<16xi32>
      %add3A_202 = arith.addi %mul3A_199, %add3A_201 : vector<16xi32>
      %swap3A_203 = arith.constant 80 : index
      %swap3A_204 = tpu.vector_load %arg12[%swap3A_203] {strides = array<i32>} : memref<384xi32, #tpu.memory_space<vmem>>, vector<16xi32>,
      %swap3A_205 = vector.shape_cast %swap3A_204 : vector<16xi32> to vector<16xi32>
      %swap3A_206 = vector.shape_cast %add3A_202 : vector<16xi32> to vector<16xi32>
      tpu.vector_store %arg12[%swap3A_203], %swap3A_206 {strides = array<i32>} : memref<384xi32, #tpu.memory_space<vmem>>, vector<16xi32>,
      %add3A_207 = arith.constant 1 : i32
      %add3A_208 = vector.broadcast %add3A_207 : i32 to vector<16xi32>
      %add3A_209 = arith.addi %mul3A_199, %add3A_208 : vector<16xi32>
      %swap3A_210 = arith.constant 208 : index
      %swap3A_211 = tpu.vector_load %arg12[%swap3A_210] {strides = array<i32>} : memref<384xi32, #tpu.memory_space<vmem>>, vector<16xi32>,
      %swap3A_212 = vector.shape_cast %swap3A_211 : vector<16xi32> to vector<16xi32>
      %swap3A_213 = vector.shape_cast %add3A_209 : vector<16xi32> to vector<16xi32>
      tpu.vector_store %arg12[%swap3A_210], %swap3A_213 {strides = array<i32>} : memref<384xi32, #tpu.memory_space<vmem>>, vector<16xi32>,
      %add3A_214 = arith.constant 2 : i32
      %add3A_215 = vector.broadcast %add3A_214 : i32 to vector<16xi32>
      %add3A_216 = arith.addi %mul3A_199, %add3A_215 : vector<16xi32>
      %swap3A_217 = arith.constant 336 : index
      %swap3A_218 = tpu.vector_load %arg12[%swap3A_217] {strides = array<i32>} : memref<384xi32, #tpu.memory_space<vmem>>, vector<16xi32>,
      %swap3A_219 = vector.shape_cast %swap3A_218 : vector<16xi32> to vector<16xi32>
      %swap3A_220 = vector.shape_cast %add3A_216 : vector<16xi32> to vector<16xi32>
      tpu.vector_store %arg12[%swap3A_217], %swap3A_220 {strides = array<i32>} : memref<384xi32, #tpu.memory_space<vmem>>, vector<16xi32>,
      %add3A_221 = arith.constant 96 : i32
      %add3A_222 = arith.addi %add3A_45, %add3A_221 : i32
      %get3A_223 = arith.index_cast %add3A_222 : i32 to index
      %get3A_224 = tpu.vector_load %arg7[%get3A_223] {strides = array<i32>} : memref<2048xi32, #tpu.memory_space<vmem>>, vector<16xi32>,
      %get3A_225 = vector.shape_cast %get3A_224 : vector<16xi32> to vector<16xi32>
      %mul3A_226 = arith.constant 16 : i32
      %mul3A_227 = vector.broadcast %mul3A_226 : i32 to vector<16xi32>
      %mul3A_228 = arith.muli %get3A_225, %mul3A_227 : vector<16xi32>
      %add3A_229 = arith.constant 0 : i32
      %add3A_230 = vector.broadcast %add3A_229 : i32 to vector<16xi32>
      %add3A_231 = arith.addi %mul3A_228, %add3A_230 : vector<16xi32>
      %swap3A_232 = arith.constant 96 : index
      %swap3A_233 = tpu.vector_load %arg12[%swap3A_232] {strides = array<i32>} : memref<384xi32, #tpu.memory_space<vmem>>, vector<16xi32>,
      %swap3A_234 = vector.shape_cast %swap3A_233 : vector<16xi32> to vector<16xi32>
      %swap3A_235 = vector.shape_cast %add3A_231 : vector<16xi32> to vector<16xi32>
      tpu.vector_store %arg12[%swap3A_232], %swap3A_235 {strides = array<i32>} : memref<384xi32, #tpu.memory_space<vmem>>, vector<16xi32>,
      %add3A_236 = arith.constant 1 : i32
      %add3A_237 = vector.broadcast %add3A_236 : i32 to vector<16xi32>
      %add3A_238 = arith.addi %mul3A_228, %add3A_237 : vector<16xi32>
      %swap3A_239 = arith.constant 224 : index
      %swap3A_240 = tpu.vector_load %arg12[%swap3A_239] {strides = array<i32>} : memref<384xi32, #tpu.memory_space<vmem>>, vector<16xi32>,
      %swap3A_241 = vector.shape_cast %swap3A_240 : vector<16xi32> to vector<16xi32>
      %swap3A_242 = vector.shape_cast %add3A_238 : vector<16xi32> to vector<16xi32>
      tpu.vector_store %arg12[%swap3A_239], %swap3A_242 {strides = array<i32>} : memref<384xi32, #tpu.memory_space<vmem>>, vector<16xi32>,
      %add3A_243 = arith.constant 2 : i32
      %add3A_244 = vector.broadcast %add3A_243 : i32 to vector<16xi32>
      %add3A_245 = arith.addi %mul3A_228, %add3A_244 : vector<16xi32>
      %swap3A_246 = arith.constant 352 : index
      %swap3A_247 = tpu.vector_load %arg12[%swap3A_246] {strides = array<i32>} : memref<384xi32, #tpu.memory_space<vmem>>, vector<16xi32>,
      %swap3A_248 = vector.shape_cast %swap3A_247 : vector<16xi32> to vector<16xi32>
      %swap3A_249 = vector.shape_cast %add3A_245 : vector<16xi32> to vector<16xi32>
      tpu.vector_store %arg12[%swap3A_246], %swap3A_249 {strides = array<i32>} : memref<384xi32, #tpu.memory_space<vmem>>, vector<16xi32>,
      %add3A_250 = arith.constant 112 : i32
      %add3A_251 = arith.addi %add3A_45, %add3A_250 : i32
      %get3A_252 = arith.index_cast %add3A_251 : i32 to index
      %get3A_253 = tpu.vector_load %arg7[%get3A_252] {strides = array<i32>} : memref<2048xi32, #tpu.memory_space<vmem>>, vector<16xi32>,
      %get3A_254 = vector.shape_cast %get3A_253 : vector<16xi32> to vector<16xi32>
      %mul3A_255 = arith.constant 16 : i32
      %mul3A_256 = vector.broadcast %mul3A_255 : i32 to vector<16xi32>
      %mul3A_257 = arith.muli %get3A_254, %mul3A_256 : vector<16xi32>
      %add3A_258 = arith.constant 0 : i32
      %add3A_259 = vector.broadcast %add3A_258 : i32 to vector<16xi32>
      %add3A_260 = arith.addi %mul3A_257, %add3A_259 : vector<16xi32>
      %swap3A_261 = arith.constant 112 : index
      %swap3A_262 = tpu.vector_load %arg12[%swap3A_261] {strides = array<i32>} : memref<384xi32, #tpu.memory_space<vmem>>, vector<16xi32>,
      %swap3A_263 = vector.shape_cast %swap3A_262 : vector<16xi32> to vector<16xi32>
      %swap3A_264 = vector.shape_cast %add3A_260 : vector<16xi32> to vector<16xi32>
      tpu.vector_store %arg12[%swap3A_261], %swap3A_264 {strides = array<i32>} : memref<384xi32, #tpu.memory_space<vmem>>, vector<16xi32>,
      %add3A_265 = arith.constant 1 : i32
      %add3A_266 = vector.broadcast %add3A_265 : i32 to vector<16xi32>
      %add3A_267 = arith.addi %mul3A_257, %add3A_266 : vector<16xi32>
      %swap3A_268 = arith.constant 240 : index
      %swap3A_269 = tpu.vector_load %arg12[%swap3A_268] {strides = array<i32>} : memref<384xi32, #tpu.memory_space<vmem>>, vector<16xi32>,
      %swap3A_270 = vector.shape_cast %swap3A_269 : vector<16xi32> to vector<16xi32>
      %swap3A_271 = vector.shape_cast %add3A_267 : vector<16xi32> to vector<16xi32>
      tpu.vector_store %arg12[%swap3A_268], %swap3A_271 {strides = array<i32>} : memref<384xi32, #tpu.memory_space<vmem>>, vector<16xi32>,
      %add3A_272 = arith.constant 2 : i32
      %add3A_273 = vector.broadcast %add3A_272 : i32 to vector<16xi32>
      %add3A_274 = arith.addi %mul3A_257, %add3A_273 : vector<16xi32>
      %swap3A_275 = arith.constant 368 : index
      %swap3A_276 = tpu.vector_load %arg12[%swap3A_275] {strides = array<i32>} : memref<384xi32, #tpu.memory_space<vmem>>, vector<16xi32>,
      %swap3A_277 = vector.shape_cast %swap3A_276 : vector<16xi32> to vector<16xi32>
      %swap3A_278 = vector.shape_cast %add3A_274 : vector<16xi32> to vector<16xi32>
      tpu.vector_store %arg12[%swap3A_275], %swap3A_278 {strides = array<i32>} : memref<384xi32, #tpu.memory_space<vmem>>, vector<16xi32>,
      %dma_start3A_279 = arith.constant 0 : i32
      %dma_start3A_280 = tpu.memref_slice %arg3[%dma_start3A_279] : memref<262144xf32, #tpu.memory_space<hbm>> -> memref<262144xf32, #tpu.memory_space<hbm>>
      tpu.enqueue_indirect_dma source(%dma_start3A_280 : memref<262144xf32, #tpu.memory_space<hbm>>) target(%arg16 : memref<384xf32, #tpu.memory_space<vmem>>) offsets(%arg12 : memref<384xi32, #tpu.memory_space<vmem>>) semaphore(%arg24 : memref<!tpu.dma_semaphore, #tpu.memory_space<semaphore_mem>>)
      %gt3A_281 = arith.constant 0 : i32
      %gt3A_282 = arith.cmpi sgt, %scan3A_39, %gt3A_281 : i32
      %convert_element_type3A_283 = arith.extui %gt3A_282 : i1 to i32
      %cond3A_284 = arith.constant 0 : i32
      %cond3A_285 = arith.cmpi ne, %convert_element_type3A_283, %cond3A_284 : i32
      scf.if %cond3A_285 {
        %dma_wait3A_1088 = arith.constant 0 : i32
        %dma_wait3A_1089 = tpu.memref_slice %arg5[%mul3A_2, %dma_wait3A_1088] : memref<65536x128xi32, #tpu.memory_space<hbm>> -> memref<128x128xi32, #tpu.memory_space<hbm>>
        %dma_wait3A_1090 = arith.constant 0 : i32
        %dma_wait3A_1091 = tpu.memref_slice %arg5[%mul3A_2, %dma_wait3A_1090] : memref<65536x128xi32, #tpu.memory_space<hbm>> -> memref<128x128xi32, #tpu.memory_space<hbm>>
        tpu.wait_dma2 semaphore(%arg29 : memref<!tpu.dma_semaphore, #tpu.memory_space<semaphore_mem>>) src(%arg9 : memref<128x128xi32, #tpu.memory_space<vmem>>) dst(%dma_wait3A_1091 : memref<128x128xi32, #tpu.memory_space<hbm>>)
        %dma_wait3A_1092 = arith.constant 0 : i32
        %dma_wait3A_1093 = tpu.memref_slice %arg6[%dma_wait3A_1092] : memref<196608xf32, #tpu.memory_space<hbm>> -> memref<384xf32, #tpu.memory_space<hbm>>
        %dma_wait3A_1094 = arith.constant 0 : i32
        %dma_wait3A_1095 = tpu.memref_slice %arg6[%dma_wait3A_1094] : memref<196608xf32, #tpu.memory_space<hbm>> -> memref<384xf32, #tpu.memory_space<hbm>>
        tpu.wait_dma2 semaphore(%arg33 : memref<!tpu.dma_semaphore, #tpu.memory_space<semaphore_mem>>) src(%arg17 : memref<384xf32, #tpu.memory_space<vmem>>) dst(%dma_wait3A_1095 : memref<384xf32, #tpu.memory_space<hbm>>)
      } else {
      }
      %add3A_286 = arith.constant 128 : i32
      %add3A_287 = arith.addi %mul3A_41, %add3A_286 : i32
      %dma_start3A_288 = tpu.memref_slice %arg7[%add3A_287] : memref<2048xi32, #tpu.memory_space<vmem>> -> memref<128xi32, #tpu.memory_space<vmem>>
      %dma_start3A_289 = arith.constant 0 : i32
      %dma_start3A_290 = arith.constant 0 : i32
      %dma_start3A_291 = tpu.memref_slice %arg2[%dma_start3A_289, %dma_start3A_290] : memref<16384x128xi32, #tpu.memory_space<hbm>> -> memref<16384x128xi32, #tpu.memory_space<hbm>>
      tpu.enqueue_indirect_dma source(%dma_start3A_291 : memref<16384x128xi32, #tpu.memory_space<hbm>>) target(%arg9 : memref<128x128xi32, #tpu.memory_space<vmem>>) offsets(%dma_start3A_288 : memref<128xi32, #tpu.memory_space<vmem>>) semaphore(%arg21 : memref<!tpu.dma_semaphore, #tpu.memory_space<semaphore_mem>>)
      %add3A_292 = arith.constant 0 : i32
      %add3A_293 = arith.addi %add3A_287, %add3A_292 : i32
      %get3A_294 = arith.index_cast %add3A_293 : i32 to index
      %get3A_295 = tpu.vector_load %arg7[%get3A_294] {strides = array<i32>} : memref<2048xi32, #tpu.memory_space<vmem>>, vector<16xi32>,
      %get3A_296 = vector.shape_cast %get3A_295 : vector<16xi32> to vector<16xi32>
      %mul3A_297 = arith.constant 16 : i32
      %mul3A_298 = vector.broadcast %mul3A_297 : i32 to vector<16xi32>
      %mul3A_299 = arith.muli %get3A_296, %mul3A_298 : vector<16xi32>
      %add3A_300 = arith.constant 0 : i32
      %add3A_301 = vector.broadcast %add3A_300 : i32 to vector<16xi32>
      %add3A_302 = arith.addi %mul3A_299, %add3A_301 : vector<16xi32>
      %swap3A_303 = arith.constant 0 : index
      %swap3A_304 = tpu.vector_load %arg13[%swap3A_303] {strides = array<i32>} : memref<384xi32, #tpu.memory_space<vmem>>, vector<16xi32>,
      %swap3A_305 = vector.shape_cast %swap3A_304 : vector<16xi32> to vector<16xi32>
      %swap3A_306 = vector.shape_cast %add3A_302 : vector<16xi32> to vector<16xi32>
      tpu.vector_store %arg13[%swap3A_303], %swap3A_306 {strides = array<i32>} : memref<384xi32, #tpu.memory_space<vmem>>, vector<16xi32>,
      %add3A_307 = arith.constant 1 : i32
      %add3A_308 = vector.broadcast %add3A_307 : i32 to vector<16xi32>
      %add3A_309 = arith.addi %mul3A_299, %add3A_308 : vector<16xi32>
      %swap3A_310 = arith.constant 128 : index
      %swap3A_311 = tpu.vector_load %arg13[%swap3A_310] {strides = array<i32>} : memref<384xi32, #tpu.memory_space<vmem>>, vector<16xi32>,
      %swap3A_312 = vector.shape_cast %swap3A_311 : vector<16xi32> to vector<16xi32>
      %swap3A_313 = vector.shape_cast %add3A_309 : vector<16xi32> to vector<16xi32>
      tpu.vector_store %arg13[%swap3A_310], %swap3A_313 {strides = array<i32>} : memref<384xi32, #tpu.memory_space<vmem>>, vector<16xi32>,
      %add3A_314 = arith.constant 2 : i32
      %add3A_315 = vector.broadcast %add3A_314 : i32 to vector<16xi32>
      %add3A_316 = arith.addi %mul3A_299, %add3A_315 : vector<16xi32>
      %swap3A_317 = arith.constant 256 : index
      %swap3A_318 = tpu.vector_load %arg13[%swap3A_317] {strides = array<i32>} : memref<384xi32, #tpu.memory_space<vmem>>, vector<16xi32>,
      %swap3A_319 = vector.shape_cast %swap3A_318 : vector<16xi32> to vector<16xi32>
      %swap3A_320 = vector.shape_cast %add3A_316 : vector<16xi32> to vector<16xi32>
      tpu.vector_store %arg13[%swap3A_317], %swap3A_320 {strides = array<i32>} : memref<384xi32, #tpu.memory_space<vmem>>, vector<16xi32>,
      %add3A_321 = arith.constant 16 : i32
      %add3A_322 = arith.addi %add3A_287, %add3A_321 : i32
      %get3A_323 = arith.index_cast %add3A_322 : i32 to index
      %get3A_324 = tpu.vector_load %arg7[%get3A_323] {strides = array<i32>} : memref<2048xi32, #tpu.memory_space<vmem>>, vector<16xi32>,
      %get3A_325 = vector.shape_cast %get3A_324 : vector<16xi32> to vector<16xi32>
      %mul3A_326 = arith.constant 16 : i32
      %mul3A_327 = vector.broadcast %mul3A_326 : i32 to vector<16xi32>
      %mul3A_328 = arith.muli %get3A_325, %mul3A_327 : vector<16xi32>
      %add3A_329 = arith.constant 0 : i32
      %add3A_330 = vector.broadcast %add3A_329 : i32 to vector<16xi32>
      %add3A_331 = arith.addi %mul3A_328, %add3A_330 : vector<16xi32>
      %swap3A_332 = arith.constant 16 : index
      %swap3A_333 = tpu.vector_load %arg13[%swap3A_332] {strides = array<i32>} : memref<384xi32, #tpu.memory_space<vmem>>, vector<16xi32>,
      %swap3A_334 = vector.shape_cast %swap3A_333 : vector<16xi32> to vector<16xi32>
      %swap3A_335 = vector.shape_cast %add3A_331 : vector<16xi32> to vector<16xi32>
      tpu.vector_store %arg13[%swap3A_332], %swap3A_335 {strides = array<i32>} : memref<384xi32, #tpu.memory_space<vmem>>, vector<16xi32>,
      %add3A_336 = arith.constant 1 : i32
      %add3A_337 = vector.broadcast %add3A_336 : i32 to vector<16xi32>
      %add3A_338 = arith.addi %mul3A_328, %add3A_337 : vector<16xi32>
      %swap3A_339 = arith.constant 144 : index
      %swap3A_340 = tpu.vector_load %arg13[%swap3A_339] {strides = array<i32>} : memref<384xi32, #tpu.memory_space<vmem>>, vector<16xi32>,
      %swap3A_341 = vector.shape_cast %swap3A_340 : vector<16xi32> to vector<16xi32>
      %swap3A_342 = vector.shape_cast %add3A_338 : vector<16xi32> to vector<16xi32>
      tpu.vector_store %arg13[%swap3A_339], %swap3A_342 {strides = array<i32>} : memref<384xi32, #tpu.memory_space<vmem>>, vector<16xi32>,
      %add3A_343 = arith.constant 2 : i32
      %add3A_344 = vector.broadcast %add3A_343 : i32 to vector<16xi32>
      %add3A_345 = arith.addi %mul3A_328, %add3A_344 : vector<16xi32>
      %swap3A_346 = arith.constant 272 : index
      %swap3A_347 = tpu.vector_load %arg13[%swap3A_346] {strides = array<i32>} : memref<384xi32, #tpu.memory_space<vmem>>, vector<16xi32>,
      %swap3A_348 = vector.shape_cast %swap3A_347 : vector<16xi32> to vector<16xi32>
      %swap3A_349 = vector.shape_cast %add3A_345 : vector<16xi32> to vector<16xi32>
      tpu.vector_store %arg13[%swap3A_346], %swap3A_349 {strides = array<i32>} : memref<384xi32, #tpu.memory_space<vmem>>, vector<16xi32>,
      %add3A_350 = arith.constant 32 : i32
      %add3A_351 = arith.addi %add3A_287, %add3A_350 : i32
      %get3A_352 = arith.index_cast %add3A_351 : i32 to index
      %get3A_353 = tpu.vector_load %arg7[%get3A_352] {strides = array<i32>} : memref<2048xi32, #tpu.memory_space<vmem>>, vector<16xi32>,
      %get3A_354 = vector.shape_cast %get3A_353 : vector<16xi32> to vector<16xi32>
      %mul3A_355 = arith.constant 16 : i32
      %mul3A_356 = vector.broadcast %mul3A_355 : i32 to vector<16xi32>
      %mul3A_357 = arith.muli %get3A_354, %mul3A_356 : vector<16xi32>
      %add3A_358 = arith.constant 0 : i32
      %add3A_359 = vector.broadcast %add3A_358 : i32 to vector<16xi32>
      %add3A_360 = arith.addi %mul3A_357, %add3A_359 : vector<16xi32>
      %swap3A_361 = arith.constant 32 : index
      %swap3A_362 = tpu.vector_load %arg13[%swap3A_361] {strides = array<i32>} : memref<384xi32, #tpu.memory_space<vmem>>, vector<16xi32>,
      %swap3A_363 = vector.shape_cast %swap3A_362 : vector<16xi32> to vector<16xi32>
      %swap3A_364 = vector.shape_cast %add3A_360 : vector<16xi32> to vector<16xi32>
      tpu.vector_store %arg13[%swap3A_361], %swap3A_364 {strides = array<i32>} : memref<384xi32, #tpu.memory_space<vmem>>, vector<16xi32>,
      %add3A_365 = arith.constant 1 : i32
      %add3A_366 = vector.broadcast %add3A_365 : i32 to vector<16xi32>
      %add3A_367 = arith.addi %mul3A_357, %add3A_366 : vector<16xi32>
      %swap3A_368 = arith.constant 160 : index
      %swap3A_369 = tpu.vector_load %arg13[%swap3A_368] {strides = array<i32>} : memref<384xi32, #tpu.memory_space<vmem>>, vector<16xi32>,
      %swap3A_370 = vector.shape_cast %swap3A_369 : vector<16xi32> to vector<16xi32>
      %swap3A_371 = vector.shape_cast %add3A_367 : vector<16xi32> to vector<16xi32>
      tpu.vector_store %arg13[%swap3A_368], %swap3A_371 {strides = array<i32>} : memref<384xi32, #tpu.memory_space<vmem>>, vector<16xi32>,
      %add3A_372 = arith.constant 2 : i32
      %add3A_373 = vector.broadcast %add3A_372 : i32 to vector<16xi32>
      %add3A_374 = arith.addi %mul3A_357, %add3A_373 : vector<16xi32>
      %swap3A_375 = arith.constant 288 : index
      %swap3A_376 = tpu.vector_load %arg13[%swap3A_375] {strides = array<i32>} : memref<384xi32, #tpu.memory_space<vmem>>, vector<16xi32>,
      %swap3A_377 = vector.shape_cast %swap3A_376 : vector<16xi32> to vector<16xi32>
      %swap3A_378 = vector.shape_cast %add3A_374 : vector<16xi32> to vector<16xi32>
      tpu.vector_store %arg13[%swap3A_375], %swap3A_378 {strides = array<i32>} : memref<384xi32, #tpu.memory_space<vmem>>, vector<16xi32>,
      %add3A_379 = arith.constant 48 : i32
      %add3A_380 = arith.addi %add3A_287, %add3A_379 : i32
      %get3A_381 = arith.index_cast %add3A_380 : i32 to index
      %get3A_382 = tpu.vector_load %arg7[%get3A_381] {strides = array<i32>} : memref<2048xi32, #tpu.memory_space<vmem>>, vector<16xi32>,
      %get3A_383 = vector.shape_cast %get3A_382 : vector<16xi32> to vector<16xi32>
      %mul3A_384 = arith.constant 16 : i32
      %mul3A_385 = vector.broadcast %mul3A_384 : i32 to vector<16xi32>
      %mul3A_386 = arith.muli %get3A_383, %mul3A_385 : vector<16xi32>
      %add3A_387 = arith.constant 0 : i32
      %add3A_388 = vector.broadcast %add3A_387 : i32 to vector<16xi32>
      %add3A_389 = arith.addi %mul3A_386, %add3A_388 : vector<16xi32>
      %swap3A_390 = arith.constant 48 : index
      %swap3A_391 = tpu.vector_load %arg13[%swap3A_390] {strides = array<i32>} : memref<384xi32, #tpu.memory_space<vmem>>, vector<16xi32>,
      %swap3A_392 = vector.shape_cast %swap3A_391 : vector<16xi32> to vector<16xi32>
      %swap3A_393 = vector.shape_cast %add3A_389 : vector<16xi32> to vector<16xi32>
      tpu.vector_store %arg13[%swap3A_390], %swap3A_393 {strides = array<i32>} : memref<384xi32, #tpu.memory_space<vmem>>, vector<16xi32>,
      %add3A_394 = arith.constant 1 : i32
      %add3A_395 = vector.broadcast %add3A_394 : i32 to vector<16xi32>
      %add3A_396 = arith.addi %mul3A_386, %add3A_395 : vector<16xi32>
      %swap3A_397 = arith.constant 176 : index
      %swap3A_398 = tpu.vector_load %arg13[%swap3A_397] {strides = array<i32>} : memref<384xi32, #tpu.memory_space<vmem>>, vector<16xi32>,
      %swap3A_399 = vector.shape_cast %swap3A_398 : vector<16xi32> to vector<16xi32>
      %swap3A_400 = vector.shape_cast %add3A_396 : vector<16xi32> to vector<16xi32>
      tpu.vector_store %arg13[%swap3A_397], %swap3A_400 {strides = array<i32>} : memref<384xi32, #tpu.memory_space<vmem>>, vector<16xi32>,
      %add3A_401 = arith.constant 2 : i32
      %add3A_402 = vector.broadcast %add3A_401 : i32 to vector<16xi32>
      %add3A_403 = arith.addi %mul3A_386, %add3A_402 : vector<16xi32>
      %swap3A_404 = arith.constant 304 : index
      %swap3A_405 = tpu.vector_load %arg13[%swap3A_404] {strides = array<i32>} : memref<384xi32, #tpu.memory_space<vmem>>, vector<16xi32>,
      %swap3A_406 = vector.shape_cast %swap3A_405 : vector<16xi32> to vector<16xi32>
      %swap3A_407 = vector.shape_cast %add3A_403 : vector<16xi32> to vector<16xi32>
      tpu.vector_store %arg13[%swap3A_404], %swap3A_407 {strides = array<i32>} : memref<384xi32, #tpu.memory_space<vmem>>, vector<16xi32>,
      %add3A_408 = arith.constant 64 : i32
      %add3A_409 = arith.addi %add3A_287, %add3A_408 : i32
      %get3A_410 = arith.index_cast %add3A_409 : i32 to index
      %get3A_411 = tpu.vector_load %arg7[%get3A_410] {strides = array<i32>} : memref<2048xi32, #tpu.memory_space<vmem>>, vector<16xi32>,
      %get3A_412 = vector.shape_cast %get3A_411 : vector<16xi32> to vector<16xi32>
      %mul3A_413 = arith.constant 16 : i32
      %mul3A_414 = vector.broadcast %mul3A_413 : i32 to vector<16xi32>
      %mul3A_415 = arith.muli %get3A_412, %mul3A_414 : vector<16xi32>
      %add3A_416 = arith.constant 0 : i32
      %add3A_417 = vector.broadcast %add3A_416 : i32 to vector<16xi32>
      %add3A_418 = arith.addi %mul3A_415, %add3A_417 : vector<16xi32>
      %swap3A_419 = arith.constant 64 : index
      %swap3A_420 = tpu.vector_load %arg13[%swap3A_419] {strides = array<i32>} : memref<384xi32, #tpu.memory_space<vmem>>, vector<16xi32>,
      %swap3A_421 = vector.shape_cast %swap3A_420 : vector<16xi32> to vector<16xi32>
      %swap3A_422 = vector.shape_cast %add3A_418 : vector<16xi32> to vector<16xi32>
      tpu.vector_store %arg13[%swap3A_419], %swap3A_422 {strides = array<i32>} : memref<384xi32, #tpu.memory_space<vmem>>, vector<16xi32>,
      %add3A_423 = arith.constant 1 : i32
      %add3A_424 = vector.broadcast %add3A_423 : i32 to vector<16xi32>
      %add3A_425 = arith.addi %mul3A_415, %add3A_424 : vector<16xi32>
      %swap3A_426 = arith.constant 192 : index
      %swap3A_427 = tpu.vector_load %arg13[%swap3A_426] {strides = array<i32>} : memref<384xi32, #tpu.memory_space<vmem>>, vector<16xi32>,
      %swap3A_428 = vector.shape_cast %swap3A_427 : vector<16xi32> to vector<16xi32>
      %swap3A_429 = vector.shape_cast %add3A_425 : vector<16xi32> to vector<16xi32>
      tpu.vector_store %arg13[%swap3A_426], %swap3A_429 {strides = array<i32>} : memref<384xi32, #tpu.memory_space<vmem>>, vector<16xi32>,
      %add3A_430 = arith.constant 2 : i32
      %add3A_431 = vector.broadcast %add3A_430 : i32 to vector<16xi32>
      %add3A_432 = arith.addi %mul3A_415, %add3A_431 : vector<16xi32>
      %swap3A_433 = arith.constant 320 : index
      %swap3A_434 = tpu.vector_load %arg13[%swap3A_433] {strides = array<i32>} : memref<384xi32, #tpu.memory_space<vmem>>, vector<16xi32>,
      %swap3A_435 = vector.shape_cast %swap3A_434 : vector<16xi32> to vector<16xi32>
      %swap3A_436 = vector.shape_cast %add3A_432 : vector<16xi32> to vector<16xi32>
      tpu.vector_store %arg13[%swap3A_433], %swap3A_436 {strides = array<i32>} : memref<384xi32, #tpu.memory_space<vmem>>, vector<16xi32>,
      %add3A_437 = arith.constant 80 : i32
      %add3A_438 = arith.addi %add3A_287, %add3A_437 : i32
      %get3A_439 = arith.index_cast %add3A_438 : i32 to index
      %get3A_440 = tpu.vector_load %arg7[%get3A_439] {strides = array<i32>} : memref<2048xi32, #tpu.memory_space<vmem>>, vector<16xi32>,
      %get3A_441 = vector.shape_cast %get3A_440 : vector<16xi32> to vector<16xi32>
      %mul3A_442 = arith.constant 16 : i32
      %mul3A_443 = vector.broadcast %mul3A_442 : i32 to vector<16xi32>
      %mul3A_444 = arith.muli %get3A_441, %mul3A_443 : vector<16xi32>
      %add3A_445 = arith.constant 0 : i32
      %add3A_446 = vector.broadcast %add3A_445 : i32 to vector<16xi32>
      %add3A_447 = arith.addi %mul3A_444, %add3A_446 : vector<16xi32>
      %swap3A_448 = arith.constant 80 : index
      %swap3A_449 = tpu.vector_load %arg13[%swap3A_448] {strides = array<i32>} : memref<384xi32, #tpu.memory_space<vmem>>, vector<16xi32>,
      %swap3A_450 = vector.shape_cast %swap3A_449 : vector<16xi32> to vector<16xi32>
      %swap3A_451 = vector.shape_cast %add3A_447 : vector<16xi32> to vector<16xi32>
      tpu.vector_store %arg13[%swap3A_448], %swap3A_451 {strides = array<i32>} : memref<384xi32, #tpu.memory_space<vmem>>, vector<16xi32>,
      %add3A_452 = arith.constant 1 : i32
      %add3A_453 = vector.broadcast %add3A_452 : i32 to vector<16xi32>
      %add3A_454 = arith.addi %mul3A_444, %add3A_453 : vector<16xi32>
      %swap3A_455 = arith.constant 208 : index
      %swap3A_456 = tpu.vector_load %arg13[%swap3A_455] {strides = array<i32>} : memref<384xi32, #tpu.memory_space<vmem>>, vector<16xi32>,
      %swap3A_457 = vector.shape_cast %swap3A_456 : vector<16xi32> to vector<16xi32>
      %swap3A_458 = vector.shape_cast %add3A_454 : vector<16xi32> to vector<16xi32>
      tpu.vector_store %arg13[%swap3A_455], %swap3A_458 {strides = array<i32>} : memref<384xi32, #tpu.memory_space<vmem>>, vector<16xi32>,
      %add3A_459 = arith.constant 2 : i32
      %add3A_460 = vector.broadcast %add3A_459 : i32 to vector<16xi32>
      %add3A_461 = arith.addi %mul3A_444, %add3A_460 : vector<16xi32>
      %swap3A_462 = arith.constant 336 : index
      %swap3A_463 = tpu.vector_load %arg13[%swap3A_462] {strides = array<i32>} : memref<384xi32, #tpu.memory_space<vmem>>, vector<16xi32>,
      %swap3A_464 = vector.shape_cast %swap3A_463 : vector<16xi32> to vector<16xi32>
      %swap3A_465 = vector.shape_cast %add3A_461 : vector<16xi32> to vector<16xi32>
      tpu.vector_store %arg13[%swap3A_462], %swap3A_465 {strides = array<i32>} : memref<384xi32, #tpu.memory_space<vmem>>, vector<16xi32>,
      %add3A_466 = arith.constant 96 : i32
      %add3A_467 = arith.addi %add3A_287, %add3A_466 : i32
      %get3A_468 = arith.index_cast %add3A_467 : i32 to index
      %get3A_469 = tpu.vector_load %arg7[%get3A_468] {strides = array<i32>} : memref<2048xi32, #tpu.memory_space<vmem>>, vector<16xi32>,
      %get3A_470 = vector.shape_cast %get3A_469 : vector<16xi32> to vector<16xi32>
      %mul3A_471 = arith.constant 16 : i32
      %mul3A_472 = vector.broadcast %mul3A_471 : i32 to vector<16xi32>
      %mul3A_473 = arith.muli %get3A_470, %mul3A_472 : vector<16xi32>
      %add3A_474 = arith.constant 0 : i32
      %add3A_475 = vector.broadcast %add3A_474 : i32 to vector<16xi32>
      %add3A_476 = arith.addi %mul3A_473, %add3A_475 : vector<16xi32>
      %swap3A_477 = arith.constant 96 : index
      %swap3A_478 = tpu.vector_load %arg13[%swap3A_477] {strides = array<i32>} : memref<384xi32, #tpu.memory_space<vmem>>, vector<16xi32>,
      %swap3A_479 = vector.shape_cast %swap3A_478 : vector<16xi32> to vector<16xi32>
      %swap3A_480 = vector.shape_cast %add3A_476 : vector<16xi32> to vector<16xi32>
      tpu.vector_store %arg13[%swap3A_477], %swap3A_480 {strides = array<i32>} : memref<384xi32, #tpu.memory_space<vmem>>, vector<16xi32>,
      %add3A_481 = arith.constant 1 : i32
      %add3A_482 = vector.broadcast %add3A_481 : i32 to vector<16xi32>
      %add3A_483 = arith.addi %mul3A_473, %add3A_482 : vector<16xi32>
      %swap3A_484 = arith.constant 224 : index
      %swap3A_485 = tpu.vector_load %arg13[%swap3A_484] {strides = array<i32>} : memref<384xi32, #tpu.memory_space<vmem>>, vector<16xi32>,
      %swap3A_486 = vector.shape_cast %swap3A_485 : vector<16xi32> to vector<16xi32>
      %swap3A_487 = vector.shape_cast %add3A_483 : vector<16xi32> to vector<16xi32>
      tpu.vector_store %arg13[%swap3A_484], %swap3A_487 {strides = array<i32>} : memref<384xi32, #tpu.memory_space<vmem>>, vector<16xi32>,
      %add3A_488 = arith.constant 2 : i32
      %add3A_489 = vector.broadcast %add3A_488 : i32 to vector<16xi32>
      %add3A_490 = arith.addi %mul3A_473, %add3A_489 : vector<16xi32>
      %swap3A_491 = arith.constant 352 : index
      %swap3A_492 = tpu.vector_load %arg13[%swap3A_491] {strides = array<i32>} : memref<384xi32, #tpu.memory_space<vmem>>, vector<16xi32>,
      %swap3A_493 = vector.shape_cast %swap3A_492 : vector<16xi32> to vector<16xi32>
      %swap3A_494 = vector.shape_cast %add3A_490 : vector<16xi32> to vector<16xi32>
      tpu.vector_store %arg13[%swap3A_491], %swap3A_494 {strides = array<i32>} : memref<384xi32, #tpu.memory_space<vmem>>, vector<16xi32>,
      %add3A_495 = arith.constant 112 : i32
      %add3A_496 = arith.addi %add3A_287, %add3A_495 : i32
      %get3A_497 = arith.index_cast %add3A_496 : i32 to index
      %get3A_498 = tpu.vector_load %arg7[%get3A_497] {strides = array<i32>} : memref<2048xi32, #tpu.memory_space<vmem>>, vector<16xi32>,
      %get3A_499 = vector.shape_cast %get3A_498 : vector<16xi32> to vector<16xi32>
      %mul3A_500 = arith.constant 16 : i32
      %mul3A_501 = vector.broadcast %mul3A_500 : i32 to vector<16xi32>
      %mul3A_502 = arith.muli %get3A_499, %mul3A_501 : vector<16xi32>
      %add3A_503 = arith.constant 0 : i32
      %add3A_504 = vector.broadcast %add3A_503 : i32 to vector<16xi32>
      %add3A_505 = arith.addi %mul3A_502, %add3A_504 : vector<16xi32>
      %swap3A_506 = arith.constant 112 : index
      %swap3A_507 = tpu.vector_load %arg13[%swap3A_506] {strides = array<i32>} : memref<384xi32, #tpu.memory_space<vmem>>, vector<16xi32>,
      %swap3A_508 = vector.shape_cast %swap3A_507 : vector<16xi32> to vector<16xi32>
      %swap3A_509 = vector.shape_cast %add3A_505 : vector<16xi32> to vector<16xi32>
      tpu.vector_store %arg13[%swap3A_506], %swap3A_509 {strides = array<i32>} : memref<384xi32, #tpu.memory_space<vmem>>, vector<16xi32>,
      %add3A_510 = arith.constant 1 : i32
      %add3A_511 = vector.broadcast %add3A_510 : i32 to vector<16xi32>
      %add3A_512 = arith.addi %mul3A_502, %add3A_511 : vector<16xi32>
      %swap3A_513 = arith.constant 240 : index
      %swap3A_514 = tpu.vector_load %arg13[%swap3A_513] {strides = array<i32>} : memref<384xi32, #tpu.memory_space<vmem>>, vector<16xi32>,
      %swap3A_515 = vector.shape_cast %swap3A_514 : vector<16xi32> to vector<16xi32>
      %swap3A_516 = vector.shape_cast %add3A_512 : vector<16xi32> to vector<16xi32>
      tpu.vector_store %arg13[%swap3A_513], %swap3A_516 {strides = array<i32>} : memref<384xi32, #tpu.memory_space<vmem>>, vector<16xi32>,
      %add3A_517 = arith.constant 2 : i32
      %add3A_518 = vector.broadcast %add3A_517 : i32 to vector<16xi32>
      %add3A_519 = arith.addi %mul3A_502, %add3A_518 : vector<16xi32>
      %swap3A_520 = arith.constant 368 : index
      %swap3A_521 = tpu.vector_load %arg13[%swap3A_520] {strides = array<i32>} : memref<384xi32, #tpu.memory_space<vmem>>, vector<16xi32>,
      %swap3A_522 = vector.shape_cast %swap3A_521 : vector<16xi32> to vector<16xi32>
      %swap3A_523 = vector.shape_cast %add3A_519 : vector<16xi32> to vector<16xi32>
      tpu.vector_store %arg13[%swap3A_520], %swap3A_523 {strides = array<i32>} : memref<384xi32, #tpu.memory_space<vmem>>, vector<16xi32>,
      %dma_start3A_524 = arith.constant 0 : i32
      %dma_start3A_525 = tpu.memref_slice %arg3[%dma_start3A_524] : memref<262144xf32, #tpu.memory_space<hbm>> -> memref<262144xf32, #tpu.memory_space<hbm>>
      tpu.enqueue_indirect_dma source(%dma_start3A_525 : memref<262144xf32, #tpu.memory_space<hbm>>) target(%arg17 : memref<384xf32, #tpu.memory_space<vmem>>) offsets(%arg13 : memref<384xi32, #tpu.memory_space<vmem>>) semaphore(%arg25 : memref<!tpu.dma_semaphore, #tpu.memory_space<semaphore_mem>>)
      %gt3A_526 = arith.constant 0 : i32
      %gt3A_527 = arith.cmpi sgt, %scan3A_39, %gt3A_526 : i32
      %convert_element_type3A_528 = arith.extui %gt3A_527 : i1 to i32
      %cond3A_529 = arith.constant 0 : i32
      %cond3A_530 = arith.cmpi ne, %convert_element_type3A_528, %cond3A_529 : i32
      scf.if %cond3A_530 {
        %dma_wait3A_1088 = arith.constant 0 : i32
        %dma_wait3A_1089 = tpu.memref_slice %arg5[%mul3A_2, %dma_wait3A_1088] : memref<65536x128xi32, #tpu.memory_space<hbm>> -> memref<128x128xi32, #tpu.memory_space<hbm>>
        %dma_wait3A_1090 = arith.constant 0 : i32
        %dma_wait3A_1091 = tpu.memref_slice %arg5[%mul3A_2, %dma_wait3A_1090] : memref<65536x128xi32, #tpu.memory_space<hbm>> -> memref<128x128xi32, #tpu.memory_space<hbm>>
        tpu.wait_dma2 semaphore(%arg30 : memref<!tpu.dma_semaphore, #tpu.memory_space<semaphore_mem>>) src(%arg10 : memref<128x128xi32, #tpu.memory_space<vmem>>) dst(%dma_wait3A_1091 : memref<128x128xi32, #tpu.memory_space<hbm>>)
        %dma_wait3A_1092 = arith.constant 0 : i32
        %dma_wait3A_1093 = tpu.memref_slice %arg6[%dma_wait3A_1092] : memref<196608xf32, #tpu.memory_space<hbm>> -> memref<384xf32, #tpu.memory_space<hbm>>
        %dma_wait3A_1094 = arith.constant 0 : i32
        %dma_wait3A_1095 = tpu.memref_slice %arg6[%dma_wait3A_1094] : memref<196608xf32, #tpu.memory_space<hbm>> -> memref<384xf32, #tpu.memory_space<hbm>>
        tpu.wait_dma2 semaphore(%arg34 : memref<!tpu.dma_semaphore, #tpu.memory_space<semaphore_mem>>) src(%arg18 : memref<384xf32, #tpu.memory_space<vmem>>) dst(%dma_wait3A_1095 : memref<384xf32, #tpu.memory_space<hbm>>)
      } else {
      }
      %add3A_531 = arith.constant 256 : i32
      %add3A_532 = arith.addi %mul3A_41, %add3A_531 : i32
      %dma_start3A_533 = tpu.memref_slice %arg7[%add3A_532] : memref<2048xi32, #tpu.memory_space<vmem>> -> memref<128xi32, #tpu.memory_space<vmem>>
      %dma_start3A_534 = arith.constant 0 : i32
      %dma_start3A_535 = arith.constant 0 : i32
      %dma_start3A_536 = tpu.memref_slice %arg2[%dma_start3A_534, %dma_start3A_535] : memref<16384x128xi32, #tpu.memory_space<hbm>> -> memref<16384x128xi32, #tpu.memory_space<hbm>>
      tpu.enqueue_indirect_dma source(%dma_start3A_536 : memref<16384x128xi32, #tpu.memory_space<hbm>>) target(%arg10 : memref<128x128xi32, #tpu.memory_space<vmem>>) offsets(%dma_start3A_533 : memref<128xi32, #tpu.memory_space<vmem>>) semaphore(%arg22 : memref<!tpu.dma_semaphore, #tpu.memory_space<semaphore_mem>>)
      %add3A_537 = arith.constant 0 : i32
      %add3A_538 = arith.addi %add3A_532, %add3A_537 : i32
      %get3A_539 = arith.index_cast %add3A_538 : i32 to index
      %get3A_540 = tpu.vector_load %arg7[%get3A_539] {strides = array<i32>} : memref<2048xi32, #tpu.memory_space<vmem>>, vector<16xi32>,
      %get3A_541 = vector.shape_cast %get3A_540 : vector<16xi32> to vector<16xi32>
      %mul3A_542 = arith.constant 16 : i32
      %mul3A_543 = vector.broadcast %mul3A_542 : i32 to vector<16xi32>
      %mul3A_544 = arith.muli %get3A_541, %mul3A_543 : vector<16xi32>
      %add3A_545 = arith.constant 0 : i32
      %add3A_546 = vector.broadcast %add3A_545 : i32 to vector<16xi32>
      %add3A_547 = arith.addi %mul3A_544, %add3A_546 : vector<16xi32>
      %swap3A_548 = arith.constant 0 : index
      %swap3A_549 = tpu.vector_load %arg14[%swap3A_548] {strides = array<i32>} : memref<384xi32, #tpu.memory_space<vmem>>, vector<16xi32>,
      %swap3A_550 = vector.shape_cast %swap3A_549 : vector<16xi32> to vector<16xi32>
      %swap3A_551 = vector.shape_cast %add3A_547 : vector<16xi32> to vector<16xi32>
      tpu.vector_store %arg14[%swap3A_548], %swap3A_551 {strides = array<i32>} : memref<384xi32, #tpu.memory_space<vmem>>, vector<16xi32>,
      %add3A_552 = arith.constant 1 : i32
      %add3A_553 = vector.broadcast %add3A_552 : i32 to vector<16xi32>
      %add3A_554 = arith.addi %mul3A_544, %add3A_553 : vector<16xi32>
      %swap3A_555 = arith.constant 128 : index
      %swap3A_556 = tpu.vector_load %arg14[%swap3A_555] {strides = array<i32>} : memref<384xi32, #tpu.memory_space<vmem>>, vector<16xi32>,
      %swap3A_557 = vector.shape_cast %swap3A_556 : vector<16xi32> to vector<16xi32>
      %swap3A_558 = vector.shape_cast %add3A_554 : vector<16xi32> to vector<16xi32>
      tpu.vector_store %arg14[%swap3A_555], %swap3A_558 {strides = array<i32>} : memref<384xi32, #tpu.memory_space<vmem>>, vector<16xi32>,
      %add3A_559 = arith.constant 2 : i32
      %add3A_560 = vector.broadcast %add3A_559 : i32 to vector<16xi32>
      %add3A_561 = arith.addi %mul3A_544, %add3A_560 : vector<16xi32>
      %swap3A_562 = arith.constant 256 : index
      %swap3A_563 = tpu.vector_load %arg14[%swap3A_562] {strides = array<i32>} : memref<384xi32, #tpu.memory_space<vmem>>, vector<16xi32>,
      %swap3A_564 = vector.shape_cast %swap3A_563 : vector<16xi32> to vector<16xi32>
      %swap3A_565 = vector.shape_cast %add3A_561 : vector<16xi32> to vector<16xi32>
      tpu.vector_store %arg14[%swap3A_562], %swap3A_565 {strides = array<i32>} : memref<384xi32, #tpu.memory_space<vmem>>, vector<16xi32>,
      %add3A_566 = arith.constant 16 : i32
      %add3A_567 = arith.addi %add3A_532, %add3A_566 : i32
      %get3A_568 = arith.index_cast %add3A_567 : i32 to index
      %get3A_569 = tpu.vector_load %arg7[%get3A_568] {strides = array<i32>} : memref<2048xi32, #tpu.memory_space<vmem>>, vector<16xi32>,
      %get3A_570 = vector.shape_cast %get3A_569 : vector<16xi32> to vector<16xi32>
      %mul3A_571 = arith.constant 16 : i32
      %mul3A_572 = vector.broadcast %mul3A_571 : i32 to vector<16xi32>
      %mul3A_573 = arith.muli %get3A_570, %mul3A_572 : vector<16xi32>
      %add3A_574 = arith.constant 0 : i32
      %add3A_575 = vector.broadcast %add3A_574 : i32 to vector<16xi32>
      %add3A_576 = arith.addi %mul3A_573, %add3A_575 : vector<16xi32>
      %swap3A_577 = arith.constant 16 : index
      %swap3A_578 = tpu.vector_load %arg14[%swap3A_577] {strides = array<i32>} : memref<384xi32, #tpu.memory_space<vmem>>, vector<16xi32>,
      %swap3A_579 = vector.shape_cast %swap3A_578 : vector<16xi32> to vector<16xi32>
      %swap3A_580 = vector.shape_cast %add3A_576 : vector<16xi32> to vector<16xi32>
      tpu.vector_store %arg14[%swap3A_577], %swap3A_580 {strides = array<i32>} : memref<384xi32, #tpu.memory_space<vmem>>, vector<16xi32>,
      %add3A_581 = arith.constant 1 : i32
      %add3A_582 = vector.broadcast %add3A_581 : i32 to vector<16xi32>
      %add3A_583 = arith.addi %mul3A_573, %add3A_582 : vector<16xi32>
      %swap3A_584 = arith.constant 144 : index
      %swap3A_585 = tpu.vector_load %arg14[%swap3A_584] {strides = array<i32>} : memref<384xi32, #tpu.memory_space<vmem>>, vector<16xi32>,
      %swap3A_586 = vector.shape_cast %swap3A_585 : vector<16xi32> to vector<16xi32>
      %swap3A_587 = vector.shape_cast %add3A_583 : vector<16xi32> to vector<16xi32>
      tpu.vector_store %arg14[%swap3A_584], %swap3A_587 {strides = array<i32>} : memref<384xi32, #tpu.memory_space<vmem>>, vector<16xi32>,
      %add3A_588 = arith.constant 2 : i32
      %add3A_589 = vector.broadcast %add3A_588 : i32 to vector<16xi32>
      %add3A_590 = arith.addi %mul3A_573, %add3A_589 : vector<16xi32>
      %swap3A_591 = arith.constant 272 : index
      %swap3A_592 = tpu.vector_load %arg14[%swap3A_591] {strides = array<i32>} : memref<384xi32, #tpu.memory_space<vmem>>, vector<16xi32>,
      %swap3A_593 = vector.shape_cast %swap3A_592 : vector<16xi32> to vector<16xi32>
      %swap3A_594 = vector.shape_cast %add3A_590 : vector<16xi32> to vector<16xi32>
      tpu.vector_store %arg14[%swap3A_591], %swap3A_594 {strides = array<i32>} : memref<384xi32, #tpu.memory_space<vmem>>, vector<16xi32>,
      %add3A_595 = arith.constant 32 : i32
      %add3A_596 = arith.addi %add3A_532, %add3A_595 : i32
      %get3A_597 = arith.index_cast %add3A_596 : i32 to index
      %get3A_598 = tpu.vector_load %arg7[%get3A_597] {strides = array<i32>} : memref<2048xi32, #tpu.memory_space<vmem>>, vector<16xi32>,
      %get3A_599 = vector.shape_cast %get3A_598 : vector<16xi32> to vector<16xi32>
      %mul3A_600 = arith.constant 16 : i32
      %mul3A_601 = vector.broadcast %mul3A_600 : i32 to vector<16xi32>
      %mul3A_602 = arith.muli %get3A_599, %mul3A_601 : vector<16xi32>
      %add3A_603 = arith.constant 0 : i32
      %add3A_604 = vector.broadcast %add3A_603 : i32 to vector<16xi32>
      %add3A_605 = arith.addi %mul3A_602, %add3A_604 : vector<16xi32>
      %swap3A_606 = arith.constant 32 : index
      %swap3A_607 = tpu.vector_load %arg14[%swap3A_606] {strides = array<i32>} : memref<384xi32, #tpu.memory_space<vmem>>, vector<16xi32>,
      %swap3A_608 = vector.shape_cast %swap3A_607 : vector<16xi32> to vector<16xi32>
      %swap3A_609 = vector.shape_cast %add3A_605 : vector<16xi32> to vector<16xi32>
      tpu.vector_store %arg14[%swap3A_606], %swap3A_609 {strides = array<i32>} : memref<384xi32, #tpu.memory_space<vmem>>, vector<16xi32>,
      %add3A_610 = arith.constant 1 : i32
      %add3A_611 = vector.broadcast %add3A_610 : i32 to vector<16xi32>
      %add3A_612 = arith.addi %mul3A_602, %add3A_611 : vector<16xi32>
      %swap3A_613 = arith.constant 160 : index
      %swap3A_614 = tpu.vector_load %arg14[%swap3A_613] {strides = array<i32>} : memref<384xi32, #tpu.memory_space<vmem>>, vector<16xi32>,
      %swap3A_615 = vector.shape_cast %swap3A_614 : vector<16xi32> to vector<16xi32>
      %swap3A_616 = vector.shape_cast %add3A_612 : vector<16xi32> to vector<16xi32>
      tpu.vector_store %arg14[%swap3A_613], %swap3A_616 {strides = array<i32>} : memref<384xi32, #tpu.memory_space<vmem>>, vector<16xi32>,
      %add3A_617 = arith.constant 2 : i32
      %add3A_618 = vector.broadcast %add3A_617 : i32 to vector<16xi32>
      %add3A_619 = arith.addi %mul3A_602, %add3A_618 : vector<16xi32>
      %swap3A_620 = arith.constant 288 : index
      %swap3A_621 = tpu.vector_load %arg14[%swap3A_620] {strides = array<i32>} : memref<384xi32, #tpu.memory_space<vmem>>, vector<16xi32>,
      %swap3A_622 = vector.shape_cast %swap3A_621 : vector<16xi32> to vector<16xi32>
      %swap3A_623 = vector.shape_cast %add3A_619 : vector<16xi32> to vector<16xi32>
      tpu.vector_store %arg14[%swap3A_620], %swap3A_623 {strides = array<i32>} : memref<384xi32, #tpu.memory_space<vmem>>, vector<16xi32>,
      %add3A_624 = arith.constant 48 : i32
      %add3A_625 = arith.addi %add3A_532, %add3A_624 : i32
      %get3A_626 = arith.index_cast %add3A_625 : i32 to index
      %get3A_627 = tpu.vector_load %arg7[%get3A_626] {strides = array<i32>} : memref<2048xi32, #tpu.memory_space<vmem>>, vector<16xi32>,
      %get3A_628 = vector.shape_cast %get3A_627 : vector<16xi32> to vector<16xi32>
      %mul3A_629 = arith.constant 16 : i32
      %mul3A_630 = vector.broadcast %mul3A_629 : i32 to vector<16xi32>
      %mul3A_631 = arith.muli %get3A_628, %mul3A_630 : vector<16xi32>
      %add3A_632 = arith.constant 0 : i32
      %add3A_633 = vector.broadcast %add3A_632 : i32 to vector<16xi32>
      %add3A_634 = arith.addi %mul3A_631, %add3A_633 : vector<16xi32>
      %swap3A_635 = arith.constant 48 : index
      %swap3A_636 = tpu.vector_load %arg14[%swap3A_635] {strides = array<i32>} : memref<384xi32, #tpu.memory_space<vmem>>, vector<16xi32>,
      %swap3A_637 = vector.shape_cast %swap3A_636 : vector<16xi32> to vector<16xi32>
      %swap3A_638 = vector.shape_cast %add3A_634 : vector<16xi32> to vector<16xi32>
      tpu.vector_store %arg14[%swap3A_635], %swap3A_638 {strides = array<i32>} : memref<384xi32, #tpu.memory_space<vmem>>, vector<16xi32>,
      %add3A_639 = arith.constant 1 : i32
      %add3A_640 = vector.broadcast %add3A_639 : i32 to vector<16xi32>
      %add3A_641 = arith.addi %mul3A_631, %add3A_640 : vector<16xi32>
      %swap3A_642 = arith.constant 176 : index
      %swap3A_643 = tpu.vector_load %arg14[%swap3A_642] {strides = array<i32>} : memref<384xi32, #tpu.memory_space<vmem>>, vector<16xi32>,
      %swap3A_644 = vector.shape_cast %swap3A_643 : vector<16xi32> to vector<16xi32>
      %swap3A_645 = vector.shape_cast %add3A_641 : vector<16xi32> to vector<16xi32>
      tpu.vector_store %arg14[%swap3A_642], %swap3A_645 {strides = array<i32>} : memref<384xi32, #tpu.memory_space<vmem>>, vector<16xi32>,
      %add3A_646 = arith.constant 2 : i32
      %add3A_647 = vector.broadcast %add3A_646 : i32 to vector<16xi32>
      %add3A_648 = arith.addi %mul3A_631, %add3A_647 : vector<16xi32>
      %swap3A_649 = arith.constant 304 : index
      %swap3A_650 = tpu.vector_load %arg14[%swap3A_649] {strides = array<i32>} : memref<384xi32, #tpu.memory_space<vmem>>, vector<16xi32>,
      %swap3A_651 = vector.shape_cast %swap3A_650 : vector<16xi32> to vector<16xi32>
      %swap3A_652 = vector.shape_cast %add3A_648 : vector<16xi32> to vector<16xi32>
      tpu.vector_store %arg14[%swap3A_649], %swap3A_652 {strides = array<i32>} : memref<384xi32, #tpu.memory_space<vmem>>, vector<16xi32>,
      %add3A_653 = arith.constant 64 : i32
      %add3A_654 = arith.addi %add3A_532, %add3A_653 : i32
      %get3A_655 = arith.index_cast %add3A_654 : i32 to index
      %get3A_656 = tpu.vector_load %arg7[%get3A_655] {strides = array<i32>} : memref<2048xi32, #tpu.memory_space<vmem>>, vector<16xi32>,
      %get3A_657 = vector.shape_cast %get3A_656 : vector<16xi32> to vector<16xi32>
      %mul3A_658 = arith.constant 16 : i32
      %mul3A_659 = vector.broadcast %mul3A_658 : i32 to vector<16xi32>
      %mul3A_660 = arith.muli %get3A_657, %mul3A_659 : vector<16xi32>
      %add3A_661 = arith.constant 0 : i32
      %add3A_662 = vector.broadcast %add3A_661 : i32 to vector<16xi32>
      %add3A_663 = arith.addi %mul3A_660, %add3A_662 : vector<16xi32>
      %swap3A_664 = arith.constant 64 : index
      %swap3A_665 = tpu.vector_load %arg14[%swap3A_664] {strides = array<i32>} : memref<384xi32, #tpu.memory_space<vmem>>, vector<16xi32>,
      %swap3A_666 = vector.shape_cast %swap3A_665 : vector<16xi32> to vector<16xi32>
      %swap3A_667 = vector.shape_cast %add3A_663 : vector<16xi32> to vector<16xi32>
      tpu.vector_store %arg14[%swap3A_664], %swap3A_667 {strides = array<i32>} : memref<384xi32, #tpu.memory_space<vmem>>, vector<16xi32>,
      %add3A_668 = arith.constant 1 : i32
      %add3A_669 = vector.broadcast %add3A_668 : i32 to vector<16xi32>
      %add3A_670 = arith.addi %mul3A_660, %add3A_669 : vector<16xi32>
      %swap3A_671 = arith.constant 192 : index
      %swap3A_672 = tpu.vector_load %arg14[%swap3A_671] {strides = array<i32>} : memref<384xi32, #tpu.memory_space<vmem>>, vector<16xi32>,
      %swap3A_673 = vector.shape_cast %swap3A_672 : vector<16xi32> to vector<16xi32>
      %swap3A_674 = vector.shape_cast %add3A_670 : vector<16xi32> to vector<16xi32>
      tpu.vector_store %arg14[%swap3A_671], %swap3A_674 {strides = array<i32>} : memref<384xi32, #tpu.memory_space<vmem>>, vector<16xi32>,
      %add3A_675 = arith.constant 2 : i32
      %add3A_676 = vector.broadcast %add3A_675 : i32 to vector<16xi32>
      %add3A_677 = arith.addi %mul3A_660, %add3A_676 : vector<16xi32>
      %swap3A_678 = arith.constant 320 : index
      %swap3A_679 = tpu.vector_load %arg14[%swap3A_678] {strides = array<i32>} : memref<384xi32, #tpu.memory_space<vmem>>, vector<16xi32>,
      %swap3A_680 = vector.shape_cast %swap3A_679 : vector<16xi32> to vector<16xi32>
      %swap3A_681 = vector.shape_cast %add3A_677 : vector<16xi32> to vector<16xi32>
      tpu.vector_store %arg14[%swap3A_678], %swap3A_681 {strides = array<i32>} : memref<384xi32, #tpu.memory_space<vmem>>, vector<16xi32>,
      %add3A_682 = arith.constant 80 : i32
      %add3A_683 = arith.addi %add3A_532, %add3A_682 : i32
      %get3A_684 = arith.index_cast %add3A_683 : i32 to index
      %get3A_685 = tpu.vector_load %arg7[%get3A_684] {strides = array<i32>} : memref<2048xi32, #tpu.memory_space<vmem>>, vector<16xi32>,
      %get3A_686 = vector.shape_cast %get3A_685 : vector<16xi32> to vector<16xi32>
      %mul3A_687 = arith.constant 16 : i32
      %mul3A_688 = vector.broadcast %mul3A_687 : i32 to vector<16xi32>
      %mul3A_689 = arith.muli %get3A_686, %mul3A_688 : vector<16xi32>
      %add3A_690 = arith.constant 0 : i32
      %add3A_691 = vector.broadcast %add3A_690 : i32 to vector<16xi32>
      %add3A_692 = arith.addi %mul3A_689, %add3A_691 : vector<16xi32>
      %swap3A_693 = arith.constant 80 : index
      %swap3A_694 = tpu.vector_load %arg14[%swap3A_693] {strides = array<i32>} : memref<384xi32, #tpu.memory_space<vmem>>, vector<16xi32>,
      %swap3A_695 = vector.shape_cast %swap3A_694 : vector<16xi32> to vector<16xi32>
      %swap3A_696 = vector.shape_cast %add3A_692 : vector<16xi32> to vector<16xi32>
      tpu.vector_store %arg14[%swap3A_693], %swap3A_696 {strides = array<i32>} : memref<384xi32, #tpu.memory_space<vmem>>, vector<16xi32>,
      %add3A_697 = arith.constant 1 : i32
      %add3A_698 = vector.broadcast %add3A_697 : i32 to vector<16xi32>
      %add3A_699 = arith.addi %mul3A_689, %add3A_698 : vector<16xi32>
      %swap3A_700 = arith.constant 208 : index
      %swap3A_701 = tpu.vector_load %arg14[%swap3A_700] {strides = array<i32>} : memref<384xi32, #tpu.memory_space<vmem>>, vector<16xi32>,
      %swap3A_702 = vector.shape_cast %swap3A_701 : vector<16xi32> to vector<16xi32>
      %swap3A_703 = vector.shape_cast %add3A_699 : vector<16xi32> to vector<16xi32>
      tpu.vector_store %arg14[%swap3A_700], %swap3A_703 {strides = array<i32>} : memref<384xi32, #tpu.memory_space<vmem>>, vector<16xi32>,
      %add3A_704 = arith.constant 2 : i32
      %add3A_705 = vector.broadcast %add3A_704 : i32 to vector<16xi32>
      %add3A_706 = arith.addi %mul3A_689, %add3A_705 : vector<16xi32>
      %swap3A_707 = arith.constant 336 : index
      %swap3A_708 = tpu.vector_load %arg14[%swap3A_707] {strides = array<i32>} : memref<384xi32, #tpu.memory_space<vmem>>, vector<16xi32>,
      %swap3A_709 = vector.shape_cast %swap3A_708 : vector<16xi32> to vector<16xi32>
      %swap3A_710 = vector.shape_cast %add3A_706 : vector<16xi32> to vector<16xi32>
      tpu.vector_store %arg14[%swap3A_707], %swap3A_710 {strides = array<i32>} : memref<384xi32, #tpu.memory_space<vmem>>, vector<16xi32>,
      %add3A_711 = arith.constant 96 : i32
      %add3A_712 = arith.addi %add3A_532, %add3A_711 : i32
      %get3A_713 = arith.index_cast %add3A_712 : i32 to index
      %get3A_714 = tpu.vector_load %arg7[%get3A_713] {strides = array<i32>} : memref<2048xi32, #tpu.memory_space<vmem>>, vector<16xi32>,
      %get3A_715 = vector.shape_cast %get3A_714 : vector<16xi32> to vector<16xi32>
      %mul3A_716 = arith.constant 16 : i32
      %mul3A_717 = vector.broadcast %mul3A_716 : i32 to vector<16xi32>
      %mul3A_718 = arith.muli %get3A_715, %mul3A_717 : vector<16xi32>
      %add3A_719 = arith.constant 0 : i32
      %add3A_720 = vector.broadcast %add3A_719 : i32 to vector<16xi32>
      %add3A_721 = arith.addi %mul3A_718, %add3A_720 : vector<16xi32>
      %swap3A_722 = arith.constant 96 : index
      %swap3A_723 = tpu.vector_load %arg14[%swap3A_722] {strides = array<i32>} : memref<384xi32, #tpu.memory_space<vmem>>, vector<16xi32>,
      %swap3A_724 = vector.shape_cast %swap3A_723 : vector<16xi32> to vector<16xi32>
      %swap3A_725 = vector.shape_cast %add3A_721 : vector<16xi32> to vector<16xi32>
      tpu.vector_store %arg14[%swap3A_722], %swap3A_725 {strides = array<i32>} : memref<384xi32, #tpu.memory_space<vmem>>, vector<16xi32>,
      %add3A_726 = arith.constant 1 : i32
      %add3A_727 = vector.broadcast %add3A_726 : i32 to vector<16xi32>
      %add3A_728 = arith.addi %mul3A_718, %add3A_727 : vector<16xi32>
      %swap3A_729 = arith.constant 224 : index
      %swap3A_730 = tpu.vector_load %arg14[%swap3A_729] {strides = array<i32>} : memref<384xi32, #tpu.memory_space<vmem>>, vector<16xi32>,
      %swap3A_731 = vector.shape_cast %swap3A_730 : vector<16xi32> to vector<16xi32>
      %swap3A_732 = vector.shape_cast %add3A_728 : vector<16xi32> to vector<16xi32>
      tpu.vector_store %arg14[%swap3A_729], %swap3A_732 {strides = array<i32>} : memref<384xi32, #tpu.memory_space<vmem>>, vector<16xi32>,
      %add3A_733 = arith.constant 2 : i32
      %add3A_734 = vector.broadcast %add3A_733 : i32 to vector<16xi32>
      %add3A_735 = arith.addi %mul3A_718, %add3A_734 : vector<16xi32>
      %swap3A_736 = arith.constant 352 : index
      %swap3A_737 = tpu.vector_load %arg14[%swap3A_736] {strides = array<i32>} : memref<384xi32, #tpu.memory_space<vmem>>, vector<16xi32>,
      %swap3A_738 = vector.shape_cast %swap3A_737 : vector<16xi32> to vector<16xi32>
      %swap3A_739 = vector.shape_cast %add3A_735 : vector<16xi32> to vector<16xi32>
      tpu.vector_store %arg14[%swap3A_736], %swap3A_739 {strides = array<i32>} : memref<384xi32, #tpu.memory_space<vmem>>, vector<16xi32>,
      %add3A_740 = arith.constant 112 : i32
      %add3A_741 = arith.addi %add3A_532, %add3A_740 : i32
      %get3A_742 = arith.index_cast %add3A_741 : i32 to index
      %get3A_743 = tpu.vector_load %arg7[%get3A_742] {strides = array<i32>} : memref<2048xi32, #tpu.memory_space<vmem>>, vector<16xi32>,
      %get3A_744 = vector.shape_cast %get3A_743 : vector<16xi32> to vector<16xi32>
      %mul3A_745 = arith.constant 16 : i32
      %mul3A_746 = vector.broadcast %mul3A_745 : i32 to vector<16xi32>
      %mul3A_747 = arith.muli %get3A_744, %mul3A_746 : vector<16xi32>
      %add3A_748 = arith.constant 0 : i32
      %add3A_749 = vector.broadcast %add3A_748 : i32 to vector<16xi32>
      %add3A_750 = arith.addi %mul3A_747, %add3A_749 : vector<16xi32>
      %swap3A_751 = arith.constant 112 : index
      %swap3A_752 = tpu.vector_load %arg14[%swap3A_751] {strides = array<i32>} : memref<384xi32, #tpu.memory_space<vmem>>, vector<16xi32>,
      %swap3A_753 = vector.shape_cast %swap3A_752 : vector<16xi32> to vector<16xi32>
      %swap3A_754 = vector.shape_cast %add3A_750 : vector<16xi32> to vector<16xi32>
      tpu.vector_store %arg14[%swap3A_751], %swap3A_754 {strides = array<i32>} : memref<384xi32, #tpu.memory_space<vmem>>, vector<16xi32>,
      %add3A_755 = arith.constant 1 : i32
      %add3A_756 = vector.broadcast %add3A_755 : i32 to vector<16xi32>
      %add3A_757 = arith.addi %mul3A_747, %add3A_756 : vector<16xi32>
      %swap3A_758 = arith.constant 240 : index
      %swap3A_759 = tpu.vector_load %arg14[%swap3A_758] {strides = array<i32>} : memref<384xi32, #tpu.memory_space<vmem>>, vector<16xi32>,
      %swap3A_760 = vector.shape_cast %swap3A_759 : vector<16xi32> to vector<16xi32>
      %swap3A_761 = vector.shape_cast %add3A_757 : vector<16xi32> to vector<16xi32>
      tpu.vector_store %arg14[%swap3A_758], %swap3A_761 {strides = array<i32>} : memref<384xi32, #tpu.memory_space<vmem>>, vector<16xi32>,
      %add3A_762 = arith.constant 2 : i32
      %add3A_763 = vector.broadcast %add3A_762 : i32 to vector<16xi32>
      %add3A_764 = arith.addi %mul3A_747, %add3A_763 : vector<16xi32>
      %swap3A_765 = arith.constant 368 : index
      %swap3A_766 = tpu.vector_load %arg14[%swap3A_765] {strides = array<i32>} : memref<384xi32, #tpu.memory_space<vmem>>, vector<16xi32>,
      %swap3A_767 = vector.shape_cast %swap3A_766 : vector<16xi32> to vector<16xi32>
      %swap3A_768 = vector.shape_cast %add3A_764 : vector<16xi32> to vector<16xi32>
      tpu.vector_store %arg14[%swap3A_765], %swap3A_768 {strides = array<i32>} : memref<384xi32, #tpu.memory_space<vmem>>, vector<16xi32>,
      %dma_start3A_769 = arith.constant 0 : i32
      %dma_start3A_770 = tpu.memref_slice %arg3[%dma_start3A_769] : memref<262144xf32, #tpu.memory_space<hbm>> -> memref<262144xf32, #tpu.memory_space<hbm>>
      tpu.enqueue_indirect_dma source(%dma_start3A_770 : memref<262144xf32, #tpu.memory_space<hbm>>) target(%arg18 : memref<384xf32, #tpu.memory_space<vmem>>) offsets(%arg14 : memref<384xi32, #tpu.memory_space<vmem>>) semaphore(%arg26 : memref<!tpu.dma_semaphore, #tpu.memory_space<semaphore_mem>>)
      %gt3A_771 = arith.constant 0 : i32
      %gt3A_772 = arith.cmpi sgt, %scan3A_39, %gt3A_771 : i32
      %convert_element_type3A_773 = arith.extui %gt3A_772 : i1 to i32
      %cond3A_774 = arith.constant 0 : i32
      %cond3A_775 = arith.cmpi ne, %convert_element_type3A_773, %cond3A_774 : i32
      scf.if %cond3A_775 {
        %dma_wait3A_1088 = arith.constant 0 : i32
        %dma_wait3A_1089 = tpu.memref_slice %arg5[%mul3A_2, %dma_wait3A_1088] : memref<65536x128xi32, #tpu.memory_space<hbm>> -> memref<128x128xi32, #tpu.memory_space<hbm>>
        %dma_wait3A_1090 = arith.constant 0 : i32
        %dma_wait3A_1091 = tpu.memref_slice %arg5[%mul3A_2, %dma_wait3A_1090] : memref<65536x128xi32, #tpu.memory_space<hbm>> -> memref<128x128xi32, #tpu.memory_space<hbm>>
        tpu.wait_dma2 semaphore(%arg31 : memref<!tpu.dma_semaphore, #tpu.memory_space<semaphore_mem>>) src(%arg11 : memref<128x128xi32, #tpu.memory_space<vmem>>) dst(%dma_wait3A_1091 : memref<128x128xi32, #tpu.memory_space<hbm>>)
        %dma_wait3A_1092 = arith.constant 0 : i32
        %dma_wait3A_1093 = tpu.memref_slice %arg6[%dma_wait3A_1092] : memref<196608xf32, #tpu.memory_space<hbm>> -> memref<384xf32, #tpu.memory_space<hbm>>
        %dma_wait3A_1094 = arith.constant 0 : i32
        %dma_wait3A_1095 = tpu.memref_slice %arg6[%dma_wait3A_1094] : memref<196608xf32, #tpu.memory_space<hbm>> -> memref<384xf32, #tpu.memory_space<hbm>>
        tpu.wait_dma2 semaphore(%arg35 : memref<!tpu.dma_semaphore, #tpu.memory_space<semaphore_mem>>) src(%arg19 : memref<384xf32, #tpu.memory_space<vmem>>) dst(%dma_wait3A_1095 : memref<384xf32, #tpu.memory_space<hbm>>)
      } else {
      }
      %add3A_776 = arith.constant 384 : i32
      %add3A_777 = arith.addi %mul3A_41, %add3A_776 : i32
      %dma_start3A_778 = tpu.memref_slice %arg7[%add3A_777] : memref<2048xi32, #tpu.memory_space<vmem>> -> memref<128xi32, #tpu.memory_space<vmem>>
      %dma_start3A_779 = arith.constant 0 : i32
      %dma_start3A_780 = arith.constant 0 : i32
      %dma_start3A_781 = tpu.memref_slice %arg2[%dma_start3A_779, %dma_start3A_780] : memref<16384x128xi32, #tpu.memory_space<hbm>> -> memref<16384x128xi32, #tpu.memory_space<hbm>>
      tpu.enqueue_indirect_dma source(%dma_start3A_781 : memref<16384x128xi32, #tpu.memory_space<hbm>>) target(%arg11 : memref<128x128xi32, #tpu.memory_space<vmem>>) offsets(%dma_start3A_778 : memref<128xi32, #tpu.memory_space<vmem>>) semaphore(%arg23 : memref<!tpu.dma_semaphore, #tpu.memory_space<semaphore_mem>>)
      %add3A_782 = arith.constant 0 : i32
      %add3A_783 = arith.addi %add3A_777, %add3A_782 : i32
      %get3A_784 = arith.index_cast %add3A_783 : i32 to index
      %get3A_785 = tpu.vector_load %arg7[%get3A_784] {strides = array<i32>} : memref<2048xi32, #tpu.memory_space<vmem>>, vector<16xi32>,
      %get3A_786 = vector.shape_cast %get3A_785 : vector<16xi32> to vector<16xi32>
      %mul3A_787 = arith.constant 16 : i32
      %mul3A_788 = vector.broadcast %mul3A_787 : i32 to vector<16xi32>
      %mul3A_789 = arith.muli %get3A_786, %mul3A_788 : vector<16xi32>
      %add3A_790 = arith.constant 0 : i32
      %add3A_791 = vector.broadcast %add3A_790 : i32 to vector<16xi32>
      %add3A_792 = arith.addi %mul3A_789, %add3A_791 : vector<16xi32>
      %swap3A_793 = arith.constant 0 : index
      %swap3A_794 = tpu.vector_load %arg15[%swap3A_793] {strides = array<i32>} : memref<384xi32, #tpu.memory_space<vmem>>, vector<16xi32>,
      %swap3A_795 = vector.shape_cast %swap3A_794 : vector<16xi32> to vector<16xi32>
      %swap3A_796 = vector.shape_cast %add3A_792 : vector<16xi32> to vector<16xi32>
      tpu.vector_store %arg15[%swap3A_793], %swap3A_796 {strides = array<i32>} : memref<384xi32, #tpu.memory_space<vmem>>, vector<16xi32>,
      %add3A_797 = arith.constant 1 : i32
      %add3A_798 = vector.broadcast %add3A_797 : i32 to vector<16xi32>
      %add3A_799 = arith.addi %mul3A_789, %add3A_798 : vector<16xi32>
      %swap3A_800 = arith.constant 128 : index
      %swap3A_801 = tpu.vector_load %arg15[%swap3A_800] {strides = array<i32>} : memref<384xi32, #tpu.memory_space<vmem>>, vector<16xi32>,
      %swap3A_802 = vector.shape_cast %swap3A_801 : vector<16xi32> to vector<16xi32>
      %swap3A_803 = vector.shape_cast %add3A_799 : vector<16xi32> to vector<16xi32>
      tpu.vector_store %arg15[%swap3A_800], %swap3A_803 {strides = array<i32>} : memref<384xi32, #tpu.memory_space<vmem>>, vector<16xi32>,
      %add3A_804 = arith.constant 2 : i32
      %add3A_805 = vector.broadcast %add3A_804 : i32 to vector<16xi32>
      %add3A_806 = arith.addi %mul3A_789, %add3A_805 : vector<16xi32>
      %swap3A_807 = arith.constant 256 : index
      %swap3A_808 = tpu.vector_load %arg15[%swap3A_807] {strides = array<i32>} : memref<384xi32, #tpu.memory_space<vmem>>, vector<16xi32>,
      %swap3A_809 = vector.shape_cast %swap3A_808 : vector<16xi32> to vector<16xi32>
      %swap3A_810 = vector.shape_cast %add3A_806 : vector<16xi32> to vector<16xi32>
      tpu.vector_store %arg15[%swap3A_807], %swap3A_810 {strides = array<i32>} : memref<384xi32, #tpu.memory_space<vmem>>, vector<16xi32>,
      %add3A_811 = arith.constant 16 : i32
      %add3A_812 = arith.addi %add3A_777, %add3A_811 : i32
      %get3A_813 = arith.index_cast %add3A_812 : i32 to index
      %get3A_814 = tpu.vector_load %arg7[%get3A_813] {strides = array<i32>} : memref<2048xi32, #tpu.memory_space<vmem>>, vector<16xi32>,
      %get3A_815 = vector.shape_cast %get3A_814 : vector<16xi32> to vector<16xi32>
      %mul3A_816 = arith.constant 16 : i32
      %mul3A_817 = vector.broadcast %mul3A_816 : i32 to vector<16xi32>
      %mul3A_818 = arith.muli %get3A_815, %mul3A_817 : vector<16xi32>
      %add3A_819 = arith.constant 0 : i32
      %add3A_820 = vector.broadcast %add3A_819 : i32 to vector<16xi32>
      %add3A_821 = arith.addi %mul3A_818, %add3A_820 : vector<16xi32>
      %swap3A_822 = arith.constant 16 : index
      %swap3A_823 = tpu.vector_load %arg15[%swap3A_822] {strides = array<i32>} : memref<384xi32, #tpu.memory_space<vmem>>, vector<16xi32>,
      %swap3A_824 = vector.shape_cast %swap3A_823 : vector<16xi32> to vector<16xi32>
      %swap3A_825 = vector.shape_cast %add3A_821 : vector<16xi32> to vector<16xi32>
      tpu.vector_store %arg15[%swap3A_822], %swap3A_825 {strides = array<i32>} : memref<384xi32, #tpu.memory_space<vmem>>, vector<16xi32>,
      %add3A_826 = arith.constant 1 : i32
      %add3A_827 = vector.broadcast %add3A_826 : i32 to vector<16xi32>
      %add3A_828 = arith.addi %mul3A_818, %add3A_827 : vector<16xi32>
      %swap3A_829 = arith.constant 144 : index
      %swap3A_830 = tpu.vector_load %arg15[%swap3A_829] {strides = array<i32>} : memref<384xi32, #tpu.memory_space<vmem>>, vector<16xi32>,
      %swap3A_831 = vector.shape_cast %swap3A_830 : vector<16xi32> to vector<16xi32>
      %swap3A_832 = vector.shape_cast %add3A_828 : vector<16xi32> to vector<16xi32>
      tpu.vector_store %arg15[%swap3A_829], %swap3A_832 {strides = array<i32>} : memref<384xi32, #tpu.memory_space<vmem>>, vector<16xi32>,
      %add3A_833 = arith.constant 2 : i32
      %add3A_834 = vector.broadcast %add3A_833 : i32 to vector<16xi32>
      %add3A_835 = arith.addi %mul3A_818, %add3A_834 : vector<16xi32>
      %swap3A_836 = arith.constant 272 : index
      %swap3A_837 = tpu.vector_load %arg15[%swap3A_836] {strides = array<i32>} : memref<384xi32, #tpu.memory_space<vmem>>, vector<16xi32>,
      %swap3A_838 = vector.shape_cast %swap3A_837 : vector<16xi32> to vector<16xi32>
      %swap3A_839 = vector.shape_cast %add3A_835 : vector<16xi32> to vector<16xi32>
      tpu.vector_store %arg15[%swap3A_836], %swap3A_839 {strides = array<i32>} : memref<384xi32, #tpu.memory_space<vmem>>, vector<16xi32>,
      %add3A_840 = arith.constant 32 : i32
      %add3A_841 = arith.addi %add3A_777, %add3A_840 : i32
      %get3A_842 = arith.index_cast %add3A_841 : i32 to index
      %get3A_843 = tpu.vector_load %arg7[%get3A_842] {strides = array<i32>} : memref<2048xi32, #tpu.memory_space<vmem>>, vector<16xi32>,
      %get3A_844 = vector.shape_cast %get3A_843 : vector<16xi32> to vector<16xi32>
      %mul3A_845 = arith.constant 16 : i32
      %mul3A_846 = vector.broadcast %mul3A_845 : i32 to vector<16xi32>
      %mul3A_847 = arith.muli %get3A_844, %mul3A_846 : vector<16xi32>
      %add3A_848 = arith.constant 0 : i32
      %add3A_849 = vector.broadcast %add3A_848 : i32 to vector<16xi32>
      %add3A_850 = arith.addi %mul3A_847, %add3A_849 : vector<16xi32>
      %swap3A_851 = arith.constant 32 : index
      %swap3A_852 = tpu.vector_load %arg15[%swap3A_851] {strides = array<i32>} : memref<384xi32, #tpu.memory_space<vmem>>, vector<16xi32>,
      %swap3A_853 = vector.shape_cast %swap3A_852 : vector<16xi32> to vector<16xi32>
      %swap3A_854 = vector.shape_cast %add3A_850 : vector<16xi32> to vector<16xi32>
      tpu.vector_store %arg15[%swap3A_851], %swap3A_854 {strides = array<i32>} : memref<384xi32, #tpu.memory_space<vmem>>, vector<16xi32>,
      %add3A_855 = arith.constant 1 : i32
      %add3A_856 = vector.broadcast %add3A_855 : i32 to vector<16xi32>
      %add3A_857 = arith.addi %mul3A_847, %add3A_856 : vector<16xi32>
      %swap3A_858 = arith.constant 160 : index
      %swap3A_859 = tpu.vector_load %arg15[%swap3A_858] {strides = array<i32>} : memref<384xi32, #tpu.memory_space<vmem>>, vector<16xi32>,
      %swap3A_860 = vector.shape_cast %swap3A_859 : vector<16xi32> to vector<16xi32>
      %swap3A_861 = vector.shape_cast %add3A_857 : vector<16xi32> to vector<16xi32>
      tpu.vector_store %arg15[%swap3A_858], %swap3A_861 {strides = array<i32>} : memref<384xi32, #tpu.memory_space<vmem>>, vector<16xi32>,
      %add3A_862 = arith.constant 2 : i32
      %add3A_863 = vector.broadcast %add3A_862 : i32 to vector<16xi32>
      %add3A_864 = arith.addi %mul3A_847, %add3A_863 : vector<16xi32>
      %swap3A_865 = arith.constant 288 : index
      %swap3A_866 = tpu.vector_load %arg15[%swap3A_865] {strides = array<i32>} : memref<384xi32, #tpu.memory_space<vmem>>, vector<16xi32>,
      %swap3A_867 = vector.shape_cast %swap3A_866 : vector<16xi32> to vector<16xi32>
      %swap3A_868 = vector.shape_cast %add3A_864 : vector<16xi32> to vector<16xi32>
      tpu.vector_store %arg15[%swap3A_865], %swap3A_868 {strides = array<i32>} : memref<384xi32, #tpu.memory_space<vmem>>, vector<16xi32>,
      %add3A_869 = arith.constant 48 : i32
      %add3A_870 = arith.addi %add3A_777, %add3A_869 : i32
      %get3A_871 = arith.index_cast %add3A_870 : i32 to index
      %get3A_872 = tpu.vector_load %arg7[%get3A_871] {strides = array<i32>} : memref<2048xi32, #tpu.memory_space<vmem>>, vector<16xi32>,
      %get3A_873 = vector.shape_cast %get3A_872 : vector<16xi32> to vector<16xi32>
      %mul3A_874 = arith.constant 16 : i32
      %mul3A_875 = vector.broadcast %mul3A_874 : i32 to vector<16xi32>
      %mul3A_876 = arith.muli %get3A_873, %mul3A_875 : vector<16xi32>
      %add3A_877 = arith.constant 0 : i32
      %add3A_878 = vector.broadcast %add3A_877 : i32 to vector<16xi32>
      %add3A_879 = arith.addi %mul3A_876, %add3A_878 : vector<16xi32>
      %swap3A_880 = arith.constant 48 : index
      %swap3A_881 = tpu.vector_load %arg15[%swap3A_880] {strides = array<i32>} : memref<384xi32, #tpu.memory_space<vmem>>, vector<16xi32>,
      %swap3A_882 = vector.shape_cast %swap3A_881 : vector<16xi32> to vector<16xi32>
      %swap3A_883 = vector.shape_cast %add3A_879 : vector<16xi32> to vector<16xi32>
      tpu.vector_store %arg15[%swap3A_880], %swap3A_883 {strides = array<i32>} : memref<384xi32, #tpu.memory_space<vmem>>, vector<16xi32>,
      %add3A_884 = arith.constant 1 : i32
      %add3A_885 = vector.broadcast %add3A_884 : i32 to vector<16xi32>
      %add3A_886 = arith.addi %mul3A_876, %add3A_885 : vector<16xi32>
      %swap3A_887 = arith.constant 176 : index
      %swap3A_888 = tpu.vector_load %arg15[%swap3A_887] {strides = array<i32>} : memref<384xi32, #tpu.memory_space<vmem>>, vector<16xi32>,
      %swap3A_889 = vector.shape_cast %swap3A_888 : vector<16xi32> to vector<16xi32>
      %swap3A_890 = vector.shape_cast %add3A_886 : vector<16xi32> to vector<16xi32>
      tpu.vector_store %arg15[%swap3A_887], %swap3A_890 {strides = array<i32>} : memref<384xi32, #tpu.memory_space<vmem>>, vector<16xi32>,
      %add3A_891 = arith.constant 2 : i32
      %add3A_892 = vector.broadcast %add3A_891 : i32 to vector<16xi32>
      %add3A_893 = arith.addi %mul3A_876, %add3A_892 : vector<16xi32>
      %swap3A_894 = arith.constant 304 : index
      %swap3A_895 = tpu.vector_load %arg15[%swap3A_894] {strides = array<i32>} : memref<384xi32, #tpu.memory_space<vmem>>, vector<16xi32>,
      %swap3A_896 = vector.shape_cast %swap3A_895 : vector<16xi32> to vector<16xi32>
      %swap3A_897 = vector.shape_cast %add3A_893 : vector<16xi32> to vector<16xi32>
      tpu.vector_store %arg15[%swap3A_894], %swap3A_897 {strides = array<i32>} : memref<384xi32, #tpu.memory_space<vmem>>, vector<16xi32>,
      %add3A_898 = arith.constant 64 : i32
      %add3A_899 = arith.addi %add3A_777, %add3A_898 : i32
      %get3A_900 = arith.index_cast %add3A_899 : i32 to index
      %get3A_901 = tpu.vector_load %arg7[%get3A_900] {strides = array<i32>} : memref<2048xi32, #tpu.memory_space<vmem>>, vector<16xi32>,
      %get3A_902 = vector.shape_cast %get3A_901 : vector<16xi32> to vector<16xi32>
      %mul3A_903 = arith.constant 16 : i32
      %mul3A_904 = vector.broadcast %mul3A_903 : i32 to vector<16xi32>
      %mul3A_905 = arith.muli %get3A_902, %mul3A_904 : vector<16xi32>
      %add3A_906 = arith.constant 0 : i32
      %add3A_907 = vector.broadcast %add3A_906 : i32 to vector<16xi32>
      %add3A_908 = arith.addi %mul3A_905, %add3A_907 : vector<16xi32>
      %swap3A_909 = arith.constant 64 : index
      %swap3A_910 = tpu.vector_load %arg15[%swap3A_909] {strides = array<i32>} : memref<384xi32, #tpu.memory_space<vmem>>, vector<16xi32>,
      %swap3A_911 = vector.shape_cast %swap3A_910 : vector<16xi32> to vector<16xi32>
      %swap3A_912 = vector.shape_cast %add3A_908 : vector<16xi32> to vector<16xi32>
      tpu.vector_store %arg15[%swap3A_909], %swap3A_912 {strides = array<i32>} : memref<384xi32, #tpu.memory_space<vmem>>, vector<16xi32>,
      %add3A_913 = arith.constant 1 : i32
      %add3A_914 = vector.broadcast %add3A_913 : i32 to vector<16xi32>
      %add3A_915 = arith.addi %mul3A_905, %add3A_914 : vector<16xi32>
      %swap3A_916 = arith.constant 192 : index
      %swap3A_917 = tpu.vector_load %arg15[%swap3A_916] {strides = array<i32>} : memref<384xi32, #tpu.memory_space<vmem>>, vector<16xi32>,
      %swap3A_918 = vector.shape_cast %swap3A_917 : vector<16xi32> to vector<16xi32>
      %swap3A_919 = vector.shape_cast %add3A_915 : vector<16xi32> to vector<16xi32>
      tpu.vector_store %arg15[%swap3A_916], %swap3A_919 {strides = array<i32>} : memref<384xi32, #tpu.memory_space<vmem>>, vector<16xi32>,
      %add3A_920 = arith.constant 2 : i32
      %add3A_921 = vector.broadcast %add3A_920 : i32 to vector<16xi32>
      %add3A_922 = arith.addi %mul3A_905, %add3A_921 : vector<16xi32>
      %swap3A_923 = arith.constant 320 : index
      %swap3A_924 = tpu.vector_load %arg15[%swap3A_923] {strides = array<i32>} : memref<384xi32, #tpu.memory_space<vmem>>, vector<16xi32>,
      %swap3A_925 = vector.shape_cast %swap3A_924 : vector<16xi32> to vector<16xi32>
      %swap3A_926 = vector.shape_cast %add3A_922 : vector<16xi32> to vector<16xi32>
      tpu.vector_store %arg15[%swap3A_923], %swap3A_926 {strides = array<i32>} : memref<384xi32, #tpu.memory_space<vmem>>, vector<16xi32>,
      %add3A_927 = arith.constant 80 : i32
      %add3A_928 = arith.addi %add3A_777, %add3A_927 : i32
      %get3A_929 = arith.index_cast %add3A_928 : i32 to index
      %get3A_930 = tpu.vector_load %arg7[%get3A_929] {strides = array<i32>} : memref<2048xi32, #tpu.memory_space<vmem>>, vector<16xi32>,
      %get3A_931 = vector.shape_cast %get3A_930 : vector<16xi32> to vector<16xi32>
      %mul3A_932 = arith.constant 16 : i32
      %mul3A_933 = vector.broadcast %mul3A_932 : i32 to vector<16xi32>
      %mul3A_934 = arith.muli %get3A_931, %mul3A_933 : vector<16xi32>
      %add3A_935 = arith.constant 0 : i32
      %add3A_936 = vector.broadcast %add3A_935 : i32 to vector<16xi32>
      %add3A_937 = arith.addi %mul3A_934, %add3A_936 : vector<16xi32>
      %swap3A_938 = arith.constant 80 : index
      %swap3A_939 = tpu.vector_load %arg15[%swap3A_938] {strides = array<i32>} : memref<384xi32, #tpu.memory_space<vmem>>, vector<16xi32>,
      %swap3A_940 = vector.shape_cast %swap3A_939 : vector<16xi32> to vector<16xi32>
      %swap3A_941 = vector.shape_cast %add3A_937 : vector<16xi32> to vector<16xi32>
      tpu.vector_store %arg15[%swap3A_938], %swap3A_941 {strides = array<i32>} : memref<384xi32, #tpu.memory_space<vmem>>, vector<16xi32>,
      %add3A_942 = arith.constant 1 : i32
      %add3A_943 = vector.broadcast %add3A_942 : i32 to vector<16xi32>
      %add3A_944 = arith.addi %mul3A_934, %add3A_943 : vector<16xi32>
      %swap3A_945 = arith.constant 208 : index
      %swap3A_946 = tpu.vector_load %arg15[%swap3A_945] {strides = array<i32>} : memref<384xi32, #tpu.memory_space<vmem>>, vector<16xi32>,
      %swap3A_947 = vector.shape_cast %swap3A_946 : vector<16xi32> to vector<16xi32>
      %swap3A_948 = vector.shape_cast %add3A_944 : vector<16xi32> to vector<16xi32>
      tpu.vector_store %arg15[%swap3A_945], %swap3A_948 {strides = array<i32>} : memref<384xi32, #tpu.memory_space<vmem>>, vector<16xi32>,
      %add3A_949 = arith.constant 2 : i32
      %add3A_950 = vector.broadcast %add3A_949 : i32 to vector<16xi32>
      %add3A_951 = arith.addi %mul3A_934, %add3A_950 : vector<16xi32>
      %swap3A_952 = arith.constant 336 : index
      %swap3A_953 = tpu.vector_load %arg15[%swap3A_952] {strides = array<i32>} : memref<384xi32, #tpu.memory_space<vmem>>, vector<16xi32>,
      %swap3A_954 = vector.shape_cast %swap3A_953 : vector<16xi32> to vector<16xi32>
      %swap3A_955 = vector.shape_cast %add3A_951 : vector<16xi32> to vector<16xi32>
      tpu.vector_store %arg15[%swap3A_952], %swap3A_955 {strides = array<i32>} : memref<384xi32, #tpu.memory_space<vmem>>, vector<16xi32>,
      %add3A_956 = arith.constant 96 : i32
      %add3A_957 = arith.addi %add3A_777, %add3A_956 : i32
      %get3A_958 = arith.index_cast %add3A_957 : i32 to index
      %get3A_959 = tpu.vector_load %arg7[%get3A_958] {strides = array<i32>} : memref<2048xi32, #tpu.memory_space<vmem>>, vector<16xi32>,
      %get3A_960 = vector.shape_cast %get3A_959 : vector<16xi32> to vector<16xi32>
      %mul3A_961 = arith.constant 16 : i32
      %mul3A_962 = vector.broadcast %mul3A_961 : i32 to vector<16xi32>
      %mul3A_963 = arith.muli %get3A_960, %mul3A_962 : vector<16xi32>
      %add3A_964 = arith.constant 0 : i32
      %add3A_965 = vector.broadcast %add3A_964 : i32 to vector<16xi32>
      %add3A_966 = arith.addi %mul3A_963, %add3A_965 : vector<16xi32>
      %swap3A_967 = arith.constant 96 : index
      %swap3A_968 = tpu.vector_load %arg15[%swap3A_967] {strides = array<i32>} : memref<384xi32, #tpu.memory_space<vmem>>, vector<16xi32>,
      %swap3A_969 = vector.shape_cast %swap3A_968 : vector<16xi32> to vector<16xi32>
      %swap3A_970 = vector.shape_cast %add3A_966 : vector<16xi32> to vector<16xi32>
      tpu.vector_store %arg15[%swap3A_967], %swap3A_970 {strides = array<i32>} : memref<384xi32, #tpu.memory_space<vmem>>, vector<16xi32>,
      %add3A_971 = arith.constant 1 : i32
      %add3A_972 = vector.broadcast %add3A_971 : i32 to vector<16xi32>
      %add3A_973 = arith.addi %mul3A_963, %add3A_972 : vector<16xi32>
      %swap3A_974 = arith.constant 224 : index
      %swap3A_975 = tpu.vector_load %arg15[%swap3A_974] {strides = array<i32>} : memref<384xi32, #tpu.memory_space<vmem>>, vector<16xi32>,
      %swap3A_976 = vector.shape_cast %swap3A_975 : vector<16xi32> to vector<16xi32>
      %swap3A_977 = vector.shape_cast %add3A_973 : vector<16xi32> to vector<16xi32>
      tpu.vector_store %arg15[%swap3A_974], %swap3A_977 {strides = array<i32>} : memref<384xi32, #tpu.memory_space<vmem>>, vector<16xi32>,
      %add3A_978 = arith.constant 2 : i32
      %add3A_979 = vector.broadcast %add3A_978 : i32 to vector<16xi32>
      %add3A_980 = arith.addi %mul3A_963, %add3A_979 : vector<16xi32>
      %swap3A_981 = arith.constant 352 : index
      %swap3A_982 = tpu.vector_load %arg15[%swap3A_981] {strides = array<i32>} : memref<384xi32, #tpu.memory_space<vmem>>, vector<16xi32>,
      %swap3A_983 = vector.shape_cast %swap3A_982 : vector<16xi32> to vector<16xi32>
      %swap3A_984 = vector.shape_cast %add3A_980 : vector<16xi32> to vector<16xi32>
      tpu.vector_store %arg15[%swap3A_981], %swap3A_984 {strides = array<i32>} : memref<384xi32, #tpu.memory_space<vmem>>, vector<16xi32>,
      %add3A_985 = arith.constant 112 : i32
      %add3A_986 = arith.addi %add3A_777, %add3A_985 : i32
      %get3A_987 = arith.index_cast %add3A_986 : i32 to index
      %get3A_988 = tpu.vector_load %arg7[%get3A_987] {strides = array<i32>} : memref<2048xi32, #tpu.memory_space<vmem>>, vector<16xi32>,
      %get3A_989 = vector.shape_cast %get3A_988 : vector<16xi32> to vector<16xi32>
      %mul3A_990 = arith.constant 16 : i32
      %mul3A_991 = vector.broadcast %mul3A_990 : i32 to vector<16xi32>
      %mul3A_992 = arith.muli %get3A_989, %mul3A_991 : vector<16xi32>
      %add3A_993 = arith.constant 0 : i32
      %add3A_994 = vector.broadcast %add3A_993 : i32 to vector<16xi32>
      %add3A_995 = arith.addi %mul3A_992, %add3A_994 : vector<16xi32>
      %swap3A_996 = arith.constant 112 : index
      %swap3A_997 = tpu.vector_load %arg15[%swap3A_996] {strides = array<i32>} : memref<384xi32, #tpu.memory_space<vmem>>, vector<16xi32>,
      %swap3A_998 = vector.shape_cast %swap3A_997 : vector<16xi32> to vector<16xi32>
      %swap3A_999 = vector.shape_cast %add3A_995 : vector<16xi32> to vector<16xi32>
      tpu.vector_store %arg15[%swap3A_996], %swap3A_999 {strides = array<i32>} : memref<384xi32, #tpu.memory_space<vmem>>, vector<16xi32>,
      %add3A_1000 = arith.constant 1 : i32
      %add3A_1001 = vector.broadcast %add3A_1000 : i32 to vector<16xi32>
      %add3A_1002 = arith.addi %mul3A_992, %add3A_1001 : vector<16xi32>
      %swap3A_1003 = arith.constant 240 : index
      %swap3A_1004 = tpu.vector_load %arg15[%swap3A_1003] {strides = array<i32>} : memref<384xi32, #tpu.memory_space<vmem>>, vector<16xi32>,
      %swap3A_1005 = vector.shape_cast %swap3A_1004 : vector<16xi32> to vector<16xi32>
      %swap3A_1006 = vector.shape_cast %add3A_1002 : vector<16xi32> to vector<16xi32>
      tpu.vector_store %arg15[%swap3A_1003], %swap3A_1006 {strides = array<i32>} : memref<384xi32, #tpu.memory_space<vmem>>, vector<16xi32>,
      %add3A_1007 = arith.constant 2 : i32
      %add3A_1008 = vector.broadcast %add3A_1007 : i32 to vector<16xi32>
      %add3A_1009 = arith.addi %mul3A_992, %add3A_1008 : vector<16xi32>
      %swap3A_1010 = arith.constant 368 : index
      %swap3A_1011 = tpu.vector_load %arg15[%swap3A_1010] {strides = array<i32>} : memref<384xi32, #tpu.memory_space<vmem>>, vector<16xi32>,
      %swap3A_1012 = vector.shape_cast %swap3A_1011 : vector<16xi32> to vector<16xi32>
      %swap3A_1013 = vector.shape_cast %add3A_1009 : vector<16xi32> to vector<16xi32>
      tpu.vector_store %arg15[%swap3A_1010], %swap3A_1013 {strides = array<i32>} : memref<384xi32, #tpu.memory_space<vmem>>, vector<16xi32>,
      %dma_start3A_1014 = arith.constant 0 : i32
      %dma_start3A_1015 = tpu.memref_slice %arg3[%dma_start3A_1014] : memref<262144xf32, #tpu.memory_space<hbm>> -> memref<262144xf32, #tpu.memory_space<hbm>>
      tpu.enqueue_indirect_dma source(%dma_start3A_1015 : memref<262144xf32, #tpu.memory_space<hbm>>) target(%arg19 : memref<384xf32, #tpu.memory_space<vmem>>) offsets(%arg15 : memref<384xi32, #tpu.memory_space<vmem>>) semaphore(%arg27 : memref<!tpu.dma_semaphore, #tpu.memory_space<semaphore_mem>>)
      %add3A_1016 = arith.constant 0 : i32
      %add3A_1017 = arith.addi %mul3A_41, %add3A_1016 : i32
      %dma_wait3A_1018 = tpu.memref_slice %arg7[%add3A_45] : memref<2048xi32, #tpu.memory_space<vmem>> -> memref<128xi32, #tpu.memory_space<vmem>>
      %dma_wait3A_1019 = arith.constant 0 : i32
      %dma_wait3A_1020 = arith.constant 0 : i32
      %dma_wait3A_1021 = tpu.memref_slice %arg2[%dma_wait3A_1019, %dma_wait3A_1020] : memref<16384x128xi32, #tpu.memory_space<hbm>> -> memref<16384x128xi32, #tpu.memory_space<hbm>>
      tpu.wait_indirect_dma semaphore(%arg20 : memref<!tpu.dma_semaphore, #tpu.memory_space<semaphore_mem>>) src(%dma_wait3A_1021 : memref<16384x128xi32, #tpu.memory_space<hbm>>) dst(%arg8 : memref<128x128xi32, #tpu.memory_space<vmem>>)
      %dma_wait3A_1022 = arith.constant 0 : i32
      %dma_wait3A_1023 = tpu.memref_slice %arg3[%dma_wait3A_1022] : memref<262144xf32, #tpu.memory_space<hbm>> -> memref<262144xf32, #tpu.memory_space<hbm>>
      tpu.wait_indirect_dma semaphore(%arg24 : memref<!tpu.dma_semaphore, #tpu.memory_space<semaphore_mem>>) src(%dma_wait3A_1023 : memref<262144xf32, #tpu.memory_space<hbm>>) dst(%arg16 : memref<384xf32, #tpu.memory_space<vmem>>)
      %add3A_1024 = arith.addi %mul3A_2, %add3A_1017 : i32
      %dma_start3A_1025 = arith.constant 0 : i32
      %dma_start3A_1026 = tpu.memref_slice %arg5[%add3A_1024, %dma_start3A_1025] : memref<65536x128xi32, #tpu.memory_space<hbm>> -> memref<128x128xi32, #tpu.memory_space<hbm>>
      %dma_start3A_1027 = arith.constant 0 : i32
      %dma_start3A_1028 = tpu.memref_slice %arg5[%add3A_1024, %dma_start3A_1027] : memref<65536x128xi32, #tpu.memory_space<hbm>> -> memref<128x128xi32, #tpu.memory_space<hbm>>
      tpu.enqueue_dma source(%arg8 : memref<128x128xi32, #tpu.memory_space<vmem>>) target(%dma_start3A_1028 : memref<128x128xi32, #tpu.memory_space<hbm>>) target_semaphore(%arg28 : memref<!tpu.dma_semaphore, #tpu.memory_space<semaphore_mem>>)
      %add3A_1029 = arith.addi %mul3A_2, %add3A_1017 : i32
      %mul3A_1030 = arith.constant 3 : i32
      %mul3A_1031 = arith.muli %add3A_1029, %mul3A_1030 : i32
      %dma_start3A_1032 = tpu.memref_slice %arg6[%mul3A_1031] : memref<196608xf32, #tpu.memory_space<hbm>> -> memref<384xf32, #tpu.memory_space<hbm>>
      %dma_start3A_1033 = tpu.memref_slice %arg6[%mul3A_1031] : memref<196608xf32, #tpu.memory_space<hbm>> -> memref<384xf32, #tpu.memory_space<hbm>>
      tpu.enqueue_dma source(%arg16 : memref<384xf32, #tpu.memory_space<vmem>>) target(%dma_start3A_1033 : memref<384xf32, #tpu.memory_space<hbm>>) target_semaphore(%arg32 : memref<!tpu.dma_semaphore, #tpu.memory_space<semaphore_mem>>)
      %add3A_1034 = arith.constant 128 : i32
      %add3A_1035 = arith.addi %mul3A_41, %add3A_1034 : i32
      %dma_wait3A_1036 = tpu.memref_slice %arg7[%add3A_287] : memref<2048xi32, #tpu.memory_space<vmem>> -> memref<128xi32, #tpu.memory_space<vmem>>
      %dma_wait3A_1037 = arith.constant 0 : i32
      %dma_wait3A_1038 = arith.constant 0 : i32
      %dma_wait3A_1039 = tpu.memref_slice %arg2[%dma_wait3A_1037, %dma_wait3A_1038] : memref<16384x128xi32, #tpu.memory_space<hbm>> -> memref<16384x128xi32, #tpu.memory_space<hbm>>
      tpu.wait_indirect_dma semaphore(%arg21 : memref<!tpu.dma_semaphore, #tpu.memory_space<semaphore_mem>>) src(%dma_wait3A_1039 : memref<16384x128xi32, #tpu.memory_space<hbm>>) dst(%arg9 : memref<128x128xi32, #tpu.memory_space<vmem>>)
      %dma_wait3A_1040 = arith.constant 0 : i32
      %dma_wait3A_1041 = tpu.memref_slice %arg3[%dma_wait3A_1040] : memref<262144xf32, #tpu.memory_space<hbm>> -> memref<262144xf32, #tpu.memory_space<hbm>>
      tpu.wait_indirect_dma semaphore(%arg25 : memref<!tpu.dma_semaphore, #tpu.memory_space<semaphore_mem>>) src(%dma_wait3A_1041 : memref<262144xf32, #tpu.memory_space<hbm>>) dst(%arg17 : memref<384xf32, #tpu.memory_space<vmem>>)
      %add3A_1042 = arith.addi %mul3A_2, %add3A_1035 : i32
      %dma_start3A_1043 = arith.constant 0 : i32
      %dma_start3A_1044 = tpu.memref_slice %arg5[%add3A_1042, %dma_start3A_1043] : memref<65536x128xi32, #tpu.memory_space<hbm>> -> memref<128x128xi32, #tpu.memory_space<hbm>>
      %dma_start3A_1045 = arith.constant 0 : i32
      %dma_start3A_1046 = tpu.memref_slice %arg5[%add3A_1042, %dma_start3A_1045] : memref<65536x128xi32, #tpu.memory_space<hbm>> -> memref<128x128xi32, #tpu.memory_space<hbm>>
      tpu.enqueue_dma source(%arg9 : memref<128x128xi32, #tpu.memory_space<vmem>>) target(%dma_start3A_1046 : memref<128x128xi32, #tpu.memory_space<hbm>>) target_semaphore(%arg29 : memref<!tpu.dma_semaphore, #tpu.memory_space<semaphore_mem>>)
      %add3A_1047 = arith.addi %mul3A_2, %add3A_1035 : i32
      %mul3A_1048 = arith.constant 3 : i32
      %mul3A_1049 = arith.muli %add3A_1047, %mul3A_1048 : i32
      %dma_start3A_1050 = tpu.memref_slice %arg6[%mul3A_1049] : memref<196608xf32, #tpu.memory_space<hbm>> -> memref<384xf32, #tpu.memory_space<hbm>>
      %dma_start3A_1051 = tpu.memref_slice %arg6[%mul3A_1049] : memref<196608xf32, #tpu.memory_space<hbm>> -> memref<384xf32, #tpu.memory_space<hbm>>
      tpu.enqueue_dma source(%arg17 : memref<384xf32, #tpu.memory_space<vmem>>) target(%dma_start3A_1051 : memref<384xf32, #tpu.memory_space<hbm>>) target_semaphore(%arg33 : memref<!tpu.dma_semaphore, #tpu.memory_space<semaphore_mem>>)
      %add3A_1052 = arith.constant 256 : i32
      %add3A_1053 = arith.addi %mul3A_41, %add3A_1052 : i32
      %dma_wait3A_1054 = tpu.memref_slice %arg7[%add3A_532] : memref<2048xi32, #tpu.memory_space<vmem>> -> memref<128xi32, #tpu.memory_space<vmem>>
      %dma_wait3A_1055 = arith.constant 0 : i32
      %dma_wait3A_1056 = arith.constant 0 : i32
      %dma_wait3A_1057 = tpu.memref_slice %arg2[%dma_wait3A_1055, %dma_wait3A_1056] : memref<16384x128xi32, #tpu.memory_space<hbm>> -> memref<16384x128xi32, #tpu.memory_space<hbm>>
      tpu.wait_indirect_dma semaphore(%arg22 : memref<!tpu.dma_semaphore, #tpu.memory_space<semaphore_mem>>) src(%dma_wait3A_1057 : memref<16384x128xi32, #tpu.memory_space<hbm>>) dst(%arg10 : memref<128x128xi32, #tpu.memory_space<vmem>>)
      %dma_wait3A_1058 = arith.constant 0 : i32
      %dma_wait3A_1059 = tpu.memref_slice %arg3[%dma_wait3A_1058] : memref<262144xf32, #tpu.memory_space<hbm>> -> memref<262144xf32, #tpu.memory_space<hbm>>
      tpu.wait_indirect_dma semaphore(%arg26 : memref<!tpu.dma_semaphore, #tpu.memory_space<semaphore_mem>>) src(%dma_wait3A_1059 : memref<262144xf32, #tpu.memory_space<hbm>>) dst(%arg18 : memref<384xf32, #tpu.memory_space<vmem>>)
      %add3A_1060 = arith.addi %mul3A_2, %add3A_1053 : i32
      %dma_start3A_1061 = arith.constant 0 : i32
      %dma_start3A_1062 = tpu.memref_slice %arg5[%add3A_1060, %dma_start3A_1061] : memref<65536x128xi32, #tpu.memory_space<hbm>> -> memref<128x128xi32, #tpu.memory_space<hbm>>
      %dma_start3A_1063 = arith.constant 0 : i32
      %dma_start3A_1064 = tpu.memref_slice %arg5[%add3A_1060, %dma_start3A_1063] : memref<65536x128xi32, #tpu.memory_space<hbm>> -> memref<128x128xi32, #tpu.memory_space<hbm>>
      tpu.enqueue_dma source(%arg10 : memref<128x128xi32, #tpu.memory_space<vmem>>) target(%dma_start3A_1064 : memref<128x128xi32, #tpu.memory_space<hbm>>) target_semaphore(%arg30 : memref<!tpu.dma_semaphore, #tpu.memory_space<semaphore_mem>>)
      %add3A_1065 = arith.addi %mul3A_2, %add3A_1053 : i32
      %mul3A_1066 = arith.constant 3 : i32
      %mul3A_1067 = arith.muli %add3A_1065, %mul3A_1066 : i32
      %dma_start3A_1068 = tpu.memref_slice %arg6[%mul3A_1067] : memref<196608xf32, #tpu.memory_space<hbm>> -> memref<384xf32, #tpu.memory_space<hbm>>
      %dma_start3A_1069 = tpu.memref_slice %arg6[%mul3A_1067] : memref<196608xf32, #tpu.memory_space<hbm>> -> memref<384xf32, #tpu.memory_space<hbm>>
      tpu.enqueue_dma source(%arg18 : memref<384xf32, #tpu.memory_space<vmem>>) target(%dma_start3A_1069 : memref<384xf32, #tpu.memory_space<hbm>>) target_semaphore(%arg34 : memref<!tpu.dma_semaphore, #tpu.memory_space<semaphore_mem>>)
      %add3A_1070 = arith.constant 384 : i32
      %add3A_1071 = arith.addi %mul3A_41, %add3A_1070 : i32
      %dma_wait3A_1072 = tpu.memref_slice %arg7[%add3A_777] : memref<2048xi32, #tpu.memory_space<vmem>> -> memref<128xi32, #tpu.memory_space<vmem>>
      %dma_wait3A_1073 = arith.constant 0 : i32
      %dma_wait3A_1074 = arith.constant 0 : i32
      %dma_wait3A_1075 = tpu.memref_slice %arg2[%dma_wait3A_1073, %dma_wait3A_1074] : memref<16384x128xi32, #tpu.memory_space<hbm>> -> memref<16384x128xi32, #tpu.memory_space<hbm>>
      tpu.wait_indirect_dma semaphore(%arg23 : memref<!tpu.dma_semaphore, #tpu.memory_space<semaphore_mem>>) src(%dma_wait3A_1075 : memref<16384x128xi32, #tpu.memory_space<hbm>>) dst(%arg11 : memref<128x128xi32, #tpu.memory_space<vmem>>)
      %dma_wait3A_1076 = arith.constant 0 : i32
      %dma_wait3A_1077 = tpu.memref_slice %arg3[%dma_wait3A_1076] : memref<262144xf32, #tpu.memory_space<hbm>> -> memref<262144xf32, #tpu.memory_space<hbm>>
      tpu.wait_indirect_dma semaphore(%arg27 : memref<!tpu.dma_semaphore, #tpu.memory_space<semaphore_mem>>) src(%dma_wait3A_1077 : memref<262144xf32, #tpu.memory_space<hbm>>) dst(%arg19 : memref<384xf32, #tpu.memory_space<vmem>>)
      %add3A_1078 = arith.addi %mul3A_2, %add3A_1071 : i32
      %dma_start3A_1079 = arith.constant 0 : i32
      %dma_start3A_1080 = tpu.memref_slice %arg5[%add3A_1078, %dma_start3A_1079] : memref<65536x128xi32, #tpu.memory_space<hbm>> -> memref<128x128xi32, #tpu.memory_space<hbm>>
      %dma_start3A_1081 = arith.constant 0 : i32
      %dma_start3A_1082 = tpu.memref_slice %arg5[%add3A_1078, %dma_start3A_1081] : memref<65536x128xi32, #tpu.memory_space<hbm>> -> memref<128x128xi32, #tpu.memory_space<hbm>>
      tpu.enqueue_dma source(%arg11 : memref<128x128xi32, #tpu.memory_space<vmem>>) target(%dma_start3A_1082 : memref<128x128xi32, #tpu.memory_space<hbm>>) target_semaphore(%arg31 : memref<!tpu.dma_semaphore, #tpu.memory_space<semaphore_mem>>)
      %add3A_1083 = arith.addi %mul3A_2, %add3A_1071 : i32
      %mul3A_1084 = arith.constant 3 : i32
      %mul3A_1085 = arith.muli %add3A_1083, %mul3A_1084 : i32
      %dma_start3A_1086 = tpu.memref_slice %arg6[%mul3A_1085] : memref<196608xf32, #tpu.memory_space<hbm>> -> memref<384xf32, #tpu.memory_space<hbm>>
      %dma_start3A_1087 = tpu.memref_slice %arg6[%mul3A_1085] : memref<196608xf32, #tpu.memory_space<hbm>> -> memref<384xf32, #tpu.memory_space<hbm>>
      tpu.enqueue_dma source(%arg19 : memref<384xf32, #tpu.memory_space<vmem>>) target(%dma_start3A_1087 : memref<384xf32, #tpu.memory_space<hbm>>) target_semaphore(%arg35 : memref<!tpu.dma_semaphore, #tpu.memory_space<semaphore_mem>>)
    }
    %scan3A_7 = arith.constant 4 : i32
    %dma_wait3A = arith.constant 0 : i32
    %dma_wait3A_8 = tpu.memref_slice %arg5[%mul3A_2, %dma_wait3A] : memref<65536x128xi32, #tpu.memory_space<hbm>> -> memref<128x128xi32, #tpu.memory_space<hbm>>
    %dma_wait3A_9 = arith.constant 0 : i32
    %dma_wait3A_10 = tpu.memref_slice %arg5[%mul3A_2, %dma_wait3A_9] : memref<65536x128xi32, #tpu.memory_space<hbm>> -> memref<128x128xi32, #tpu.memory_space<hbm>>
    tpu.wait_dma2 semaphore(%arg28 : memref<!tpu.dma_semaphore, #tpu.memory_space<semaphore_mem>>) src(%arg8 : memref<128x128xi32, #tpu.memory_space<vmem>>) dst(%dma_wait3A_10 : memref<128x128xi32, #tpu.memory_space<hbm>>)
    %dma_wait3A_11 = arith.constant 0 : i32
    %dma_wait3A_12 = tpu.memref_slice %arg6[%dma_wait3A_11] : memref<196608xf32, #tpu.memory_space<hbm>> -> memref<384xf32, #tpu.memory_space<hbm>>
    %dma_wait3A_13 = arith.constant 0 : i32
    %dma_wait3A_14 = tpu.memref_slice %arg6[%dma_wait3A_13] : memref<196608xf32, #tpu.memory_space<hbm>> -> memref<384xf32, #tpu.memory_space<hbm>>
    tpu.wait_dma2 semaphore(%arg32 : memref<!tpu.dma_semaphore, #tpu.memory_space<semaphore_mem>>) src(%arg16 : memref<384xf32, #tpu.memory_space<vmem>>) dst(%dma_wait3A_14 : memref<384xf32, #tpu.memory_space<hbm>>)
    %dma_wait3A_15 = arith.constant 0 : i32
    %dma_wait3A_16 = tpu.memref_slice %arg5[%mul3A_2, %dma_wait3A_15] : memref<65536x128xi32, #tpu.memory_space<hbm>> -> memref<128x128xi32, #tpu.memory_space<hbm>>
    %dma_wait3A_17 = arith.constant 0 : i32
    %dma_wait3A_18 = tpu.memref_slice %arg5[%mul3A_2, %dma_wait3A_17] : memref<65536x128xi32, #tpu.memory_space<hbm>> -> memref<128x128xi32, #tpu.memory_space<hbm>>
    tpu.wait_dma2 semaphore(%arg29 : memref<!tpu.dma_semaphore, #tpu.memory_space<semaphore_mem>>) src(%arg9 : memref<128x128xi32, #tpu.memory_space<vmem>>) dst(%dma_wait3A_18 : memref<128x128xi32, #tpu.memory_space<hbm>>)
    %dma_wait3A_19 = arith.constant 0 : i32
    %dma_wait3A_20 = tpu.memref_slice %arg6[%dma_wait3A_19] : memref<196608xf32, #tpu.memory_space<hbm>> -> memref<384xf32, #tpu.memory_space<hbm>>
    %dma_wait3A_21 = arith.constant 0 : i32
    %dma_wait3A_22 = tpu.memref_slice %arg6[%dma_wait3A_21] : memref<196608xf32, #tpu.memory_space<hbm>> -> memref<384xf32, #tpu.memory_space<hbm>>
    tpu.wait_dma2 semaphore(%arg33 : memref<!tpu.dma_semaphore, #tpu.memory_space<semaphore_mem>>) src(%arg17 : memref<384xf32, #tpu.memory_space<vmem>>) dst(%dma_wait3A_22 : memref<384xf32, #tpu.memory_space<hbm>>)
    %dma_wait3A_23 = arith.constant 0 : i32
    %dma_wait3A_24 = tpu.memref_slice %arg5[%mul3A_2, %dma_wait3A_23] : memref<65536x128xi32, #tpu.memory_space<hbm>> -> memref<128x128xi32, #tpu.memory_space<hbm>>
    %dma_wait3A_25 = arith.constant 0 : i32
    %dma_wait3A_26 = tpu.memref_slice %arg5[%mul3A_2, %dma_wait3A_25] : memref<65536x128xi32, #tpu.memory_space<hbm>> -> memref<128x128xi32, #tpu.memory_space<hbm>>
    tpu.wait_dma2 semaphore(%arg30 : memref<!tpu.dma_semaphore, #tpu.memory_space<semaphore_mem>>) src(%arg10 : memref<128x128xi32, #tpu.memory_space<vmem>>) dst(%dma_wait3A_26 : memref<128x128xi32, #tpu.memory_space<hbm>>)
    %dma_wait3A_27 = arith.constant 0 : i32
    %dma_wait3A_28 = tpu.memref_slice %arg6[%dma_wait3A_27] : memref<196608xf32, #tpu.memory_space<hbm>> -> memref<384xf32, #tpu.memory_space<hbm>>
    %dma_wait3A_29 = arith.constant 0 : i32
    %dma_wait3A_30 = tpu.memref_slice %arg6[%dma_wait3A_29] : memref<196608xf32, #tpu.memory_space<hbm>> -> memref<384xf32, #tpu.memory_space<hbm>>
    tpu.wait_dma2 semaphore(%arg34 : memref<!tpu.dma_semaphore, #tpu.memory_space<semaphore_mem>>) src(%arg18 : memref<384xf32, #tpu.memory_space<vmem>>) dst(%dma_wait3A_30 : memref<384xf32, #tpu.memory_space<hbm>>)
    %dma_wait3A_31 = arith.constant 0 : i32
    %dma_wait3A_32 = tpu.memref_slice %arg5[%mul3A_2, %dma_wait3A_31] : memref<65536x128xi32, #tpu.memory_space<hbm>> -> memref<128x128xi32, #tpu.memory_space<hbm>>
    %dma_wait3A_33 = arith.constant 0 : i32
    %dma_wait3A_34 = tpu.memref_slice %arg5[%mul3A_2, %dma_wait3A_33] : memref<65536x128xi32, #tpu.memory_space<hbm>> -> memref<128x128xi32, #tpu.memory_space<hbm>>
    tpu.wait_dma2 semaphore(%arg31 : memref<!tpu.dma_semaphore, #tpu.memory_space<semaphore_mem>>) src(%arg11 : memref<128x128xi32, #tpu.memory_space<vmem>>) dst(%dma_wait3A_34 : memref<128x128xi32, #tpu.memory_space<hbm>>)
    %dma_wait3A_35 = arith.constant 0 : i32
    %dma_wait3A_36 = tpu.memref_slice %arg6[%dma_wait3A_35] : memref<196608xf32, #tpu.memory_space<hbm>> -> memref<384xf32, #tpu.memory_space<hbm>>
    %dma_wait3A_37 = arith.constant 0 : i32
    %dma_wait3A_38 = tpu.memref_slice %arg6[%dma_wait3A_37] : memref<196608xf32, #tpu.memory_space<hbm>> -> memref<384xf32, #tpu.memory_space<hbm>>
    tpu.wait_dma2 semaphore(%arg35 : memref<!tpu.dma_semaphore, #tpu.memory_space<semaphore_mem>>) src(%arg19 : memref<384xf32, #tpu.memory_space<vmem>>) dst(%dma_wait3A_38 : memref<384xf32, #tpu.memory_space<hbm>>)
    return
  }
}

#map = affine_map<(d0, d1) -> (0, 0)>
#map1 = affine_map<(d0, d1) -> (0)>
module attributes {stable_mosaic.version = 14 : i64} {
  func.func @gk(%arg0: i32, %arg1: i32, %arg2: memref<4096x128xi32, #tpu.memory_space<hbm>>, %arg3: memref<65536xf32, #tpu.memory_space<hbm>>, %arg4: memref<65536xi32, #tpu.memory_space<hbm>>, %arg5: memref<65536x128xi32, #tpu.memory_space<hbm>>, %arg6: memref<196608xf32, #tpu.memory_space<hbm>>, %arg7: memref<2048xi32, #tpu.memory_space<vmem>>, %arg8: memref<128x128xi32, #tpu.memory_space<vmem>>, %arg9: memref<128x128xi32, #tpu.memory_space<vmem>>, %arg10: memref<128x128xi32, #tpu.memory_space<vmem>>, %arg11: memref<128x128xi32, #tpu.memory_space<vmem>>, %arg12: memref<384xi32, #tpu.memory_space<vmem>>, %arg13: memref<384xi32, #tpu.memory_space<vmem>>, %arg14: memref<384xi32, #tpu.memory_space<vmem>>, %arg15: memref<384xi32, #tpu.memory_space<vmem>>, %arg16: memref<384xf32, #tpu.memory_space<vmem>>, %arg17: memref<384xf32, #tpu.memory_space<vmem>>, %arg18: memref<384xf32, #tpu.memory_space<vmem>>, %arg19: memref<384xf32, #tpu.memory_space<vmem>>, %arg20: memref<!tpu.dma_semaphore, #tpu.memory_space<semaphore_mem>>, %arg21: memref<!tpu.dma_semaphore, #tpu.memory_space<semaphore_mem>>, %arg22: memref<!tpu.dma_semaphore, #tpu.memory_space<semaphore_mem>>, %arg23: memref<!tpu.dma_semaphore, #tpu.memory_space<semaphore_mem>>, %arg24: memref<!tpu.dma_semaphore, #tpu.memory_space<semaphore_mem>>, %arg25: memref<!tpu.dma_semaphore, #tpu.memory_space<semaphore_mem>>, %arg26: memref<!tpu.dma_semaphore, #tpu.memory_space<semaphore_mem>>, %arg27: memref<!tpu.dma_semaphore, #tpu.memory_space<semaphore_mem>>, %arg28: memref<!tpu.dma_semaphore, #tpu.memory_space<semaphore_mem>>, %arg29: memref<!tpu.dma_semaphore, #tpu.memory_space<semaphore_mem>>, %arg30: memref<!tpu.dma_semaphore, #tpu.memory_space<semaphore_mem>>, %arg31: memref<!tpu.dma_semaphore, #tpu.memory_space<semaphore_mem>>, %arg32: memref<!tpu.dma_semaphore, #tpu.memory_space<semaphore_mem>>, %arg33: memref<!tpu.dma_semaphore, #tpu.memory_space<semaphore_mem>>, %arg34: memref<!tpu.dma_semaphore, #tpu.memory_space<semaphore_mem>>, %arg35: memref<!tpu.dma_semaphore, #tpu.memory_space<semaphore_mem>>) attributes {dimension_semantics = [#tpu.dimension_semantics<core_parallel>, #tpu.dimension_semantics<subcore_parallel>], iteration_bounds = array<i64: 2, 16>, scalar_prefetch = 0 : i64, scratch_operands = 29 : i64, tpu.core_type = #tpu.core_type<sc_vector_subcore>, window_params = [{transform_indices = #map}, {transform_indices = #map1}, {transform_indices = #map1}, {transform_indices = #map}, {transform_indices = #map1}]} {
    %mul3A = arith.constant 2 : i32
    %mul3A_0 = arith.muli %arg1, %mul3A : i32
    %add3A = arith.addi %mul3A_0, %arg0 : i32
    %mul3A_1 = arith.constant 2048 : i32
    %mul3A_2 = arith.muli %add3A, %mul3A_1 : i32
    "tpu.region"() ({
      %run_scoped3A = tpu.sem_alloc : memref<!tpu.dma_semaphore, #tpu.memory_space<semaphore_mem>>
      %dma_start3A = tpu.memref_slice %arg4[%mul3A_2] : memref<65536xi32, #tpu.memory_space<hbm>> -> memref<2048xi32, #tpu.memory_space<hbm>>
      %dma_start3A_39 = tpu.memref_slice %arg4[%mul3A_2] : memref<65536xi32, #tpu.memory_space<hbm>> -> memref<2048xi32, #tpu.memory_space<hbm>>
      tpu.enqueue_dma source(%dma_start3A_39 : memref<2048xi32, #tpu.memory_space<hbm>>) target(%arg7 : memref<2048xi32, #tpu.memory_space<vmem>>) target_semaphore(%run_scoped3A : memref<!tpu.dma_semaphore, #tpu.memory_space<semaphore_mem>>)
      %dma_wait3A_40 = tpu.memref_slice %arg4[%mul3A_2] : memref<65536xi32, #tpu.memory_space<hbm>> -> memref<2048xi32, #tpu.memory_space<hbm>>
      %dma_wait3A_41 = tpu.memref_slice %arg4[%mul3A_2] : memref<65536xi32, #tpu.memory_space<hbm>> -> memref<2048xi32, #tpu.memory_space<hbm>>
      tpu.wait_dma2 semaphore(%run_scoped3A : memref<!tpu.dma_semaphore, #tpu.memory_space<semaphore_mem>>) src(%dma_wait3A_41 : memref<2048xi32, #tpu.memory_space<hbm>>) dst(%arg7 : memref<2048xi32, #tpu.memory_space<vmem>>)
      tpu.yield
    }) : () -> ()
    %scan3A = arith.constant 0 : i32
    %scan3A_3 = arith.constant 0 : i32
    %scan3A_4 = arith.constant 4 : i32
    %scan3A_5 = arith.addi %scan3A_3, %scan3A_4 : i32
    %scan3A_6 = arith.constant 1 : i32
    scf.for %scan3A_39 = %scan3A_3 to %scan3A_5 step %scan3A_6  : i32 {
      %mul3A_40 = arith.constant 512 : i32
      %mul3A_41 = arith.muli %scan3A_39, %mul3A_40 : i32
      %gt3A = arith.constant 0 : i32
      %gt3A_42 = arith.cmpi sgt, %scan3A_39, %gt3A : i32
      %convert_element_type3A = arith.extui %gt3A_42 : i1 to i32
      %cond3A = arith.constant 0 : i32
      %cond3A_43 = arith.cmpi ne, %convert_element_type3A, %cond3A : i32
      scf.if %cond3A_43 {
        %dma_wait3A_1088 = arith.constant 0 : i32
        %dma_wait3A_1089 = tpu.memref_slice %arg5[%mul3A_2, %dma_wait3A_1088] : memref<65536x128xi32, #tpu.memory_space<hbm>> -> memref<128x128xi32, #tpu.memory_space<hbm>>
        %dma_wait3A_1090 = arith.constant 0 : i32
        %dma_wait3A_1091 = tpu.memref_slice %arg5[%mul3A_2, %dma_wait3A_1090] : memref<65536x128xi32, #tpu.memory_space<hbm>> -> memref<128x128xi32, #tpu.memory_space<hbm>>
        tpu.wait_dma2 semaphore(%arg28 : memref<!tpu.dma_semaphore, #tpu.memory_space<semaphore_mem>>) src(%arg8 : memref<128x128xi32, #tpu.memory_space<vmem>>) dst(%dma_wait3A_1091 : memref<128x128xi32, #tpu.memory_space<hbm>>)
        %dma_wait3A_1092 = arith.constant 0 : i32
        %dma_wait3A_1093 = tpu.memref_slice %arg6[%dma_wait3A_1092] : memref<196608xf32, #tpu.memory_space<hbm>> -> memref<384xf32, #tpu.memory_space<hbm>>
        %dma_wait3A_1094 = arith.constant 0 : i32
        %dma_wait3A_1095 = tpu.memref_slice %arg6[%dma_wait3A_1094] : memref<196608xf32, #tpu.memory_space<hbm>> -> memref<384xf32, #tpu.memory_space<hbm>>
        tpu.wait_dma2 semaphore(%arg32 : memref<!tpu.dma_semaphore, #tpu.memory_space<semaphore_mem>>) src(%arg16 : memref<384xf32, #tpu.memory_space<vmem>>) dst(%dma_wait3A_1095 : memref<384xf32, #tpu.memory_space<hbm>>)
      } else {
      }
      %add3A_44 = arith.constant 0 : i32
      %add3A_45 = arith.addi %mul3A_41, %add3A_44 : i32
      %dma_start3A = tpu.memref_slice %arg7[%add3A_45] : memref<2048xi32, #tpu.memory_space<vmem>> -> memref<128xi32, #tpu.memory_space<vmem>>
      %dma_start3A_46 = arith.constant 0 : i32
      %dma_start3A_47 = arith.constant 0 : i32
      %dma_start3A_48 = tpu.memref_slice %arg2[%dma_start3A_46, %dma_start3A_47] : memref<4096x128xi32, #tpu.memory_space<hbm>> -> memref<4096x128xi32, #tpu.memory_space<hbm>>
      tpu.enqueue_indirect_dma source(%dma_start3A_48 : memref<4096x128xi32, #tpu.memory_space<hbm>>) target(%arg8 : memref<128x128xi32, #tpu.memory_space<vmem>>) offsets(%dma_start3A : memref<128xi32, #tpu.memory_space<vmem>>) semaphore(%arg20 : memref<!tpu.dma_semaphore, #tpu.memory_space<semaphore_mem>>)
      %add3A_49 = arith.constant 0 : i32
      %add3A_50 = arith.addi %add3A_45, %add3A_49 : i32
      %get3A = arith.index_cast %add3A_50 : i32 to index
      %get3A_51 = tpu.vector_load %arg7[%get3A] {strides = array<i32>} : memref<2048xi32, #tpu.memory_space<vmem>>, vector<16xi32>,
      %get3A_52 = vector.shape_cast %get3A_51 : vector<16xi32> to vector<16xi32>
      %mul3A_53 = arith.constant 16 : i32
      %mul3A_54 = vector.broadcast %mul3A_53 : i32 to vector<16xi32>
      %mul3A_55 = arith.muli %get3A_52, %mul3A_54 : vector<16xi32>
      %add3A_56 = arith.constant 0 : i32
      %add3A_57 = vector.broadcast %add3A_56 : i32 to vector<16xi32>
      %add3A_58 = arith.addi %mul3A_55, %add3A_57 : vector<16xi32>
      %swap3A = arith.constant 0 : index
      %swap3A_59 = tpu.vector_load %arg12[%swap3A] {strides = array<i32>} : memref<384xi32, #tpu.memory_space<vmem>>, vector<16xi32>,
      %swap3A_60 = vector.shape_cast %swap3A_59 : vector<16xi32> to vector<16xi32>
      %swap3A_61 = vector.shape_cast %add3A_58 : vector<16xi32> to vector<16xi32>
      tpu.vector_store %arg12[%swap3A], %swap3A_61 {strides = array<i32>} : memref<384xi32, #tpu.memory_space<vmem>>, vector<16xi32>,
      %add3A_62 = arith.constant 1 : i32
      %add3A_63 = vector.broadcast %add3A_62 : i32 to vector<16xi32>
      %add3A_64 = arith.addi %mul3A_55, %add3A_63 : vector<16xi32>
      %swap3A_65 = arith.constant 128 : index
      %swap3A_66 = tpu.vector_load %arg12[%swap3A_65] {strides = array<i32>} : memref<384xi32, #tpu.memory_space<vmem>>, vector<16xi32>,
      %swap3A_67 = vector.shape_cast %swap3A_66 : vector<16xi32> to vector<16xi32>
      %swap3A_68 = vector.shape_cast %add3A_64 : vector<16xi32> to vector<16xi32>
      tpu.vector_store %arg12[%swap3A_65], %swap3A_68 {strides = array<i32>} : memref<384xi32, #tpu.memory_space<vmem>>, vector<16xi32>,
      %add3A_69 = arith.constant 2 : i32
      %add3A_70 = vector.broadcast %add3A_69 : i32 to vector<16xi32>
      %add3A_71 = arith.addi %mul3A_55, %add3A_70 : vector<16xi32>
      %swap3A_72 = arith.constant 256 : index
      %swap3A_73 = tpu.vector_load %arg12[%swap3A_72] {strides = array<i32>} : memref<384xi32, #tpu.memory_space<vmem>>, vector<16xi32>,
      %swap3A_74 = vector.shape_cast %swap3A_73 : vector<16xi32> to vector<16xi32>
      %swap3A_75 = vector.shape_cast %add3A_71 : vector<16xi32> to vector<16xi32>
      tpu.vector_store %arg12[%swap3A_72], %swap3A_75 {strides = array<i32>} : memref<384xi32, #tpu.memory_space<vmem>>, vector<16xi32>,
      %add3A_76 = arith.constant 16 : i32
      %add3A_77 = arith.addi %add3A_45, %add3A_76 : i32
      %get3A_78 = arith.index_cast %add3A_77 : i32 to index
      %get3A_79 = tpu.vector_load %arg7[%get3A_78] {strides = array<i32>} : memref<2048xi32, #tpu.memory_space<vmem>>, vector<16xi32>,
      %get3A_80 = vector.shape_cast %get3A_79 : vector<16xi32> to vector<16xi32>
      %mul3A_81 = arith.constant 16 : i32
      %mul3A_82 = vector.broadcast %mul3A_81 : i32 to vector<16xi32>
      %mul3A_83 = arith.muli %get3A_80, %mul3A_82 : vector<16xi32>
      %add3A_84 = arith.constant 0 : i32
      %add3A_85 = vector.broadcast %add3A_84 : i32 to vector<16xi32>
      %add3A_86 = arith.addi %mul3A_83, %add3A_85 : vector<16xi32>
      %swap3A_87 = arith.constant 16 : index
      %swap3A_88 = tpu.vector_load %arg12[%swap3A_87] {strides = array<i32>} : memref<384xi32, #tpu.memory_space<vmem>>, vector<16xi32>,
      %swap3A_89 = vector.shape_cast %swap3A_88 : vector<16xi32> to vector<16xi32>
      %swap3A_90 = vector.shape_cast %add3A_86 : vector<16xi32> to vector<16xi32>
      tpu.vector_store %arg12[%swap3A_87], %swap3A_90 {strides = array<i32>} : memref<384xi32, #tpu.memory_space<vmem>>, vector<16xi32>,
      %add3A_91 = arith.constant 1 : i32
      %add3A_92 = vector.broadcast %add3A_91 : i32 to vector<16xi32>
      %add3A_93 = arith.addi %mul3A_83, %add3A_92 : vector<16xi32>
      %swap3A_94 = arith.constant 144 : index
      %swap3A_95 = tpu.vector_load %arg12[%swap3A_94] {strides = array<i32>} : memref<384xi32, #tpu.memory_space<vmem>>, vector<16xi32>,
      %swap3A_96 = vector.shape_cast %swap3A_95 : vector<16xi32> to vector<16xi32>
      %swap3A_97 = vector.shape_cast %add3A_93 : vector<16xi32> to vector<16xi32>
      tpu.vector_store %arg12[%swap3A_94], %swap3A_97 {strides = array<i32>} : memref<384xi32, #tpu.memory_space<vmem>>, vector<16xi32>,
      %add3A_98 = arith.constant 2 : i32
      %add3A_99 = vector.broadcast %add3A_98 : i32 to vector<16xi32>
      %add3A_100 = arith.addi %mul3A_83, %add3A_99 : vector<16xi32>
      %swap3A_101 = arith.constant 272 : index
      %swap3A_102 = tpu.vector_load %arg12[%swap3A_101] {strides = array<i32>} : memref<384xi32, #tpu.memory_space<vmem>>, vector<16xi32>,
      %swap3A_103 = vector.shape_cast %swap3A_102 : vector<16xi32> to vector<16xi32>
      %swap3A_104 = vector.shape_cast %add3A_100 : vector<16xi32> to vector<16xi32>
      tpu.vector_store %arg12[%swap3A_101], %swap3A_104 {strides = array<i32>} : memref<384xi32, #tpu.memory_space<vmem>>, vector<16xi32>,
      %add3A_105 = arith.constant 32 : i32
      %add3A_106 = arith.addi %add3A_45, %add3A_105 : i32
      %get3A_107 = arith.index_cast %add3A_106 : i32 to index
      %get3A_108 = tpu.vector_load %arg7[%get3A_107] {strides = array<i32>} : memref<2048xi32, #tpu.memory_space<vmem>>, vector<16xi32>,
      %get3A_109 = vector.shape_cast %get3A_108 : vector<16xi32> to vector<16xi32>
      %mul3A_110 = arith.constant 16 : i32
      %mul3A_111 = vector.broadcast %mul3A_110 : i32 to vector<16xi32>
      %mul3A_112 = arith.muli %get3A_109, %mul3A_111 : vector<16xi32>
      %add3A_113 = arith.constant 0 : i32
      %add3A_114 = vector.broadcast %add3A_113 : i32 to vector<16xi32>
      %add3A_115 = arith.addi %mul3A_112, %add3A_114 : vector<16xi32>
      %swap3A_116 = arith.constant 32 : index
      %swap3A_117 = tpu.vector_load %arg12[%swap3A_116] {strides = array<i32>} : memref<384xi32, #tpu.memory_space<vmem>>, vector<16xi32>,
      %swap3A_118 = vector.shape_cast %swap3A_117 : vector<16xi32> to vector<16xi32>
      %swap3A_119 = vector.shape_cast %add3A_115 : vector<16xi32> to vector<16xi32>
      tpu.vector_store %arg12[%swap3A_116], %swap3A_119 {strides = array<i32>} : memref<384xi32, #tpu.memory_space<vmem>>, vector<16xi32>,
      %add3A_120 = arith.constant 1 : i32
      %add3A_121 = vector.broadcast %add3A_120 : i32 to vector<16xi32>
      %add3A_122 = arith.addi %mul3A_112, %add3A_121 : vector<16xi32>
      %swap3A_123 = arith.constant 160 : index
      %swap3A_124 = tpu.vector_load %arg12[%swap3A_123] {strides = array<i32>} : memref<384xi32, #tpu.memory_space<vmem>>, vector<16xi32>,
      %swap3A_125 = vector.shape_cast %swap3A_124 : vector<16xi32> to vector<16xi32>
      %swap3A_126 = vector.shape_cast %add3A_122 : vector<16xi32> to vector<16xi32>
      tpu.vector_store %arg12[%swap3A_123], %swap3A_126 {strides = array<i32>} : memref<384xi32, #tpu.memory_space<vmem>>, vector<16xi32>,
      %add3A_127 = arith.constant 2 : i32
      %add3A_128 = vector.broadcast %add3A_127 : i32 to vector<16xi32>
      %add3A_129 = arith.addi %mul3A_112, %add3A_128 : vector<16xi32>
      %swap3A_130 = arith.constant 288 : index
      %swap3A_131 = tpu.vector_load %arg12[%swap3A_130] {strides = array<i32>} : memref<384xi32, #tpu.memory_space<vmem>>, vector<16xi32>,
      %swap3A_132 = vector.shape_cast %swap3A_131 : vector<16xi32> to vector<16xi32>
      %swap3A_133 = vector.shape_cast %add3A_129 : vector<16xi32> to vector<16xi32>
      tpu.vector_store %arg12[%swap3A_130], %swap3A_133 {strides = array<i32>} : memref<384xi32, #tpu.memory_space<vmem>>, vector<16xi32>,
      %add3A_134 = arith.constant 48 : i32
      %add3A_135 = arith.addi %add3A_45, %add3A_134 : i32
      %get3A_136 = arith.index_cast %add3A_135 : i32 to index
      %get3A_137 = tpu.vector_load %arg7[%get3A_136] {strides = array<i32>} : memref<2048xi32, #tpu.memory_space<vmem>>, vector<16xi32>,
      %get3A_138 = vector.shape_cast %get3A_137 : vector<16xi32> to vector<16xi32>
      %mul3A_139 = arith.constant 16 : i32
      %mul3A_140 = vector.broadcast %mul3A_139 : i32 to vector<16xi32>
      %mul3A_141 = arith.muli %get3A_138, %mul3A_140 : vector<16xi32>
      %add3A_142 = arith.constant 0 : i32
      %add3A_143 = vector.broadcast %add3A_142 : i32 to vector<16xi32>
      %add3A_144 = arith.addi %mul3A_141, %add3A_143 : vector<16xi32>
      %swap3A_145 = arith.constant 48 : index
      %swap3A_146 = tpu.vector_load %arg12[%swap3A_145] {strides = array<i32>} : memref<384xi32, #tpu.memory_space<vmem>>, vector<16xi32>,
      %swap3A_147 = vector.shape_cast %swap3A_146 : vector<16xi32> to vector<16xi32>
      %swap3A_148 = vector.shape_cast %add3A_144 : vector<16xi32> to vector<16xi32>
      tpu.vector_store %arg12[%swap3A_145], %swap3A_148 {strides = array<i32>} : memref<384xi32, #tpu.memory_space<vmem>>, vector<16xi32>,
      %add3A_149 = arith.constant 1 : i32
      %add3A_150 = vector.broadcast %add3A_149 : i32 to vector<16xi32>
      %add3A_151 = arith.addi %mul3A_141, %add3A_150 : vector<16xi32>
      %swap3A_152 = arith.constant 176 : index
      %swap3A_153 = tpu.vector_load %arg12[%swap3A_152] {strides = array<i32>} : memref<384xi32, #tpu.memory_space<vmem>>, vector<16xi32>,
      %swap3A_154 = vector.shape_cast %swap3A_153 : vector<16xi32> to vector<16xi32>
      %swap3A_155 = vector.shape_cast %add3A_151 : vector<16xi32> to vector<16xi32>
      tpu.vector_store %arg12[%swap3A_152], %swap3A_155 {strides = array<i32>} : memref<384xi32, #tpu.memory_space<vmem>>, vector<16xi32>,
      %add3A_156 = arith.constant 2 : i32
      %add3A_157 = vector.broadcast %add3A_156 : i32 to vector<16xi32>
      %add3A_158 = arith.addi %mul3A_141, %add3A_157 : vector<16xi32>
      %swap3A_159 = arith.constant 304 : index
      %swap3A_160 = tpu.vector_load %arg12[%swap3A_159] {strides = array<i32>} : memref<384xi32, #tpu.memory_space<vmem>>, vector<16xi32>,
      %swap3A_161 = vector.shape_cast %swap3A_160 : vector<16xi32> to vector<16xi32>
      %swap3A_162 = vector.shape_cast %add3A_158 : vector<16xi32> to vector<16xi32>
      tpu.vector_store %arg12[%swap3A_159], %swap3A_162 {strides = array<i32>} : memref<384xi32, #tpu.memory_space<vmem>>, vector<16xi32>,
      %add3A_163 = arith.constant 64 : i32
      %add3A_164 = arith.addi %add3A_45, %add3A_163 : i32
      %get3A_165 = arith.index_cast %add3A_164 : i32 to index
      %get3A_166 = tpu.vector_load %arg7[%get3A_165] {strides = array<i32>} : memref<2048xi32, #tpu.memory_space<vmem>>, vector<16xi32>,
      %get3A_167 = vector.shape_cast %get3A_166 : vector<16xi32> to vector<16xi32>
      %mul3A_168 = arith.constant 16 : i32
      %mul3A_169 = vector.broadcast %mul3A_168 : i32 to vector<16xi32>
      %mul3A_170 = arith.muli %get3A_167, %mul3A_169 : vector<16xi32>
      %add3A_171 = arith.constant 0 : i32
      %add3A_172 = vector.broadcast %add3A_171 : i32 to vector<16xi32>
      %add3A_173 = arith.addi %mul3A_170, %add3A_172 : vector<16xi32>
      %swap3A_174 = arith.constant 64 : index
      %swap3A_175 = tpu.vector_load %arg12[%swap3A_174] {strides = array<i32>} : memref<384xi32, #tpu.memory_space<vmem>>, vector<16xi32>,
      %swap3A_176 = vector.shape_cast %swap3A_175 : vector<16xi32> to vector<16xi32>
      %swap3A_177 = vector.shape_cast %add3A_173 : vector<16xi32> to vector<16xi32>
      tpu.vector_store %arg12[%swap3A_174], %swap3A_177 {strides = array<i32>} : memref<384xi32, #tpu.memory_space<vmem>>, vector<16xi32>,
      %add3A_178 = arith.constant 1 : i32
      %add3A_179 = vector.broadcast %add3A_178 : i32 to vector<16xi32>
      %add3A_180 = arith.addi %mul3A_170, %add3A_179 : vector<16xi32>
      %swap3A_181 = arith.constant 192 : index
      %swap3A_182 = tpu.vector_load %arg12[%swap3A_181] {strides = array<i32>} : memref<384xi32, #tpu.memory_space<vmem>>, vector<16xi32>,
      %swap3A_183 = vector.shape_cast %swap3A_182 : vector<16xi32> to vector<16xi32>
      %swap3A_184 = vector.shape_cast %add3A_180 : vector<16xi32> to vector<16xi32>
      tpu.vector_store %arg12[%swap3A_181], %swap3A_184 {strides = array<i32>} : memref<384xi32, #tpu.memory_space<vmem>>, vector<16xi32>,
      %add3A_185 = arith.constant 2 : i32
      %add3A_186 = vector.broadcast %add3A_185 : i32 to vector<16xi32>
      %add3A_187 = arith.addi %mul3A_170, %add3A_186 : vector<16xi32>
      %swap3A_188 = arith.constant 320 : index
      %swap3A_189 = tpu.vector_load %arg12[%swap3A_188] {strides = array<i32>} : memref<384xi32, #tpu.memory_space<vmem>>, vector<16xi32>,
      %swap3A_190 = vector.shape_cast %swap3A_189 : vector<16xi32> to vector<16xi32>
      %swap3A_191 = vector.shape_cast %add3A_187 : vector<16xi32> to vector<16xi32>
      tpu.vector_store %arg12[%swap3A_188], %swap3A_191 {strides = array<i32>} : memref<384xi32, #tpu.memory_space<vmem>>, vector<16xi32>,
      %add3A_192 = arith.constant 80 : i32
      %add3A_193 = arith.addi %add3A_45, %add3A_192 : i32
      %get3A_194 = arith.index_cast %add3A_193 : i32 to index
      %get3A_195 = tpu.vector_load %arg7[%get3A_194] {strides = array<i32>} : memref<2048xi32, #tpu.memory_space<vmem>>, vector<16xi32>,
      %get3A_196 = vector.shape_cast %get3A_195 : vector<16xi32> to vector<16xi32>
      %mul3A_197 = arith.constant 16 : i32
      %mul3A_198 = vector.broadcast %mul3A_197 : i32 to vector<16xi32>
      %mul3A_199 = arith.muli %get3A_196, %mul3A_198 : vector<16xi32>
      %add3A_200 = arith.constant 0 : i32
      %add3A_201 = vector.broadcast %add3A_200 : i32 to vector<16xi32>
      %add3A_202 = arith.addi %mul3A_199, %add3A_201 : vector<16xi32>
      %swap3A_203 = arith.constant 80 : index
      %swap3A_204 = tpu.vector_load %arg12[%swap3A_203] {strides = array<i32>} : memref<384xi32, #tpu.memory_space<vmem>>, vector<16xi32>,
      %swap3A_205 = vector.shape_cast %swap3A_204 : vector<16xi32> to vector<16xi32>
      %swap3A_206 = vector.shape_cast %add3A_202 : vector<16xi32> to vector<16xi32>
      tpu.vector_store %arg12[%swap3A_203], %swap3A_206 {strides = array<i32>} : memref<384xi32, #tpu.memory_space<vmem>>, vector<16xi32>,
      %add3A_207 = arith.constant 1 : i32
      %add3A_208 = vector.broadcast %add3A_207 : i32 to vector<16xi32>
      %add3A_209 = arith.addi %mul3A_199, %add3A_208 : vector<16xi32>
      %swap3A_210 = arith.constant 208 : index
      %swap3A_211 = tpu.vector_load %arg12[%swap3A_210] {strides = array<i32>} : memref<384xi32, #tpu.memory_space<vmem>>, vector<16xi32>,
      %swap3A_212 = vector.shape_cast %swap3A_211 : vector<16xi32> to vector<16xi32>
      %swap3A_213 = vector.shape_cast %add3A_209 : vector<16xi32> to vector<16xi32>
      tpu.vector_store %arg12[%swap3A_210], %swap3A_213 {strides = array<i32>} : memref<384xi32, #tpu.memory_space<vmem>>, vector<16xi32>,
      %add3A_214 = arith.constant 2 : i32
      %add3A_215 = vector.broadcast %add3A_214 : i32 to vector<16xi32>
      %add3A_216 = arith.addi %mul3A_199, %add3A_215 : vector<16xi32>
      %swap3A_217 = arith.constant 336 : index
      %swap3A_218 = tpu.vector_load %arg12[%swap3A_217] {strides = array<i32>} : memref<384xi32, #tpu.memory_space<vmem>>, vector<16xi32>,
      %swap3A_219 = vector.shape_cast %swap3A_218 : vector<16xi32> to vector<16xi32>
      %swap3A_220 = vector.shape_cast %add3A_216 : vector<16xi32> to vector<16xi32>
      tpu.vector_store %arg12[%swap3A_217], %swap3A_220 {strides = array<i32>} : memref<384xi32, #tpu.memory_space<vmem>>, vector<16xi32>,
      %add3A_221 = arith.constant 96 : i32
      %add3A_222 = arith.addi %add3A_45, %add3A_221 : i32
      %get3A_223 = arith.index_cast %add3A_222 : i32 to index
      %get3A_224 = tpu.vector_load %arg7[%get3A_223] {strides = array<i32>} : memref<2048xi32, #tpu.memory_space<vmem>>, vector<16xi32>,
      %get3A_225 = vector.shape_cast %get3A_224 : vector<16xi32> to vector<16xi32>
      %mul3A_226 = arith.constant 16 : i32
      %mul3A_227 = vector.broadcast %mul3A_226 : i32 to vector<16xi32>
      %mul3A_228 = arith.muli %get3A_225, %mul3A_227 : vector<16xi32>
      %add3A_229 = arith.constant 0 : i32
      %add3A_230 = vector.broadcast %add3A_229 : i32 to vector<16xi32>
      %add3A_231 = arith.addi %mul3A_228, %add3A_230 : vector<16xi32>
      %swap3A_232 = arith.constant 96 : index
      %swap3A_233 = tpu.vector_load %arg12[%swap3A_232] {strides = array<i32>} : memref<384xi32, #tpu.memory_space<vmem>>, vector<16xi32>,
      %swap3A_234 = vector.shape_cast %swap3A_233 : vector<16xi32> to vector<16xi32>
      %swap3A_235 = vector.shape_cast %add3A_231 : vector<16xi32> to vector<16xi32>
      tpu.vector_store %arg12[%swap3A_232], %swap3A_235 {strides = array<i32>} : memref<384xi32, #tpu.memory_space<vmem>>, vector<16xi32>,
      %add3A_236 = arith.constant 1 : i32
      %add3A_237 = vector.broadcast %add3A_236 : i32 to vector<16xi32>
      %add3A_238 = arith.addi %mul3A_228, %add3A_237 : vector<16xi32>
      %swap3A_239 = arith.constant 224 : index
      %swap3A_240 = tpu.vector_load %arg12[%swap3A_239] {strides = array<i32>} : memref<384xi32, #tpu.memory_space<vmem>>, vector<16xi32>,
      %swap3A_241 = vector.shape_cast %swap3A_240 : vector<16xi32> to vector<16xi32>
      %swap3A_242 = vector.shape_cast %add3A_238 : vector<16xi32> to vector<16xi32>
      tpu.vector_store %arg12[%swap3A_239], %swap3A_242 {strides = array<i32>} : memref<384xi32, #tpu.memory_space<vmem>>, vector<16xi32>,
      %add3A_243 = arith.constant 2 : i32
      %add3A_244 = vector.broadcast %add3A_243 : i32 to vector<16xi32>
      %add3A_245 = arith.addi %mul3A_228, %add3A_244 : vector<16xi32>
      %swap3A_246 = arith.constant 352 : index
      %swap3A_247 = tpu.vector_load %arg12[%swap3A_246] {strides = array<i32>} : memref<384xi32, #tpu.memory_space<vmem>>, vector<16xi32>,
      %swap3A_248 = vector.shape_cast %swap3A_247 : vector<16xi32> to vector<16xi32>
      %swap3A_249 = vector.shape_cast %add3A_245 : vector<16xi32> to vector<16xi32>
      tpu.vector_store %arg12[%swap3A_246], %swap3A_249 {strides = array<i32>} : memref<384xi32, #tpu.memory_space<vmem>>, vector<16xi32>,
      %add3A_250 = arith.constant 112 : i32
      %add3A_251 = arith.addi %add3A_45, %add3A_250 : i32
      %get3A_252 = arith.index_cast %add3A_251 : i32 to index
      %get3A_253 = tpu.vector_load %arg7[%get3A_252] {strides = array<i32>} : memref<2048xi32, #tpu.memory_space<vmem>>, vector<16xi32>,
      %get3A_254 = vector.shape_cast %get3A_253 : vector<16xi32> to vector<16xi32>
      %mul3A_255 = arith.constant 16 : i32
      %mul3A_256 = vector.broadcast %mul3A_255 : i32 to vector<16xi32>
      %mul3A_257 = arith.muli %get3A_254, %mul3A_256 : vector<16xi32>
      %add3A_258 = arith.constant 0 : i32
      %add3A_259 = vector.broadcast %add3A_258 : i32 to vector<16xi32>
      %add3A_260 = arith.addi %mul3A_257, %add3A_259 : vector<16xi32>
      %swap3A_261 = arith.constant 112 : index
      %swap3A_262 = tpu.vector_load %arg12[%swap3A_261] {strides = array<i32>} : memref<384xi32, #tpu.memory_space<vmem>>, vector<16xi32>,
      %swap3A_263 = vector.shape_cast %swap3A_262 : vector<16xi32> to vector<16xi32>
      %swap3A_264 = vector.shape_cast %add3A_260 : vector<16xi32> to vector<16xi32>
      tpu.vector_store %arg12[%swap3A_261], %swap3A_264 {strides = array<i32>} : memref<384xi32, #tpu.memory_space<vmem>>, vector<16xi32>,
      %add3A_265 = arith.constant 1 : i32
      %add3A_266 = vector.broadcast %add3A_265 : i32 to vector<16xi32>
      %add3A_267 = arith.addi %mul3A_257, %add3A_266 : vector<16xi32>
      %swap3A_268 = arith.constant 240 : index
      %swap3A_269 = tpu.vector_load %arg12[%swap3A_268] {strides = array<i32>} : memref<384xi32, #tpu.memory_space<vmem>>, vector<16xi32>,
      %swap3A_270 = vector.shape_cast %swap3A_269 : vector<16xi32> to vector<16xi32>
      %swap3A_271 = vector.shape_cast %add3A_267 : vector<16xi32> to vector<16xi32>
      tpu.vector_store %arg12[%swap3A_268], %swap3A_271 {strides = array<i32>} : memref<384xi32, #tpu.memory_space<vmem>>, vector<16xi32>,
      %add3A_272 = arith.constant 2 : i32
      %add3A_273 = vector.broadcast %add3A_272 : i32 to vector<16xi32>
      %add3A_274 = arith.addi %mul3A_257, %add3A_273 : vector<16xi32>
      %swap3A_275 = arith.constant 368 : index
      %swap3A_276 = tpu.vector_load %arg12[%swap3A_275] {strides = array<i32>} : memref<384xi32, #tpu.memory_space<vmem>>, vector<16xi32>,
      %swap3A_277 = vector.shape_cast %swap3A_276 : vector<16xi32> to vector<16xi32>
      %swap3A_278 = vector.shape_cast %add3A_274 : vector<16xi32> to vector<16xi32>
      tpu.vector_store %arg12[%swap3A_275], %swap3A_278 {strides = array<i32>} : memref<384xi32, #tpu.memory_space<vmem>>, vector<16xi32>,
      %dma_start3A_279 = arith.constant 0 : i32
      %dma_start3A_280 = tpu.memref_slice %arg3[%dma_start3A_279] : memref<65536xf32, #tpu.memory_space<hbm>> -> memref<65536xf32, #tpu.memory_space<hbm>>
      tpu.enqueue_indirect_dma source(%dma_start3A_280 : memref<65536xf32, #tpu.memory_space<hbm>>) target(%arg16 : memref<384xf32, #tpu.memory_space<vmem>>) offsets(%arg12 : memref<384xi32, #tpu.memory_space<vmem>>) semaphore(%arg24 : memref<!tpu.dma_semaphore, #tpu.memory_space<semaphore_mem>>)
      %gt3A_281 = arith.constant 0 : i32
      %gt3A_282 = arith.cmpi sgt, %scan3A_39, %gt3A_281 : i32
      %convert_element_type3A_283 = arith.extui %gt3A_282 : i1 to i32
      %cond3A_284 = arith.constant 0 : i32
      %cond3A_285 = arith.cmpi ne, %convert_element_type3A_283, %cond3A_284 : i32
      scf.if %cond3A_285 {
        %dma_wait3A_1088 = arith.constant 0 : i32
        %dma_wait3A_1089 = tpu.memref_slice %arg5[%mul3A_2, %dma_wait3A_1088] : memref<65536x128xi32, #tpu.memory_space<hbm>> -> memref<128x128xi32, #tpu.memory_space<hbm>>
        %dma_wait3A_1090 = arith.constant 0 : i32
        %dma_wait3A_1091 = tpu.memref_slice %arg5[%mul3A_2, %dma_wait3A_1090] : memref<65536x128xi32, #tpu.memory_space<hbm>> -> memref<128x128xi32, #tpu.memory_space<hbm>>
        tpu.wait_dma2 semaphore(%arg29 : memref<!tpu.dma_semaphore, #tpu.memory_space<semaphore_mem>>) src(%arg9 : memref<128x128xi32, #tpu.memory_space<vmem>>) dst(%dma_wait3A_1091 : memref<128x128xi32, #tpu.memory_space<hbm>>)
        %dma_wait3A_1092 = arith.constant 0 : i32
        %dma_wait3A_1093 = tpu.memref_slice %arg6[%dma_wait3A_1092] : memref<196608xf32, #tpu.memory_space<hbm>> -> memref<384xf32, #tpu.memory_space<hbm>>
        %dma_wait3A_1094 = arith.constant 0 : i32
        %dma_wait3A_1095 = tpu.memref_slice %arg6[%dma_wait3A_1094] : memref<196608xf32, #tpu.memory_space<hbm>> -> memref<384xf32, #tpu.memory_space<hbm>>
        tpu.wait_dma2 semaphore(%arg33 : memref<!tpu.dma_semaphore, #tpu.memory_space<semaphore_mem>>) src(%arg17 : memref<384xf32, #tpu.memory_space<vmem>>) dst(%dma_wait3A_1095 : memref<384xf32, #tpu.memory_space<hbm>>)
      } else {
      }
      %add3A_286 = arith.constant 128 : i32
      %add3A_287 = arith.addi %mul3A_41, %add3A_286 : i32
      %dma_start3A_288 = tpu.memref_slice %arg7[%add3A_287] : memref<2048xi32, #tpu.memory_space<vmem>> -> memref<128xi32, #tpu.memory_space<vmem>>
      %dma_start3A_289 = arith.constant 0 : i32
      %dma_start3A_290 = arith.constant 0 : i32
      %dma_start3A_291 = tpu.memref_slice %arg2[%dma_start3A_289, %dma_start3A_290] : memref<4096x128xi32, #tpu.memory_space<hbm>> -> memref<4096x128xi32, #tpu.memory_space<hbm>>
      tpu.enqueue_indirect_dma source(%dma_start3A_291 : memref<4096x128xi32, #tpu.memory_space<hbm>>) target(%arg9 : memref<128x128xi32, #tpu.memory_space<vmem>>) offsets(%dma_start3A_288 : memref<128xi32, #tpu.memory_space<vmem>>) semaphore(%arg21 : memref<!tpu.dma_semaphore, #tpu.memory_space<semaphore_mem>>)
      %add3A_292 = arith.constant 0 : i32
      %add3A_293 = arith.addi %add3A_287, %add3A_292 : i32
      %get3A_294 = arith.index_cast %add3A_293 : i32 to index
      %get3A_295 = tpu.vector_load %arg7[%get3A_294] {strides = array<i32>} : memref<2048xi32, #tpu.memory_space<vmem>>, vector<16xi32>,
      %get3A_296 = vector.shape_cast %get3A_295 : vector<16xi32> to vector<16xi32>
      %mul3A_297 = arith.constant 16 : i32
      %mul3A_298 = vector.broadcast %mul3A_297 : i32 to vector<16xi32>
      %mul3A_299 = arith.muli %get3A_296, %mul3A_298 : vector<16xi32>
      %add3A_300 = arith.constant 0 : i32
      %add3A_301 = vector.broadcast %add3A_300 : i32 to vector<16xi32>
      %add3A_302 = arith.addi %mul3A_299, %add3A_301 : vector<16xi32>
      %swap3A_303 = arith.constant 0 : index
      %swap3A_304 = tpu.vector_load %arg13[%swap3A_303] {strides = array<i32>} : memref<384xi32, #tpu.memory_space<vmem>>, vector<16xi32>,
      %swap3A_305 = vector.shape_cast %swap3A_304 : vector<16xi32> to vector<16xi32>
      %swap3A_306 = vector.shape_cast %add3A_302 : vector<16xi32> to vector<16xi32>
      tpu.vector_store %arg13[%swap3A_303], %swap3A_306 {strides = array<i32>} : memref<384xi32, #tpu.memory_space<vmem>>, vector<16xi32>,
      %add3A_307 = arith.constant 1 : i32
      %add3A_308 = vector.broadcast %add3A_307 : i32 to vector<16xi32>
      %add3A_309 = arith.addi %mul3A_299, %add3A_308 : vector<16xi32>
      %swap3A_310 = arith.constant 128 : index
      %swap3A_311 = tpu.vector_load %arg13[%swap3A_310] {strides = array<i32>} : memref<384xi32, #tpu.memory_space<vmem>>, vector<16xi32>,
      %swap3A_312 = vector.shape_cast %swap3A_311 : vector<16xi32> to vector<16xi32>
      %swap3A_313 = vector.shape_cast %add3A_309 : vector<16xi32> to vector<16xi32>
      tpu.vector_store %arg13[%swap3A_310], %swap3A_313 {strides = array<i32>} : memref<384xi32, #tpu.memory_space<vmem>>, vector<16xi32>,
      %add3A_314 = arith.constant 2 : i32
      %add3A_315 = vector.broadcast %add3A_314 : i32 to vector<16xi32>
      %add3A_316 = arith.addi %mul3A_299, %add3A_315 : vector<16xi32>
      %swap3A_317 = arith.constant 256 : index
      %swap3A_318 = tpu.vector_load %arg13[%swap3A_317] {strides = array<i32>} : memref<384xi32, #tpu.memory_space<vmem>>, vector<16xi32>,
      %swap3A_319 = vector.shape_cast %swap3A_318 : vector<16xi32> to vector<16xi32>
      %swap3A_320 = vector.shape_cast %add3A_316 : vector<16xi32> to vector<16xi32>
      tpu.vector_store %arg13[%swap3A_317], %swap3A_320 {strides = array<i32>} : memref<384xi32, #tpu.memory_space<vmem>>, vector<16xi32>,
      %add3A_321 = arith.constant 16 : i32
      %add3A_322 = arith.addi %add3A_287, %add3A_321 : i32
      %get3A_323 = arith.index_cast %add3A_322 : i32 to index
      %get3A_324 = tpu.vector_load %arg7[%get3A_323] {strides = array<i32>} : memref<2048xi32, #tpu.memory_space<vmem>>, vector<16xi32>,
      %get3A_325 = vector.shape_cast %get3A_324 : vector<16xi32> to vector<16xi32>
      %mul3A_326 = arith.constant 16 : i32
      %mul3A_327 = vector.broadcast %mul3A_326 : i32 to vector<16xi32>
      %mul3A_328 = arith.muli %get3A_325, %mul3A_327 : vector<16xi32>
      %add3A_329 = arith.constant 0 : i32
      %add3A_330 = vector.broadcast %add3A_329 : i32 to vector<16xi32>
      %add3A_331 = arith.addi %mul3A_328, %add3A_330 : vector<16xi32>
      %swap3A_332 = arith.constant 16 : index
      %swap3A_333 = tpu.vector_load %arg13[%swap3A_332] {strides = array<i32>} : memref<384xi32, #tpu.memory_space<vmem>>, vector<16xi32>,
      %swap3A_334 = vector.shape_cast %swap3A_333 : vector<16xi32> to vector<16xi32>
      %swap3A_335 = vector.shape_cast %add3A_331 : vector<16xi32> to vector<16xi32>
      tpu.vector_store %arg13[%swap3A_332], %swap3A_335 {strides = array<i32>} : memref<384xi32, #tpu.memory_space<vmem>>, vector<16xi32>,
      %add3A_336 = arith.constant 1 : i32
      %add3A_337 = vector.broadcast %add3A_336 : i32 to vector<16xi32>
      %add3A_338 = arith.addi %mul3A_328, %add3A_337 : vector<16xi32>
      %swap3A_339 = arith.constant 144 : index
      %swap3A_340 = tpu.vector_load %arg13[%swap3A_339] {strides = array<i32>} : memref<384xi32, #tpu.memory_space<vmem>>, vector<16xi32>,
      %swap3A_341 = vector.shape_cast %swap3A_340 : vector<16xi32> to vector<16xi32>
      %swap3A_342 = vector.shape_cast %add3A_338 : vector<16xi32> to vector<16xi32>
      tpu.vector_store %arg13[%swap3A_339], %swap3A_342 {strides = array<i32>} : memref<384xi32, #tpu.memory_space<vmem>>, vector<16xi32>,
      %add3A_343 = arith.constant 2 : i32
      %add3A_344 = vector.broadcast %add3A_343 : i32 to vector<16xi32>
      %add3A_345 = arith.addi %mul3A_328, %add3A_344 : vector<16xi32>
      %swap3A_346 = arith.constant 272 : index
      %swap3A_347 = tpu.vector_load %arg13[%swap3A_346] {strides = array<i32>} : memref<384xi32, #tpu.memory_space<vmem>>, vector<16xi32>,
      %swap3A_348 = vector.shape_cast %swap3A_347 : vector<16xi32> to vector<16xi32>
      %swap3A_349 = vector.shape_cast %add3A_345 : vector<16xi32> to vector<16xi32>
      tpu.vector_store %arg13[%swap3A_346], %swap3A_349 {strides = array<i32>} : memref<384xi32, #tpu.memory_space<vmem>>, vector<16xi32>,
      %add3A_350 = arith.constant 32 : i32
      %add3A_351 = arith.addi %add3A_287, %add3A_350 : i32
      %get3A_352 = arith.index_cast %add3A_351 : i32 to index
      %get3A_353 = tpu.vector_load %arg7[%get3A_352] {strides = array<i32>} : memref<2048xi32, #tpu.memory_space<vmem>>, vector<16xi32>,
      %get3A_354 = vector.shape_cast %get3A_353 : vector<16xi32> to vector<16xi32>
      %mul3A_355 = arith.constant 16 : i32
      %mul3A_356 = vector.broadcast %mul3A_355 : i32 to vector<16xi32>
      %mul3A_357 = arith.muli %get3A_354, %mul3A_356 : vector<16xi32>
      %add3A_358 = arith.constant 0 : i32
      %add3A_359 = vector.broadcast %add3A_358 : i32 to vector<16xi32>
      %add3A_360 = arith.addi %mul3A_357, %add3A_359 : vector<16xi32>
      %swap3A_361 = arith.constant 32 : index
      %swap3A_362 = tpu.vector_load %arg13[%swap3A_361] {strides = array<i32>} : memref<384xi32, #tpu.memory_space<vmem>>, vector<16xi32>,
      %swap3A_363 = vector.shape_cast %swap3A_362 : vector<16xi32> to vector<16xi32>
      %swap3A_364 = vector.shape_cast %add3A_360 : vector<16xi32> to vector<16xi32>
      tpu.vector_store %arg13[%swap3A_361], %swap3A_364 {strides = array<i32>} : memref<384xi32, #tpu.memory_space<vmem>>, vector<16xi32>,
      %add3A_365 = arith.constant 1 : i32
      %add3A_366 = vector.broadcast %add3A_365 : i32 to vector<16xi32>
      %add3A_367 = arith.addi %mul3A_357, %add3A_366 : vector<16xi32>
      %swap3A_368 = arith.constant 160 : index
      %swap3A_369 = tpu.vector_load %arg13[%swap3A_368] {strides = array<i32>} : memref<384xi32, #tpu.memory_space<vmem>>, vector<16xi32>,
      %swap3A_370 = vector.shape_cast %swap3A_369 : vector<16xi32> to vector<16xi32>
      %swap3A_371 = vector.shape_cast %add3A_367 : vector<16xi32> to vector<16xi32>
      tpu.vector_store %arg13[%swap3A_368], %swap3A_371 {strides = array<i32>} : memref<384xi32, #tpu.memory_space<vmem>>, vector<16xi32>,
      %add3A_372 = arith.constant 2 : i32
      %add3A_373 = vector.broadcast %add3A_372 : i32 to vector<16xi32>
      %add3A_374 = arith.addi %mul3A_357, %add3A_373 : vector<16xi32>
      %swap3A_375 = arith.constant 288 : index
      %swap3A_376 = tpu.vector_load %arg13[%swap3A_375] {strides = array<i32>} : memref<384xi32, #tpu.memory_space<vmem>>, vector<16xi32>,
      %swap3A_377 = vector.shape_cast %swap3A_376 : vector<16xi32> to vector<16xi32>
      %swap3A_378 = vector.shape_cast %add3A_374 : vector<16xi32> to vector<16xi32>
      tpu.vector_store %arg13[%swap3A_375], %swap3A_378 {strides = array<i32>} : memref<384xi32, #tpu.memory_space<vmem>>, vector<16xi32>,
      %add3A_379 = arith.constant 48 : i32
      %add3A_380 = arith.addi %add3A_287, %add3A_379 : i32
      %get3A_381 = arith.index_cast %add3A_380 : i32 to index
      %get3A_382 = tpu.vector_load %arg7[%get3A_381] {strides = array<i32>} : memref<2048xi32, #tpu.memory_space<vmem>>, vector<16xi32>,
      %get3A_383 = vector.shape_cast %get3A_382 : vector<16xi32> to vector<16xi32>
      %mul3A_384 = arith.constant 16 : i32
      %mul3A_385 = vector.broadcast %mul3A_384 : i32 to vector<16xi32>
      %mul3A_386 = arith.muli %get3A_383, %mul3A_385 : vector<16xi32>
      %add3A_387 = arith.constant 0 : i32
      %add3A_388 = vector.broadcast %add3A_387 : i32 to vector<16xi32>
      %add3A_389 = arith.addi %mul3A_386, %add3A_388 : vector<16xi32>
      %swap3A_390 = arith.constant 48 : index
      %swap3A_391 = tpu.vector_load %arg13[%swap3A_390] {strides = array<i32>} : memref<384xi32, #tpu.memory_space<vmem>>, vector<16xi32>,
      %swap3A_392 = vector.shape_cast %swap3A_391 : vector<16xi32> to vector<16xi32>
      %swap3A_393 = vector.shape_cast %add3A_389 : vector<16xi32> to vector<16xi32>
      tpu.vector_store %arg13[%swap3A_390], %swap3A_393 {strides = array<i32>} : memref<384xi32, #tpu.memory_space<vmem>>, vector<16xi32>,
      %add3A_394 = arith.constant 1 : i32
      %add3A_395 = vector.broadcast %add3A_394 : i32 to vector<16xi32>
      %add3A_396 = arith.addi %mul3A_386, %add3A_395 : vector<16xi32>
      %swap3A_397 = arith.constant 176 : index
      %swap3A_398 = tpu.vector_load %arg13[%swap3A_397] {strides = array<i32>} : memref<384xi32, #tpu.memory_space<vmem>>, vector<16xi32>,
      %swap3A_399 = vector.shape_cast %swap3A_398 : vector<16xi32> to vector<16xi32>
      %swap3A_400 = vector.shape_cast %add3A_396 : vector<16xi32> to vector<16xi32>
      tpu.vector_store %arg13[%swap3A_397], %swap3A_400 {strides = array<i32>} : memref<384xi32, #tpu.memory_space<vmem>>, vector<16xi32>,
      %add3A_401 = arith.constant 2 : i32
      %add3A_402 = vector.broadcast %add3A_401 : i32 to vector<16xi32>
      %add3A_403 = arith.addi %mul3A_386, %add3A_402 : vector<16xi32>
      %swap3A_404 = arith.constant 304 : index
      %swap3A_405 = tpu.vector_load %arg13[%swap3A_404] {strides = array<i32>} : memref<384xi32, #tpu.memory_space<vmem>>, vector<16xi32>,
      %swap3A_406 = vector.shape_cast %swap3A_405 : vector<16xi32> to vector<16xi32>
      %swap3A_407 = vector.shape_cast %add3A_403 : vector<16xi32> to vector<16xi32>
      tpu.vector_store %arg13[%swap3A_404], %swap3A_407 {strides = array<i32>} : memref<384xi32, #tpu.memory_space<vmem>>, vector<16xi32>,
      %add3A_408 = arith.constant 64 : i32
      %add3A_409 = arith.addi %add3A_287, %add3A_408 : i32
      %get3A_410 = arith.index_cast %add3A_409 : i32 to index
      %get3A_411 = tpu.vector_load %arg7[%get3A_410] {strides = array<i32>} : memref<2048xi32, #tpu.memory_space<vmem>>, vector<16xi32>,
      %get3A_412 = vector.shape_cast %get3A_411 : vector<16xi32> to vector<16xi32>
      %mul3A_413 = arith.constant 16 : i32
      %mul3A_414 = vector.broadcast %mul3A_413 : i32 to vector<16xi32>
      %mul3A_415 = arith.muli %get3A_412, %mul3A_414 : vector<16xi32>
      %add3A_416 = arith.constant 0 : i32
      %add3A_417 = vector.broadcast %add3A_416 : i32 to vector<16xi32>
      %add3A_418 = arith.addi %mul3A_415, %add3A_417 : vector<16xi32>
      %swap3A_419 = arith.constant 64 : index
      %swap3A_420 = tpu.vector_load %arg13[%swap3A_419] {strides = array<i32>} : memref<384xi32, #tpu.memory_space<vmem>>, vector<16xi32>,
      %swap3A_421 = vector.shape_cast %swap3A_420 : vector<16xi32> to vector<16xi32>
      %swap3A_422 = vector.shape_cast %add3A_418 : vector<16xi32> to vector<16xi32>
      tpu.vector_store %arg13[%swap3A_419], %swap3A_422 {strides = array<i32>} : memref<384xi32, #tpu.memory_space<vmem>>, vector<16xi32>,
      %add3A_423 = arith.constant 1 : i32
      %add3A_424 = vector.broadcast %add3A_423 : i32 to vector<16xi32>
      %add3A_425 = arith.addi %mul3A_415, %add3A_424 : vector<16xi32>
      %swap3A_426 = arith.constant 192 : index
      %swap3A_427 = tpu.vector_load %arg13[%swap3A_426] {strides = array<i32>} : memref<384xi32, #tpu.memory_space<vmem>>, vector<16xi32>,
      %swap3A_428 = vector.shape_cast %swap3A_427 : vector<16xi32> to vector<16xi32>
      %swap3A_429 = vector.shape_cast %add3A_425 : vector<16xi32> to vector<16xi32>
      tpu.vector_store %arg13[%swap3A_426], %swap3A_429 {strides = array<i32>} : memref<384xi32, #tpu.memory_space<vmem>>, vector<16xi32>,
      %add3A_430 = arith.constant 2 : i32
      %add3A_431 = vector.broadcast %add3A_430 : i32 to vector<16xi32>
      %add3A_432 = arith.addi %mul3A_415, %add3A_431 : vector<16xi32>
      %swap3A_433 = arith.constant 320 : index
      %swap3A_434 = tpu.vector_load %arg13[%swap3A_433] {strides = array<i32>} : memref<384xi32, #tpu.memory_space<vmem>>, vector<16xi32>,
      %swap3A_435 = vector.shape_cast %swap3A_434 : vector<16xi32> to vector<16xi32>
      %swap3A_436 = vector.shape_cast %add3A_432 : vector<16xi32> to vector<16xi32>
      tpu.vector_store %arg13[%swap3A_433], %swap3A_436 {strides = array<i32>} : memref<384xi32, #tpu.memory_space<vmem>>, vector<16xi32>,
      %add3A_437 = arith.constant 80 : i32
      %add3A_438 = arith.addi %add3A_287, %add3A_437 : i32
      %get3A_439 = arith.index_cast %add3A_438 : i32 to index
      %get3A_440 = tpu.vector_load %arg7[%get3A_439] {strides = array<i32>} : memref<2048xi32, #tpu.memory_space<vmem>>, vector<16xi32>,
      %get3A_441 = vector.shape_cast %get3A_440 : vector<16xi32> to vector<16xi32>
      %mul3A_442 = arith.constant 16 : i32
      %mul3A_443 = vector.broadcast %mul3A_442 : i32 to vector<16xi32>
      %mul3A_444 = arith.muli %get3A_441, %mul3A_443 : vector<16xi32>
      %add3A_445 = arith.constant 0 : i32
      %add3A_446 = vector.broadcast %add3A_445 : i32 to vector<16xi32>
      %add3A_447 = arith.addi %mul3A_444, %add3A_446 : vector<16xi32>
      %swap3A_448 = arith.constant 80 : index
      %swap3A_449 = tpu.vector_load %arg13[%swap3A_448] {strides = array<i32>} : memref<384xi32, #tpu.memory_space<vmem>>, vector<16xi32>,
      %swap3A_450 = vector.shape_cast %swap3A_449 : vector<16xi32> to vector<16xi32>
      %swap3A_451 = vector.shape_cast %add3A_447 : vector<16xi32> to vector<16xi32>
      tpu.vector_store %arg13[%swap3A_448], %swap3A_451 {strides = array<i32>} : memref<384xi32, #tpu.memory_space<vmem>>, vector<16xi32>,
      %add3A_452 = arith.constant 1 : i32
      %add3A_453 = vector.broadcast %add3A_452 : i32 to vector<16xi32>
      %add3A_454 = arith.addi %mul3A_444, %add3A_453 : vector<16xi32>
      %swap3A_455 = arith.constant 208 : index
      %swap3A_456 = tpu.vector_load %arg13[%swap3A_455] {strides = array<i32>} : memref<384xi32, #tpu.memory_space<vmem>>, vector<16xi32>,
      %swap3A_457 = vector.shape_cast %swap3A_456 : vector<16xi32> to vector<16xi32>
      %swap3A_458 = vector.shape_cast %add3A_454 : vector<16xi32> to vector<16xi32>
      tpu.vector_store %arg13[%swap3A_455], %swap3A_458 {strides = array<i32>} : memref<384xi32, #tpu.memory_space<vmem>>, vector<16xi32>,
      %add3A_459 = arith.constant 2 : i32
      %add3A_460 = vector.broadcast %add3A_459 : i32 to vector<16xi32>
      %add3A_461 = arith.addi %mul3A_444, %add3A_460 : vector<16xi32>
      %swap3A_462 = arith.constant 336 : index
      %swap3A_463 = tpu.vector_load %arg13[%swap3A_462] {strides = array<i32>} : memref<384xi32, #tpu.memory_space<vmem>>, vector<16xi32>,
      %swap3A_464 = vector.shape_cast %swap3A_463 : vector<16xi32> to vector<16xi32>
      %swap3A_465 = vector.shape_cast %add3A_461 : vector<16xi32> to vector<16xi32>
      tpu.vector_store %arg13[%swap3A_462], %swap3A_465 {strides = array<i32>} : memref<384xi32, #tpu.memory_space<vmem>>, vector<16xi32>,
      %add3A_466 = arith.constant 96 : i32
      %add3A_467 = arith.addi %add3A_287, %add3A_466 : i32
      %get3A_468 = arith.index_cast %add3A_467 : i32 to index
      %get3A_469 = tpu.vector_load %arg7[%get3A_468] {strides = array<i32>} : memref<2048xi32, #tpu.memory_space<vmem>>, vector<16xi32>,
      %get3A_470 = vector.shape_cast %get3A_469 : vector<16xi32> to vector<16xi32>
      %mul3A_471 = arith.constant 16 : i32
      %mul3A_472 = vector.broadcast %mul3A_471 : i32 to vector<16xi32>
      %mul3A_473 = arith.muli %get3A_470, %mul3A_472 : vector<16xi32>
      %add3A_474 = arith.constant 0 : i32
      %add3A_475 = vector.broadcast %add3A_474 : i32 to vector<16xi32>
      %add3A_476 = arith.addi %mul3A_473, %add3A_475 : vector<16xi32>
      %swap3A_477 = arith.constant 96 : index
      %swap3A_478 = tpu.vector_load %arg13[%swap3A_477] {strides = array<i32>} : memref<384xi32, #tpu.memory_space<vmem>>, vector<16xi32>,
      %swap3A_479 = vector.shape_cast %swap3A_478 : vector<16xi32> to vector<16xi32>
      %swap3A_480 = vector.shape_cast %add3A_476 : vector<16xi32> to vector<16xi32>
      tpu.vector_store %arg13[%swap3A_477], %swap3A_480 {strides = array<i32>} : memref<384xi32, #tpu.memory_space<vmem>>, vector<16xi32>,
      %add3A_481 = arith.constant 1 : i32
      %add3A_482 = vector.broadcast %add3A_481 : i32 to vector<16xi32>
      %add3A_483 = arith.addi %mul3A_473, %add3A_482 : vector<16xi32>
      %swap3A_484 = arith.constant 224 : index
      %swap3A_485 = tpu.vector_load %arg13[%swap3A_484] {strides = array<i32>} : memref<384xi32, #tpu.memory_space<vmem>>, vector<16xi32>,
      %swap3A_486 = vector.shape_cast %swap3A_485 : vector<16xi32> to vector<16xi32>
      %swap3A_487 = vector.shape_cast %add3A_483 : vector<16xi32> to vector<16xi32>
      tpu.vector_store %arg13[%swap3A_484], %swap3A_487 {strides = array<i32>} : memref<384xi32, #tpu.memory_space<vmem>>, vector<16xi32>,
      %add3A_488 = arith.constant 2 : i32
      %add3A_489 = vector.broadcast %add3A_488 : i32 to vector<16xi32>
      %add3A_490 = arith.addi %mul3A_473, %add3A_489 : vector<16xi32>
      %swap3A_491 = arith.constant 352 : index
      %swap3A_492 = tpu.vector_load %arg13[%swap3A_491] {strides = array<i32>} : memref<384xi32, #tpu.memory_space<vmem>>, vector<16xi32>,
      %swap3A_493 = vector.shape_cast %swap3A_492 : vector<16xi32> to vector<16xi32>
      %swap3A_494 = vector.shape_cast %add3A_490 : vector<16xi32> to vector<16xi32>
      tpu.vector_store %arg13[%swap3A_491], %swap3A_494 {strides = array<i32>} : memref<384xi32, #tpu.memory_space<vmem>>, vector<16xi32>,
      %add3A_495 = arith.constant 112 : i32
      %add3A_496 = arith.addi %add3A_287, %add3A_495 : i32
      %get3A_497 = arith.index_cast %add3A_496 : i32 to index
      %get3A_498 = tpu.vector_load %arg7[%get3A_497] {strides = array<i32>} : memref<2048xi32, #tpu.memory_space<vmem>>, vector<16xi32>,
      %get3A_499 = vector.shape_cast %get3A_498 : vector<16xi32> to vector<16xi32>
      %mul3A_500 = arith.constant 16 : i32
      %mul3A_501 = vector.broadcast %mul3A_500 : i32 to vector<16xi32>
      %mul3A_502 = arith.muli %get3A_499, %mul3A_501 : vector<16xi32>
      %add3A_503 = arith.constant 0 : i32
      %add3A_504 = vector.broadcast %add3A_503 : i32 to vector<16xi32>
      %add3A_505 = arith.addi %mul3A_502, %add3A_504 : vector<16xi32>
      %swap3A_506 = arith.constant 112 : index
      %swap3A_507 = tpu.vector_load %arg13[%swap3A_506] {strides = array<i32>} : memref<384xi32, #tpu.memory_space<vmem>>, vector<16xi32>,
      %swap3A_508 = vector.shape_cast %swap3A_507 : vector<16xi32> to vector<16xi32>
      %swap3A_509 = vector.shape_cast %add3A_505 : vector<16xi32> to vector<16xi32>
      tpu.vector_store %arg13[%swap3A_506], %swap3A_509 {strides = array<i32>} : memref<384xi32, #tpu.memory_space<vmem>>, vector<16xi32>,
      %add3A_510 = arith.constant 1 : i32
      %add3A_511 = vector.broadcast %add3A_510 : i32 to vector<16xi32>
      %add3A_512 = arith.addi %mul3A_502, %add3A_511 : vector<16xi32>
      %swap3A_513 = arith.constant 240 : index
      %swap3A_514 = tpu.vector_load %arg13[%swap3A_513] {strides = array<i32>} : memref<384xi32, #tpu.memory_space<vmem>>, vector<16xi32>,
      %swap3A_515 = vector.shape_cast %swap3A_514 : vector<16xi32> to vector<16xi32>
      %swap3A_516 = vector.shape_cast %add3A_512 : vector<16xi32> to vector<16xi32>
      tpu.vector_store %arg13[%swap3A_513], %swap3A_516 {strides = array<i32>} : memref<384xi32, #tpu.memory_space<vmem>>, vector<16xi32>,
      %add3A_517 = arith.constant 2 : i32
      %add3A_518 = vector.broadcast %add3A_517 : i32 to vector<16xi32>
      %add3A_519 = arith.addi %mul3A_502, %add3A_518 : vector<16xi32>
      %swap3A_520 = arith.constant 368 : index
      %swap3A_521 = tpu.vector_load %arg13[%swap3A_520] {strides = array<i32>} : memref<384xi32, #tpu.memory_space<vmem>>, vector<16xi32>,
      %swap3A_522 = vector.shape_cast %swap3A_521 : vector<16xi32> to vector<16xi32>
      %swap3A_523 = vector.shape_cast %add3A_519 : vector<16xi32> to vector<16xi32>
      tpu.vector_store %arg13[%swap3A_520], %swap3A_523 {strides = array<i32>} : memref<384xi32, #tpu.memory_space<vmem>>, vector<16xi32>,
      %dma_start3A_524 = arith.constant 0 : i32
      %dma_start3A_525 = tpu.memref_slice %arg3[%dma_start3A_524] : memref<65536xf32, #tpu.memory_space<hbm>> -> memref<65536xf32, #tpu.memory_space<hbm>>
      tpu.enqueue_indirect_dma source(%dma_start3A_525 : memref<65536xf32, #tpu.memory_space<hbm>>) target(%arg17 : memref<384xf32, #tpu.memory_space<vmem>>) offsets(%arg13 : memref<384xi32, #tpu.memory_space<vmem>>) semaphore(%arg25 : memref<!tpu.dma_semaphore, #tpu.memory_space<semaphore_mem>>)
      %gt3A_526 = arith.constant 0 : i32
      %gt3A_527 = arith.cmpi sgt, %scan3A_39, %gt3A_526 : i32
      %convert_element_type3A_528 = arith.extui %gt3A_527 : i1 to i32
      %cond3A_529 = arith.constant 0 : i32
      %cond3A_530 = arith.cmpi ne, %convert_element_type3A_528, %cond3A_529 : i32
      scf.if %cond3A_530 {
        %dma_wait3A_1088 = arith.constant 0 : i32
        %dma_wait3A_1089 = tpu.memref_slice %arg5[%mul3A_2, %dma_wait3A_1088] : memref<65536x128xi32, #tpu.memory_space<hbm>> -> memref<128x128xi32, #tpu.memory_space<hbm>>
        %dma_wait3A_1090 = arith.constant 0 : i32
        %dma_wait3A_1091 = tpu.memref_slice %arg5[%mul3A_2, %dma_wait3A_1090] : memref<65536x128xi32, #tpu.memory_space<hbm>> -> memref<128x128xi32, #tpu.memory_space<hbm>>
        tpu.wait_dma2 semaphore(%arg30 : memref<!tpu.dma_semaphore, #tpu.memory_space<semaphore_mem>>) src(%arg10 : memref<128x128xi32, #tpu.memory_space<vmem>>) dst(%dma_wait3A_1091 : memref<128x128xi32, #tpu.memory_space<hbm>>)
        %dma_wait3A_1092 = arith.constant 0 : i32
        %dma_wait3A_1093 = tpu.memref_slice %arg6[%dma_wait3A_1092] : memref<196608xf32, #tpu.memory_space<hbm>> -> memref<384xf32, #tpu.memory_space<hbm>>
        %dma_wait3A_1094 = arith.constant 0 : i32
        %dma_wait3A_1095 = tpu.memref_slice %arg6[%dma_wait3A_1094] : memref<196608xf32, #tpu.memory_space<hbm>> -> memref<384xf32, #tpu.memory_space<hbm>>
        tpu.wait_dma2 semaphore(%arg34 : memref<!tpu.dma_semaphore, #tpu.memory_space<semaphore_mem>>) src(%arg18 : memref<384xf32, #tpu.memory_space<vmem>>) dst(%dma_wait3A_1095 : memref<384xf32, #tpu.memory_space<hbm>>)
      } else {
      }
      %add3A_531 = arith.constant 256 : i32
      %add3A_532 = arith.addi %mul3A_41, %add3A_531 : i32
      %dma_start3A_533 = tpu.memref_slice %arg7[%add3A_532] : memref<2048xi32, #tpu.memory_space<vmem>> -> memref<128xi32, #tpu.memory_space<vmem>>
      %dma_start3A_534 = arith.constant 0 : i32
      %dma_start3A_535 = arith.constant 0 : i32
      %dma_start3A_536 = tpu.memref_slice %arg2[%dma_start3A_534, %dma_start3A_535] : memref<4096x128xi32, #tpu.memory_space<hbm>> -> memref<4096x128xi32, #tpu.memory_space<hbm>>
      tpu.enqueue_indirect_dma source(%dma_start3A_536 : memref<4096x128xi32, #tpu.memory_space<hbm>>) target(%arg10 : memref<128x128xi32, #tpu.memory_space<vmem>>) offsets(%dma_start3A_533 : memref<128xi32, #tpu.memory_space<vmem>>) semaphore(%arg22 : memref<!tpu.dma_semaphore, #tpu.memory_space<semaphore_mem>>)
      %add3A_537 = arith.constant 0 : i32
      %add3A_538 = arith.addi %add3A_532, %add3A_537 : i32
      %get3A_539 = arith.index_cast %add3A_538 : i32 to index
      %get3A_540 = tpu.vector_load %arg7[%get3A_539] {strides = array<i32>} : memref<2048xi32, #tpu.memory_space<vmem>>, vector<16xi32>,
      %get3A_541 = vector.shape_cast %get3A_540 : vector<16xi32> to vector<16xi32>
      %mul3A_542 = arith.constant 16 : i32
      %mul3A_543 = vector.broadcast %mul3A_542 : i32 to vector<16xi32>
      %mul3A_544 = arith.muli %get3A_541, %mul3A_543 : vector<16xi32>
      %add3A_545 = arith.constant 0 : i32
      %add3A_546 = vector.broadcast %add3A_545 : i32 to vector<16xi32>
      %add3A_547 = arith.addi %mul3A_544, %add3A_546 : vector<16xi32>
      %swap3A_548 = arith.constant 0 : index
      %swap3A_549 = tpu.vector_load %arg14[%swap3A_548] {strides = array<i32>} : memref<384xi32, #tpu.memory_space<vmem>>, vector<16xi32>,
      %swap3A_550 = vector.shape_cast %swap3A_549 : vector<16xi32> to vector<16xi32>
      %swap3A_551 = vector.shape_cast %add3A_547 : vector<16xi32> to vector<16xi32>
      tpu.vector_store %arg14[%swap3A_548], %swap3A_551 {strides = array<i32>} : memref<384xi32, #tpu.memory_space<vmem>>, vector<16xi32>,
      %add3A_552 = arith.constant 1 : i32
      %add3A_553 = vector.broadcast %add3A_552 : i32 to vector<16xi32>
      %add3A_554 = arith.addi %mul3A_544, %add3A_553 : vector<16xi32>
      %swap3A_555 = arith.constant 128 : index
      %swap3A_556 = tpu.vector_load %arg14[%swap3A_555] {strides = array<i32>} : memref<384xi32, #tpu.memory_space<vmem>>, vector<16xi32>,
      %swap3A_557 = vector.shape_cast %swap3A_556 : vector<16xi32> to vector<16xi32>
      %swap3A_558 = vector.shape_cast %add3A_554 : vector<16xi32> to vector<16xi32>
      tpu.vector_store %arg14[%swap3A_555], %swap3A_558 {strides = array<i32>} : memref<384xi32, #tpu.memory_space<vmem>>, vector<16xi32>,
      %add3A_559 = arith.constant 2 : i32
      %add3A_560 = vector.broadcast %add3A_559 : i32 to vector<16xi32>
      %add3A_561 = arith.addi %mul3A_544, %add3A_560 : vector<16xi32>
      %swap3A_562 = arith.constant 256 : index
      %swap3A_563 = tpu.vector_load %arg14[%swap3A_562] {strides = array<i32>} : memref<384xi32, #tpu.memory_space<vmem>>, vector<16xi32>,
      %swap3A_564 = vector.shape_cast %swap3A_563 : vector<16xi32> to vector<16xi32>
      %swap3A_565 = vector.shape_cast %add3A_561 : vector<16xi32> to vector<16xi32>
      tpu.vector_store %arg14[%swap3A_562], %swap3A_565 {strides = array<i32>} : memref<384xi32, #tpu.memory_space<vmem>>, vector<16xi32>,
      %add3A_566 = arith.constant 16 : i32
      %add3A_567 = arith.addi %add3A_532, %add3A_566 : i32
      %get3A_568 = arith.index_cast %add3A_567 : i32 to index
      %get3A_569 = tpu.vector_load %arg7[%get3A_568] {strides = array<i32>} : memref<2048xi32, #tpu.memory_space<vmem>>, vector<16xi32>,
      %get3A_570 = vector.shape_cast %get3A_569 : vector<16xi32> to vector<16xi32>
      %mul3A_571 = arith.constant 16 : i32
      %mul3A_572 = vector.broadcast %mul3A_571 : i32 to vector<16xi32>
      %mul3A_573 = arith.muli %get3A_570, %mul3A_572 : vector<16xi32>
      %add3A_574 = arith.constant 0 : i32
      %add3A_575 = vector.broadcast %add3A_574 : i32 to vector<16xi32>
      %add3A_576 = arith.addi %mul3A_573, %add3A_575 : vector<16xi32>
      %swap3A_577 = arith.constant 16 : index
      %swap3A_578 = tpu.vector_load %arg14[%swap3A_577] {strides = array<i32>} : memref<384xi32, #tpu.memory_space<vmem>>, vector<16xi32>,
      %swap3A_579 = vector.shape_cast %swap3A_578 : vector<16xi32> to vector<16xi32>
      %swap3A_580 = vector.shape_cast %add3A_576 : vector<16xi32> to vector<16xi32>
      tpu.vector_store %arg14[%swap3A_577], %swap3A_580 {strides = array<i32>} : memref<384xi32, #tpu.memory_space<vmem>>, vector<16xi32>,
      %add3A_581 = arith.constant 1 : i32
      %add3A_582 = vector.broadcast %add3A_581 : i32 to vector<16xi32>
      %add3A_583 = arith.addi %mul3A_573, %add3A_582 : vector<16xi32>
      %swap3A_584 = arith.constant 144 : index
      %swap3A_585 = tpu.vector_load %arg14[%swap3A_584] {strides = array<i32>} : memref<384xi32, #tpu.memory_space<vmem>>, vector<16xi32>,
      %swap3A_586 = vector.shape_cast %swap3A_585 : vector<16xi32> to vector<16xi32>
      %swap3A_587 = vector.shape_cast %add3A_583 : vector<16xi32> to vector<16xi32>
      tpu.vector_store %arg14[%swap3A_584], %swap3A_587 {strides = array<i32>} : memref<384xi32, #tpu.memory_space<vmem>>, vector<16xi32>,
      %add3A_588 = arith.constant 2 : i32
      %add3A_589 = vector.broadcast %add3A_588 : i32 to vector<16xi32>
      %add3A_590 = arith.addi %mul3A_573, %add3A_589 : vector<16xi32>
      %swap3A_591 = arith.constant 272 : index
      %swap3A_592 = tpu.vector_load %arg14[%swap3A_591] {strides = array<i32>} : memref<384xi32, #tpu.memory_space<vmem>>, vector<16xi32>,
      %swap3A_593 = vector.shape_cast %swap3A_592 : vector<16xi32> to vector<16xi32>
      %swap3A_594 = vector.shape_cast %add3A_590 : vector<16xi32> to vector<16xi32>
      tpu.vector_store %arg14[%swap3A_591], %swap3A_594 {strides = array<i32>} : memref<384xi32, #tpu.memory_space<vmem>>, vector<16xi32>,
      %add3A_595 = arith.constant 32 : i32
      %add3A_596 = arith.addi %add3A_532, %add3A_595 : i32
      %get3A_597 = arith.index_cast %add3A_596 : i32 to index
      %get3A_598 = tpu.vector_load %arg7[%get3A_597] {strides = array<i32>} : memref<2048xi32, #tpu.memory_space<vmem>>, vector<16xi32>,
      %get3A_599 = vector.shape_cast %get3A_598 : vector<16xi32> to vector<16xi32>
      %mul3A_600 = arith.constant 16 : i32
      %mul3A_601 = vector.broadcast %mul3A_600 : i32 to vector<16xi32>
      %mul3A_602 = arith.muli %get3A_599, %mul3A_601 : vector<16xi32>
      %add3A_603 = arith.constant 0 : i32
      %add3A_604 = vector.broadcast %add3A_603 : i32 to vector<16xi32>
      %add3A_605 = arith.addi %mul3A_602, %add3A_604 : vector<16xi32>
      %swap3A_606 = arith.constant 32 : index
      %swap3A_607 = tpu.vector_load %arg14[%swap3A_606] {strides = array<i32>} : memref<384xi32, #tpu.memory_space<vmem>>, vector<16xi32>,
      %swap3A_608 = vector.shape_cast %swap3A_607 : vector<16xi32> to vector<16xi32>
      %swap3A_609 = vector.shape_cast %add3A_605 : vector<16xi32> to vector<16xi32>
      tpu.vector_store %arg14[%swap3A_606], %swap3A_609 {strides = array<i32>} : memref<384xi32, #tpu.memory_space<vmem>>, vector<16xi32>,
      %add3A_610 = arith.constant 1 : i32
      %add3A_611 = vector.broadcast %add3A_610 : i32 to vector<16xi32>
      %add3A_612 = arith.addi %mul3A_602, %add3A_611 : vector<16xi32>
      %swap3A_613 = arith.constant 160 : index
      %swap3A_614 = tpu.vector_load %arg14[%swap3A_613] {strides = array<i32>} : memref<384xi32, #tpu.memory_space<vmem>>, vector<16xi32>,
      %swap3A_615 = vector.shape_cast %swap3A_614 : vector<16xi32> to vector<16xi32>
      %swap3A_616 = vector.shape_cast %add3A_612 : vector<16xi32> to vector<16xi32>
      tpu.vector_store %arg14[%swap3A_613], %swap3A_616 {strides = array<i32>} : memref<384xi32, #tpu.memory_space<vmem>>, vector<16xi32>,
      %add3A_617 = arith.constant 2 : i32
      %add3A_618 = vector.broadcast %add3A_617 : i32 to vector<16xi32>
      %add3A_619 = arith.addi %mul3A_602, %add3A_618 : vector<16xi32>
      %swap3A_620 = arith.constant 288 : index
      %swap3A_621 = tpu.vector_load %arg14[%swap3A_620] {strides = array<i32>} : memref<384xi32, #tpu.memory_space<vmem>>, vector<16xi32>,
      %swap3A_622 = vector.shape_cast %swap3A_621 : vector<16xi32> to vector<16xi32>
      %swap3A_623 = vector.shape_cast %add3A_619 : vector<16xi32> to vector<16xi32>
      tpu.vector_store %arg14[%swap3A_620], %swap3A_623 {strides = array<i32>} : memref<384xi32, #tpu.memory_space<vmem>>, vector<16xi32>,
      %add3A_624 = arith.constant 48 : i32
      %add3A_625 = arith.addi %add3A_532, %add3A_624 : i32
      %get3A_626 = arith.index_cast %add3A_625 : i32 to index
      %get3A_627 = tpu.vector_load %arg7[%get3A_626] {strides = array<i32>} : memref<2048xi32, #tpu.memory_space<vmem>>, vector<16xi32>,
      %get3A_628 = vector.shape_cast %get3A_627 : vector<16xi32> to vector<16xi32>
      %mul3A_629 = arith.constant 16 : i32
      %mul3A_630 = vector.broadcast %mul3A_629 : i32 to vector<16xi32>
      %mul3A_631 = arith.muli %get3A_628, %mul3A_630 : vector<16xi32>
      %add3A_632 = arith.constant 0 : i32
      %add3A_633 = vector.broadcast %add3A_632 : i32 to vector<16xi32>
      %add3A_634 = arith.addi %mul3A_631, %add3A_633 : vector<16xi32>
      %swap3A_635 = arith.constant 48 : index
      %swap3A_636 = tpu.vector_load %arg14[%swap3A_635] {strides = array<i32>} : memref<384xi32, #tpu.memory_space<vmem>>, vector<16xi32>,
      %swap3A_637 = vector.shape_cast %swap3A_636 : vector<16xi32> to vector<16xi32>
      %swap3A_638 = vector.shape_cast %add3A_634 : vector<16xi32> to vector<16xi32>
      tpu.vector_store %arg14[%swap3A_635], %swap3A_638 {strides = array<i32>} : memref<384xi32, #tpu.memory_space<vmem>>, vector<16xi32>,
      %add3A_639 = arith.constant 1 : i32
      %add3A_640 = vector.broadcast %add3A_639 : i32 to vector<16xi32>
      %add3A_641 = arith.addi %mul3A_631, %add3A_640 : vector<16xi32>
      %swap3A_642 = arith.constant 176 : index
      %swap3A_643 = tpu.vector_load %arg14[%swap3A_642] {strides = array<i32>} : memref<384xi32, #tpu.memory_space<vmem>>, vector<16xi32>,
      %swap3A_644 = vector.shape_cast %swap3A_643 : vector<16xi32> to vector<16xi32>
      %swap3A_645 = vector.shape_cast %add3A_641 : vector<16xi32> to vector<16xi32>
      tpu.vector_store %arg14[%swap3A_642], %swap3A_645 {strides = array<i32>} : memref<384xi32, #tpu.memory_space<vmem>>, vector<16xi32>,
      %add3A_646 = arith.constant 2 : i32
      %add3A_647 = vector.broadcast %add3A_646 : i32 to vector<16xi32>
      %add3A_648 = arith.addi %mul3A_631, %add3A_647 : vector<16xi32>
      %swap3A_649 = arith.constant 304 : index
      %swap3A_650 = tpu.vector_load %arg14[%swap3A_649] {strides = array<i32>} : memref<384xi32, #tpu.memory_space<vmem>>, vector<16xi32>,
      %swap3A_651 = vector.shape_cast %swap3A_650 : vector<16xi32> to vector<16xi32>
      %swap3A_652 = vector.shape_cast %add3A_648 : vector<16xi32> to vector<16xi32>
      tpu.vector_store %arg14[%swap3A_649], %swap3A_652 {strides = array<i32>} : memref<384xi32, #tpu.memory_space<vmem>>, vector<16xi32>,
      %add3A_653 = arith.constant 64 : i32
      %add3A_654 = arith.addi %add3A_532, %add3A_653 : i32
      %get3A_655 = arith.index_cast %add3A_654 : i32 to index
      %get3A_656 = tpu.vector_load %arg7[%get3A_655] {strides = array<i32>} : memref<2048xi32, #tpu.memory_space<vmem>>, vector<16xi32>,
      %get3A_657 = vector.shape_cast %get3A_656 : vector<16xi32> to vector<16xi32>
      %mul3A_658 = arith.constant 16 : i32
      %mul3A_659 = vector.broadcast %mul3A_658 : i32 to vector<16xi32>
      %mul3A_660 = arith.muli %get3A_657, %mul3A_659 : vector<16xi32>
      %add3A_661 = arith.constant 0 : i32
      %add3A_662 = vector.broadcast %add3A_661 : i32 to vector<16xi32>
      %add3A_663 = arith.addi %mul3A_660, %add3A_662 : vector<16xi32>
      %swap3A_664 = arith.constant 64 : index
      %swap3A_665 = tpu.vector_load %arg14[%swap3A_664] {strides = array<i32>} : memref<384xi32, #tpu.memory_space<vmem>>, vector<16xi32>,
      %swap3A_666 = vector.shape_cast %swap3A_665 : vector<16xi32> to vector<16xi32>
      %swap3A_667 = vector.shape_cast %add3A_663 : vector<16xi32> to vector<16xi32>
      tpu.vector_store %arg14[%swap3A_664], %swap3A_667 {strides = array<i32>} : memref<384xi32, #tpu.memory_space<vmem>>, vector<16xi32>,
      %add3A_668 = arith.constant 1 : i32
      %add3A_669 = vector.broadcast %add3A_668 : i32 to vector<16xi32>
      %add3A_670 = arith.addi %mul3A_660, %add3A_669 : vector<16xi32>
      %swap3A_671 = arith.constant 192 : index
      %swap3A_672 = tpu.vector_load %arg14[%swap3A_671] {strides = array<i32>} : memref<384xi32, #tpu.memory_space<vmem>>, vector<16xi32>,
      %swap3A_673 = vector.shape_cast %swap3A_672 : vector<16xi32> to vector<16xi32>
      %swap3A_674 = vector.shape_cast %add3A_670 : vector<16xi32> to vector<16xi32>
      tpu.vector_store %arg14[%swap3A_671], %swap3A_674 {strides = array<i32>} : memref<384xi32, #tpu.memory_space<vmem>>, vector<16xi32>,
      %add3A_675 = arith.constant 2 : i32
      %add3A_676 = vector.broadcast %add3A_675 : i32 to vector<16xi32>
      %add3A_677 = arith.addi %mul3A_660, %add3A_676 : vector<16xi32>
      %swap3A_678 = arith.constant 320 : index
      %swap3A_679 = tpu.vector_load %arg14[%swap3A_678] {strides = array<i32>} : memref<384xi32, #tpu.memory_space<vmem>>, vector<16xi32>,
      %swap3A_680 = vector.shape_cast %swap3A_679 : vector<16xi32> to vector<16xi32>
      %swap3A_681 = vector.shape_cast %add3A_677 : vector<16xi32> to vector<16xi32>
      tpu.vector_store %arg14[%swap3A_678], %swap3A_681 {strides = array<i32>} : memref<384xi32, #tpu.memory_space<vmem>>, vector<16xi32>,
      %add3A_682 = arith.constant 80 : i32
      %add3A_683 = arith.addi %add3A_532, %add3A_682 : i32
      %get3A_684 = arith.index_cast %add3A_683 : i32 to index
      %get3A_685 = tpu.vector_load %arg7[%get3A_684] {strides = array<i32>} : memref<2048xi32, #tpu.memory_space<vmem>>, vector<16xi32>,
      %get3A_686 = vector.shape_cast %get3A_685 : vector<16xi32> to vector<16xi32>
      %mul3A_687 = arith.constant 16 : i32
      %mul3A_688 = vector.broadcast %mul3A_687 : i32 to vector<16xi32>
      %mul3A_689 = arith.muli %get3A_686, %mul3A_688 : vector<16xi32>
      %add3A_690 = arith.constant 0 : i32
      %add3A_691 = vector.broadcast %add3A_690 : i32 to vector<16xi32>
      %add3A_692 = arith.addi %mul3A_689, %add3A_691 : vector<16xi32>
      %swap3A_693 = arith.constant 80 : index
      %swap3A_694 = tpu.vector_load %arg14[%swap3A_693] {strides = array<i32>} : memref<384xi32, #tpu.memory_space<vmem>>, vector<16xi32>,
      %swap3A_695 = vector.shape_cast %swap3A_694 : vector<16xi32> to vector<16xi32>
      %swap3A_696 = vector.shape_cast %add3A_692 : vector<16xi32> to vector<16xi32>
      tpu.vector_store %arg14[%swap3A_693], %swap3A_696 {strides = array<i32>} : memref<384xi32, #tpu.memory_space<vmem>>, vector<16xi32>,
      %add3A_697 = arith.constant 1 : i32
      %add3A_698 = vector.broadcast %add3A_697 : i32 to vector<16xi32>
      %add3A_699 = arith.addi %mul3A_689, %add3A_698 : vector<16xi32>
      %swap3A_700 = arith.constant 208 : index
      %swap3A_701 = tpu.vector_load %arg14[%swap3A_700] {strides = array<i32>} : memref<384xi32, #tpu.memory_space<vmem>>, vector<16xi32>,
      %swap3A_702 = vector.shape_cast %swap3A_701 : vector<16xi32> to vector<16xi32>
      %swap3A_703 = vector.shape_cast %add3A_699 : vector<16xi32> to vector<16xi32>
      tpu.vector_store %arg14[%swap3A_700], %swap3A_703 {strides = array<i32>} : memref<384xi32, #tpu.memory_space<vmem>>, vector<16xi32>,
      %add3A_704 = arith.constant 2 : i32
      %add3A_705 = vector.broadcast %add3A_704 : i32 to vector<16xi32>
      %add3A_706 = arith.addi %mul3A_689, %add3A_705 : vector<16xi32>
      %swap3A_707 = arith.constant 336 : index
      %swap3A_708 = tpu.vector_load %arg14[%swap3A_707] {strides = array<i32>} : memref<384xi32, #tpu.memory_space<vmem>>, vector<16xi32>,
      %swap3A_709 = vector.shape_cast %swap3A_708 : vector<16xi32> to vector<16xi32>
      %swap3A_710 = vector.shape_cast %add3A_706 : vector<16xi32> to vector<16xi32>
      tpu.vector_store %arg14[%swap3A_707], %swap3A_710 {strides = array<i32>} : memref<384xi32, #tpu.memory_space<vmem>>, vector<16xi32>,
      %add3A_711 = arith.constant 96 : i32
      %add3A_712 = arith.addi %add3A_532, %add3A_711 : i32
      %get3A_713 = arith.index_cast %add3A_712 : i32 to index
      %get3A_714 = tpu.vector_load %arg7[%get3A_713] {strides = array<i32>} : memref<2048xi32, #tpu.memory_space<vmem>>, vector<16xi32>,
      %get3A_715 = vector.shape_cast %get3A_714 : vector<16xi32> to vector<16xi32>
      %mul3A_716 = arith.constant 16 : i32
      %mul3A_717 = vector.broadcast %mul3A_716 : i32 to vector<16xi32>
      %mul3A_718 = arith.muli %get3A_715, %mul3A_717 : vector<16xi32>
      %add3A_719 = arith.constant 0 : i32
      %add3A_720 = vector.broadcast %add3A_719 : i32 to vector<16xi32>
      %add3A_721 = arith.addi %mul3A_718, %add3A_720 : vector<16xi32>
      %swap3A_722 = arith.constant 96 : index
      %swap3A_723 = tpu.vector_load %arg14[%swap3A_722] {strides = array<i32>} : memref<384xi32, #tpu.memory_space<vmem>>, vector<16xi32>,
      %swap3A_724 = vector.shape_cast %swap3A_723 : vector<16xi32> to vector<16xi32>
      %swap3A_725 = vector.shape_cast %add3A_721 : vector<16xi32> to vector<16xi32>
      tpu.vector_store %arg14[%swap3A_722], %swap3A_725 {strides = array<i32>} : memref<384xi32, #tpu.memory_space<vmem>>, vector<16xi32>,
      %add3A_726 = arith.constant 1 : i32
      %add3A_727 = vector.broadcast %add3A_726 : i32 to vector<16xi32>
      %add3A_728 = arith.addi %mul3A_718, %add3A_727 : vector<16xi32>
      %swap3A_729 = arith.constant 224 : index
      %swap3A_730 = tpu.vector_load %arg14[%swap3A_729] {strides = array<i32>} : memref<384xi32, #tpu.memory_space<vmem>>, vector<16xi32>,
      %swap3A_731 = vector.shape_cast %swap3A_730 : vector<16xi32> to vector<16xi32>
      %swap3A_732 = vector.shape_cast %add3A_728 : vector<16xi32> to vector<16xi32>
      tpu.vector_store %arg14[%swap3A_729], %swap3A_732 {strides = array<i32>} : memref<384xi32, #tpu.memory_space<vmem>>, vector<16xi32>,
      %add3A_733 = arith.constant 2 : i32
      %add3A_734 = vector.broadcast %add3A_733 : i32 to vector<16xi32>
      %add3A_735 = arith.addi %mul3A_718, %add3A_734 : vector<16xi32>
      %swap3A_736 = arith.constant 352 : index
      %swap3A_737 = tpu.vector_load %arg14[%swap3A_736] {strides = array<i32>} : memref<384xi32, #tpu.memory_space<vmem>>, vector<16xi32>,
      %swap3A_738 = vector.shape_cast %swap3A_737 : vector<16xi32> to vector<16xi32>
      %swap3A_739 = vector.shape_cast %add3A_735 : vector<16xi32> to vector<16xi32>
      tpu.vector_store %arg14[%swap3A_736], %swap3A_739 {strides = array<i32>} : memref<384xi32, #tpu.memory_space<vmem>>, vector<16xi32>,
      %add3A_740 = arith.constant 112 : i32
      %add3A_741 = arith.addi %add3A_532, %add3A_740 : i32
      %get3A_742 = arith.index_cast %add3A_741 : i32 to index
      %get3A_743 = tpu.vector_load %arg7[%get3A_742] {strides = array<i32>} : memref<2048xi32, #tpu.memory_space<vmem>>, vector<16xi32>,
      %get3A_744 = vector.shape_cast %get3A_743 : vector<16xi32> to vector<16xi32>
      %mul3A_745 = arith.constant 16 : i32
      %mul3A_746 = vector.broadcast %mul3A_745 : i32 to vector<16xi32>
      %mul3A_747 = arith.muli %get3A_744, %mul3A_746 : vector<16xi32>
      %add3A_748 = arith.constant 0 : i32
      %add3A_749 = vector.broadcast %add3A_748 : i32 to vector<16xi32>
      %add3A_750 = arith.addi %mul3A_747, %add3A_749 : vector<16xi32>
      %swap3A_751 = arith.constant 112 : index
      %swap3A_752 = tpu.vector_load %arg14[%swap3A_751] {strides = array<i32>} : memref<384xi32, #tpu.memory_space<vmem>>, vector<16xi32>,
      %swap3A_753 = vector.shape_cast %swap3A_752 : vector<16xi32> to vector<16xi32>
      %swap3A_754 = vector.shape_cast %add3A_750 : vector<16xi32> to vector<16xi32>
      tpu.vector_store %arg14[%swap3A_751], %swap3A_754 {strides = array<i32>} : memref<384xi32, #tpu.memory_space<vmem>>, vector<16xi32>,
      %add3A_755 = arith.constant 1 : i32
      %add3A_756 = vector.broadcast %add3A_755 : i32 to vector<16xi32>
      %add3A_757 = arith.addi %mul3A_747, %add3A_756 : vector<16xi32>
      %swap3A_758 = arith.constant 240 : index
      %swap3A_759 = tpu.vector_load %arg14[%swap3A_758] {strides = array<i32>} : memref<384xi32, #tpu.memory_space<vmem>>, vector<16xi32>,
      %swap3A_760 = vector.shape_cast %swap3A_759 : vector<16xi32> to vector<16xi32>
      %swap3A_761 = vector.shape_cast %add3A_757 : vector<16xi32> to vector<16xi32>
      tpu.vector_store %arg14[%swap3A_758], %swap3A_761 {strides = array<i32>} : memref<384xi32, #tpu.memory_space<vmem>>, vector<16xi32>,
      %add3A_762 = arith.constant 2 : i32
      %add3A_763 = vector.broadcast %add3A_762 : i32 to vector<16xi32>
      %add3A_764 = arith.addi %mul3A_747, %add3A_763 : vector<16xi32>
      %swap3A_765 = arith.constant 368 : index
      %swap3A_766 = tpu.vector_load %arg14[%swap3A_765] {strides = array<i32>} : memref<384xi32, #tpu.memory_space<vmem>>, vector<16xi32>,
      %swap3A_767 = vector.shape_cast %swap3A_766 : vector<16xi32> to vector<16xi32>
      %swap3A_768 = vector.shape_cast %add3A_764 : vector<16xi32> to vector<16xi32>
      tpu.vector_store %arg14[%swap3A_765], %swap3A_768 {strides = array<i32>} : memref<384xi32, #tpu.memory_space<vmem>>, vector<16xi32>,
      %dma_start3A_769 = arith.constant 0 : i32
      %dma_start3A_770 = tpu.memref_slice %arg3[%dma_start3A_769] : memref<65536xf32, #tpu.memory_space<hbm>> -> memref<65536xf32, #tpu.memory_space<hbm>>
      tpu.enqueue_indirect_dma source(%dma_start3A_770 : memref<65536xf32, #tpu.memory_space<hbm>>) target(%arg18 : memref<384xf32, #tpu.memory_space<vmem>>) offsets(%arg14 : memref<384xi32, #tpu.memory_space<vmem>>) semaphore(%arg26 : memref<!tpu.dma_semaphore, #tpu.memory_space<semaphore_mem>>)
      %gt3A_771 = arith.constant 0 : i32
      %gt3A_772 = arith.cmpi sgt, %scan3A_39, %gt3A_771 : i32
      %convert_element_type3A_773 = arith.extui %gt3A_772 : i1 to i32
      %cond3A_774 = arith.constant 0 : i32
      %cond3A_775 = arith.cmpi ne, %convert_element_type3A_773, %cond3A_774 : i32
      scf.if %cond3A_775 {
        %dma_wait3A_1088 = arith.constant 0 : i32
        %dma_wait3A_1089 = tpu.memref_slice %arg5[%mul3A_2, %dma_wait3A_1088] : memref<65536x128xi32, #tpu.memory_space<hbm>> -> memref<128x128xi32, #tpu.memory_space<hbm>>
        %dma_wait3A_1090 = arith.constant 0 : i32
        %dma_wait3A_1091 = tpu.memref_slice %arg5[%mul3A_2, %dma_wait3A_1090] : memref<65536x128xi32, #tpu.memory_space<hbm>> -> memref<128x128xi32, #tpu.memory_space<hbm>>
        tpu.wait_dma2 semaphore(%arg31 : memref<!tpu.dma_semaphore, #tpu.memory_space<semaphore_mem>>) src(%arg11 : memref<128x128xi32, #tpu.memory_space<vmem>>) dst(%dma_wait3A_1091 : memref<128x128xi32, #tpu.memory_space<hbm>>)
        %dma_wait3A_1092 = arith.constant 0 : i32
        %dma_wait3A_1093 = tpu.memref_slice %arg6[%dma_wait3A_1092] : memref<196608xf32, #tpu.memory_space<hbm>> -> memref<384xf32, #tpu.memory_space<hbm>>
        %dma_wait3A_1094 = arith.constant 0 : i32
        %dma_wait3A_1095 = tpu.memref_slice %arg6[%dma_wait3A_1094] : memref<196608xf32, #tpu.memory_space<hbm>> -> memref<384xf32, #tpu.memory_space<hbm>>
        tpu.wait_dma2 semaphore(%arg35 : memref<!tpu.dma_semaphore, #tpu.memory_space<semaphore_mem>>) src(%arg19 : memref<384xf32, #tpu.memory_space<vmem>>) dst(%dma_wait3A_1095 : memref<384xf32, #tpu.memory_space<hbm>>)
      } else {
      }
      %add3A_776 = arith.constant 384 : i32
      %add3A_777 = arith.addi %mul3A_41, %add3A_776 : i32
      %dma_start3A_778 = tpu.memref_slice %arg7[%add3A_777] : memref<2048xi32, #tpu.memory_space<vmem>> -> memref<128xi32, #tpu.memory_space<vmem>>
      %dma_start3A_779 = arith.constant 0 : i32
      %dma_start3A_780 = arith.constant 0 : i32
      %dma_start3A_781 = tpu.memref_slice %arg2[%dma_start3A_779, %dma_start3A_780] : memref<4096x128xi32, #tpu.memory_space<hbm>> -> memref<4096x128xi32, #tpu.memory_space<hbm>>
      tpu.enqueue_indirect_dma source(%dma_start3A_781 : memref<4096x128xi32, #tpu.memory_space<hbm>>) target(%arg11 : memref<128x128xi32, #tpu.memory_space<vmem>>) offsets(%dma_start3A_778 : memref<128xi32, #tpu.memory_space<vmem>>) semaphore(%arg23 : memref<!tpu.dma_semaphore, #tpu.memory_space<semaphore_mem>>)
      %add3A_782 = arith.constant 0 : i32
      %add3A_783 = arith.addi %add3A_777, %add3A_782 : i32
      %get3A_784 = arith.index_cast %add3A_783 : i32 to index
      %get3A_785 = tpu.vector_load %arg7[%get3A_784] {strides = array<i32>} : memref<2048xi32, #tpu.memory_space<vmem>>, vector<16xi32>,
      %get3A_786 = vector.shape_cast %get3A_785 : vector<16xi32> to vector<16xi32>
      %mul3A_787 = arith.constant 16 : i32
      %mul3A_788 = vector.broadcast %mul3A_787 : i32 to vector<16xi32>
      %mul3A_789 = arith.muli %get3A_786, %mul3A_788 : vector<16xi32>
      %add3A_790 = arith.constant 0 : i32
      %add3A_791 = vector.broadcast %add3A_790 : i32 to vector<16xi32>
      %add3A_792 = arith.addi %mul3A_789, %add3A_791 : vector<16xi32>
      %swap3A_793 = arith.constant 0 : index
      %swap3A_794 = tpu.vector_load %arg15[%swap3A_793] {strides = array<i32>} : memref<384xi32, #tpu.memory_space<vmem>>, vector<16xi32>,
      %swap3A_795 = vector.shape_cast %swap3A_794 : vector<16xi32> to vector<16xi32>
      %swap3A_796 = vector.shape_cast %add3A_792 : vector<16xi32> to vector<16xi32>
      tpu.vector_store %arg15[%swap3A_793], %swap3A_796 {strides = array<i32>} : memref<384xi32, #tpu.memory_space<vmem>>, vector<16xi32>,
      %add3A_797 = arith.constant 1 : i32
      %add3A_798 = vector.broadcast %add3A_797 : i32 to vector<16xi32>
      %add3A_799 = arith.addi %mul3A_789, %add3A_798 : vector<16xi32>
      %swap3A_800 = arith.constant 128 : index
      %swap3A_801 = tpu.vector_load %arg15[%swap3A_800] {strides = array<i32>} : memref<384xi32, #tpu.memory_space<vmem>>, vector<16xi32>,
      %swap3A_802 = vector.shape_cast %swap3A_801 : vector<16xi32> to vector<16xi32>
      %swap3A_803 = vector.shape_cast %add3A_799 : vector<16xi32> to vector<16xi32>
      tpu.vector_store %arg15[%swap3A_800], %swap3A_803 {strides = array<i32>} : memref<384xi32, #tpu.memory_space<vmem>>, vector<16xi32>,
      %add3A_804 = arith.constant 2 : i32
      %add3A_805 = vector.broadcast %add3A_804 : i32 to vector<16xi32>
      %add3A_806 = arith.addi %mul3A_789, %add3A_805 : vector<16xi32>
      %swap3A_807 = arith.constant 256 : index
      %swap3A_808 = tpu.vector_load %arg15[%swap3A_807] {strides = array<i32>} : memref<384xi32, #tpu.memory_space<vmem>>, vector<16xi32>,
      %swap3A_809 = vector.shape_cast %swap3A_808 : vector<16xi32> to vector<16xi32>
      %swap3A_810 = vector.shape_cast %add3A_806 : vector<16xi32> to vector<16xi32>
      tpu.vector_store %arg15[%swap3A_807], %swap3A_810 {strides = array<i32>} : memref<384xi32, #tpu.memory_space<vmem>>, vector<16xi32>,
      %add3A_811 = arith.constant 16 : i32
      %add3A_812 = arith.addi %add3A_777, %add3A_811 : i32
      %get3A_813 = arith.index_cast %add3A_812 : i32 to index
      %get3A_814 = tpu.vector_load %arg7[%get3A_813] {strides = array<i32>} : memref<2048xi32, #tpu.memory_space<vmem>>, vector<16xi32>,
      %get3A_815 = vector.shape_cast %get3A_814 : vector<16xi32> to vector<16xi32>
      %mul3A_816 = arith.constant 16 : i32
      %mul3A_817 = vector.broadcast %mul3A_816 : i32 to vector<16xi32>
      %mul3A_818 = arith.muli %get3A_815, %mul3A_817 : vector<16xi32>
      %add3A_819 = arith.constant 0 : i32
      %add3A_820 = vector.broadcast %add3A_819 : i32 to vector<16xi32>
      %add3A_821 = arith.addi %mul3A_818, %add3A_820 : vector<16xi32>
      %swap3A_822 = arith.constant 16 : index
      %swap3A_823 = tpu.vector_load %arg15[%swap3A_822] {strides = array<i32>} : memref<384xi32, #tpu.memory_space<vmem>>, vector<16xi32>,
      %swap3A_824 = vector.shape_cast %swap3A_823 : vector<16xi32> to vector<16xi32>
      %swap3A_825 = vector.shape_cast %add3A_821 : vector<16xi32> to vector<16xi32>
      tpu.vector_store %arg15[%swap3A_822], %swap3A_825 {strides = array<i32>} : memref<384xi32, #tpu.memory_space<vmem>>, vector<16xi32>,
      %add3A_826 = arith.constant 1 : i32
      %add3A_827 = vector.broadcast %add3A_826 : i32 to vector<16xi32>
      %add3A_828 = arith.addi %mul3A_818, %add3A_827 : vector<16xi32>
      %swap3A_829 = arith.constant 144 : index
      %swap3A_830 = tpu.vector_load %arg15[%swap3A_829] {strides = array<i32>} : memref<384xi32, #tpu.memory_space<vmem>>, vector<16xi32>,
      %swap3A_831 = vector.shape_cast %swap3A_830 : vector<16xi32> to vector<16xi32>
      %swap3A_832 = vector.shape_cast %add3A_828 : vector<16xi32> to vector<16xi32>
      tpu.vector_store %arg15[%swap3A_829], %swap3A_832 {strides = array<i32>} : memref<384xi32, #tpu.memory_space<vmem>>, vector<16xi32>,
      %add3A_833 = arith.constant 2 : i32
      %add3A_834 = vector.broadcast %add3A_833 : i32 to vector<16xi32>
      %add3A_835 = arith.addi %mul3A_818, %add3A_834 : vector<16xi32>
      %swap3A_836 = arith.constant 272 : index
      %swap3A_837 = tpu.vector_load %arg15[%swap3A_836] {strides = array<i32>} : memref<384xi32, #tpu.memory_space<vmem>>, vector<16xi32>,
      %swap3A_838 = vector.shape_cast %swap3A_837 : vector<16xi32> to vector<16xi32>
      %swap3A_839 = vector.shape_cast %add3A_835 : vector<16xi32> to vector<16xi32>
      tpu.vector_store %arg15[%swap3A_836], %swap3A_839 {strides = array<i32>} : memref<384xi32, #tpu.memory_space<vmem>>, vector<16xi32>,
      %add3A_840 = arith.constant 32 : i32
      %add3A_841 = arith.addi %add3A_777, %add3A_840 : i32
      %get3A_842 = arith.index_cast %add3A_841 : i32 to index
      %get3A_843 = tpu.vector_load %arg7[%get3A_842] {strides = array<i32>} : memref<2048xi32, #tpu.memory_space<vmem>>, vector<16xi32>,
      %get3A_844 = vector.shape_cast %get3A_843 : vector<16xi32> to vector<16xi32>
      %mul3A_845 = arith.constant 16 : i32
      %mul3A_846 = vector.broadcast %mul3A_845 : i32 to vector<16xi32>
      %mul3A_847 = arith.muli %get3A_844, %mul3A_846 : vector<16xi32>
      %add3A_848 = arith.constant 0 : i32
      %add3A_849 = vector.broadcast %add3A_848 : i32 to vector<16xi32>
      %add3A_850 = arith.addi %mul3A_847, %add3A_849 : vector<16xi32>
      %swap3A_851 = arith.constant 32 : index
      %swap3A_852 = tpu.vector_load %arg15[%swap3A_851] {strides = array<i32>} : memref<384xi32, #tpu.memory_space<vmem>>, vector<16xi32>,
      %swap3A_853 = vector.shape_cast %swap3A_852 : vector<16xi32> to vector<16xi32>
      %swap3A_854 = vector.shape_cast %add3A_850 : vector<16xi32> to vector<16xi32>
      tpu.vector_store %arg15[%swap3A_851], %swap3A_854 {strides = array<i32>} : memref<384xi32, #tpu.memory_space<vmem>>, vector<16xi32>,
      %add3A_855 = arith.constant 1 : i32
      %add3A_856 = vector.broadcast %add3A_855 : i32 to vector<16xi32>
      %add3A_857 = arith.addi %mul3A_847, %add3A_856 : vector<16xi32>
      %swap3A_858 = arith.constant 160 : index
      %swap3A_859 = tpu.vector_load %arg15[%swap3A_858] {strides = array<i32>} : memref<384xi32, #tpu.memory_space<vmem>>, vector<16xi32>,
      %swap3A_860 = vector.shape_cast %swap3A_859 : vector<16xi32> to vector<16xi32>
      %swap3A_861 = vector.shape_cast %add3A_857 : vector<16xi32> to vector<16xi32>
      tpu.vector_store %arg15[%swap3A_858], %swap3A_861 {strides = array<i32>} : memref<384xi32, #tpu.memory_space<vmem>>, vector<16xi32>,
      %add3A_862 = arith.constant 2 : i32
      %add3A_863 = vector.broadcast %add3A_862 : i32 to vector<16xi32>
      %add3A_864 = arith.addi %mul3A_847, %add3A_863 : vector<16xi32>
      %swap3A_865 = arith.constant 288 : index
      %swap3A_866 = tpu.vector_load %arg15[%swap3A_865] {strides = array<i32>} : memref<384xi32, #tpu.memory_space<vmem>>, vector<16xi32>,
      %swap3A_867 = vector.shape_cast %swap3A_866 : vector<16xi32> to vector<16xi32>
      %swap3A_868 = vector.shape_cast %add3A_864 : vector<16xi32> to vector<16xi32>
      tpu.vector_store %arg15[%swap3A_865], %swap3A_868 {strides = array<i32>} : memref<384xi32, #tpu.memory_space<vmem>>, vector<16xi32>,
      %add3A_869 = arith.constant 48 : i32
      %add3A_870 = arith.addi %add3A_777, %add3A_869 : i32
      %get3A_871 = arith.index_cast %add3A_870 : i32 to index
      %get3A_872 = tpu.vector_load %arg7[%get3A_871] {strides = array<i32>} : memref<2048xi32, #tpu.memory_space<vmem>>, vector<16xi32>,
      %get3A_873 = vector.shape_cast %get3A_872 : vector<16xi32> to vector<16xi32>
      %mul3A_874 = arith.constant 16 : i32
      %mul3A_875 = vector.broadcast %mul3A_874 : i32 to vector<16xi32>
      %mul3A_876 = arith.muli %get3A_873, %mul3A_875 : vector<16xi32>
      %add3A_877 = arith.constant 0 : i32
      %add3A_878 = vector.broadcast %add3A_877 : i32 to vector<16xi32>
      %add3A_879 = arith.addi %mul3A_876, %add3A_878 : vector<16xi32>
      %swap3A_880 = arith.constant 48 : index
      %swap3A_881 = tpu.vector_load %arg15[%swap3A_880] {strides = array<i32>} : memref<384xi32, #tpu.memory_space<vmem>>, vector<16xi32>,
      %swap3A_882 = vector.shape_cast %swap3A_881 : vector<16xi32> to vector<16xi32>
      %swap3A_883 = vector.shape_cast %add3A_879 : vector<16xi32> to vector<16xi32>
      tpu.vector_store %arg15[%swap3A_880], %swap3A_883 {strides = array<i32>} : memref<384xi32, #tpu.memory_space<vmem>>, vector<16xi32>,
      %add3A_884 = arith.constant 1 : i32
      %add3A_885 = vector.broadcast %add3A_884 : i32 to vector<16xi32>
      %add3A_886 = arith.addi %mul3A_876, %add3A_885 : vector<16xi32>
      %swap3A_887 = arith.constant 176 : index
      %swap3A_888 = tpu.vector_load %arg15[%swap3A_887] {strides = array<i32>} : memref<384xi32, #tpu.memory_space<vmem>>, vector<16xi32>,
      %swap3A_889 = vector.shape_cast %swap3A_888 : vector<16xi32> to vector<16xi32>
      %swap3A_890 = vector.shape_cast %add3A_886 : vector<16xi32> to vector<16xi32>
      tpu.vector_store %arg15[%swap3A_887], %swap3A_890 {strides = array<i32>} : memref<384xi32, #tpu.memory_space<vmem>>, vector<16xi32>,
      %add3A_891 = arith.constant 2 : i32
      %add3A_892 = vector.broadcast %add3A_891 : i32 to vector<16xi32>
      %add3A_893 = arith.addi %mul3A_876, %add3A_892 : vector<16xi32>
      %swap3A_894 = arith.constant 304 : index
      %swap3A_895 = tpu.vector_load %arg15[%swap3A_894] {strides = array<i32>} : memref<384xi32, #tpu.memory_space<vmem>>, vector<16xi32>,
      %swap3A_896 = vector.shape_cast %swap3A_895 : vector<16xi32> to vector<16xi32>
      %swap3A_897 = vector.shape_cast %add3A_893 : vector<16xi32> to vector<16xi32>
      tpu.vector_store %arg15[%swap3A_894], %swap3A_897 {strides = array<i32>} : memref<384xi32, #tpu.memory_space<vmem>>, vector<16xi32>,
      %add3A_898 = arith.constant 64 : i32
      %add3A_899 = arith.addi %add3A_777, %add3A_898 : i32
      %get3A_900 = arith.index_cast %add3A_899 : i32 to index
      %get3A_901 = tpu.vector_load %arg7[%get3A_900] {strides = array<i32>} : memref<2048xi32, #tpu.memory_space<vmem>>, vector<16xi32>,
      %get3A_902 = vector.shape_cast %get3A_901 : vector<16xi32> to vector<16xi32>
      %mul3A_903 = arith.constant 16 : i32
      %mul3A_904 = vector.broadcast %mul3A_903 : i32 to vector<16xi32>
      %mul3A_905 = arith.muli %get3A_902, %mul3A_904 : vector<16xi32>
      %add3A_906 = arith.constant 0 : i32
      %add3A_907 = vector.broadcast %add3A_906 : i32 to vector<16xi32>
      %add3A_908 = arith.addi %mul3A_905, %add3A_907 : vector<16xi32>
      %swap3A_909 = arith.constant 64 : index
      %swap3A_910 = tpu.vector_load %arg15[%swap3A_909] {strides = array<i32>} : memref<384xi32, #tpu.memory_space<vmem>>, vector<16xi32>,
      %swap3A_911 = vector.shape_cast %swap3A_910 : vector<16xi32> to vector<16xi32>
      %swap3A_912 = vector.shape_cast %add3A_908 : vector<16xi32> to vector<16xi32>
      tpu.vector_store %arg15[%swap3A_909], %swap3A_912 {strides = array<i32>} : memref<384xi32, #tpu.memory_space<vmem>>, vector<16xi32>,
      %add3A_913 = arith.constant 1 : i32
      %add3A_914 = vector.broadcast %add3A_913 : i32 to vector<16xi32>
      %add3A_915 = arith.addi %mul3A_905, %add3A_914 : vector<16xi32>
      %swap3A_916 = arith.constant 192 : index
      %swap3A_917 = tpu.vector_load %arg15[%swap3A_916] {strides = array<i32>} : memref<384xi32, #tpu.memory_space<vmem>>, vector<16xi32>,
      %swap3A_918 = vector.shape_cast %swap3A_917 : vector<16xi32> to vector<16xi32>
      %swap3A_919 = vector.shape_cast %add3A_915 : vector<16xi32> to vector<16xi32>
      tpu.vector_store %arg15[%swap3A_916], %swap3A_919 {strides = array<i32>} : memref<384xi32, #tpu.memory_space<vmem>>, vector<16xi32>,
      %add3A_920 = arith.constant 2 : i32
      %add3A_921 = vector.broadcast %add3A_920 : i32 to vector<16xi32>
      %add3A_922 = arith.addi %mul3A_905, %add3A_921 : vector<16xi32>
      %swap3A_923 = arith.constant 320 : index
      %swap3A_924 = tpu.vector_load %arg15[%swap3A_923] {strides = array<i32>} : memref<384xi32, #tpu.memory_space<vmem>>, vector<16xi32>,
      %swap3A_925 = vector.shape_cast %swap3A_924 : vector<16xi32> to vector<16xi32>
      %swap3A_926 = vector.shape_cast %add3A_922 : vector<16xi32> to vector<16xi32>
      tpu.vector_store %arg15[%swap3A_923], %swap3A_926 {strides = array<i32>} : memref<384xi32, #tpu.memory_space<vmem>>, vector<16xi32>,
      %add3A_927 = arith.constant 80 : i32
      %add3A_928 = arith.addi %add3A_777, %add3A_927 : i32
      %get3A_929 = arith.index_cast %add3A_928 : i32 to index
      %get3A_930 = tpu.vector_load %arg7[%get3A_929] {strides = array<i32>} : memref<2048xi32, #tpu.memory_space<vmem>>, vector<16xi32>,
      %get3A_931 = vector.shape_cast %get3A_930 : vector<16xi32> to vector<16xi32>
      %mul3A_932 = arith.constant 16 : i32
      %mul3A_933 = vector.broadcast %mul3A_932 : i32 to vector<16xi32>
      %mul3A_934 = arith.muli %get3A_931, %mul3A_933 : vector<16xi32>
      %add3A_935 = arith.constant 0 : i32
      %add3A_936 = vector.broadcast %add3A_935 : i32 to vector<16xi32>
      %add3A_937 = arith.addi %mul3A_934, %add3A_936 : vector<16xi32>
      %swap3A_938 = arith.constant 80 : index
      %swap3A_939 = tpu.vector_load %arg15[%swap3A_938] {strides = array<i32>} : memref<384xi32, #tpu.memory_space<vmem>>, vector<16xi32>,
      %swap3A_940 = vector.shape_cast %swap3A_939 : vector<16xi32> to vector<16xi32>
      %swap3A_941 = vector.shape_cast %add3A_937 : vector<16xi32> to vector<16xi32>
      tpu.vector_store %arg15[%swap3A_938], %swap3A_941 {strides = array<i32>} : memref<384xi32, #tpu.memory_space<vmem>>, vector<16xi32>,
      %add3A_942 = arith.constant 1 : i32
      %add3A_943 = vector.broadcast %add3A_942 : i32 to vector<16xi32>
      %add3A_944 = arith.addi %mul3A_934, %add3A_943 : vector<16xi32>
      %swap3A_945 = arith.constant 208 : index
      %swap3A_946 = tpu.vector_load %arg15[%swap3A_945] {strides = array<i32>} : memref<384xi32, #tpu.memory_space<vmem>>, vector<16xi32>,
      %swap3A_947 = vector.shape_cast %swap3A_946 : vector<16xi32> to vector<16xi32>
      %swap3A_948 = vector.shape_cast %add3A_944 : vector<16xi32> to vector<16xi32>
      tpu.vector_store %arg15[%swap3A_945], %swap3A_948 {strides = array<i32>} : memref<384xi32, #tpu.memory_space<vmem>>, vector<16xi32>,
      %add3A_949 = arith.constant 2 : i32
      %add3A_950 = vector.broadcast %add3A_949 : i32 to vector<16xi32>
      %add3A_951 = arith.addi %mul3A_934, %add3A_950 : vector<16xi32>
      %swap3A_952 = arith.constant 336 : index
      %swap3A_953 = tpu.vector_load %arg15[%swap3A_952] {strides = array<i32>} : memref<384xi32, #tpu.memory_space<vmem>>, vector<16xi32>,
      %swap3A_954 = vector.shape_cast %swap3A_953 : vector<16xi32> to vector<16xi32>
      %swap3A_955 = vector.shape_cast %add3A_951 : vector<16xi32> to vector<16xi32>
      tpu.vector_store %arg15[%swap3A_952], %swap3A_955 {strides = array<i32>} : memref<384xi32, #tpu.memory_space<vmem>>, vector<16xi32>,
      %add3A_956 = arith.constant 96 : i32
      %add3A_957 = arith.addi %add3A_777, %add3A_956 : i32
      %get3A_958 = arith.index_cast %add3A_957 : i32 to index
      %get3A_959 = tpu.vector_load %arg7[%get3A_958] {strides = array<i32>} : memref<2048xi32, #tpu.memory_space<vmem>>, vector<16xi32>,
      %get3A_960 = vector.shape_cast %get3A_959 : vector<16xi32> to vector<16xi32>
      %mul3A_961 = arith.constant 16 : i32
      %mul3A_962 = vector.broadcast %mul3A_961 : i32 to vector<16xi32>
      %mul3A_963 = arith.muli %get3A_960, %mul3A_962 : vector<16xi32>
      %add3A_964 = arith.constant 0 : i32
      %add3A_965 = vector.broadcast %add3A_964 : i32 to vector<16xi32>
      %add3A_966 = arith.addi %mul3A_963, %add3A_965 : vector<16xi32>
      %swap3A_967 = arith.constant 96 : index
      %swap3A_968 = tpu.vector_load %arg15[%swap3A_967] {strides = array<i32>} : memref<384xi32, #tpu.memory_space<vmem>>, vector<16xi32>,
      %swap3A_969 = vector.shape_cast %swap3A_968 : vector<16xi32> to vector<16xi32>
      %swap3A_970 = vector.shape_cast %add3A_966 : vector<16xi32> to vector<16xi32>
      tpu.vector_store %arg15[%swap3A_967], %swap3A_970 {strides = array<i32>} : memref<384xi32, #tpu.memory_space<vmem>>, vector<16xi32>,
      %add3A_971 = arith.constant 1 : i32
      %add3A_972 = vector.broadcast %add3A_971 : i32 to vector<16xi32>
      %add3A_973 = arith.addi %mul3A_963, %add3A_972 : vector<16xi32>
      %swap3A_974 = arith.constant 224 : index
      %swap3A_975 = tpu.vector_load %arg15[%swap3A_974] {strides = array<i32>} : memref<384xi32, #tpu.memory_space<vmem>>, vector<16xi32>,
      %swap3A_976 = vector.shape_cast %swap3A_975 : vector<16xi32> to vector<16xi32>
      %swap3A_977 = vector.shape_cast %add3A_973 : vector<16xi32> to vector<16xi32>
      tpu.vector_store %arg15[%swap3A_974], %swap3A_977 {strides = array<i32>} : memref<384xi32, #tpu.memory_space<vmem>>, vector<16xi32>,
      %add3A_978 = arith.constant 2 : i32
      %add3A_979 = vector.broadcast %add3A_978 : i32 to vector<16xi32>
      %add3A_980 = arith.addi %mul3A_963, %add3A_979 : vector<16xi32>
      %swap3A_981 = arith.constant 352 : index
      %swap3A_982 = tpu.vector_load %arg15[%swap3A_981] {strides = array<i32>} : memref<384xi32, #tpu.memory_space<vmem>>, vector<16xi32>,
      %swap3A_983 = vector.shape_cast %swap3A_982 : vector<16xi32> to vector<16xi32>
      %swap3A_984 = vector.shape_cast %add3A_980 : vector<16xi32> to vector<16xi32>
      tpu.vector_store %arg15[%swap3A_981], %swap3A_984 {strides = array<i32>} : memref<384xi32, #tpu.memory_space<vmem>>, vector<16xi32>,
      %add3A_985 = arith.constant 112 : i32
      %add3A_986 = arith.addi %add3A_777, %add3A_985 : i32
      %get3A_987 = arith.index_cast %add3A_986 : i32 to index
      %get3A_988 = tpu.vector_load %arg7[%get3A_987] {strides = array<i32>} : memref<2048xi32, #tpu.memory_space<vmem>>, vector<16xi32>,
      %get3A_989 = vector.shape_cast %get3A_988 : vector<16xi32> to vector<16xi32>
      %mul3A_990 = arith.constant 16 : i32
      %mul3A_991 = vector.broadcast %mul3A_990 : i32 to vector<16xi32>
      %mul3A_992 = arith.muli %get3A_989, %mul3A_991 : vector<16xi32>
      %add3A_993 = arith.constant 0 : i32
      %add3A_994 = vector.broadcast %add3A_993 : i32 to vector<16xi32>
      %add3A_995 = arith.addi %mul3A_992, %add3A_994 : vector<16xi32>
      %swap3A_996 = arith.constant 112 : index
      %swap3A_997 = tpu.vector_load %arg15[%swap3A_996] {strides = array<i32>} : memref<384xi32, #tpu.memory_space<vmem>>, vector<16xi32>,
      %swap3A_998 = vector.shape_cast %swap3A_997 : vector<16xi32> to vector<16xi32>
      %swap3A_999 = vector.shape_cast %add3A_995 : vector<16xi32> to vector<16xi32>
      tpu.vector_store %arg15[%swap3A_996], %swap3A_999 {strides = array<i32>} : memref<384xi32, #tpu.memory_space<vmem>>, vector<16xi32>,
      %add3A_1000 = arith.constant 1 : i32
      %add3A_1001 = vector.broadcast %add3A_1000 : i32 to vector<16xi32>
      %add3A_1002 = arith.addi %mul3A_992, %add3A_1001 : vector<16xi32>
      %swap3A_1003 = arith.constant 240 : index
      %swap3A_1004 = tpu.vector_load %arg15[%swap3A_1003] {strides = array<i32>} : memref<384xi32, #tpu.memory_space<vmem>>, vector<16xi32>,
      %swap3A_1005 = vector.shape_cast %swap3A_1004 : vector<16xi32> to vector<16xi32>
      %swap3A_1006 = vector.shape_cast %add3A_1002 : vector<16xi32> to vector<16xi32>
      tpu.vector_store %arg15[%swap3A_1003], %swap3A_1006 {strides = array<i32>} : memref<384xi32, #tpu.memory_space<vmem>>, vector<16xi32>,
      %add3A_1007 = arith.constant 2 : i32
      %add3A_1008 = vector.broadcast %add3A_1007 : i32 to vector<16xi32>
      %add3A_1009 = arith.addi %mul3A_992, %add3A_1008 : vector<16xi32>
      %swap3A_1010 = arith.constant 368 : index
      %swap3A_1011 = tpu.vector_load %arg15[%swap3A_1010] {strides = array<i32>} : memref<384xi32, #tpu.memory_space<vmem>>, vector<16xi32>,
      %swap3A_1012 = vector.shape_cast %swap3A_1011 : vector<16xi32> to vector<16xi32>
      %swap3A_1013 = vector.shape_cast %add3A_1009 : vector<16xi32> to vector<16xi32>
      tpu.vector_store %arg15[%swap3A_1010], %swap3A_1013 {strides = array<i32>} : memref<384xi32, #tpu.memory_space<vmem>>, vector<16xi32>,
      %dma_start3A_1014 = arith.constant 0 : i32
      %dma_start3A_1015 = tpu.memref_slice %arg3[%dma_start3A_1014] : memref<65536xf32, #tpu.memory_space<hbm>> -> memref<65536xf32, #tpu.memory_space<hbm>>
      tpu.enqueue_indirect_dma source(%dma_start3A_1015 : memref<65536xf32, #tpu.memory_space<hbm>>) target(%arg19 : memref<384xf32, #tpu.memory_space<vmem>>) offsets(%arg15 : memref<384xi32, #tpu.memory_space<vmem>>) semaphore(%arg27 : memref<!tpu.dma_semaphore, #tpu.memory_space<semaphore_mem>>)
      %add3A_1016 = arith.constant 0 : i32
      %add3A_1017 = arith.addi %mul3A_41, %add3A_1016 : i32
      %dma_wait3A_1018 = tpu.memref_slice %arg7[%add3A_45] : memref<2048xi32, #tpu.memory_space<vmem>> -> memref<128xi32, #tpu.memory_space<vmem>>
      %dma_wait3A_1019 = arith.constant 0 : i32
      %dma_wait3A_1020 = arith.constant 0 : i32
      %dma_wait3A_1021 = tpu.memref_slice %arg2[%dma_wait3A_1019, %dma_wait3A_1020] : memref<4096x128xi32, #tpu.memory_space<hbm>> -> memref<4096x128xi32, #tpu.memory_space<hbm>>
      tpu.wait_indirect_dma semaphore(%arg20 : memref<!tpu.dma_semaphore, #tpu.memory_space<semaphore_mem>>) src(%dma_wait3A_1021 : memref<4096x128xi32, #tpu.memory_space<hbm>>) dst(%arg8 : memref<128x128xi32, #tpu.memory_space<vmem>>)
      %dma_wait3A_1022 = arith.constant 0 : i32
      %dma_wait3A_1023 = tpu.memref_slice %arg3[%dma_wait3A_1022] : memref<65536xf32, #tpu.memory_space<hbm>> -> memref<65536xf32, #tpu.memory_space<hbm>>
      tpu.wait_indirect_dma semaphore(%arg24 : memref<!tpu.dma_semaphore, #tpu.memory_space<semaphore_mem>>) src(%dma_wait3A_1023 : memref<65536xf32, #tpu.memory_space<hbm>>) dst(%arg16 : memref<384xf32, #tpu.memory_space<vmem>>)
      %add3A_1024 = arith.addi %mul3A_2, %add3A_1017 : i32
      %dma_start3A_1025 = arith.constant 0 : i32
      %dma_start3A_1026 = tpu.memref_slice %arg5[%add3A_1024, %dma_start3A_1025] : memref<65536x128xi32, #tpu.memory_space<hbm>> -> memref<128x128xi32, #tpu.memory_space<hbm>>
      %dma_start3A_1027 = arith.constant 0 : i32
      %dma_start3A_1028 = tpu.memref_slice %arg5[%add3A_1024, %dma_start3A_1027] : memref<65536x128xi32, #tpu.memory_space<hbm>> -> memref<128x128xi32, #tpu.memory_space<hbm>>
      tpu.enqueue_dma source(%arg8 : memref<128x128xi32, #tpu.memory_space<vmem>>) target(%dma_start3A_1028 : memref<128x128xi32, #tpu.memory_space<hbm>>) target_semaphore(%arg28 : memref<!tpu.dma_semaphore, #tpu.memory_space<semaphore_mem>>)
      %add3A_1029 = arith.addi %mul3A_2, %add3A_1017 : i32
      %mul3A_1030 = arith.constant 3 : i32
      %mul3A_1031 = arith.muli %add3A_1029, %mul3A_1030 : i32
      %dma_start3A_1032 = tpu.memref_slice %arg6[%mul3A_1031] : memref<196608xf32, #tpu.memory_space<hbm>> -> memref<384xf32, #tpu.memory_space<hbm>>
      %dma_start3A_1033 = tpu.memref_slice %arg6[%mul3A_1031] : memref<196608xf32, #tpu.memory_space<hbm>> -> memref<384xf32, #tpu.memory_space<hbm>>
      tpu.enqueue_dma source(%arg16 : memref<384xf32, #tpu.memory_space<vmem>>) target(%dma_start3A_1033 : memref<384xf32, #tpu.memory_space<hbm>>) target_semaphore(%arg32 : memref<!tpu.dma_semaphore, #tpu.memory_space<semaphore_mem>>)
      %add3A_1034 = arith.constant 128 : i32
      %add3A_1035 = arith.addi %mul3A_41, %add3A_1034 : i32
      %dma_wait3A_1036 = tpu.memref_slice %arg7[%add3A_287] : memref<2048xi32, #tpu.memory_space<vmem>> -> memref<128xi32, #tpu.memory_space<vmem>>
      %dma_wait3A_1037 = arith.constant 0 : i32
      %dma_wait3A_1038 = arith.constant 0 : i32
      %dma_wait3A_1039 = tpu.memref_slice %arg2[%dma_wait3A_1037, %dma_wait3A_1038] : memref<4096x128xi32, #tpu.memory_space<hbm>> -> memref<4096x128xi32, #tpu.memory_space<hbm>>
      tpu.wait_indirect_dma semaphore(%arg21 : memref<!tpu.dma_semaphore, #tpu.memory_space<semaphore_mem>>) src(%dma_wait3A_1039 : memref<4096x128xi32, #tpu.memory_space<hbm>>) dst(%arg9 : memref<128x128xi32, #tpu.memory_space<vmem>>)
      %dma_wait3A_1040 = arith.constant 0 : i32
      %dma_wait3A_1041 = tpu.memref_slice %arg3[%dma_wait3A_1040] : memref<65536xf32, #tpu.memory_space<hbm>> -> memref<65536xf32, #tpu.memory_space<hbm>>
      tpu.wait_indirect_dma semaphore(%arg25 : memref<!tpu.dma_semaphore, #tpu.memory_space<semaphore_mem>>) src(%dma_wait3A_1041 : memref<65536xf32, #tpu.memory_space<hbm>>) dst(%arg17 : memref<384xf32, #tpu.memory_space<vmem>>)
      %add3A_1042 = arith.addi %mul3A_2, %add3A_1035 : i32
      %dma_start3A_1043 = arith.constant 0 : i32
      %dma_start3A_1044 = tpu.memref_slice %arg5[%add3A_1042, %dma_start3A_1043] : memref<65536x128xi32, #tpu.memory_space<hbm>> -> memref<128x128xi32, #tpu.memory_space<hbm>>
      %dma_start3A_1045 = arith.constant 0 : i32
      %dma_start3A_1046 = tpu.memref_slice %arg5[%add3A_1042, %dma_start3A_1045] : memref<65536x128xi32, #tpu.memory_space<hbm>> -> memref<128x128xi32, #tpu.memory_space<hbm>>
      tpu.enqueue_dma source(%arg9 : memref<128x128xi32, #tpu.memory_space<vmem>>) target(%dma_start3A_1046 : memref<128x128xi32, #tpu.memory_space<hbm>>) target_semaphore(%arg29 : memref<!tpu.dma_semaphore, #tpu.memory_space<semaphore_mem>>)
      %add3A_1047 = arith.addi %mul3A_2, %add3A_1035 : i32
      %mul3A_1048 = arith.constant 3 : i32
      %mul3A_1049 = arith.muli %add3A_1047, %mul3A_1048 : i32
      %dma_start3A_1050 = tpu.memref_slice %arg6[%mul3A_1049] : memref<196608xf32, #tpu.memory_space<hbm>> -> memref<384xf32, #tpu.memory_space<hbm>>
      %dma_start3A_1051 = tpu.memref_slice %arg6[%mul3A_1049] : memref<196608xf32, #tpu.memory_space<hbm>> -> memref<384xf32, #tpu.memory_space<hbm>>
      tpu.enqueue_dma source(%arg17 : memref<384xf32, #tpu.memory_space<vmem>>) target(%dma_start3A_1051 : memref<384xf32, #tpu.memory_space<hbm>>) target_semaphore(%arg33 : memref<!tpu.dma_semaphore, #tpu.memory_space<semaphore_mem>>)
      %add3A_1052 = arith.constant 256 : i32
      %add3A_1053 = arith.addi %mul3A_41, %add3A_1052 : i32
      %dma_wait3A_1054 = tpu.memref_slice %arg7[%add3A_532] : memref<2048xi32, #tpu.memory_space<vmem>> -> memref<128xi32, #tpu.memory_space<vmem>>
      %dma_wait3A_1055 = arith.constant 0 : i32
      %dma_wait3A_1056 = arith.constant 0 : i32
      %dma_wait3A_1057 = tpu.memref_slice %arg2[%dma_wait3A_1055, %dma_wait3A_1056] : memref<4096x128xi32, #tpu.memory_space<hbm>> -> memref<4096x128xi32, #tpu.memory_space<hbm>>
      tpu.wait_indirect_dma semaphore(%arg22 : memref<!tpu.dma_semaphore, #tpu.memory_space<semaphore_mem>>) src(%dma_wait3A_1057 : memref<4096x128xi32, #tpu.memory_space<hbm>>) dst(%arg10 : memref<128x128xi32, #tpu.memory_space<vmem>>)
      %dma_wait3A_1058 = arith.constant 0 : i32
      %dma_wait3A_1059 = tpu.memref_slice %arg3[%dma_wait3A_1058] : memref<65536xf32, #tpu.memory_space<hbm>> -> memref<65536xf32, #tpu.memory_space<hbm>>
      tpu.wait_indirect_dma semaphore(%arg26 : memref<!tpu.dma_semaphore, #tpu.memory_space<semaphore_mem>>) src(%dma_wait3A_1059 : memref<65536xf32, #tpu.memory_space<hbm>>) dst(%arg18 : memref<384xf32, #tpu.memory_space<vmem>>)
      %add3A_1060 = arith.addi %mul3A_2, %add3A_1053 : i32
      %dma_start3A_1061 = arith.constant 0 : i32
      %dma_start3A_1062 = tpu.memref_slice %arg5[%add3A_1060, %dma_start3A_1061] : memref<65536x128xi32, #tpu.memory_space<hbm>> -> memref<128x128xi32, #tpu.memory_space<hbm>>
      %dma_start3A_1063 = arith.constant 0 : i32
      %dma_start3A_1064 = tpu.memref_slice %arg5[%add3A_1060, %dma_start3A_1063] : memref<65536x128xi32, #tpu.memory_space<hbm>> -> memref<128x128xi32, #tpu.memory_space<hbm>>
      tpu.enqueue_dma source(%arg10 : memref<128x128xi32, #tpu.memory_space<vmem>>) target(%dma_start3A_1064 : memref<128x128xi32, #tpu.memory_space<hbm>>) target_semaphore(%arg30 : memref<!tpu.dma_semaphore, #tpu.memory_space<semaphore_mem>>)
      %add3A_1065 = arith.addi %mul3A_2, %add3A_1053 : i32
      %mul3A_1066 = arith.constant 3 : i32
      %mul3A_1067 = arith.muli %add3A_1065, %mul3A_1066 : i32
      %dma_start3A_1068 = tpu.memref_slice %arg6[%mul3A_1067] : memref<196608xf32, #tpu.memory_space<hbm>> -> memref<384xf32, #tpu.memory_space<hbm>>
      %dma_start3A_1069 = tpu.memref_slice %arg6[%mul3A_1067] : memref<196608xf32, #tpu.memory_space<hbm>> -> memref<384xf32, #tpu.memory_space<hbm>>
      tpu.enqueue_dma source(%arg18 : memref<384xf32, #tpu.memory_space<vmem>>) target(%dma_start3A_1069 : memref<384xf32, #tpu.memory_space<hbm>>) target_semaphore(%arg34 : memref<!tpu.dma_semaphore, #tpu.memory_space<semaphore_mem>>)
      %add3A_1070 = arith.constant 384 : i32
      %add3A_1071 = arith.addi %mul3A_41, %add3A_1070 : i32
      %dma_wait3A_1072 = tpu.memref_slice %arg7[%add3A_777] : memref<2048xi32, #tpu.memory_space<vmem>> -> memref<128xi32, #tpu.memory_space<vmem>>
      %dma_wait3A_1073 = arith.constant 0 : i32
      %dma_wait3A_1074 = arith.constant 0 : i32
      %dma_wait3A_1075 = tpu.memref_slice %arg2[%dma_wait3A_1073, %dma_wait3A_1074] : memref<4096x128xi32, #tpu.memory_space<hbm>> -> memref<4096x128xi32, #tpu.memory_space<hbm>>
      tpu.wait_indirect_dma semaphore(%arg23 : memref<!tpu.dma_semaphore, #tpu.memory_space<semaphore_mem>>) src(%dma_wait3A_1075 : memref<4096x128xi32, #tpu.memory_space<hbm>>) dst(%arg11 : memref<128x128xi32, #tpu.memory_space<vmem>>)
      %dma_wait3A_1076 = arith.constant 0 : i32
      %dma_wait3A_1077 = tpu.memref_slice %arg3[%dma_wait3A_1076] : memref<65536xf32, #tpu.memory_space<hbm>> -> memref<65536xf32, #tpu.memory_space<hbm>>
      tpu.wait_indirect_dma semaphore(%arg27 : memref<!tpu.dma_semaphore, #tpu.memory_space<semaphore_mem>>) src(%dma_wait3A_1077 : memref<65536xf32, #tpu.memory_space<hbm>>) dst(%arg19 : memref<384xf32, #tpu.memory_space<vmem>>)
      %add3A_1078 = arith.addi %mul3A_2, %add3A_1071 : i32
      %dma_start3A_1079 = arith.constant 0 : i32
      %dma_start3A_1080 = tpu.memref_slice %arg5[%add3A_1078, %dma_start3A_1079] : memref<65536x128xi32, #tpu.memory_space<hbm>> -> memref<128x128xi32, #tpu.memory_space<hbm>>
      %dma_start3A_1081 = arith.constant 0 : i32
      %dma_start3A_1082 = tpu.memref_slice %arg5[%add3A_1078, %dma_start3A_1081] : memref<65536x128xi32, #tpu.memory_space<hbm>> -> memref<128x128xi32, #tpu.memory_space<hbm>>
      tpu.enqueue_dma source(%arg11 : memref<128x128xi32, #tpu.memory_space<vmem>>) target(%dma_start3A_1082 : memref<128x128xi32, #tpu.memory_space<hbm>>) target_semaphore(%arg31 : memref<!tpu.dma_semaphore, #tpu.memory_space<semaphore_mem>>)
      %add3A_1083 = arith.addi %mul3A_2, %add3A_1071 : i32
      %mul3A_1084 = arith.constant 3 : i32
      %mul3A_1085 = arith.muli %add3A_1083, %mul3A_1084 : i32
      %dma_start3A_1086 = tpu.memref_slice %arg6[%mul3A_1085] : memref<196608xf32, #tpu.memory_space<hbm>> -> memref<384xf32, #tpu.memory_space<hbm>>
      %dma_start3A_1087 = tpu.memref_slice %arg6[%mul3A_1085] : memref<196608xf32, #tpu.memory_space<hbm>> -> memref<384xf32, #tpu.memory_space<hbm>>
      tpu.enqueue_dma source(%arg19 : memref<384xf32, #tpu.memory_space<vmem>>) target(%dma_start3A_1087 : memref<384xf32, #tpu.memory_space<hbm>>) target_semaphore(%arg35 : memref<!tpu.dma_semaphore, #tpu.memory_space<semaphore_mem>>)
    }
    %scan3A_7 = arith.constant 4 : i32
    %dma_wait3A = arith.constant 0 : i32
    %dma_wait3A_8 = tpu.memref_slice %arg5[%mul3A_2, %dma_wait3A] : memref<65536x128xi32, #tpu.memory_space<hbm>> -> memref<128x128xi32, #tpu.memory_space<hbm>>
    %dma_wait3A_9 = arith.constant 0 : i32
    %dma_wait3A_10 = tpu.memref_slice %arg5[%mul3A_2, %dma_wait3A_9] : memref<65536x128xi32, #tpu.memory_space<hbm>> -> memref<128x128xi32, #tpu.memory_space<hbm>>
    tpu.wait_dma2 semaphore(%arg28 : memref<!tpu.dma_semaphore, #tpu.memory_space<semaphore_mem>>) src(%arg8 : memref<128x128xi32, #tpu.memory_space<vmem>>) dst(%dma_wait3A_10 : memref<128x128xi32, #tpu.memory_space<hbm>>)
    %dma_wait3A_11 = arith.constant 0 : i32
    %dma_wait3A_12 = tpu.memref_slice %arg6[%dma_wait3A_11] : memref<196608xf32, #tpu.memory_space<hbm>> -> memref<384xf32, #tpu.memory_space<hbm>>
    %dma_wait3A_13 = arith.constant 0 : i32
    %dma_wait3A_14 = tpu.memref_slice %arg6[%dma_wait3A_13] : memref<196608xf32, #tpu.memory_space<hbm>> -> memref<384xf32, #tpu.memory_space<hbm>>
    tpu.wait_dma2 semaphore(%arg32 : memref<!tpu.dma_semaphore, #tpu.memory_space<semaphore_mem>>) src(%arg16 : memref<384xf32, #tpu.memory_space<vmem>>) dst(%dma_wait3A_14 : memref<384xf32, #tpu.memory_space<hbm>>)
    %dma_wait3A_15 = arith.constant 0 : i32
    %dma_wait3A_16 = tpu.memref_slice %arg5[%mul3A_2, %dma_wait3A_15] : memref<65536x128xi32, #tpu.memory_space<hbm>> -> memref<128x128xi32, #tpu.memory_space<hbm>>
    %dma_wait3A_17 = arith.constant 0 : i32
    %dma_wait3A_18 = tpu.memref_slice %arg5[%mul3A_2, %dma_wait3A_17] : memref<65536x128xi32, #tpu.memory_space<hbm>> -> memref<128x128xi32, #tpu.memory_space<hbm>>
    tpu.wait_dma2 semaphore(%arg29 : memref<!tpu.dma_semaphore, #tpu.memory_space<semaphore_mem>>) src(%arg9 : memref<128x128xi32, #tpu.memory_space<vmem>>) dst(%dma_wait3A_18 : memref<128x128xi32, #tpu.memory_space<hbm>>)
    %dma_wait3A_19 = arith.constant 0 : i32
    %dma_wait3A_20 = tpu.memref_slice %arg6[%dma_wait3A_19] : memref<196608xf32, #tpu.memory_space<hbm>> -> memref<384xf32, #tpu.memory_space<hbm>>
    %dma_wait3A_21 = arith.constant 0 : i32
    %dma_wait3A_22 = tpu.memref_slice %arg6[%dma_wait3A_21] : memref<196608xf32, #tpu.memory_space<hbm>> -> memref<384xf32, #tpu.memory_space<hbm>>
    tpu.wait_dma2 semaphore(%arg33 : memref<!tpu.dma_semaphore, #tpu.memory_space<semaphore_mem>>) src(%arg17 : memref<384xf32, #tpu.memory_space<vmem>>) dst(%dma_wait3A_22 : memref<384xf32, #tpu.memory_space<hbm>>)
    %dma_wait3A_23 = arith.constant 0 : i32
    %dma_wait3A_24 = tpu.memref_slice %arg5[%mul3A_2, %dma_wait3A_23] : memref<65536x128xi32, #tpu.memory_space<hbm>> -> memref<128x128xi32, #tpu.memory_space<hbm>>
    %dma_wait3A_25 = arith.constant 0 : i32
    %dma_wait3A_26 = tpu.memref_slice %arg5[%mul3A_2, %dma_wait3A_25] : memref<65536x128xi32, #tpu.memory_space<hbm>> -> memref<128x128xi32, #tpu.memory_space<hbm>>
    tpu.wait_dma2 semaphore(%arg30 : memref<!tpu.dma_semaphore, #tpu.memory_space<semaphore_mem>>) src(%arg10 : memref<128x128xi32, #tpu.memory_space<vmem>>) dst(%dma_wait3A_26 : memref<128x128xi32, #tpu.memory_space<hbm>>)
    %dma_wait3A_27 = arith.constant 0 : i32
    %dma_wait3A_28 = tpu.memref_slice %arg6[%dma_wait3A_27] : memref<196608xf32, #tpu.memory_space<hbm>> -> memref<384xf32, #tpu.memory_space<hbm>>
    %dma_wait3A_29 = arith.constant 0 : i32
    %dma_wait3A_30 = tpu.memref_slice %arg6[%dma_wait3A_29] : memref<196608xf32, #tpu.memory_space<hbm>> -> memref<384xf32, #tpu.memory_space<hbm>>
    tpu.wait_dma2 semaphore(%arg34 : memref<!tpu.dma_semaphore, #tpu.memory_space<semaphore_mem>>) src(%arg18 : memref<384xf32, #tpu.memory_space<vmem>>) dst(%dma_wait3A_30 : memref<384xf32, #tpu.memory_space<hbm>>)
    %dma_wait3A_31 = arith.constant 0 : i32
    %dma_wait3A_32 = tpu.memref_slice %arg5[%mul3A_2, %dma_wait3A_31] : memref<65536x128xi32, #tpu.memory_space<hbm>> -> memref<128x128xi32, #tpu.memory_space<hbm>>
    %dma_wait3A_33 = arith.constant 0 : i32
    %dma_wait3A_34 = tpu.memref_slice %arg5[%mul3A_2, %dma_wait3A_33] : memref<65536x128xi32, #tpu.memory_space<hbm>> -> memref<128x128xi32, #tpu.memory_space<hbm>>
    tpu.wait_dma2 semaphore(%arg31 : memref<!tpu.dma_semaphore, #tpu.memory_space<semaphore_mem>>) src(%arg11 : memref<128x128xi32, #tpu.memory_space<vmem>>) dst(%dma_wait3A_34 : memref<128x128xi32, #tpu.memory_space<hbm>>)
    %dma_wait3A_35 = arith.constant 0 : i32
    %dma_wait3A_36 = tpu.memref_slice %arg6[%dma_wait3A_35] : memref<196608xf32, #tpu.memory_space<hbm>> -> memref<384xf32, #tpu.memory_space<hbm>>
    %dma_wait3A_37 = arith.constant 0 : i32
    %dma_wait3A_38 = tpu.memref_slice %arg6[%dma_wait3A_37] : memref<196608xf32, #tpu.memory_space<hbm>> -> memref<384xf32, #tpu.memory_space<hbm>>
    tpu.wait_dma2 semaphore(%arg35 : memref<!tpu.dma_semaphore, #tpu.memory_space<semaphore_mem>>) src(%arg19 : memref<384xf32, #tpu.memory_space<vmem>>) dst(%dma_wait3A_38 : memref<384xf32, #tpu.memory_space<hbm>>)
    return
  }
}

module attributes {stable_mosaic.version = 14 : i64} {
  func.func @_table_body(%arg0: i32, %arg1: memref<512x128xf32, #tpu.memory_space<vmem>>, %arg2: memref<128x128xf32, #tpu.memory_space<vmem>>, %arg3: memref<1x128xf32, #tpu.memory_space<vmem>>, %arg4: memref<128x128xf32, #tpu.memory_space<vmem>>, %arg5: memref<1x128xf32, #tpu.memory_space<vmem>>, %arg6: memref<512x128xi32, #tpu.memory_space<vmem>>) attributes {dimension_semantics = [#tpu.dimension_semantics<arbitrary>], iteration_bounds = array<i64: 8>, scalar_prefetch = 0 : i64, scratch_operands = 0 : i64, tpu.core_type = #tpu.core_type<tc>, window_params = [{transform_indices = @transform_0, window_bounds = array<i64: 512, 128>}, {pipeline_mode = #tpu.pipeline_mode<synchronous>, transform_indices = @transform_1, window_bounds = array<i64: 128, 128>}, {pipeline_mode = #tpu.pipeline_mode<synchronous>, transform_indices = @transform_2, window_bounds = array<i64: 1, 128>}, {pipeline_mode = #tpu.pipeline_mode<synchronous>, transform_indices = @transform_3, window_bounds = array<i64: 128, 128>}, {pipeline_mode = #tpu.pipeline_mode<synchronous>, transform_indices = @transform_4, window_bounds = array<i64: 1, 128>}, {transform_indices = @transform_5, window_bounds = array<i64: 512, 128>}]} {
    %get3A = arith.constant 0 : index
    %get3A_0 = arith.constant 0 : index
    %get3A_1 = vector.load %arg1[%get3A, %get3A_0] : memref<512x128xf32, #tpu.memory_space<vmem>>, vector<512x128xf32>
    %convert_element_type3A = arith.truncf %get3A_1 : vector<512x128xf32> to vector<512x128xbf16>
    %get3A_2 = arith.constant 0 : index
    %get3A_3 = arith.constant 0 : index
    %get3A_4 = vector.load %arg2[%get3A_2, %get3A_3] : memref<128x128xf32, #tpu.memory_space<vmem>>, vector<128x128xf32>
    %convert_element_type3A_5 = arith.truncf %get3A_4 : vector<128x128xf32> to vector<128x128xbf16>
    %dot_general3A = arith.constant dense<0.000000e+00> : vector<512x128xf32>
    %dot_general3A_6 = tpu.matmul %convert_element_type3A, %convert_element_type3A_5, %dot_general3A {dimension_numbers = #tpu.dot_dimension_numbers<[1], [0], [0], [1], [0, 0, 1, 1], [], []>, transpose_lhs_hint = false} : vector<512x128xbf16>, vector<128x128xbf16>, vector<512x128xf32> -> vector<512x128xf32>
    %get3A_7 = arith.constant 0 : index
    %get3A_8 = arith.constant 0 : index
    %get3A_9 = vector.load %arg3[%get3A_7, %get3A_8] : memref<1x128xf32, #tpu.memory_space<vmem>>, vector<1x128xf32>
    %add3A = vector.broadcast %get3A_9 : vector<1x128xf32> to vector<512x128xf32>
    %add3A_10 = arith.addf %dot_general3A_6, %add3A : vector<512x128xf32>
    %get3A_11 = arith.constant 0 : index
    %get3A_12 = arith.constant 0 : index
    %get3A_13 = vector.load %arg4[%get3A_11, %get3A_12] : memref<128x128xf32, #tpu.memory_space<vmem>>, vector<128x128xf32>
    %convert_element_type3A_14 = arith.truncf %get3A_13 : vector<128x128xf32> to vector<128x128xbf16>
    %dot_general3A_15 = arith.constant dense<0.000000e+00> : vector<512x128xf32>
    %dot_general3A_16 = tpu.matmul %convert_element_type3A, %convert_element_type3A_14, %dot_general3A_15 {dimension_numbers = #tpu.dot_dimension_numbers<[1], [0], [0], [1], [0, 0, 1, 1], [], []>, transpose_lhs_hint = false} : vector<512x128xbf16>, vector<128x128xbf16>, vector<512x128xf32> -> vector<512x128xf32>
    %get3A_17 = arith.constant 0 : index
    %get3A_18 = arith.constant 0 : index
    %get3A_19 = vector.load %arg5[%get3A_17, %get3A_18] : memref<1x128xf32, #tpu.memory_space<vmem>>, vector<1x128xf32>
    %add3A_20 = vector.broadcast %get3A_19 : vector<1x128xf32> to vector<512x128xf32>
    %add3A_21 = arith.addf %dot_general3A_16, %add3A_20 : vector<512x128xf32>
    %convert_element_type3A_22 = arith.truncf %add3A_10 : vector<512x128xf32> to vector<512x128xbf16>
    %bitcast_convert_type3A = tpu.bitcast %convert_element_type3A_22 : vector<512x128xbf16> -> vector<512x128xi16>
    %convert_element_type3A_23 = arith.extui %bitcast_convert_type3A : vector<512x128xi16> to vector<512x128xi32>
    %convert_element_type3A_24 = arith.truncf %add3A_21 : vector<512x128xf32> to vector<512x128xbf16>
    %bitcast_convert_type3A_25 = tpu.bitcast %convert_element_type3A_24 : vector<512x128xbf16> -> vector<512x128xi16>
    %convert_element_type3A_26 = arith.extui %bitcast_convert_type3A_25 : vector<512x128xi16> to vector<512x128xi32>
    %shift_left3A = arith.constant 16 : i32
    %shift_left3A_27 = vector.broadcast %shift_left3A : i32 to vector<512x128xi32>
    %shift_left3A_28 = arith.shli %convert_element_type3A_23, %shift_left3A_27 : vector<512x128xi32>
    %or3A = arith.ori %shift_left3A_28, %convert_element_type3A_26 : vector<512x128xi32>
    %swap3A = arith.constant 0 : index
    %swap3A_29 = arith.constant 0 : index
    %swap3A_30 = vector.load %arg6[%swap3A, %swap3A_29] : memref<512x128xi32, #tpu.memory_space<vmem>>, vector<512x128xi32>
    tpu.vector_store %arg6[%swap3A, %swap3A_29], %or3A {strides = array<i32>} : memref<512x128xi32, #tpu.memory_space<vmem>>, vector<512x128xi32>,
    return
  }
  func.func @transform_0(%arg0: i32) -> (i32, i32) {
    %c0_i32 = arith.constant 0 : i32
    %c0_i32_0 = arith.constant 0 : i32
    return %arg0, %c0_i32 : i32, i32
  }
  func.func @transform_1(%arg0: i32) -> (i32, i32) {
    %c0_i32 = arith.constant 0 : i32
    %c0_i32_0 = arith.constant 0 : i32
    %c0_i32_1 = arith.constant 0 : i32
    return %c0_i32, %c0_i32_0 : i32, i32
  }
  func.func @transform_2(%arg0: i32) -> (i32, i32) {
    %c0_i32 = arith.constant 0 : i32
    %c0_i32_0 = arith.constant 0 : i32
    %c0_i32_1 = arith.constant 0 : i32
    return %c0_i32, %c0_i32_0 : i32, i32
  }
  func.func @transform_3(%arg0: i32) -> (i32, i32) {
    %c0_i32 = arith.constant 0 : i32
    %c0_i32_0 = arith.constant 0 : i32
    %c0_i32_1 = arith.constant 0 : i32
    return %c0_i32, %c0_i32_0 : i32, i32
  }
  func.func @transform_4(%arg0: i32) -> (i32, i32) {
    %c0_i32 = arith.constant 0 : i32
    %c0_i32_0 = arith.constant 0 : i32
    %c0_i32_1 = arith.constant 0 : i32
    return %c0_i32, %c0_i32_0 : i32, i32
  }
  func.func @transform_5(%arg0: i32) -> (i32, i32) {
    %c0_i32 = arith.constant 0 : i32
    %c0_i32_0 = arith.constant 0 : i32
    return %arg0, %c0_i32 : i32, i32
  }
}

module attributes {stable_mosaic.version = 14 : i64} {
  func.func @_table_body(%arg0: i32, %arg1: memref<512x128xf32, #tpu.memory_space<vmem>>, %arg2: memref<128x128xf32, #tpu.memory_space<vmem>>, %arg3: memref<1x128xf32, #tpu.memory_space<vmem>>, %arg4: memref<128x128xf32, #tpu.memory_space<vmem>>, %arg5: memref<1x128xf32, #tpu.memory_space<vmem>>, %arg6: memref<512x128xi32, #tpu.memory_space<vmem>>) attributes {dimension_semantics = [#tpu.dimension_semantics<arbitrary>], iteration_bounds = array<i64: 32>, scalar_prefetch = 0 : i64, scratch_operands = 0 : i64, tpu.core_type = #tpu.core_type<tc>, window_params = [{transform_indices = @transform_0, window_bounds = array<i64: 512, 128>}, {pipeline_mode = #tpu.pipeline_mode<synchronous>, transform_indices = @transform_1, window_bounds = array<i64: 128, 128>}, {pipeline_mode = #tpu.pipeline_mode<synchronous>, transform_indices = @transform_2, window_bounds = array<i64: 1, 128>}, {pipeline_mode = #tpu.pipeline_mode<synchronous>, transform_indices = @transform_3, window_bounds = array<i64: 128, 128>}, {pipeline_mode = #tpu.pipeline_mode<synchronous>, transform_indices = @transform_4, window_bounds = array<i64: 1, 128>}, {transform_indices = @transform_5, window_bounds = array<i64: 512, 128>}]} {
    %get3A = arith.constant 0 : index
    %get3A_0 = arith.constant 0 : index
    %get3A_1 = vector.load %arg1[%get3A, %get3A_0] : memref<512x128xf32, #tpu.memory_space<vmem>>, vector<512x128xf32>
    %convert_element_type3A = arith.truncf %get3A_1 : vector<512x128xf32> to vector<512x128xbf16>
    %get3A_2 = arith.constant 0 : index
    %get3A_3 = arith.constant 0 : index
    %get3A_4 = vector.load %arg2[%get3A_2, %get3A_3] : memref<128x128xf32, #tpu.memory_space<vmem>>, vector<128x128xf32>
    %convert_element_type3A_5 = arith.truncf %get3A_4 : vector<128x128xf32> to vector<128x128xbf16>
    %dot_general3A = arith.constant dense<0.000000e+00> : vector<512x128xf32>
    %dot_general3A_6 = tpu.matmul %convert_element_type3A, %convert_element_type3A_5, %dot_general3A {dimension_numbers = #tpu.dot_dimension_numbers<[1], [0], [0], [1], [0, 0, 1, 1], [], []>, transpose_lhs_hint = false} : vector<512x128xbf16>, vector<128x128xbf16>, vector<512x128xf32> -> vector<512x128xf32>
    %get3A_7 = arith.constant 0 : index
    %get3A_8 = arith.constant 0 : index
    %get3A_9 = vector.load %arg3[%get3A_7, %get3A_8] : memref<1x128xf32, #tpu.memory_space<vmem>>, vector<1x128xf32>
    %add3A = vector.broadcast %get3A_9 : vector<1x128xf32> to vector<512x128xf32>
    %add3A_10 = arith.addf %dot_general3A_6, %add3A : vector<512x128xf32>
    %get3A_11 = arith.constant 0 : index
    %get3A_12 = arith.constant 0 : index
    %get3A_13 = vector.load %arg4[%get3A_11, %get3A_12] : memref<128x128xf32, #tpu.memory_space<vmem>>, vector<128x128xf32>
    %convert_element_type3A_14 = arith.truncf %get3A_13 : vector<128x128xf32> to vector<128x128xbf16>
    %dot_general3A_15 = arith.constant dense<0.000000e+00> : vector<512x128xf32>
    %dot_general3A_16 = tpu.matmul %convert_element_type3A, %convert_element_type3A_14, %dot_general3A_15 {dimension_numbers = #tpu.dot_dimension_numbers<[1], [0], [0], [1], [0, 0, 1, 1], [], []>, transpose_lhs_hint = false} : vector<512x128xbf16>, vector<128x128xbf16>, vector<512x128xf32> -> vector<512x128xf32>
    %get3A_17 = arith.constant 0 : index
    %get3A_18 = arith.constant 0 : index
    %get3A_19 = vector.load %arg5[%get3A_17, %get3A_18] : memref<1x128xf32, #tpu.memory_space<vmem>>, vector<1x128xf32>
    %add3A_20 = vector.broadcast %get3A_19 : vector<1x128xf32> to vector<512x128xf32>
    %add3A_21 = arith.addf %dot_general3A_16, %add3A_20 : vector<512x128xf32>
    %convert_element_type3A_22 = arith.truncf %add3A_10 : vector<512x128xf32> to vector<512x128xbf16>
    %bitcast_convert_type3A = tpu.bitcast %convert_element_type3A_22 : vector<512x128xbf16> -> vector<512x128xi16>
    %convert_element_type3A_23 = arith.extui %bitcast_convert_type3A : vector<512x128xi16> to vector<512x128xi32>
    %convert_element_type3A_24 = arith.truncf %add3A_21 : vector<512x128xf32> to vector<512x128xbf16>
    %bitcast_convert_type3A_25 = tpu.bitcast %convert_element_type3A_24 : vector<512x128xbf16> -> vector<512x128xi16>
    %convert_element_type3A_26 = arith.extui %bitcast_convert_type3A_25 : vector<512x128xi16> to vector<512x128xi32>
    %shift_left3A = arith.constant 16 : i32
    %shift_left3A_27 = vector.broadcast %shift_left3A : i32 to vector<512x128xi32>
    %shift_left3A_28 = arith.shli %convert_element_type3A_23, %shift_left3A_27 : vector<512x128xi32>
    %or3A = arith.ori %shift_left3A_28, %convert_element_type3A_26 : vector<512x128xi32>
    %swap3A = arith.constant 0 : index
    %swap3A_29 = arith.constant 0 : index
    %swap3A_30 = vector.load %arg6[%swap3A, %swap3A_29] : memref<512x128xi32, #tpu.memory_space<vmem>>, vector<512x128xi32>
    tpu.vector_store %arg6[%swap3A, %swap3A_29], %or3A {strides = array<i32>} : memref<512x128xi32, #tpu.memory_space<vmem>>, vector<512x128xi32>,
    return
  }
  func.func @transform_0(%arg0: i32) -> (i32, i32) {
    %c0_i32 = arith.constant 0 : i32
    %c0_i32_0 = arith.constant 0 : i32
    return %arg0, %c0_i32 : i32, i32
  }
  func.func @transform_1(%arg0: i32) -> (i32, i32) {
    %c0_i32 = arith.constant 0 : i32
    %c0_i32_0 = arith.constant 0 : i32
    %c0_i32_1 = arith.constant 0 : i32
    return %c0_i32, %c0_i32_0 : i32, i32
  }
  func.func @transform_2(%arg0: i32) -> (i32, i32) {
    %c0_i32 = arith.constant 0 : i32
    %c0_i32_0 = arith.constant 0 : i32
    %c0_i32_1 = arith.constant 0 : i32
    return %c0_i32, %c0_i32_0 : i32, i32
  }
  func.func @transform_3(%arg0: i32) -> (i32, i32) {
    %c0_i32 = arith.constant 0 : i32
    %c0_i32_0 = arith.constant 0 : i32
    %c0_i32_1 = arith.constant 0 : i32
    return %c0_i32, %c0_i32_0 : i32, i32
  }
  func.func @transform_4(%arg0: i32) -> (i32, i32) {
    %c0_i32 = arith.constant 0 : i32
    %c0_i32_0 = arith.constant 0 : i32
    %c0_i32_1 = arith.constant 0 : i32
    return %c0_i32, %c0_i32_0 : i32, i32
  }
  func.func @transform_5(%arg0: i32) -> (i32, i32) {
    %c0_i32 = arith.constant 0 : i32
    %c0_i32_0 = arith.constant 0 : i32
    return %arg0, %c0_i32 : i32, i32
  }
}

module attributes {stable_mosaic.version = 14 : i64} {
  func.func @_attn_body(%arg0: i32, %arg1: memref<16x512x128xi32, #tpu.memory_space<vmem>>, %arg2: memref<16x4x3x128xf32, #tpu.memory_space<vmem>>, %arg3: memref<512x16xf32, #tpu.memory_space<vmem>>, %arg4: memref<512x128xf32, #tpu.memory_space<vmem>>, %arg5: memref<16x128xf32, #tpu.memory_space<vmem>>, %arg6: memref<1x128xf32, #tpu.memory_space<vmem>>, %arg7: memref<128x128xf32, #tpu.memory_space<vmem>>, %arg8: memref<1x128xf32, #tpu.memory_space<vmem>>, %arg9: memref<128x128xf32, #tpu.memory_space<vmem>>, %arg10: memref<1x128xf32, #tpu.memory_space<vmem>>, %arg11: memref<128x128xf32, #tpu.memory_space<vmem>>, %arg12: memref<1x128xf32, #tpu.memory_space<vmem>>, %arg13: memref<128x8xf32, #tpu.memory_space<vmem>>, %arg14: memref<1x8xf32, #tpu.memory_space<vmem>>, %arg15: memref<128x128xf32, #tpu.memory_space<vmem>>, %arg16: memref<1x128xf32, #tpu.memory_space<vmem>>, %arg17: memref<512x128xf32, #tpu.memory_space<vmem>>) attributes {dimension_semantics = [#tpu.dimension_semantics<arbitrary>], iteration_bounds = array<i64: 8>, scalar_prefetch = 0 : i64, scratch_operands = 0 : i64, tpu.core_type = #tpu.core_type<tc>, window_params = [{transform_indices = @transform_0, window_bounds = array<i64: 16, 512, 128>}, {transform_indices = @transform_1, window_bounds = array<i64: 16, 4, 3, 128>}, {transform_indices = @transform_2, window_bounds = array<i64: 512, 16>}, {transform_indices = @transform_3, window_bounds = array<i64: 512, 128>}, {pipeline_mode = #tpu.pipeline_mode<synchronous>, transform_indices = @transform_4, window_bounds = array<i64: 16, 128>}, {pipeline_mode = #tpu.pipeline_mode<synchronous>, transform_indices = @transform_5, window_bounds = array<i64: 1, 128>}, {pipeline_mode = #tpu.pipeline_mode<synchronous>, transform_indices = @transform_6, window_bounds = array<i64: 128, 128>}, {pipeline_mode = #tpu.pipeline_mode<synchronous>, transform_indices = @transform_7, window_bounds = array<i64: 1, 128>}, {pipeline_mode = #tpu.pipeline_mode<synchronous>, transform_indices = @transform_8, window_bounds = array<i64: 128, 128>}, {pipeline_mode = #tpu.pipeline_mode<synchronous>, transform_indices = @transform_9, window_bounds = array<i64: 1, 128>}, {pipeline_mode = #tpu.pipeline_mode<synchronous>, transform_indices = @transform_10, window_bounds = array<i64: 128, 128>}, {pipeline_mode = #tpu.pipeline_mode<synchronous>, transform_indices = @transform_11, window_bounds = array<i64: 1, 128>}, {pipeline_mode = #tpu.pipeline_mode<synchronous>, transform_indices = @transform_12, window_bounds = array<i64: 128, 8>}, {pipeline_mode = #tpu.pipeline_mode<synchronous>, transform_indices = @transform_13, window_bounds = array<i64: 1, 8>}, {pipeline_mode = #tpu.pipeline_mode<synchronous>, transform_indices = @transform_14, window_bounds = array<i64: 128, 128>}, {pipeline_mode = #tpu.pipeline_mode<synchronous>, transform_indices = @transform_15, window_bounds = array<i64: 1, 128>}, {transform_indices = @transform_16, window_bounds = array<i64: 512, 128>}]} {
    %get3A = arith.constant 0 : index
    %get3A_0 = arith.constant 0 : index
    %get3A_1 = arith.constant 0 : index
    %get3A_2 = vector.load %arg1[%get3A, %get3A_0, %get3A_1] : memref<16x512x128xi32, #tpu.memory_space<vmem>>, vector<16x512x128xi32>
    %bitcast_convert_type3A = tpu.bitcast %get3A_2 : vector<16x512x128xi32> -> vector<16x512x128xf32>
    %shift_left3A = arith.constant 16 : i32
    %shift_left3A_3 = vector.broadcast %shift_left3A : i32 to vector<16x512x128xi32>
    %shift_left3A_4 = arith.shli %get3A_2, %shift_left3A_3 : vector<16x512x128xi32>
    %bitcast_convert_type3A_5 = tpu.bitcast %shift_left3A_4 : vector<16x512x128xi32> -> vector<16x512x128xf32>
    %get3A_6 = arith.constant 0 : index
    %get3A_7 = arith.constant 0 : index
    %get3A_8 = vector.load %arg4[%get3A_6, %get3A_7] : memref<512x128xf32, #tpu.memory_space<vmem>>, vector<512x128xf32>
    %get3A_9 = arith.constant 0 : index
    %get3A_10 = arith.constant 0 : index
    %get3A_11 = vector.load %arg5[%get3A_9, %get3A_10] : memref<16x128xf32, #tpu.memory_space<vmem>>, vector<16x128xf32>
    %get3A_12 = arith.constant 0 : index
    %get3A_13 = arith.constant 0 : index
    %get3A_14 = vector.load %arg3[%get3A_12, %get3A_13] : memref<512x16xf32, #tpu.memory_space<vmem>>, vector<512x16xf32>
    %dot_general3A = arith.constant dense<0.000000e+00> : vector<512x128xf32>
    %dot_general3A_15 = tpu.matmul %get3A_14, %get3A_11, %dot_general3A {dimension_numbers = #tpu.dot_dimension_numbers<[1], [0], [0], [1], [0, 0, 1, 1], [], []>, transpose_lhs_hint = false} : vector<512x16xf32>, vector<16x128xf32>, vector<512x128xf32> -> vector<512x128xf32>
    %get3A_16 = arith.constant 0 : index
    %get3A_17 = arith.constant 0 : index
    %get3A_18 = vector.load %arg6[%get3A_16, %get3A_17] : memref<1x128xf32, #tpu.memory_space<vmem>>, vector<1x128xf32>
    %add3A = vector.broadcast %get3A_18 : vector<1x128xf32> to vector<512x128xf32>
    %add3A_19 = arith.addf %dot_general3A_15, %add3A : vector<512x128xf32>
    %convert_element_type3A = arith.truncf %get3A_8 : vector<512x128xf32> to vector<512x128xbf16>
    %get3A_20 = arith.constant 0 : index
    %get3A_21 = arith.constant 0 : index
    %get3A_22 = vector.load %arg7[%get3A_20, %get3A_21] : memref<128x128xf32, #tpu.memory_space<vmem>>, vector<128x128xf32>
    %convert_element_type3A_23 = arith.truncf %get3A_22 : vector<128x128xf32> to vector<128x128xbf16>
    %dot_general3A_24 = arith.constant dense<0.000000e+00> : vector<512x128xf32>
    %dot_general3A_25 = tpu.matmul %convert_element_type3A, %convert_element_type3A_23, %dot_general3A_24 {dimension_numbers = #tpu.dot_dimension_numbers<[1], [0], [0], [1], [0, 0, 1, 1], [], []>, transpose_lhs_hint = false} : vector<512x128xbf16>, vector<128x128xbf16>, vector<512x128xf32> -> vector<512x128xf32>
    %get3A_26 = arith.constant 0 : index
    %get3A_27 = arith.constant 0 : index
    %get3A_28 = vector.load %arg8[%get3A_26, %get3A_27] : memref<1x128xf32, #tpu.memory_space<vmem>>, vector<1x128xf32>
    %add3A_29 = vector.broadcast %get3A_28 : vector<1x128xf32> to vector<512x128xf32>
    %add3A_30 = arith.addf %dot_general3A_25, %add3A_29 : vector<512x128xf32>
    %get3A_31 = arith.constant 0 : index
    %get3A_32 = arith.constant 0 : index
    %get3A_33 = arith.constant 0 : index
    %get3A_34 = arith.constant 0 : index
    %get3A_35 = vector.load %arg2[%get3A_31, %get3A_32, %get3A_33, %get3A_34] : memref<16x4x3x128xf32, #tpu.memory_space<vmem>>, vector<16x4x3x128xf32>
    %transpose3A = tpu.transpose %get3A_35, [0, 1, 3, 2] : vector<16x4x3x128xf32> -> vector<16x4x128x3xf32>
    %reshape3A = vector.shape_cast %transpose3A : vector<16x4x128x3xf32> to vector<8192x3xf32>
    %get3A_36 = arith.constant 0 : index
    %get3A_37 = arith.constant 0 : index
    %get3A_38 = vector.load %arg5[%get3A_36, %get3A_37] : memref<16x128xf32, #tpu.memory_space<vmem>>, vector<3x128xf32>
    %dot_general3A_39 = arith.constant dense<0.000000e+00> : vector<8192x128xf32>
    %dot_general3A_40 = tpu.matmul %reshape3A, %get3A_38, %dot_general3A_39 {dimension_numbers = #tpu.dot_dimension_numbers<[1], [0], [0], [1], [0, 0, 1, 1], [], []>, transpose_lhs_hint = false} : vector<8192x3xf32>, vector<3x128xf32>, vector<8192x128xf32> -> vector<8192x128xf32>
    %reshape3A_41 = vector.shape_cast %dot_general3A_40 : vector<8192x128xf32> to vector<16x512x128xf32>
    %broadcast_in_dim3A = vector.shape_cast %add3A_19 : vector<512x128xf32> to vector<1x512x128xf32>
    %sub3A = vector.broadcast %broadcast_in_dim3A : vector<1x512x128xf32> to vector<16x512x128xf32>
    %sub3A_42 = arith.subf %sub3A, %reshape3A_41 : vector<16x512x128xf32>
    %convert_element_type3A_43 = arith.truncf %sub3A_42 : vector<16x512x128xf32> to vector<16x512x128xbf16>
    %max3A = arith.constant 0.000000e+00 : bf16
    %max3A_44 = vector.broadcast %max3A : bf16 to vector<16x512x128xbf16>
    %max3A_45 = arith.maximumf %convert_element_type3A_43, %max3A_44 : vector<16x512x128xbf16>
    %reshape3A_46 = vector.shape_cast %max3A_45 : vector<16x512x128xbf16> to vector<8192x128xbf16>
    %get3A_47 = arith.constant 0 : index
    %get3A_48 = arith.constant 0 : index
    %get3A_49 = vector.load %arg9[%get3A_47, %get3A_48] : memref<128x128xf32, #tpu.memory_space<vmem>>, vector<128x128xf32>
    %convert_element_type3A_50 = arith.truncf %get3A_49 : vector<128x128xf32> to vector<128x128xbf16>
    %dot_general3A_51 = arith.constant dense<0.000000e+00> : vector<8192x128xf32>
    %dot_general3A_52 = tpu.matmul %reshape3A_46, %convert_element_type3A_50, %dot_general3A_51 {dimension_numbers = #tpu.dot_dimension_numbers<[1], [0], [0], [1], [0, 0, 1, 1], [], []>, transpose_lhs_hint = false} : vector<8192x128xbf16>, vector<128x128xbf16>, vector<8192x128xf32> -> vector<8192x128xf32>
    %get3A_53 = arith.constant 0 : index
    %get3A_54 = arith.constant 0 : index
    %get3A_55 = vector.load %arg10[%get3A_53, %get3A_54] : memref<1x128xf32, #tpu.memory_space<vmem>>, vector<1x128xf32>
    %add3A_56 = vector.broadcast %get3A_55 : vector<1x128xf32> to vector<8192x128xf32>
    %add3A_57 = arith.addf %dot_general3A_52, %add3A_56 : vector<8192x128xf32>
    %broadcast_in_dim3A_58 = vector.shape_cast %add3A_30 : vector<512x128xf32> to vector<1x512x128xf32>
    %sub3A_59 = vector.broadcast %broadcast_in_dim3A_58 : vector<1x512x128xf32> to vector<16x512x128xf32>
    %sub3A_60 = arith.subf %sub3A_59, %bitcast_convert_type3A : vector<16x512x128xf32>
    %reshape3A_61 = vector.shape_cast %sub3A_60 : vector<16x512x128xf32> to vector<8192x128xf32>
    %add3A_62 = arith.addf %reshape3A_61, %add3A_57 : vector<8192x128xf32>
    %convert_element_type3A_63 = arith.truncf %add3A_62 : vector<8192x128xf32> to vector<8192x128xbf16>
    %get3A_64 = arith.constant 0 : index
    %get3A_65 = arith.constant 0 : index
    %get3A_66 = vector.load %arg11[%get3A_64, %get3A_65] : memref<128x128xf32, #tpu.memory_space<vmem>>, vector<128x128xf32>
    %convert_element_type3A_67 = arith.truncf %get3A_66 : vector<128x128xf32> to vector<128x128xbf16>
    %dot_general3A_68 = arith.constant dense<0.000000e+00> : vector<8192x128xf32>
    %dot_general3A_69 = tpu.matmul %convert_element_type3A_63, %convert_element_type3A_67, %dot_general3A_68 {dimension_numbers = #tpu.dot_dimension_numbers<[1], [0], [0], [1], [0, 0, 1, 1], [], []>, transpose_lhs_hint = false} : vector<8192x128xbf16>, vector<128x128xbf16>, vector<8192x128xf32> -> vector<8192x128xf32>
    %get3A_70 = arith.constant 0 : index
    %get3A_71 = arith.constant 0 : index
    %get3A_72 = vector.load %arg12[%get3A_70, %get3A_71] : memref<1x128xf32, #tpu.memory_space<vmem>>, vector<1x128xf32>
    %add3A_73 = vector.broadcast %get3A_72 : vector<1x128xf32> to vector<8192x128xf32>
    %add3A_74 = arith.addf %dot_general3A_69, %add3A_73 : vector<8192x128xf32>
    %convert_element_type3A_75 = arith.truncf %add3A_74 : vector<8192x128xf32> to vector<8192x128xbf16>
    %max3A_76 = arith.constant 0.000000e+00 : bf16
    %max3A_77 = vector.broadcast %max3A_76 : bf16 to vector<8192x128xbf16>
    %max3A_78 = arith.maximumf %convert_element_type3A_75, %max3A_77 : vector<8192x128xbf16>
    %get3A_79 = arith.constant 0 : index
    %get3A_80 = arith.constant 0 : index
    %get3A_81 = vector.load %arg13[%get3A_79, %get3A_80] : memref<128x8xf32, #tpu.memory_space<vmem>>, vector<128x8xf32>
    %convert_element_type3A_82 = arith.truncf %get3A_81 : vector<128x8xf32> to vector<128x8xbf16>
    %dot_general3A_83 = arith.constant dense<0.000000e+00> : vector<8192x8xf32>
    %dot_general3A_84 = tpu.matmul %max3A_78, %convert_element_type3A_82, %dot_general3A_83 {dimension_numbers = #tpu.dot_dimension_numbers<[1], [0], [0], [1], [0, 0, 1, 1], [], []>, transpose_lhs_hint = false} : vector<8192x128xbf16>, vector<128x8xbf16>, vector<8192x8xf32> -> vector<8192x8xf32>
    %get3A_85 = arith.constant 0 : index
    %get3A_86 = arith.constant 0 : index
    %get3A_87 = vector.load %arg14[%get3A_85, %get3A_86] : memref<1x8xf32, #tpu.memory_space<vmem>>, vector<1x8xf32>
    %add3A_88 = vector.broadcast %get3A_87 : vector<1x8xf32> to vector<8192x8xf32>
    %add3A_89 = arith.addf %dot_general3A_84, %add3A_88 : vector<8192x8xf32>
    %reshape3A_90 = vector.shape_cast %add3A_89 : vector<8192x8xf32> to vector<16x512x8xf32>
    %reduce_max3A = arith.constant dense<0xFF800000> : vector<512x8xf32>
    %reduce_max3A_91 = vector.multi_reduction <maximumf>, %reshape3A_90, %reduce_max3A [0] : vector<16x512x8xf32> to vector<512x8xf32>
    %broadcast_in_dim3A_92 = vector.shape_cast %reduce_max3A_91 : vector<512x8xf32> to vector<1x512x8xf32>
    %sub3A_93 = vector.broadcast %broadcast_in_dim3A_92 : vector<1x512x8xf32> to vector<16x512x8xf32>
    %sub3A_94 = arith.subf %reshape3A_90, %sub3A_93 : vector<16x512x8xf32>
    %exp3A = math.exp %sub3A_94 : vector<16x512x8xf32>
    %reduce_sum3A = arith.constant dense<0.000000e+00> : vector<512x8xf32>
    %reduce_sum3A_95 = vector.multi_reduction <add>, %exp3A, %reduce_sum3A [0] : vector<16x512x8xf32> to vector<512x8xf32>
    %broadcast_in_dim3A_96 = vector.shape_cast %reduce_sum3A_95 : vector<512x8xf32> to vector<1x512x8xf32>
    %div3A = vector.broadcast %broadcast_in_dim3A_96 : vector<1x512x8xf32> to vector<16x512x8xf32>
    %div3A_97 = arith.divf %exp3A, %div3A : vector<16x512x8xf32>
    %reshape3A_98 = vector.shape_cast %div3A_97 : vector<16x512x8xf32> to vector<8192x8xf32>
    %iota3A = tpu.iota {dimensions = array<i32: 1>} : vector<8x128xi32>
    %jit3A = arith.constant 16 : i32
    %div3A_99 = vector.broadcast %jit3A : i32 to vector<8x128xi32>
    %div3A_100 = arith.divsi %iota3A, %div3A_99 : vector<8x128xi32>
    %sign3A = arith.constant 0 : i32
    %sign3A_101 = vector.broadcast %sign3A : i32 to vector<8x128xi32>
    %sign3A_102 = arith.cmpi sgt, %iota3A, %sign3A_101 : vector<8x128xi32>
    %sign3A_103 = arith.extui %sign3A_102 : vector<8x128xi1> to vector<8x128xi32>
    %sign3A_104 = arith.constant 0 : i32
    %sign3A_105 = vector.broadcast %sign3A_104 : i32 to vector<8x128xi32>
    %sign3A_106 = arith.cmpi slt, %iota3A, %sign3A_105 : vector<8x128xi32>
    %sign3A_107 = arith.extui %sign3A_106 : vector<8x128xi1> to vector<8x128xi32>
    %sign3A_108 = arith.subi %sign3A_103, %sign3A_107 : vector<8x128xi32>
    %sign3A_109 = arith.constant 0 : i32
    %sign3A_110 = arith.cmpi sgt, %jit3A, %sign3A_109 : i32
    %sign3A_111 = arith.extui %sign3A_110 : i1 to i32
    %sign3A_112 = arith.constant 0 : i32
    %sign3A_113 = arith.cmpi slt, %jit3A, %sign3A_112 : i32
    %sign3A_114 = arith.extui %sign3A_113 : i1 to i32
    %sign3A_115 = arith.subi %sign3A_111, %sign3A_114 : i32
    %ne3A = vector.broadcast %sign3A_115 : i32 to vector<8x128xi32>
    %ne3A_116 = arith.cmpi ne, %sign3A_108, %ne3A : vector<8x128xi32>
    %rem3A = vector.broadcast %jit3A : i32 to vector<8x128xi32>
    %rem3A_117 = arith.remsi %iota3A, %rem3A : vector<8x128xi32>
    %ne3A_118 = arith.constant 0 : i32
    %ne3A_119 = vector.broadcast %ne3A_118 : i32 to vector<8x128xi32>
    %ne3A_120 = arith.cmpi ne, %rem3A_117, %ne3A_119 : vector<8x128xi32>
    %and3A = arith.andi %ne3A_116, %ne3A_120 : vector<8x128xi1>
    %sub3A_121 = arith.constant 1 : i32
    %sub3A_122 = vector.broadcast %sub3A_121 : i32 to vector<8x128xi32>
    %sub3A_123 = arith.subi %div3A_100, %sub3A_122 : vector<8x128xi32>
    %select_n3A = arith.select %and3A, %sub3A_123, %div3A_100 : vector<8x128xi1>, vector<8x128xi32>
    %iota3A_124 = tpu.iota {dimensions = array<i32: 0>} : vector<8x128xi32>
    %eq3A = arith.cmpi eq, %select_n3A, %iota3A_124 : vector<8x128xi32>
    %convert_element_type3A_125 = arith.extui %eq3A : vector<8x128xi1> to vector<8x128xi32>
    %convert_element_type3A_126 = arith.sitofp %convert_element_type3A_125 : vector<8x128xi32> to vector<8x128xf32>
    %dot_general3A_127 = arith.constant dense<0.000000e+00> : vector<8192x128xf32>
    %dot_general3A_128 = tpu.matmul %reshape3A_98, %convert_element_type3A_126, %dot_general3A_127 {dimension_numbers = #tpu.dot_dimension_numbers<[1], [0], [0], [1], [0, 0, 1, 1], [], []>, transpose_lhs_hint = false} : vector<8192x8xf32>, vector<8x128xf32>, vector<8192x128xf32> -> vector<8192x128xf32>
    %reshape3A_129 = vector.shape_cast %dot_general3A_128 : vector<8192x128xf32> to vector<16x512x128xf32>
    %reshape3A_130 = vector.shape_cast %add3A_57 : vector<8192x128xf32> to vector<16x512x128xf32>
    %add3A_131 = arith.addf %bitcast_convert_type3A_5, %reshape3A_130 : vector<16x512x128xf32>
    %mul3A = arith.mulf %reshape3A_129, %add3A_131 : vector<16x512x128xf32>
    %reduce_sum3A_132 = arith.constant dense<0.000000e+00> : vector<512x128xf32>
    %reduce_sum3A_133 = vector.multi_reduction <add>, %mul3A, %reduce_sum3A_132 [0] : vector<16x512x128xf32> to vector<512x128xf32>
    %convert_element_type3A_134 = arith.truncf %reduce_sum3A_133 : vector<512x128xf32> to vector<512x128xbf16>
    %get3A_135 = arith.constant 0 : index
    %get3A_136 = arith.constant 0 : index
    %get3A_137 = vector.load %arg15[%get3A_135, %get3A_136] : memref<128x128xf32, #tpu.memory_space<vmem>>, vector<128x128xf32>
    %convert_element_type3A_138 = arith.truncf %get3A_137 : vector<128x128xf32> to vector<128x128xbf16>
    %dot_general3A_139 = arith.constant dense<0.000000e+00> : vector<512x128xf32>
    %dot_general3A_140 = tpu.matmul %convert_element_type3A_134, %convert_element_type3A_138, %dot_general3A_139 {dimension_numbers = #tpu.dot_dimension_numbers<[1], [0], [0], [1], [0, 0, 1, 1], [], []>, transpose_lhs_hint = false} : vector<512x128xbf16>, vector<128x128xbf16>, vector<512x128xf32> -> vector<512x128xf32>
    %add3A_141 = arith.addf %get3A_8, %dot_general3A_140 : vector<512x128xf32>
    %get3A_142 = arith.constant 0 : index
    %get3A_143 = arith.constant 0 : index
    %get3A_144 = vector.load %arg16[%get3A_142, %get3A_143] : memref<1x128xf32, #tpu.memory_space<vmem>>, vector<1x128xf32>
    %add3A_145 = vector.broadcast %get3A_144 : vector<1x128xf32> to vector<512x128xf32>
    %add3A_146 = arith.addf %add3A_141, %add3A_145 : vector<512x128xf32>
    %swap3A = arith.constant 0 : index
    %swap3A_147 = arith.constant 0 : index
    %swap3A_148 = vector.load %arg17[%swap3A, %swap3A_147] : memref<512x128xf32, #tpu.memory_space<vmem>>, vector<512x128xf32>
    tpu.vector_store %arg17[%swap3A, %swap3A_147], %add3A_146 {strides = array<i32>} : memref<512x128xf32, #tpu.memory_space<vmem>>, vector<512x128xf32>,
    return
  }
  func.func @transform_0(%arg0: i32) -> (i32, i32, i32) {
    %c0_i32 = arith.constant 0 : i32
    %c0_i32_0 = arith.constant 0 : i32
    %c0_i32_1 = arith.constant 0 : i32
    return %c0_i32, %arg0, %c0_i32_0 : i32, i32, i32
  }
  func.func @transform_1(%arg0: i32) -> (i32, i32, i32, i32) {
    %c0_i32 = arith.constant 0 : i32
    %c0_i32_0 = arith.constant 0 : i32
    %c0_i32_1 = arith.constant 0 : i32
    %c0_i32_2 = arith.constant 0 : i32
    return %c0_i32, %arg0, %c0_i32_0, %c0_i32_1 : i32, i32, i32, i32
  }
  func.func @transform_2(%arg0: i32) -> (i32, i32) {
    %c0_i32 = arith.constant 0 : i32
    %c0_i32_0 = arith.constant 0 : i32
    return %arg0, %c0_i32 : i32, i32
  }
  func.func @transform_3(%arg0: i32) -> (i32, i32) {
    %c0_i32 = arith.constant 0 : i32
    %c0_i32_0 = arith.constant 0 : i32
    return %arg0, %c0_i32 : i32, i32
  }
  func.func @transform_4(%arg0: i32) -> (i32, i32) {
    %c0_i32 = arith.constant 0 : i32
    %c0_i32_0 = arith.constant 0 : i32
    %c0_i32_1 = arith.constant 0 : i32
    return %c0_i32, %c0_i32_0 : i32, i32
  }
  func.func @transform_5(%arg0: i32) -> (i32, i32) {
    %c0_i32 = arith.constant 0 : i32
    %c0_i32_0 = arith.constant 0 : i32
    %c0_i32_1 = arith.constant 0 : i32
    return %c0_i32, %c0_i32_0 : i32, i32
  }
  func.func @transform_6(%arg0: i32) -> (i32, i32) {
    %c0_i32 = arith.constant 0 : i32
    %c0_i32_0 = arith.constant 0 : i32
    %c0_i32_1 = arith.constant 0 : i32
    return %c0_i32, %c0_i32_0 : i32, i32
  }
  func.func @transform_7(%arg0: i32) -> (i32, i32) {
    %c0_i32 = arith.constant 0 : i32
    %c0_i32_0 = arith.constant 0 : i32
    %c0_i32_1 = arith.constant 0 : i32
    return %c0_i32, %c0_i32_0 : i32, i32
  }
  func.func @transform_8(%arg0: i32) -> (i32, i32) {
    %c0_i32 = arith.constant 0 : i32
    %c0_i32_0 = arith.constant 0 : i32
    %c0_i32_1 = arith.constant 0 : i32
    return %c0_i32, %c0_i32_0 : i32, i32
  }
  func.func @transform_9(%arg0: i32) -> (i32, i32) {
    %c0_i32 = arith.constant 0 : i32
    %c0_i32_0 = arith.constant 0 : i32
    %c0_i32_1 = arith.constant 0 : i32
    return %c0_i32, %c0_i32_0 : i32, i32
  }
  func.func @transform_10(%arg0: i32) -> (i32, i32) {
    %c0_i32 = arith.constant 0 : i32
    %c0_i32_0 = arith.constant 0 : i32
    %c0_i32_1 = arith.constant 0 : i32
    return %c0_i32, %c0_i32_0 : i32, i32
  }
  func.func @transform_11(%arg0: i32) -> (i32, i32) {
    %c0_i32 = arith.constant 0 : i32
    %c0_i32_0 = arith.constant 0 : i32
    %c0_i32_1 = arith.constant 0 : i32
    return %c0_i32, %c0_i32_0 : i32, i32
  }
  func.func @transform_12(%arg0: i32) -> (i32, i32) {
    %c0_i32 = arith.constant 0 : i32
    %c0_i32_0 = arith.constant 0 : i32
    %c0_i32_1 = arith.constant 0 : i32
    return %c0_i32, %c0_i32_0 : i32, i32
  }
  func.func @transform_13(%arg0: i32) -> (i32, i32) {
    %c0_i32 = arith.constant 0 : i32
    %c0_i32_0 = arith.constant 0 : i32
    %c0_i32_1 = arith.constant 0 : i32
    return %c0_i32, %c0_i32_0 : i32, i32
  }
  func.func @transform_14(%arg0: i32) -> (i32, i32) {
    %c0_i32 = arith.constant 0 : i32
    %c0_i32_0 = arith.constant 0 : i32
    %c0_i32_1 = arith.constant 0 : i32
    return %c0_i32, %c0_i32_0 : i32, i32
  }
  func.func @transform_15(%arg0: i32) -> (i32, i32) {
    %c0_i32 = arith.constant 0 : i32
    %c0_i32_0 = arith.constant 0 : i32
    %c0_i32_1 = arith.constant 0 : i32
    return %c0_i32, %c0_i32_0 : i32, i32
  }
  func.func @transform_16(%arg0: i32) -> (i32, i32) {
    %c0_i32 = arith.constant 0 : i32
    %c0_i32_0 = arith.constant 0 : i32
    return %arg0, %c0_i32 : i32, i32
  }
}

module attributes {stable_mosaic.version = 14 : i64} {
  func.func @_attn_body(%arg0: i32, %arg1: memref<16x512x128xi32, #tpu.memory_space<vmem>>, %arg2: memref<16x4x3x128xf32, #tpu.memory_space<vmem>>, %arg3: memref<512x16xf32, #tpu.memory_space<vmem>>, %arg4: memref<512x128xf32, #tpu.memory_space<vmem>>, %arg5: memref<16x128xf32, #tpu.memory_space<vmem>>, %arg6: memref<1x128xf32, #tpu.memory_space<vmem>>, %arg7: memref<128x128xf32, #tpu.memory_space<vmem>>, %arg8: memref<1x128xf32, #tpu.memory_space<vmem>>, %arg9: memref<128x128xf32, #tpu.memory_space<vmem>>, %arg10: memref<1x128xf32, #tpu.memory_space<vmem>>, %arg11: memref<128x128xf32, #tpu.memory_space<vmem>>, %arg12: memref<1x128xf32, #tpu.memory_space<vmem>>, %arg13: memref<128x8xf32, #tpu.memory_space<vmem>>, %arg14: memref<1x8xf32, #tpu.memory_space<vmem>>, %arg15: memref<128x128xf32, #tpu.memory_space<vmem>>, %arg16: memref<1x128xf32, #tpu.memory_space<vmem>>, %arg17: memref<512x128xf32, #tpu.memory_space<vmem>>) attributes {dimension_semantics = [#tpu.dimension_semantics<arbitrary>], iteration_bounds = array<i64: 8>, scalar_prefetch = 0 : i64, scratch_operands = 0 : i64, tpu.core_type = #tpu.core_type<tc>, window_params = [{transform_indices = @transform_0, window_bounds = array<i64: 16, 512, 128>}, {transform_indices = @transform_1, window_bounds = array<i64: 16, 4, 3, 128>}, {transform_indices = @transform_2, window_bounds = array<i64: 512, 16>}, {transform_indices = @transform_3, window_bounds = array<i64: 512, 128>}, {pipeline_mode = #tpu.pipeline_mode<synchronous>, transform_indices = @transform_4, window_bounds = array<i64: 16, 128>}, {pipeline_mode = #tpu.pipeline_mode<synchronous>, transform_indices = @transform_5, window_bounds = array<i64: 1, 128>}, {pipeline_mode = #tpu.pipeline_mode<synchronous>, transform_indices = @transform_6, window_bounds = array<i64: 128, 128>}, {pipeline_mode = #tpu.pipeline_mode<synchronous>, transform_indices = @transform_7, window_bounds = array<i64: 1, 128>}, {pipeline_mode = #tpu.pipeline_mode<synchronous>, transform_indices = @transform_8, window_bounds = array<i64: 128, 128>}, {pipeline_mode = #tpu.pipeline_mode<synchronous>, transform_indices = @transform_9, window_bounds = array<i64: 1, 128>}, {pipeline_mode = #tpu.pipeline_mode<synchronous>, transform_indices = @transform_10, window_bounds = array<i64: 128, 128>}, {pipeline_mode = #tpu.pipeline_mode<synchronous>, transform_indices = @transform_11, window_bounds = array<i64: 1, 128>}, {pipeline_mode = #tpu.pipeline_mode<synchronous>, transform_indices = @transform_12, window_bounds = array<i64: 128, 8>}, {pipeline_mode = #tpu.pipeline_mode<synchronous>, transform_indices = @transform_13, window_bounds = array<i64: 1, 8>}, {pipeline_mode = #tpu.pipeline_mode<synchronous>, transform_indices = @transform_14, window_bounds = array<i64: 128, 128>}, {pipeline_mode = #tpu.pipeline_mode<synchronous>, transform_indices = @transform_15, window_bounds = array<i64: 1, 128>}, {transform_indices = @transform_16, window_bounds = array<i64: 512, 128>}]} {
    %get3A = arith.constant 0 : index
    %get3A_0 = arith.constant 0 : index
    %get3A_1 = arith.constant 0 : index
    %get3A_2 = vector.load %arg1[%get3A, %get3A_0, %get3A_1] : memref<16x512x128xi32, #tpu.memory_space<vmem>>, vector<16x512x128xi32>
    %bitcast_convert_type3A = tpu.bitcast %get3A_2 : vector<16x512x128xi32> -> vector<16x512x128xf32>
    %shift_left3A = arith.constant 16 : i32
    %shift_left3A_3 = vector.broadcast %shift_left3A : i32 to vector<16x512x128xi32>
    %shift_left3A_4 = arith.shli %get3A_2, %shift_left3A_3 : vector<16x512x128xi32>
    %bitcast_convert_type3A_5 = tpu.bitcast %shift_left3A_4 : vector<16x512x128xi32> -> vector<16x512x128xf32>
    %get3A_6 = arith.constant 0 : index
    %get3A_7 = arith.constant 0 : index
    %get3A_8 = vector.load %arg4[%get3A_6, %get3A_7] : memref<512x128xf32, #tpu.memory_space<vmem>>, vector<512x128xf32>
    %get3A_9 = arith.constant 0 : index
    %get3A_10 = arith.constant 0 : index
    %get3A_11 = vector.load %arg5[%get3A_9, %get3A_10] : memref<16x128xf32, #tpu.memory_space<vmem>>, vector<16x128xf32>
    %get3A_12 = arith.constant 0 : index
    %get3A_13 = arith.constant 0 : index
    %get3A_14 = vector.load %arg3[%get3A_12, %get3A_13] : memref<512x16xf32, #tpu.memory_space<vmem>>, vector<512x16xf32>
    %dot_general3A = arith.constant dense<0.000000e+00> : vector<512x128xf32>
    %dot_general3A_15 = tpu.matmul %get3A_14, %get3A_11, %dot_general3A {dimension_numbers = #tpu.dot_dimension_numbers<[1], [0], [0], [1], [0, 0, 1, 1], [], []>, transpose_lhs_hint = false} : vector<512x16xf32>, vector<16x128xf32>, vector<512x128xf32> -> vector<512x128xf32>
    %get3A_16 = arith.constant 0 : index
    %get3A_17 = arith.constant 0 : index
    %get3A_18 = vector.load %arg6[%get3A_16, %get3A_17] : memref<1x128xf32, #tpu.memory_space<vmem>>, vector<1x128xf32>
    %add3A = vector.broadcast %get3A_18 : vector<1x128xf32> to vector<512x128xf32>
    %add3A_19 = arith.addf %dot_general3A_15, %add3A : vector<512x128xf32>
    %convert_element_type3A = arith.truncf %get3A_8 : vector<512x128xf32> to vector<512x128xbf16>
    %get3A_20 = arith.constant 0 : index
    %get3A_21 = arith.constant 0 : index
    %get3A_22 = vector.load %arg7[%get3A_20, %get3A_21] : memref<128x128xf32, #tpu.memory_space<vmem>>, vector<128x128xf32>
    %convert_element_type3A_23 = arith.truncf %get3A_22 : vector<128x128xf32> to vector<128x128xbf16>
    %dot_general3A_24 = arith.constant dense<0.000000e+00> : vector<512x128xf32>
    %dot_general3A_25 = tpu.matmul %convert_element_type3A, %convert_element_type3A_23, %dot_general3A_24 {dimension_numbers = #tpu.dot_dimension_numbers<[1], [0], [0], [1], [0, 0, 1, 1], [], []>, transpose_lhs_hint = false} : vector<512x128xbf16>, vector<128x128xbf16>, vector<512x128xf32> -> vector<512x128xf32>
    %get3A_26 = arith.constant 0 : index
    %get3A_27 = arith.constant 0 : index
    %get3A_28 = vector.load %arg8[%get3A_26, %get3A_27] : memref<1x128xf32, #tpu.memory_space<vmem>>, vector<1x128xf32>
    %add3A_29 = vector.broadcast %get3A_28 : vector<1x128xf32> to vector<512x128xf32>
    %add3A_30 = arith.addf %dot_general3A_25, %add3A_29 : vector<512x128xf32>
    %get3A_31 = arith.constant 0 : index
    %get3A_32 = arith.constant 0 : index
    %get3A_33 = arith.constant 0 : index
    %get3A_34 = arith.constant 0 : index
    %get3A_35 = vector.load %arg2[%get3A_31, %get3A_32, %get3A_33, %get3A_34] : memref<16x4x3x128xf32, #tpu.memory_space<vmem>>, vector<16x4x3x128xf32>
    %transpose3A = tpu.transpose %get3A_35, [0, 1, 3, 2] : vector<16x4x3x128xf32> -> vector<16x4x128x3xf32>
    %reshape3A = vector.shape_cast %transpose3A : vector<16x4x128x3xf32> to vector<8192x3xf32>
    %get3A_36 = arith.constant 0 : index
    %get3A_37 = arith.constant 0 : index
    %get3A_38 = vector.load %arg5[%get3A_36, %get3A_37] : memref<16x128xf32, #tpu.memory_space<vmem>>, vector<3x128xf32>
    %dot_general3A_39 = arith.constant dense<0.000000e+00> : vector<8192x128xf32>
    %dot_general3A_40 = tpu.matmul %reshape3A, %get3A_38, %dot_general3A_39 {dimension_numbers = #tpu.dot_dimension_numbers<[1], [0], [0], [1], [0, 0, 1, 1], [], []>, transpose_lhs_hint = false} : vector<8192x3xf32>, vector<3x128xf32>, vector<8192x128xf32> -> vector<8192x128xf32>
    %reshape3A_41 = vector.shape_cast %dot_general3A_40 : vector<8192x128xf32> to vector<16x512x128xf32>
    %broadcast_in_dim3A = vector.shape_cast %add3A_19 : vector<512x128xf32> to vector<1x512x128xf32>
    %sub3A = vector.broadcast %broadcast_in_dim3A : vector<1x512x128xf32> to vector<16x512x128xf32>
    %sub3A_42 = arith.subf %sub3A, %reshape3A_41 : vector<16x512x128xf32>
    %convert_element_type3A_43 = arith.truncf %sub3A_42 : vector<16x512x128xf32> to vector<16x512x128xbf16>
    %max3A = arith.constant 0.000000e+00 : bf16
    %max3A_44 = vector.broadcast %max3A : bf16 to vector<16x512x128xbf16>
    %max3A_45 = arith.maximumf %convert_element_type3A_43, %max3A_44 : vector<16x512x128xbf16>
    %reshape3A_46 = vector.shape_cast %max3A_45 : vector<16x512x128xbf16> to vector<8192x128xbf16>
    %get3A_47 = arith.constant 0 : index
    %get3A_48 = arith.constant 0 : index
    %get3A_49 = vector.load %arg9[%get3A_47, %get3A_48] : memref<128x128xf32, #tpu.memory_space<vmem>>, vector<128x128xf32>
    %convert_element_type3A_50 = arith.truncf %get3A_49 : vector<128x128xf32> to vector<128x128xbf16>
    %dot_general3A_51 = arith.constant dense<0.000000e+00> : vector<8192x128xf32>
    %dot_general3A_52 = tpu.matmul %reshape3A_46, %convert_element_type3A_50, %dot_general3A_51 {dimension_numbers = #tpu.dot_dimension_numbers<[1], [0], [0], [1], [0, 0, 1, 1], [], []>, transpose_lhs_hint = false} : vector<8192x128xbf16>, vector<128x128xbf16>, vector<8192x128xf32> -> vector<8192x128xf32>
    %get3A_53 = arith.constant 0 : index
    %get3A_54 = arith.constant 0 : index
    %get3A_55 = vector.load %arg10[%get3A_53, %get3A_54] : memref<1x128xf32, #tpu.memory_space<vmem>>, vector<1x128xf32>
    %add3A_56 = vector.broadcast %get3A_55 : vector<1x128xf32> to vector<8192x128xf32>
    %add3A_57 = arith.addf %dot_general3A_52, %add3A_56 : vector<8192x128xf32>
    %broadcast_in_dim3A_58 = vector.shape_cast %add3A_30 : vector<512x128xf32> to vector<1x512x128xf32>
    %sub3A_59 = vector.broadcast %broadcast_in_dim3A_58 : vector<1x512x128xf32> to vector<16x512x128xf32>
    %sub3A_60 = arith.subf %sub3A_59, %bitcast_convert_type3A : vector<16x512x128xf32>
    %reshape3A_61 = vector.shape_cast %sub3A_60 : vector<16x512x128xf32> to vector<8192x128xf32>
    %add3A_62 = arith.addf %reshape3A_61, %add3A_57 : vector<8192x128xf32>
    %convert_element_type3A_63 = arith.truncf %add3A_62 : vector<8192x128xf32> to vector<8192x128xbf16>
    %get3A_64 = arith.constant 0 : index
    %get3A_65 = arith.constant 0 : index
    %get3A_66 = vector.load %arg11[%get3A_64, %get3A_65] : memref<128x128xf32, #tpu.memory_space<vmem>>, vector<128x128xf32>
    %convert_element_type3A_67 = arith.truncf %get3A_66 : vector<128x128xf32> to vector<128x128xbf16>
    %dot_general3A_68 = arith.constant dense<0.000000e+00> : vector<8192x128xf32>
    %dot_general3A_69 = tpu.matmul %convert_element_type3A_63, %convert_element_type3A_67, %dot_general3A_68 {dimension_numbers = #tpu.dot_dimension_numbers<[1], [0], [0], [1], [0, 0, 1, 1], [], []>, transpose_lhs_hint = false} : vector<8192x128xbf16>, vector<128x128xbf16>, vector<8192x128xf32> -> vector<8192x128xf32>
    %get3A_70 = arith.constant 0 : index
    %get3A_71 = arith.constant 0 : index
    %get3A_72 = vector.load %arg12[%get3A_70, %get3A_71] : memref<1x128xf32, #tpu.memory_space<vmem>>, vector<1x128xf32>
    %add3A_73 = vector.broadcast %get3A_72 : vector<1x128xf32> to vector<8192x128xf32>
    %add3A_74 = arith.addf %dot_general3A_69, %add3A_73 : vector<8192x128xf32>
    %convert_element_type3A_75 = arith.truncf %add3A_74 : vector<8192x128xf32> to vector<8192x128xbf16>
    %max3A_76 = arith.constant 0.000000e+00 : bf16
    %max3A_77 = vector.broadcast %max3A_76 : bf16 to vector<8192x128xbf16>
    %max3A_78 = arith.maximumf %convert_element_type3A_75, %max3A_77 : vector<8192x128xbf16>
    %get3A_79 = arith.constant 0 : index
    %get3A_80 = arith.constant 0 : index
    %get3A_81 = vector.load %arg13[%get3A_79, %get3A_80] : memref<128x8xf32, #tpu.memory_space<vmem>>, vector<128x8xf32>
    %convert_element_type3A_82 = arith.truncf %get3A_81 : vector<128x8xf32> to vector<128x8xbf16>
    %dot_general3A_83 = arith.constant dense<0.000000e+00> : vector<8192x8xf32>
    %dot_general3A_84 = tpu.matmul %max3A_78, %convert_element_type3A_82, %dot_general3A_83 {dimension_numbers = #tpu.dot_dimension_numbers<[1], [0], [0], [1], [0, 0, 1, 1], [], []>, transpose_lhs_hint = false} : vector<8192x128xbf16>, vector<128x8xbf16>, vector<8192x8xf32> -> vector<8192x8xf32>
    %get3A_85 = arith.constant 0 : index
    %get3A_86 = arith.constant 0 : index
    %get3A_87 = vector.load %arg14[%get3A_85, %get3A_86] : memref<1x8xf32, #tpu.memory_space<vmem>>, vector<1x8xf32>
    %add3A_88 = vector.broadcast %get3A_87 : vector<1x8xf32> to vector<8192x8xf32>
    %add3A_89 = arith.addf %dot_general3A_84, %add3A_88 : vector<8192x8xf32>
    %reshape3A_90 = vector.shape_cast %add3A_89 : vector<8192x8xf32> to vector<16x512x8xf32>
    %reduce_max3A = arith.constant dense<0xFF800000> : vector<512x8xf32>
    %reduce_max3A_91 = vector.multi_reduction <maximumf>, %reshape3A_90, %reduce_max3A [0] : vector<16x512x8xf32> to vector<512x8xf32>
    %broadcast_in_dim3A_92 = vector.shape_cast %reduce_max3A_91 : vector<512x8xf32> to vector<1x512x8xf32>
    %sub3A_93 = vector.broadcast %broadcast_in_dim3A_92 : vector<1x512x8xf32> to vector<16x512x8xf32>
    %sub3A_94 = arith.subf %reshape3A_90, %sub3A_93 : vector<16x512x8xf32>
    %exp3A = math.exp %sub3A_94 : vector<16x512x8xf32>
    %reduce_sum3A = arith.constant dense<0.000000e+00> : vector<512x8xf32>
    %reduce_sum3A_95 = vector.multi_reduction <add>, %exp3A, %reduce_sum3A [0] : vector<16x512x8xf32> to vector<512x8xf32>
    %broadcast_in_dim3A_96 = vector.shape_cast %reduce_sum3A_95 : vector<512x8xf32> to vector<1x512x8xf32>
    %div3A = vector.broadcast %broadcast_in_dim3A_96 : vector<1x512x8xf32> to vector<16x512x8xf32>
    %div3A_97 = arith.divf %exp3A, %div3A : vector<16x512x8xf32>
    %reshape3A_98 = vector.shape_cast %div3A_97 : vector<16x512x8xf32> to vector<8192x8xf32>
    %iota3A = tpu.iota {dimensions = array<i32: 1>} : vector<8x128xi32>
    %jit3A = arith.constant 16 : i32
    %div3A_99 = vector.broadcast %jit3A : i32 to vector<8x128xi32>
    %div3A_100 = arith.divsi %iota3A, %div3A_99 : vector<8x128xi32>
    %sign3A = arith.constant 0 : i32
    %sign3A_101 = vector.broadcast %sign3A : i32 to vector<8x128xi32>
    %sign3A_102 = arith.cmpi sgt, %iota3A, %sign3A_101 : vector<8x128xi32>
    %sign3A_103 = arith.extui %sign3A_102 : vector<8x128xi1> to vector<8x128xi32>
    %sign3A_104 = arith.constant 0 : i32
    %sign3A_105 = vector.broadcast %sign3A_104 : i32 to vector<8x128xi32>
    %sign3A_106 = arith.cmpi slt, %iota3A, %sign3A_105 : vector<8x128xi32>
    %sign3A_107 = arith.extui %sign3A_106 : vector<8x128xi1> to vector<8x128xi32>
    %sign3A_108 = arith.subi %sign3A_103, %sign3A_107 : vector<8x128xi32>
    %sign3A_109 = arith.constant 0 : i32
    %sign3A_110 = arith.cmpi sgt, %jit3A, %sign3A_109 : i32
    %sign3A_111 = arith.extui %sign3A_110 : i1 to i32
    %sign3A_112 = arith.constant 0 : i32
    %sign3A_113 = arith.cmpi slt, %jit3A, %sign3A_112 : i32
    %sign3A_114 = arith.extui %sign3A_113 : i1 to i32
    %sign3A_115 = arith.subi %sign3A_111, %sign3A_114 : i32
    %ne3A = vector.broadcast %sign3A_115 : i32 to vector<8x128xi32>
    %ne3A_116 = arith.cmpi ne, %sign3A_108, %ne3A : vector<8x128xi32>
    %rem3A = vector.broadcast %jit3A : i32 to vector<8x128xi32>
    %rem3A_117 = arith.remsi %iota3A, %rem3A : vector<8x128xi32>
    %ne3A_118 = arith.constant 0 : i32
    %ne3A_119 = vector.broadcast %ne3A_118 : i32 to vector<8x128xi32>
    %ne3A_120 = arith.cmpi ne, %rem3A_117, %ne3A_119 : vector<8x128xi32>
    %and3A = arith.andi %ne3A_116, %ne3A_120 : vector<8x128xi1>
    %sub3A_121 = arith.constant 1 : i32
    %sub3A_122 = vector.broadcast %sub3A_121 : i32 to vector<8x128xi32>
    %sub3A_123 = arith.subi %div3A_100, %sub3A_122 : vector<8x128xi32>
    %select_n3A = arith.select %and3A, %sub3A_123, %div3A_100 : vector<8x128xi1>, vector<8x128xi32>
    %iota3A_124 = tpu.iota {dimensions = array<i32: 0>} : vector<8x128xi32>
    %eq3A = arith.cmpi eq, %select_n3A, %iota3A_124 : vector<8x128xi32>
    %convert_element_type3A_125 = arith.extui %eq3A : vector<8x128xi1> to vector<8x128xi32>
    %convert_element_type3A_126 = arith.sitofp %convert_element_type3A_125 : vector<8x128xi32> to vector<8x128xf32>
    %dot_general3A_127 = arith.constant dense<0.000000e+00> : vector<8192x128xf32>
    %dot_general3A_128 = tpu.matmul %reshape3A_98, %convert_element_type3A_126, %dot_general3A_127 {dimension_numbers = #tpu.dot_dimension_numbers<[1], [0], [0], [1], [0, 0, 1, 1], [], []>, transpose_lhs_hint = false} : vector<8192x8xf32>, vector<8x128xf32>, vector<8192x128xf32> -> vector<8192x128xf32>
    %reshape3A_129 = vector.shape_cast %dot_general3A_128 : vector<8192x128xf32> to vector<16x512x128xf32>
    %reshape3A_130 = vector.shape_cast %add3A_57 : vector<8192x128xf32> to vector<16x512x128xf32>
    %add3A_131 = arith.addf %bitcast_convert_type3A_5, %reshape3A_130 : vector<16x512x128xf32>
    %mul3A = arith.mulf %reshape3A_129, %add3A_131 : vector<16x512x128xf32>
    %reduce_sum3A_132 = arith.constant dense<0.000000e+00> : vector<512x128xf32>
    %reduce_sum3A_133 = vector.multi_reduction <add>, %mul3A, %reduce_sum3A_132 [0] : vector<16x512x128xf32> to vector<512x128xf32>
    %convert_element_type3A_134 = arith.truncf %reduce_sum3A_133 : vector<512x128xf32> to vector<512x128xbf16>
    %get3A_135 = arith.constant 0 : index
    %get3A_136 = arith.constant 0 : index
    %get3A_137 = vector.load %arg15[%get3A_135, %get3A_136] : memref<128x128xf32, #tpu.memory_space<vmem>>, vector<128x128xf32>
    %convert_element_type3A_138 = arith.truncf %get3A_137 : vector<128x128xf32> to vector<128x128xbf16>
    %dot_general3A_139 = arith.constant dense<0.000000e+00> : vector<512x128xf32>
    %dot_general3A_140 = tpu.matmul %convert_element_type3A_134, %convert_element_type3A_138, %dot_general3A_139 {dimension_numbers = #tpu.dot_dimension_numbers<[1], [0], [0], [1], [0, 0, 1, 1], [], []>, transpose_lhs_hint = false} : vector<512x128xbf16>, vector<128x128xbf16>, vector<512x128xf32> -> vector<512x128xf32>
    %add3A_141 = arith.addf %get3A_8, %dot_general3A_140 : vector<512x128xf32>
    %get3A_142 = arith.constant 0 : index
    %get3A_143 = arith.constant 0 : index
    %get3A_144 = vector.load %arg16[%get3A_142, %get3A_143] : memref<1x128xf32, #tpu.memory_space<vmem>>, vector<1x128xf32>
    %add3A_145 = vector.broadcast %get3A_144 : vector<1x128xf32> to vector<512x128xf32>
    %add3A_146 = arith.addf %add3A_141, %add3A_145 : vector<512x128xf32>
    %swap3A = arith.constant 0 : index
    %swap3A_147 = arith.constant 0 : index
    %swap3A_148 = vector.load %arg17[%swap3A, %swap3A_147] : memref<512x128xf32, #tpu.memory_space<vmem>>, vector<512x128xf32>
    tpu.vector_store %arg17[%swap3A, %swap3A_147], %add3A_146 {strides = array<i32>} : memref<512x128xf32, #tpu.memory_space<vmem>>, vector<512x128xf32>,
    return
  }
  func.func @transform_0(%arg0: i32) -> (i32, i32, i32) {
    %c0_i32 = arith.constant 0 : i32
    %c0_i32_0 = arith.constant 0 : i32
    %c0_i32_1 = arith.constant 0 : i32
    return %c0_i32, %arg0, %c0_i32_0 : i32, i32, i32
  }
  func.func @transform_1(%arg0: i32) -> (i32, i32, i32, i32) {
    %c0_i32 = arith.constant 0 : i32
    %c0_i32_0 = arith.constant 0 : i32
    %c0_i32_1 = arith.constant 0 : i32
    %c0_i32_2 = arith.constant 0 : i32
    return %c0_i32, %arg0, %c0_i32_0, %c0_i32_1 : i32, i32, i32, i32
  }
  func.func @transform_2(%arg0: i32) -> (i32, i32) {
    %c0_i32 = arith.constant 0 : i32
    %c0_i32_0 = arith.constant 0 : i32
    return %arg0, %c0_i32 : i32, i32
  }
  func.func @transform_3(%arg0: i32) -> (i32, i32) {
    %c0_i32 = arith.constant 0 : i32
    %c0_i32_0 = arith.constant 0 : i32
    return %arg0, %c0_i32 : i32, i32
  }
  func.func @transform_4(%arg0: i32) -> (i32, i32) {
    %c0_i32 = arith.constant 0 : i32
    %c0_i32_0 = arith.constant 0 : i32
    %c0_i32_1 = arith.constant 0 : i32
    return %c0_i32, %c0_i32_0 : i32, i32
  }
  func.func @transform_5(%arg0: i32) -> (i32, i32) {
    %c0_i32 = arith.constant 0 : i32
    %c0_i32_0 = arith.constant 0 : i32
    %c0_i32_1 = arith.constant 0 : i32
    return %c0_i32, %c0_i32_0 : i32, i32
  }
  func.func @transform_6(%arg0: i32) -> (i32, i32) {
    %c0_i32 = arith.constant 0 : i32
    %c0_i32_0 = arith.constant 0 : i32
    %c0_i32_1 = arith.constant 0 : i32
    return %c0_i32, %c0_i32_0 : i32, i32
  }
  func.func @transform_7(%arg0: i32) -> (i32, i32) {
    %c0_i32 = arith.constant 0 : i32
    %c0_i32_0 = arith.constant 0 : i32
    %c0_i32_1 = arith.constant 0 : i32
    return %c0_i32, %c0_i32_0 : i32, i32
  }
  func.func @transform_8(%arg0: i32) -> (i32, i32) {
    %c0_i32 = arith.constant 0 : i32
    %c0_i32_0 = arith.constant 0 : i32
    %c0_i32_1 = arith.constant 0 : i32
    return %c0_i32, %c0_i32_0 : i32, i32
  }
  func.func @transform_9(%arg0: i32) -> (i32, i32) {
    %c0_i32 = arith.constant 0 : i32
    %c0_i32_0 = arith.constant 0 : i32
    %c0_i32_1 = arith.constant 0 : i32
    return %c0_i32, %c0_i32_0 : i32, i32
  }
  func.func @transform_10(%arg0: i32) -> (i32, i32) {
    %c0_i32 = arith.constant 0 : i32
    %c0_i32_0 = arith.constant 0 : i32
    %c0_i32_1 = arith.constant 0 : i32
    return %c0_i32, %c0_i32_0 : i32, i32
  }
  func.func @transform_11(%arg0: i32) -> (i32, i32) {
    %c0_i32 = arith.constant 0 : i32
    %c0_i32_0 = arith.constant 0 : i32
    %c0_i32_1 = arith.constant 0 : i32
    return %c0_i32, %c0_i32_0 : i32, i32
  }
  func.func @transform_12(%arg0: i32) -> (i32, i32) {
    %c0_i32 = arith.constant 0 : i32
    %c0_i32_0 = arith.constant 0 : i32
    %c0_i32_1 = arith.constant 0 : i32
    return %c0_i32, %c0_i32_0 : i32, i32
  }
  func.func @transform_13(%arg0: i32) -> (i32, i32) {
    %c0_i32 = arith.constant 0 : i32
    %c0_i32_0 = arith.constant 0 : i32
    %c0_i32_1 = arith.constant 0 : i32
    return %c0_i32, %c0_i32_0 : i32, i32
  }
  func.func @transform_14(%arg0: i32) -> (i32, i32) {
    %c0_i32 = arith.constant 0 : i32
    %c0_i32_0 = arith.constant 0 : i32
    %c0_i32_1 = arith.constant 0 : i32
    return %c0_i32, %c0_i32_0 : i32, i32
  }
  func.func @transform_15(%arg0: i32) -> (i32, i32) {
    %c0_i32 = arith.constant 0 : i32
    %c0_i32_0 = arith.constant 0 : i32
    %c0_i32_1 = arith.constant 0 : i32
    return %c0_i32, %c0_i32_0 : i32, i32
  }
  func.func @transform_16(%arg0: i32) -> (i32, i32) {
    %c0_i32 = arith.constant 0 : i32
    %c0_i32_0 = arith.constant 0 : i32
    return %arg0, %c0_i32 : i32, i32
  }
}

module attributes {stable_mosaic.version = 14 : i64} {
  func.func @_attn_body(%arg0: i32, %arg1: memref<16x512x128xi32, #tpu.memory_space<vmem>>, %arg2: memref<16x4x3x128xf32, #tpu.memory_space<vmem>>, %arg3: memref<512x16xf32, #tpu.memory_space<vmem>>, %arg4: memref<512x128xf32, #tpu.memory_space<vmem>>, %arg5: memref<16x128xf32, #tpu.memory_space<vmem>>, %arg6: memref<1x128xf32, #tpu.memory_space<vmem>>, %arg7: memref<128x128xf32, #tpu.memory_space<vmem>>, %arg8: memref<1x128xf32, #tpu.memory_space<vmem>>, %arg9: memref<128x128xf32, #tpu.memory_space<vmem>>, %arg10: memref<1x128xf32, #tpu.memory_space<vmem>>, %arg11: memref<128x128xf32, #tpu.memory_space<vmem>>, %arg12: memref<1x128xf32, #tpu.memory_space<vmem>>, %arg13: memref<128x8xf32, #tpu.memory_space<vmem>>, %arg14: memref<1x8xf32, #tpu.memory_space<vmem>>, %arg15: memref<128x128xf32, #tpu.memory_space<vmem>>, %arg16: memref<1x128xf32, #tpu.memory_space<vmem>>, %arg17: memref<512x128xf32, #tpu.memory_space<vmem>>) attributes {dimension_semantics = [#tpu.dimension_semantics<arbitrary>], iteration_bounds = array<i64: 32>, scalar_prefetch = 0 : i64, scratch_operands = 0 : i64, tpu.core_type = #tpu.core_type<tc>, window_params = [{transform_indices = @transform_0, window_bounds = array<i64: 16, 512, 128>}, {transform_indices = @transform_1, window_bounds = array<i64: 16, 4, 3, 128>}, {transform_indices = @transform_2, window_bounds = array<i64: 512, 16>}, {transform_indices = @transform_3, window_bounds = array<i64: 512, 128>}, {pipeline_mode = #tpu.pipeline_mode<synchronous>, transform_indices = @transform_4, window_bounds = array<i64: 16, 128>}, {pipeline_mode = #tpu.pipeline_mode<synchronous>, transform_indices = @transform_5, window_bounds = array<i64: 1, 128>}, {pipeline_mode = #tpu.pipeline_mode<synchronous>, transform_indices = @transform_6, window_bounds = array<i64: 128, 128>}, {pipeline_mode = #tpu.pipeline_mode<synchronous>, transform_indices = @transform_7, window_bounds = array<i64: 1, 128>}, {pipeline_mode = #tpu.pipeline_mode<synchronous>, transform_indices = @transform_8, window_bounds = array<i64: 128, 128>}, {pipeline_mode = #tpu.pipeline_mode<synchronous>, transform_indices = @transform_9, window_bounds = array<i64: 1, 128>}, {pipeline_mode = #tpu.pipeline_mode<synchronous>, transform_indices = @transform_10, window_bounds = array<i64: 128, 128>}, {pipeline_mode = #tpu.pipeline_mode<synchronous>, transform_indices = @transform_11, window_bounds = array<i64: 1, 128>}, {pipeline_mode = #tpu.pipeline_mode<synchronous>, transform_indices = @transform_12, window_bounds = array<i64: 128, 8>}, {pipeline_mode = #tpu.pipeline_mode<synchronous>, transform_indices = @transform_13, window_bounds = array<i64: 1, 8>}, {pipeline_mode = #tpu.pipeline_mode<synchronous>, transform_indices = @transform_14, window_bounds = array<i64: 128, 128>}, {pipeline_mode = #tpu.pipeline_mode<synchronous>, transform_indices = @transform_15, window_bounds = array<i64: 1, 128>}, {transform_indices = @transform_16, window_bounds = array<i64: 512, 128>}]} {
    %get3A = arith.constant 0 : index
    %get3A_0 = arith.constant 0 : index
    %get3A_1 = arith.constant 0 : index
    %get3A_2 = vector.load %arg1[%get3A, %get3A_0, %get3A_1] : memref<16x512x128xi32, #tpu.memory_space<vmem>>, vector<16x512x128xi32>
    %bitcast_convert_type3A = tpu.bitcast %get3A_2 : vector<16x512x128xi32> -> vector<16x512x128xf32>
    %shift_left3A = arith.constant 16 : i32
    %shift_left3A_3 = vector.broadcast %shift_left3A : i32 to vector<16x512x128xi32>
    %shift_left3A_4 = arith.shli %get3A_2, %shift_left3A_3 : vector<16x512x128xi32>
    %bitcast_convert_type3A_5 = tpu.bitcast %shift_left3A_4 : vector<16x512x128xi32> -> vector<16x512x128xf32>
    %get3A_6 = arith.constant 0 : index
    %get3A_7 = arith.constant 0 : index
    %get3A_8 = vector.load %arg4[%get3A_6, %get3A_7] : memref<512x128xf32, #tpu.memory_space<vmem>>, vector<512x128xf32>
    %get3A_9 = arith.constant 0 : index
    %get3A_10 = arith.constant 0 : index
    %get3A_11 = vector.load %arg5[%get3A_9, %get3A_10] : memref<16x128xf32, #tpu.memory_space<vmem>>, vector<16x128xf32>
    %get3A_12 = arith.constant 0 : index
    %get3A_13 = arith.constant 0 : index
    %get3A_14 = vector.load %arg3[%get3A_12, %get3A_13] : memref<512x16xf32, #tpu.memory_space<vmem>>, vector<512x16xf32>
    %dot_general3A = arith.constant dense<0.000000e+00> : vector<512x128xf32>
    %dot_general3A_15 = tpu.matmul %get3A_14, %get3A_11, %dot_general3A {dimension_numbers = #tpu.dot_dimension_numbers<[1], [0], [0], [1], [0, 0, 1, 1], [], []>, transpose_lhs_hint = false} : vector<512x16xf32>, vector<16x128xf32>, vector<512x128xf32> -> vector<512x128xf32>
    %get3A_16 = arith.constant 0 : index
    %get3A_17 = arith.constant 0 : index
    %get3A_18 = vector.load %arg6[%get3A_16, %get3A_17] : memref<1x128xf32, #tpu.memory_space<vmem>>, vector<1x128xf32>
    %add3A = vector.broadcast %get3A_18 : vector<1x128xf32> to vector<512x128xf32>
    %add3A_19 = arith.addf %dot_general3A_15, %add3A : vector<512x128xf32>
    %convert_element_type3A = arith.truncf %get3A_8 : vector<512x128xf32> to vector<512x128xbf16>
    %get3A_20 = arith.constant 0 : index
    %get3A_21 = arith.constant 0 : index
    %get3A_22 = vector.load %arg7[%get3A_20, %get3A_21] : memref<128x128xf32, #tpu.memory_space<vmem>>, vector<128x128xf32>
    %convert_element_type3A_23 = arith.truncf %get3A_22 : vector<128x128xf32> to vector<128x128xbf16>
    %dot_general3A_24 = arith.constant dense<0.000000e+00> : vector<512x128xf32>
    %dot_general3A_25 = tpu.matmul %convert_element_type3A, %convert_element_type3A_23, %dot_general3A_24 {dimension_numbers = #tpu.dot_dimension_numbers<[1], [0], [0], [1], [0, 0, 1, 1], [], []>, transpose_lhs_hint = false} : vector<512x128xbf16>, vector<128x128xbf16>, vector<512x128xf32> -> vector<512x128xf32>
    %get3A_26 = arith.constant 0 : index
    %get3A_27 = arith.constant 0 : index
    %get3A_28 = vector.load %arg8[%get3A_26, %get3A_27] : memref<1x128xf32, #tpu.memory_space<vmem>>, vector<1x128xf32>
    %add3A_29 = vector.broadcast %get3A_28 : vector<1x128xf32> to vector<512x128xf32>
    %add3A_30 = arith.addf %dot_general3A_25, %add3A_29 : vector<512x128xf32>
    %get3A_31 = arith.constant 0 : index
    %get3A_32 = arith.constant 0 : index
    %get3A_33 = arith.constant 0 : index
    %get3A_34 = arith.constant 0 : index
    %get3A_35 = vector.load %arg2[%get3A_31, %get3A_32, %get3A_33, %get3A_34] : memref<16x4x3x128xf32, #tpu.memory_space<vmem>>, vector<16x4x3x128xf32>
    %transpose3A = tpu.transpose %get3A_35, [0, 1, 3, 2] : vector<16x4x3x128xf32> -> vector<16x4x128x3xf32>
    %reshape3A = vector.shape_cast %transpose3A : vector<16x4x128x3xf32> to vector<8192x3xf32>
    %get3A_36 = arith.constant 0 : index
    %get3A_37 = arith.constant 0 : index
    %get3A_38 = vector.load %arg5[%get3A_36, %get3A_37] : memref<16x128xf32, #tpu.memory_space<vmem>>, vector<3x128xf32>
    %dot_general3A_39 = arith.constant dense<0.000000e+00> : vector<8192x128xf32>
    %dot_general3A_40 = tpu.matmul %reshape3A, %get3A_38, %dot_general3A_39 {dimension_numbers = #tpu.dot_dimension_numbers<[1], [0], [0], [1], [0, 0, 1, 1], [], []>, transpose_lhs_hint = false} : vector<8192x3xf32>, vector<3x128xf32>, vector<8192x128xf32> -> vector<8192x128xf32>
    %reshape3A_41 = vector.shape_cast %dot_general3A_40 : vector<8192x128xf32> to vector<16x512x128xf32>
    %broadcast_in_dim3A = vector.shape_cast %add3A_19 : vector<512x128xf32> to vector<1x512x128xf32>
    %sub3A = vector.broadcast %broadcast_in_dim3A : vector<1x512x128xf32> to vector<16x512x128xf32>
    %sub3A_42 = arith.subf %sub3A, %reshape3A_41 : vector<16x512x128xf32>
    %convert_element_type3A_43 = arith.truncf %sub3A_42 : vector<16x512x128xf32> to vector<16x512x128xbf16>
    %max3A = arith.constant 0.000000e+00 : bf16
    %max3A_44 = vector.broadcast %max3A : bf16 to vector<16x512x128xbf16>
    %max3A_45 = arith.maximumf %convert_element_type3A_43, %max3A_44 : vector<16x512x128xbf16>
    %reshape3A_46 = vector.shape_cast %max3A_45 : vector<16x512x128xbf16> to vector<8192x128xbf16>
    %get3A_47 = arith.constant 0 : index
    %get3A_48 = arith.constant 0 : index
    %get3A_49 = vector.load %arg9[%get3A_47, %get3A_48] : memref<128x128xf32, #tpu.memory_space<vmem>>, vector<128x128xf32>
    %convert_element_type3A_50 = arith.truncf %get3A_49 : vector<128x128xf32> to vector<128x128xbf16>
    %dot_general3A_51 = arith.constant dense<0.000000e+00> : vector<8192x128xf32>
    %dot_general3A_52 = tpu.matmul %reshape3A_46, %convert_element_type3A_50, %dot_general3A_51 {dimension_numbers = #tpu.dot_dimension_numbers<[1], [0], [0], [1], [0, 0, 1, 1], [], []>, transpose_lhs_hint = false} : vector<8192x128xbf16>, vector<128x128xbf16>, vector<8192x128xf32> -> vector<8192x128xf32>
    %get3A_53 = arith.constant 0 : index
    %get3A_54 = arith.constant 0 : index
    %get3A_55 = vector.load %arg10[%get3A_53, %get3A_54] : memref<1x128xf32, #tpu.memory_space<vmem>>, vector<1x128xf32>
    %add3A_56 = vector.broadcast %get3A_55 : vector<1x128xf32> to vector<8192x128xf32>
    %add3A_57 = arith.addf %dot_general3A_52, %add3A_56 : vector<8192x128xf32>
    %broadcast_in_dim3A_58 = vector.shape_cast %add3A_30 : vector<512x128xf32> to vector<1x512x128xf32>
    %sub3A_59 = vector.broadcast %broadcast_in_dim3A_58 : vector<1x512x128xf32> to vector<16x512x128xf32>
    %sub3A_60 = arith.subf %sub3A_59, %bitcast_convert_type3A : vector<16x512x128xf32>
    %reshape3A_61 = vector.shape_cast %sub3A_60 : vector<16x512x128xf32> to vector<8192x128xf32>
    %add3A_62 = arith.addf %reshape3A_61, %add3A_57 : vector<8192x128xf32>
    %convert_element_type3A_63 = arith.truncf %add3A_62 : vector<8192x128xf32> to vector<8192x128xbf16>
    %get3A_64 = arith.constant 0 : index
    %get3A_65 = arith.constant 0 : index
    %get3A_66 = vector.load %arg11[%get3A_64, %get3A_65] : memref<128x128xf32, #tpu.memory_space<vmem>>, vector<128x128xf32>
    %convert_element_type3A_67 = arith.truncf %get3A_66 : vector<128x128xf32> to vector<128x128xbf16>
    %dot_general3A_68 = arith.constant dense<0.000000e+00> : vector<8192x128xf32>
    %dot_general3A_69 = tpu.matmul %convert_element_type3A_63, %convert_element_type3A_67, %dot_general3A_68 {dimension_numbers = #tpu.dot_dimension_numbers<[1], [0], [0], [1], [0, 0, 1, 1], [], []>, transpose_lhs_hint = false} : vector<8192x128xbf16>, vector<128x128xbf16>, vector<8192x128xf32> -> vector<8192x128xf32>
    %get3A_70 = arith.constant 0 : index
    %get3A_71 = arith.constant 0 : index
    %get3A_72 = vector.load %arg12[%get3A_70, %get3A_71] : memref<1x128xf32, #tpu.memory_space<vmem>>, vector<1x128xf32>
    %add3A_73 = vector.broadcast %get3A_72 : vector<1x128xf32> to vector<8192x128xf32>
    %add3A_74 = arith.addf %dot_general3A_69, %add3A_73 : vector<8192x128xf32>
    %convert_element_type3A_75 = arith.truncf %add3A_74 : vector<8192x128xf32> to vector<8192x128xbf16>
    %max3A_76 = arith.constant 0.000000e+00 : bf16
    %max3A_77 = vector.broadcast %max3A_76 : bf16 to vector<8192x128xbf16>
    %max3A_78 = arith.maximumf %convert_element_type3A_75, %max3A_77 : vector<8192x128xbf16>
    %get3A_79 = arith.constant 0 : index
    %get3A_80 = arith.constant 0 : index
    %get3A_81 = vector.load %arg13[%get3A_79, %get3A_80] : memref<128x8xf32, #tpu.memory_space<vmem>>, vector<128x8xf32>
    %convert_element_type3A_82 = arith.truncf %get3A_81 : vector<128x8xf32> to vector<128x8xbf16>
    %dot_general3A_83 = arith.constant dense<0.000000e+00> : vector<8192x8xf32>
    %dot_general3A_84 = tpu.matmul %max3A_78, %convert_element_type3A_82, %dot_general3A_83 {dimension_numbers = #tpu.dot_dimension_numbers<[1], [0], [0], [1], [0, 0, 1, 1], [], []>, transpose_lhs_hint = false} : vector<8192x128xbf16>, vector<128x8xbf16>, vector<8192x8xf32> -> vector<8192x8xf32>
    %get3A_85 = arith.constant 0 : index
    %get3A_86 = arith.constant 0 : index
    %get3A_87 = vector.load %arg14[%get3A_85, %get3A_86] : memref<1x8xf32, #tpu.memory_space<vmem>>, vector<1x8xf32>
    %add3A_88 = vector.broadcast %get3A_87 : vector<1x8xf32> to vector<8192x8xf32>
    %add3A_89 = arith.addf %dot_general3A_84, %add3A_88 : vector<8192x8xf32>
    %reshape3A_90 = vector.shape_cast %add3A_89 : vector<8192x8xf32> to vector<16x512x8xf32>
    %reduce_max3A = arith.constant dense<0xFF800000> : vector<512x8xf32>
    %reduce_max3A_91 = vector.multi_reduction <maximumf>, %reshape3A_90, %reduce_max3A [0] : vector<16x512x8xf32> to vector<512x8xf32>
    %broadcast_in_dim3A_92 = vector.shape_cast %reduce_max3A_91 : vector<512x8xf32> to vector<1x512x8xf32>
    %sub3A_93 = vector.broadcast %broadcast_in_dim3A_92 : vector<1x512x8xf32> to vector<16x512x8xf32>
    %sub3A_94 = arith.subf %reshape3A_90, %sub3A_93 : vector<16x512x8xf32>
    %exp3A = math.exp %sub3A_94 : vector<16x512x8xf32>
    %reduce_sum3A = arith.constant dense<0.000000e+00> : vector<512x8xf32>
    %reduce_sum3A_95 = vector.multi_reduction <add>, %exp3A, %reduce_sum3A [0] : vector<16x512x8xf32> to vector<512x8xf32>
    %broadcast_in_dim3A_96 = vector.shape_cast %reduce_sum3A_95 : vector<512x8xf32> to vector<1x512x8xf32>
    %div3A = vector.broadcast %broadcast_in_dim3A_96 : vector<1x512x8xf32> to vector<16x512x8xf32>
    %div3A_97 = arith.divf %exp3A, %div3A : vector<16x512x8xf32>
    %reshape3A_98 = vector.shape_cast %div3A_97 : vector<16x512x8xf32> to vector<8192x8xf32>
    %iota3A = tpu.iota {dimensions = array<i32: 1>} : vector<8x128xi32>
    %jit3A = arith.constant 16 : i32
    %div3A_99 = vector.broadcast %jit3A : i32 to vector<8x128xi32>
    %div3A_100 = arith.divsi %iota3A, %div3A_99 : vector<8x128xi32>
    %sign3A = arith.constant 0 : i32
    %sign3A_101 = vector.broadcast %sign3A : i32 to vector<8x128xi32>
    %sign3A_102 = arith.cmpi sgt, %iota3A, %sign3A_101 : vector<8x128xi32>
    %sign3A_103 = arith.extui %sign3A_102 : vector<8x128xi1> to vector<8x128xi32>
    %sign3A_104 = arith.constant 0 : i32
    %sign3A_105 = vector.broadcast %sign3A_104 : i32 to vector<8x128xi32>
    %sign3A_106 = arith.cmpi slt, %iota3A, %sign3A_105 : vector<8x128xi32>
    %sign3A_107 = arith.extui %sign3A_106 : vector<8x128xi1> to vector<8x128xi32>
    %sign3A_108 = arith.subi %sign3A_103, %sign3A_107 : vector<8x128xi32>
    %sign3A_109 = arith.constant 0 : i32
    %sign3A_110 = arith.cmpi sgt, %jit3A, %sign3A_109 : i32
    %sign3A_111 = arith.extui %sign3A_110 : i1 to i32
    %sign3A_112 = arith.constant 0 : i32
    %sign3A_113 = arith.cmpi slt, %jit3A, %sign3A_112 : i32
    %sign3A_114 = arith.extui %sign3A_113 : i1 to i32
    %sign3A_115 = arith.subi %sign3A_111, %sign3A_114 : i32
    %ne3A = vector.broadcast %sign3A_115 : i32 to vector<8x128xi32>
    %ne3A_116 = arith.cmpi ne, %sign3A_108, %ne3A : vector<8x128xi32>
    %rem3A = vector.broadcast %jit3A : i32 to vector<8x128xi32>
    %rem3A_117 = arith.remsi %iota3A, %rem3A : vector<8x128xi32>
    %ne3A_118 = arith.constant 0 : i32
    %ne3A_119 = vector.broadcast %ne3A_118 : i32 to vector<8x128xi32>
    %ne3A_120 = arith.cmpi ne, %rem3A_117, %ne3A_119 : vector<8x128xi32>
    %and3A = arith.andi %ne3A_116, %ne3A_120 : vector<8x128xi1>
    %sub3A_121 = arith.constant 1 : i32
    %sub3A_122 = vector.broadcast %sub3A_121 : i32 to vector<8x128xi32>
    %sub3A_123 = arith.subi %div3A_100, %sub3A_122 : vector<8x128xi32>
    %select_n3A = arith.select %and3A, %sub3A_123, %div3A_100 : vector<8x128xi1>, vector<8x128xi32>
    %iota3A_124 = tpu.iota {dimensions = array<i32: 0>} : vector<8x128xi32>
    %eq3A = arith.cmpi eq, %select_n3A, %iota3A_124 : vector<8x128xi32>
    %convert_element_type3A_125 = arith.extui %eq3A : vector<8x128xi1> to vector<8x128xi32>
    %convert_element_type3A_126 = arith.sitofp %convert_element_type3A_125 : vector<8x128xi32> to vector<8x128xf32>
    %dot_general3A_127 = arith.constant dense<0.000000e+00> : vector<8192x128xf32>
    %dot_general3A_128 = tpu.matmul %reshape3A_98, %convert_element_type3A_126, %dot_general3A_127 {dimension_numbers = #tpu.dot_dimension_numbers<[1], [0], [0], [1], [0, 0, 1, 1], [], []>, transpose_lhs_hint = false} : vector<8192x8xf32>, vector<8x128xf32>, vector<8192x128xf32> -> vector<8192x128xf32>
    %reshape3A_129 = vector.shape_cast %dot_general3A_128 : vector<8192x128xf32> to vector<16x512x128xf32>
    %reshape3A_130 = vector.shape_cast %add3A_57 : vector<8192x128xf32> to vector<16x512x128xf32>
    %add3A_131 = arith.addf %bitcast_convert_type3A_5, %reshape3A_130 : vector<16x512x128xf32>
    %mul3A = arith.mulf %reshape3A_129, %add3A_131 : vector<16x512x128xf32>
    %reduce_sum3A_132 = arith.constant dense<0.000000e+00> : vector<512x128xf32>
    %reduce_sum3A_133 = vector.multi_reduction <add>, %mul3A, %reduce_sum3A_132 [0] : vector<16x512x128xf32> to vector<512x128xf32>
    %convert_element_type3A_134 = arith.truncf %reduce_sum3A_133 : vector<512x128xf32> to vector<512x128xbf16>
    %get3A_135 = arith.constant 0 : index
    %get3A_136 = arith.constant 0 : index
    %get3A_137 = vector.load %arg15[%get3A_135, %get3A_136] : memref<128x128xf32, #tpu.memory_space<vmem>>, vector<128x128xf32>
    %convert_element_type3A_138 = arith.truncf %get3A_137 : vector<128x128xf32> to vector<128x128xbf16>
    %dot_general3A_139 = arith.constant dense<0.000000e+00> : vector<512x128xf32>
    %dot_general3A_140 = tpu.matmul %convert_element_type3A_134, %convert_element_type3A_138, %dot_general3A_139 {dimension_numbers = #tpu.dot_dimension_numbers<[1], [0], [0], [1], [0, 0, 1, 1], [], []>, transpose_lhs_hint = false} : vector<512x128xbf16>, vector<128x128xbf16>, vector<512x128xf32> -> vector<512x128xf32>
    %add3A_141 = arith.addf %get3A_8, %dot_general3A_140 : vector<512x128xf32>
    %get3A_142 = arith.constant 0 : index
    %get3A_143 = arith.constant 0 : index
    %get3A_144 = vector.load %arg16[%get3A_142, %get3A_143] : memref<1x128xf32, #tpu.memory_space<vmem>>, vector<1x128xf32>
    %add3A_145 = vector.broadcast %get3A_144 : vector<1x128xf32> to vector<512x128xf32>
    %add3A_146 = arith.addf %add3A_141, %add3A_145 : vector<512x128xf32>
    %swap3A = arith.constant 0 : index
    %swap3A_147 = arith.constant 0 : index
    %swap3A_148 = vector.load %arg17[%swap3A, %swap3A_147] : memref<512x128xf32, #tpu.memory_space<vmem>>, vector<512x128xf32>
    tpu.vector_store %arg17[%swap3A, %swap3A_147], %add3A_146 {strides = array<i32>} : memref<512x128xf32, #tpu.memory_space<vmem>>, vector<512x128xf32>,
    return
  }
  func.func @transform_0(%arg0: i32) -> (i32, i32, i32) {
    %c0_i32 = arith.constant 0 : i32
    %c0_i32_0 = arith.constant 0 : i32
    %c0_i32_1 = arith.constant 0 : i32
    return %c0_i32, %arg0, %c0_i32_0 : i32, i32, i32
  }
  func.func @transform_1(%arg0: i32) -> (i32, i32, i32, i32) {
    %c0_i32 = arith.constant 0 : i32
    %c0_i32_0 = arith.constant 0 : i32
    %c0_i32_1 = arith.constant 0 : i32
    %c0_i32_2 = arith.constant 0 : i32
    return %c0_i32, %arg0, %c0_i32_0, %c0_i32_1 : i32, i32, i32, i32
  }
  func.func @transform_2(%arg0: i32) -> (i32, i32) {
    %c0_i32 = arith.constant 0 : i32
    %c0_i32_0 = arith.constant 0 : i32
    return %arg0, %c0_i32 : i32, i32
  }
  func.func @transform_3(%arg0: i32) -> (i32, i32) {
    %c0_i32 = arith.constant 0 : i32
    %c0_i32_0 = arith.constant 0 : i32
    return %arg0, %c0_i32 : i32, i32
  }
  func.func @transform_4(%arg0: i32) -> (i32, i32) {
    %c0_i32 = arith.constant 0 : i32
    %c0_i32_0 = arith.constant 0 : i32
    %c0_i32_1 = arith.constant 0 : i32
    return %c0_i32, %c0_i32_0 : i32, i32
  }
  func.func @transform_5(%arg0: i32) -> (i32, i32) {
    %c0_i32 = arith.constant 0 : i32
    %c0_i32_0 = arith.constant 0 : i32
    %c0_i32_1 = arith.constant 0 : i32
    return %c0_i32, %c0_i32_0 : i32, i32
  }
  func.func @transform_6(%arg0: i32) -> (i32, i32) {
    %c0_i32 = arith.constant 0 : i32
    %c0_i32_0 = arith.constant 0 : i32
    %c0_i32_1 = arith.constant 0 : i32
    return %c0_i32, %c0_i32_0 : i32, i32
  }
  func.func @transform_7(%arg0: i32) -> (i32, i32) {
    %c0_i32 = arith.constant 0 : i32
    %c0_i32_0 = arith.constant 0 : i32
    %c0_i32_1 = arith.constant 0 : i32
    return %c0_i32, %c0_i32_0 : i32, i32
  }
  func.func @transform_8(%arg0: i32) -> (i32, i32) {
    %c0_i32 = arith.constant 0 : i32
    %c0_i32_0 = arith.constant 0 : i32
    %c0_i32_1 = arith.constant 0 : i32
    return %c0_i32, %c0_i32_0 : i32, i32
  }
  func.func @transform_9(%arg0: i32) -> (i32, i32) {
    %c0_i32 = arith.constant 0 : i32
    %c0_i32_0 = arith.constant 0 : i32
    %c0_i32_1 = arith.constant 0 : i32
    return %c0_i32, %c0_i32_0 : i32, i32
  }
  func.func @transform_10(%arg0: i32) -> (i32, i32) {
    %c0_i32 = arith.constant 0 : i32
    %c0_i32_0 = arith.constant 0 : i32
    %c0_i32_1 = arith.constant 0 : i32
    return %c0_i32, %c0_i32_0 : i32, i32
  }
  func.func @transform_11(%arg0: i32) -> (i32, i32) {
    %c0_i32 = arith.constant 0 : i32
    %c0_i32_0 = arith.constant 0 : i32
    %c0_i32_1 = arith.constant 0 : i32
    return %c0_i32, %c0_i32_0 : i32, i32
  }
  func.func @transform_12(%arg0: i32) -> (i32, i32) {
    %c0_i32 = arith.constant 0 : i32
    %c0_i32_0 = arith.constant 0 : i32
    %c0_i32_1 = arith.constant 0 : i32
    return %c0_i32, %c0_i32_0 : i32, i32
  }
  func.func @transform_13(%arg0: i32) -> (i32, i32) {
    %c0_i32 = arith.constant 0 : i32
    %c0_i32_0 = arith.constant 0 : i32
    %c0_i32_1 = arith.constant 0 : i32
    return %c0_i32, %c0_i32_0 : i32, i32
  }
  func.func @transform_14(%arg0: i32) -> (i32, i32) {
    %c0_i32 = arith.constant 0 : i32
    %c0_i32_0 = arith.constant 0 : i32
    %c0_i32_1 = arith.constant 0 : i32
    return %c0_i32, %c0_i32_0 : i32, i32
  }
  func.func @transform_15(%arg0: i32) -> (i32, i32) {
    %c0_i32 = arith.constant 0 : i32
    %c0_i32_0 = arith.constant 0 : i32
    %c0_i32_1 = arith.constant 0 : i32
    return %c0_i32, %c0_i32_0 : i32, i32
  }
  func.func @transform_16(%arg0: i32) -> (i32, i32) {
    %c0_i32 = arith.constant 0 : i32
    %c0_i32_0 = arith.constant 0 : i32
    return %arg0, %c0_i32 : i32, i32
  }
}

</mosaic_0001>

<sc_bundles>
// kernel: kernel.11.cloned.1.call-start
scs
__scs_entry_jumppad:
0x0: {  	(pc) =	sbr.rel $0x88, $3  }
0x1: {  	(tag) =	ssettag $0x0;
	lr =	simm.s32 $0x1  }
0x2: {  	[smem:$0x3F78] =	sst lr;
	_ =	strace $0xD0000000  }
0x3: {  	_ = 	snop  }
0x4: {  	_ = 	snop  }
0x5: {  	_ = 	snop  }
0x6: {  	_ = 	snop  }
0x7: {  	_ = 	snop  }
__scs_overlays_trampoline_lowered:
0x8: {  	[smem:$0x3F87] =	sst s0  }
0x9: {  	[smem:$0x3F88] =	sst s1  }
0xa: {  	[smem:$0x3F89] =	sst s2  }
0xb: {  	[smem:$0x3F8A] =	sst s3  }
0xc: {  	[smem:$0x3F8B] =	sst s4  }
0xd: {  	[smem:$0x3F8C] =	sst s5  }
0xe: {  	[smem:$0x3F8D] =	sst s6  }
0xf: {  	[smem:$0x3F8E] =	sst s7  }
0x10: {  	[smem:$0x3F8F] =	sst s8  }
0x11: {  	[smem:$0x3F90] =	sst s9;
	s0 =	simm.s32 @!p0 $0x0  }
0x12: {  	s1 =	sld [smem:$0x3F76];
	s0 =	simm.s32 @p0 $0x1  }
0x13: {  	[smem:$0x3F91] =	sst s0;
	s0 =	simm.s32 @!p1 $0x0  }
0x14: {  	s2 =	sld [smem:$0x3F75];
	s0 =	simm.s32 @p1 $0x1  }
0x15: {  	[smem:$0x3F92] =	sst s0;
	s0 =	simm.s32 @!p2 $0x0  }
0x16: {  	s3 =	sld [smem:$0x3FDB];
	s0 =	simm.s32 @p2 $0x1  }
0x17: {  	s4 =	simm.s32 $0x1BF5;
	[smem:$0x3F94] =	sst s0  }
0x18: {  	s0 =	sld [smem:$0x3F77];
	_ =	swait.ge [sflag:s4], $0x0  }
0x19: {  	s7 =	sld [smem:$0x3F78]  }
0x1a: {  	s8 =	sadd.s32 $0xFFFFE003, lr  }
0x1b: {  	s9 =	sadd.s32 $0xFFFFFEF7, lr;
	s5 =	simm.s32 $0xFFFFFFFF;
	p2 =	slt.u32 s8, $0xFFFFF086  }
0x1c: {  	p1 =	slt.u32 s9, $0xF7A;
	s5 =	simm.s32 @!p2 $0x0  }
0x1d: {  	s5 =	simm.s32 @p1 $0x1;
	p0 =	seq.s32 s7, s2  }
0x1e: {  	s7 =	smul.u32 @!p0 $0xF7A, s2;
	p2 =	seq.s32 @!p0 s5, $0x0  }
0x1f: {  	s9 =	smul.u32 $0xF7A, s1;
	s8 =	simm.s32 @!p0 $0x1BF5;
	p2 =	por !p2, p0  }
0x20: {  	[sflag:s8] =	ssyncset.s32 @!p0 $0xFFFFF086;
	s6 =	sadd.s32 @!p0 s3, s7;
	s7 =	simm.s32 @!p0 $0x108  }
0x21: {  	s3 =	sadd.s32 s3, s9;
	s6 =	sadd.s32 @!p0 $0x88, s6;
	s7 =	simm.s32 @p2 $0x1082  }
0x22: {  	[simem:s7], [sflag:s8] =	dma.local @!p0 [hbm:s6], $0xF7A  }
0x23: {  	s9 =	sor.u32 $0xD0000000, s2;
	s6 =	simm.s32 $0x108;
	_ =	swait.ge @!p0 [sflag:s8], $0x0  }
0x24: {  	s3 =	sadd.s32 $0x88, s3;
	s6 =	simm.s32 @!p1 $0x1082;
	[sflag:s4] =	ssyncset.s32 $0xFFFFF086  }
0x25: {  	[simem:s6], [sflag:s4] =	dma.local [hbm:s3], $0xF7A  }
0x26: {  	[smem:$0x3F78] =	sst s1;
	(tag) =	ssettag s2;
	_ =	strace s9  }
0x27: {  	s1 =	sld [smem:$0x3F88]  }
0x28: {  	s2 =	sld [smem:$0x3F89]  }
0x29: {  	s4 =	sld [smem:$0x3F8B]  }
0x2a: {  	p0 =	seq.s32 s5, $0x0;
	s5 =	sld [smem:$0x3F8C]  }
0x2b: {  	s6 =	sld [smem:$0x3F8D]  }
0x2c: {  	s7 =	sld [smem:$0x3F8E]  }
0x2d: {  	s3 =	simm.s32 $0x108;
	s8 =	sld [smem:$0x3F8F]  }
0x2e: {  	s3 =	simm.s32 @!p0 $0x1082;
	s9 =	sld [smem:$0x3F90]  }
0x2f: {  	lr =	sadd.s32 s0, s3;
	s0 =	sld [smem:$0x3F87]  }
0x30: {  	s3 =	sld [smem:$0x3F8A]  }
0x31: {  	[smem:$0x3F93] =	sst s10  }
0x32: {  	s10 =	sld [smem:$0x3F91];
	_ =	sdelay $0x3  }
0x33: {  	p0 =	seq.s32 s10, $0x1;
	s10 =	sld [smem:$0x3F93];
	_ =	sdelay $0x3  }
0x34: {  	[smem:$0x3F93] =	sst s10  }
0x35: {  	s10 =	sld [smem:$0x3F92];
	_ =	sdelay $0x3  }
0x36: {  	p1 =	seq.s32 s10, $0x1;
	s10 =	sld [smem:$0x3F93];
	_ =	sdelay $0x3  }
0x37: {  	[smem:$0x3F93] =	sst s10  }
0x38: {  	s10 =	sld [smem:$0x3F94]  }
0x39: {  	_ = 	snop;
	(pc) =	sbr.ind lr, $3  }
0x3a: {  	_ = 	snop  }
0x3b: {  	_ = 	snop  }
0x3c: {  	p2 =	seq.s32 s10, $0x1;
	s10 =	sld [smem:$0x3F93]  }
0x3d: {  	_ =	shalt  }
0x3e: {  	_ =	shalt  }
0x3f: {  	_ =	shalt  }
0x40: {  	_ =	shalt  }
0x41: {  	_ =	shalt  }
0x42: {  	_ =	shalt  }
0x43: {  	_ =	shalt  }
0x44: {  	_ =	shalt  }
0x45: {  	_ =	shalt  }
0x46: {  	_ =	shalt  }
0x47: {  	_ =	shalt  }
0x48: {  	_ =	shalt  }
0x49: {  	_ =	shalt  }
0x4a: {  	_ =	shalt  }
0x4b: {  	_ =	shalt  }
0x4c: {  	_ =	shalt  }
0x4d: {  	_ =	shalt  }
0x4e: {  	_ =	shalt  }
0x4f: {  	_ =	shalt  }
0x50: {  	_ =	shalt  }
0x51: {  	_ =	shalt  }
0x52: {  	_ =	shalt  }
0x53: {  	_ =	shalt  }
0x54: {  	_ =	shalt  }
0x55: {  	_ =	shalt  }
0x56: {  	_ =	shalt  }
0x57: {  	_ =	shalt  }
0x58: {  	_ =	shalt  }
0x59: {  	_ =	shalt  }
0x5a: {  	_ =	shalt  }
0x5b: {  	_ =	shalt  }
0x5c: {  	_ =	shalt  }
0x5d: {  	_ =	shalt  }
0x5e: {  	_ =	shalt  }
0x5f: {  	_ =	shalt  }
0x60: {  	_ =	shalt  }
0x61: {  	_ =	shalt  }
0x62: {  	_ =	shalt  }
0x63: {  	_ =	shalt  }
0x64: {  	_ =	shalt  }
0x65: {  	_ =	shalt  }
0x66: {  	_ =	shalt  }
0x67: {  	_ =	shalt  }
0x68: {  	_ =	shalt  }
0x69: {  	_ =	shalt  }
0x6a: {  	_ =	shalt  }
0x6b: {  	_ =	shalt  }
0x6c: {  	_ =	shalt  }
0x6d: {  	_ =	shalt  }
0x6e: {  	_ =	shalt  }
0x6f: {  	_ =	shalt  }
0x70: {  	_ =	shalt  }
0x71: {  	_ =	shalt  }
0x72: {  	_ =	shalt  }
0x73: {  	_ =	shalt  }
0x74: {  	_ =	shalt  }
0x75: {  	_ =	shalt  }
0x76: {  	_ =	shalt  }
0x77: {  	_ =	shalt  }
0x78: {  	_ =	shalt  }
0x79: {  	_ =	shalt  }
0x7a: {  	_ =	shalt  }
0x7b: {  	_ =	shalt  }
0x7c: {  	_ =	shalt  }
0x7d: {  	_ =	shalt  }
0x7e: {  	_ =	shalt  }
0x7f: {  	_ =	shalt  }
0x80: {  	_ =	shalt  }
0x81: {  	_ =	shalt  }
0x82: {  	_ =	shalt  }
0x83: {  	_ =	shalt  }
0x84: {  	_ =	shalt  }
0x85: {  	_ =	shalt  }
0x86: {  	_ =	shalt  }
0x87: {  	_ =	shalt  }
.Lfunc_end0:
.L_simem_size_0:
called_computation_lowered:
.L_overlay_start_0:
0x88: {  	s2 =	sld [smem:$0x3FD9]  }
0x89: {  	s3 =	sld [smem:$0x3FFE];
	_ =	sdelay $0x1  }
0x8a: {  	s1 =	srdreg.scid  }
0x8b: {  	s0 =	sand.u32 $0x1, s1  }
0x8c: {  	s14 =	sshll.u32 s0, $0xA;
	s2 =	sadd.s32 s3, s2  }
0x8d: {  	s2 =	sadd.s32 s2, s14  }
0x8e: {  	[smem:$0x3F9F] =	sst s2  }
0x8f: {  	_ = 	snop  }
0x90: {  	s2 =	sld [smem:$0x3FD0];
	_ =	sdelay $0x2  }
0x91: {  	s15 =	simm.s32 $0xB;
	s4 =	simm.s32 $0x10  }
0x92: {  	[smem:s4], [sflag:s15] =	dma.local [hbm:s2], $0x1  }
0x93: {  	_ =	swait.eq [sflag:s15], $0x1  }
0x94: {  	[sflag:s15] =	ssyncset.done $0x0  }
0x95: {  	[sflag:s15] =	ssyncadd.s32 $0xFFFFFFFF  }
0x96: {  	s16 =	sld [smem:$0x11];
	(tm) =	ssettm $0x1  }
0x97: {  	s17 =	sld [smem:$0x3FFB];
	_ =	sdelay $0x3  }
0x98: {  	_ =	strace s17  }
0x99: {  	s3 =	sld [smem:$0x3FFC];
	_ =	sdelay $0x3  }
0x9a: {  	_ =	strace s3  }
0x9b: {  	s3 =	sld [smem:$0x3FFD];
	_ =	sdelay $0x3  }
0x9c: {  	_ =	strace s3  }
0x9d: {  	_ =	strace $0x8FFFFFFF  }
0x9e: {  	s18 =	sld [smem:$0x3FDB];
	_ =	sdelay $0x1  }
0x9f: {  	s19 =	simm.s32 $_scs_section_size  }
0xa0: {  	s5 =	simm.s32 $_size__tile_overlayer_lowered;
	s6 =	simm.s32 $_tile_overlayer_lowered  }
0xa1: {  	s22 =	simm.s32 $0x1BFF;
	s21 =	sshll.u32 s6, $0x1;
	s3 =	sadd.s32 s19, s18  }
0xa2: {  	s7 =	simm.s32 $0x0;
	s20 =	sshll.u32 s5, $0x1;
	s5 =	sadd.s32 s21, s3  }
0xa3: {  	[timem:s7], [sflag:s22] =	dma.local [hbm:s5], s20  }
0xa4: {  	_ =	swait.ge [sflag:s22], s20  }
0xa5: {  	s4 =	ssub.s32 $0x0, s20;
	[sflag:s22] =	ssyncset.done $0x0  }
0xa6: {  	[sflag:s22] =	ssyncadd.s32 s4;
	_ =	sdelay $0x1  }
0xa7: {  	s23 =	simm.s32 $0x1B8B  }
0xa8: {  	_ =	swait.ge [sflag:s23], $0x1  }
0xa9: {  	[sflag:s23] =	ssyncset.done $0x0  }
0xaa: {  	s25 =	simm.s32 $0x1B8E;
	s24 =	sld [smem:$0x3FFE];
	[sflag:s23] =	ssyncadd.s32 $0xFFFFFFFF  }
0xab: {  	s26 =	simm.s32 $execute0_lowered;
	[smem:$0x3FD2] =	sst s25  }
0xac: {  	s5 =	sshll.u32 s26, $0x1;
	_ =	strace $0x80000046;
	[dreg:$0x1] =	wrdreg $0xFFFFFFFF  }
0xad: {  	s28 =	simm.s32 $_size_execute0_lowered;
	s3 =	sadd.s32 s3, s5;
	[dreg:$0x0] =	wrdreg $0x0  }
0xae: {  	s5 =	sshll.u32 s28, $0x1;
	[dreg:$0x2] =	wrdreg s3  }
0xaf: {  	[dreg:$0x3] =	wrdreg s5  }
0xb0: {  	[dreg:$0x4] =	wrdreg $0xC0  }
0xb1: {  	_ =	task [dreg:s7], $0x5FFFF  }
0xb2: {  	[dreg:$0x1] =	wrdreg $0xFFFFFFFF  }
0xb3: {  	[dreg:$0x0] =	wrdreg $0x60  }
0xb4: {  	[dreg:$0x2] =	wrdreg s16  }
0xb5: {  	[dreg:$0x3] =	wrdreg s24  }
0xb6: {  	[dreg:$0x4] =	wrdreg $0x9  }
0xb7: {  	_ =	task.clear_ibuf [dreg:s7], $0x5FFFF;
	_ =	strace $0x90000046  }
0xb8: {  	s29 =	simm.s32 $0x9;
	_ =	strace $0x80000048  }
0xb9: {  	_ =	swait.ge [sflag:s29], $0x1  }
0xba: {  	[sflag:s29] =	ssyncadd.s32 $0xFFFFFFFF  }
0xbb: {  	_ =	strace $0x90000048  }
0xbc: {  	_ =	sfence  }
0xbd: {  	s30 =	sld [smem:$0x0];
	_ =	sdelay $0x2  }
0xbe: {  	s31 =	sshll.u32 s1, $0xD;
	s1 =	sshrl.u32 s1, $0x2  }
0xbf: {  	s3 =	sand.u32 $0x4000, s31;
	s1 =	sadd.s32 s1, s30  }
0xc0: {  	s0 =	sor.u32 s3, s0;
	s1 =	sshll.u32 s1, $0x11  }
0xc1: {  	s0 =	sor.u32 s1, s0  }
0xc2: {  	s0 =	sadd.s32 $0x8F2B, s0  }
0xc3: {  	[sflag:s0] =	ssyncadd.remote.s32 $0x1  }
0xc4: {  	_ =	sfence.sel $0xFFFF  }
0xc5: {  	[dreg:$0x0] =	wrdreg $0xFFFFFFFF;
	(pc) =	sbr.abs _section_cstart, $3  }
0xc6: {  	[dreg:$0x1] =	wrdreg $0xFFFFFFFF  }
0xc7: {  	_ =	task.clear_ibuf [dreg:s7], $0x2FFFF;
	_ =	strace $0x9FFFFFFF  }
0xc8: {  	(tm) =	ssettm $0x7FFFFFFF  }
0xc9: {  	_ =	shalt  }
tec
execute0_lowered:
.L_overlay_start_1:
0x0: {  	(tag) =	ssettag $0x1  }
0x1: {  	s2 =	rddreg [dreg:$0x0]  }
0x2: {  	s0 =	rddreg [dreg:$0x1];
	s1 =	srdreg.scid  }
0x3: {  	s9 =	stileid.u32;
	s3 =	simm.s32 $0x0;
	s13 =	simm.s32 $0x80  }
0x4: {  	s23 =	simm.s32 $0x10800;
	s14 =	simm.s32 $0x800;
	s15 =	simm.s32 $0x180  }
0x5: {  	s16 =	simm.s32 $0x10E00;
	s17 =	simm.s32 $0x4800;
	s24 =	simm.s32 $0x10980  }
0x6: {  	s25 =	simm.s32 $0x10B00;
	s26 =	simm.s32 $0x10C80;
	s28 =	simm.s32 $0x3  }
0x7: {  	s29 =	simm.s32 $0x7;
	s30 =	simm.s32 $0x4;
	s31 =	simm.s32 $0x8  }
0x8: {  	s1 =	sand.u32 $0x1, s1;
	s4 =	sshll.u32 s9, $0xC;
	[smem:$0x7FF] =	sst s3  }
0x9: {  	s8 =	smul.u32 $0x3000, s9;
	_ =	strace $0x80000047;
	[dreg:$0x3] =	wrdreg s23  }
0xa: {  	s9 =	sshll.u32 s9, $0x10;
	s5 =	sshll.u32 s1, $0xB;
	[dreg:$0x4] =	wrdreg s24  }
0xb: {  	s7 =	ssub.s32 $0x2, s1;
	s11 =	smul.u32 $0x1800, s1;
	[dreg:$0x5] =	wrdreg s25  }
0xc: {  	s9 =	sadd.s32 s9, s0;
	s1 =	sshll.u32 s1, $0xF;
	[dreg:$0x6] =	wrdreg s26  }
0xd: {  	s23 =	simm.s32 $0x1;
	s24 =	simm.s32 $0x5;
	s25 =	simm.s32 $0x2  }
0xe: {  	s26 =	simm.s32 $0x6;
	s5 =	sor.u32 s5, s4;
	s4 =	sadd.s32 $0x7C00, s0  }
0xf: {  	s10 =	sshrl.u32 s7, $0x1;
	s1 =	sadd.s32 s1, s9;
	s6 =	sshrl.u32 s5, $0x3  }
0x10: {  	s7 =	ssub.s32 s7, s10;
	s18 =	sadd.s32 s11, s8;
	s5 =	smul.u32 $0x3, s5  }
0x11: {  	s1 =	sadd.s32 $0x11C00, s1;
	s10 =	simm.s32 $0x10;
	s11 =	simm.s32 $0x0  }
0x12: {  	s6 =	sadd.s32 s6, s0;
	s7 =	smax.u32 s7, $0x1;
	[dreg:$0x9] =	wrdreg s1  }
0x13: {  	s0 =	sadd.s32 $0xBC00, s0;
	s6 =	sadd.s32 $0x9C00, s6;
	[dreg:$0x8] =	wrdreg s7  }
0x14: {  	s20 =	sor.u32 $0x480, s5;
	s21 =	sor.u32 $0x300, s5;
	s5 =	sor.u32 $0x180, s5  }
0x15: {  	[dreg:$0x7] =	wrdreg s6;
	s6 =	sshrl.u32 s18, $0x3;
	s1 =	sshrl.u32 s20, $0x3  }
0x16: {  	s5 =	sshrl.u32 s5, $0x3;
	s18 =	simm.s32 $0x10F80;
	s19 =	sadd.s32 s6, s0  }
0x17: {  	s6 =	sshrl.u32 s21, $0x3;
	s1 =	sadd.s32 s1, s0;
	[dreg:$0xa] =	wrdreg s19  }
0x18: {  	s20 =	simm.s32 $0x11100;
	[dreg:$0xb] =	wrdreg s1;
	s22 =	sadd.s32 s6, s0  }
0x19: {  	s21 =	simm.s32 $0xC800;
	s0 =	sadd.s32 s5, s0;
	[dreg:$0xc] =	wrdreg s22  }
0x1a: {  	s19 =	simm.s32 $0x8800;
	[dreg:$0xd] =	wrdreg s0;
	s22 =	simm.s32 $0x11280  }
.LBB2_1:
0x1b: {  	s0 =	rddreg [dreg:$0x7];
	s12 =	simm.s32 $0x11  }
0x1c: {  	[tilespmem:s3], [sflag:$0x11] =	stream.linear.gather [hbm4b:s0+s3], $0x800, $0x38;
	[tilespmem:$0x11400] =	vst v63  }
0x1d: {  	_ =	swait.ge [sflag:s12], $0x800  }
0x1e: {  	s0 =	rddreg [dreg:$0xc]  }
0x1f: {  	s1 =	rddreg [dreg:$0xb]  }
0x20: {  	s5 =	rddreg [dreg:$0xa]  }
0x21: {  	[sflag:s12] =	ssyncset.done $0x0;
	s6 =	rddreg [dreg:$0x9]  }
0x22: {  	s7 =	simm.s32 $0x0;
	[sflag:s12] =	ssyncadd.s32 $0xFFFFF800;
	s12 =	rddreg [dreg:$0xd]  }
.LBB2_2:
0x23: {  	p0 =	seq.s32 s7, $0x0  }
0x24: {  	s8 =	simm.s32 @!p0 $0x9  }
0x25: {  	_ =	swait.ge @!p0 [sflag:s8], $0x4000  }
0x26: {  	[sflag:s8] =	ssyncset.done @!p0 $0x0  }
0x27: {  	[sflag:s8] =	ssyncadd.s32 @!p0 $0xFFFFC000;
	s8 =	simm.s32 @!p0 $0xD  }
0x28: {  	_ =	swait.ge @!p0 [sflag:s8], $0x180  }
0x29: {  	[sflag:s8] =	ssyncset.done @!p0 $0x0  }
0x2a: {  	[sflag:s8] =	ssyncadd.s32 @!p0 $0xFFFFFE80;
	s8 =	sshra.s32 s7, $0x2  }
0x2b: {  	[tilespmem:s14], [sflag:$0x1] =	stream.indirect.gather [hbm4b:s2+s13], $0x80, s8, s13, $0xb8;
	[tilespmem:$0x11400] =	vst v63  }
0x2c: {  	v0 =	vld [tilespmem:s8+$0x0];
	_ =	sdelay $0x4  }
0x2d: {  	v0 =	vshll.u32 v0, $0x4  }
0x2e: {  	[tilespmem:$0x10800] =	vst v0;
	v1 =	vor.u32 $0x1, v0  }
0x2f: {  	v0 =	vor.u32 $0x2, v0;
	[tilespmem:$0x10880] =	vst v1  }
0x30: {  	[tilespmem:$0x10900] =	vst v0  }
0x31: {  	v0 =	vld [tilespmem:s8+$0x10];
	_ =	sdelay $0x4  }
0x32: {  	v0 =	vshll.u32 v0, $0x4  }
0x33: {  	[tilespmem:$0x10810] =	vst v0;
	v30 =	vor.u32 $0x1, v0  }
0x34: {  	v0 =	vor.u32 $0x2, v0;
	[tilespmem:$0x10890] =	vst v30  }
0x35: {  	[tilespmem:$0x10910] =	vst v0  }
0x36: {  	v0 =	vld [tilespmem:s8+$0x20];
	_ =	sdelay $0x4  }
0x37: {  	v0 =	vshll.u32 v0, $0x4  }
0x38: {  	[tilespmem:$0x10820] =	vst v0;
	v31 =	vor.u32 $0x1, v0  }
0x39: {  	v0 =	vor.u32 $0x2, v0;
	[tilespmem:$0x108A0] =	vst v31  }
0x3a: {  	[tilespmem:$0x10920] =	vst v0  }
0x3b: {  	v0 =	vld [tilespmem:s8+$0x30];
	_ =	sdelay $0x4  }
0x3c: {  	v0 =	vshll.u32 v0, $0x4  }
0x3d: {  	[tilespmem:$0x10830] =	vst v0;
	v32 =	vor.u32 $0x1, v0  }
0x3e: {  	v0 =	vor.u32 $0x2, v0;
	[tilespmem:$0x108B0] =	vst v32  }
0x3f: {  	[tilespmem:$0x10930] =	vst v0  }
0x40: {  	v0 =	vld [tilespmem:s8+$0x40];
	_ =	sdelay $0x4  }
0x41: {  	v0 =	vshll.u32 v0, $0x4  }
0x42: {  	[tilespmem:$0x10840] =	vst v0;
	v33 =	vor.u32 $0x1, v0  }
0x43: {  	v0 =	vor.u32 $0x2, v0;
	[tilespmem:$0x108C0] =	vst v33  }
0x44: {  	[tilespmem:$0x10940] =	vst v0  }
0x45: {  	v0 =	vld [tilespmem:s8+$0x50];
	_ =	sdelay $0x4  }
0x46: {  	v0 =	vshll.u32 v0, $0x4  }
0x47: {  	[tilespmem:$0x10850] =	vst v0;
	v34 =	vor.u32 $0x1, v0  }
0x48: {  	v0 =	vor.u32 $0x2, v0;
	[tilespmem:$0x108D0] =	vst v34  }
0x49: {  	[tilespmem:$0x10950] =	vst v0  }
0x4a: {  	v0 =	vld [tilespmem:s8+$0x60];
	_ =	sdelay $0x4  }
0x4b: {  	v0 =	vshll.u32 v0, $0x4  }
0x4c: {  	[tilespmem:$0x10860] =	vst v0;
	v35 =	vor.u32 $0x1, v0  }
0x4d: {  	v0 =	vor.u32 $0x2, v0;
	[tilespmem:$0x108E0] =	vst v35  }
0x4e: {  	[tilespmem:$0x10960] =	vst v0  }
0x4f: {  	v0 =	vld [tilespmem:s8+$0x70];
	_ =	sdelay $0x4  }
0x50: {  	v0 =	vshll.u32 v0, $0x4  }
0x51: {  	[tilespmem:$0x10870] =	vst v0;
	v36 =	vor.u32 $0x1, v0  }
0x52: {  	v0 =	vor.u32 $0x2, v0;
	[tilespmem:$0x108F0] =	vst v36  }
0x53: {  	s9 =	rddreg [dreg:$0x3];
	[tilespmem:$0x10970] =	vst v0  }
0x54: {  	[tilespmem:s16], [sflag:$0x5] =	stream.indirect.gather [hbm4b:s4+s15], $0x1, s9, s15, $0xb8;
	[tilespmem:$0x11400] =	vst v63  }
0x55: {  	s9 =	simm.s32 @!p0 $0xA  }
0x56: {  	_ =	swait.ge @!p0 [sflag:s9], $0x4000  }
0x57: {  	[sflag:s9] =	ssyncset.done @!p0 $0x0  }
0x58: {  	[sflag:s9] =	ssyncadd.s32 @!p0 $0xFFFFC000;
	s9 =	simm.s32 @!p0 $0xE  }
0x59: {  	_ =	swait.ge @!p0 [sflag:s9], $0x180  }
0x5a: {  	[sflag:s9] =	ssyncset.done @!p0 $0x0  }
0x5b: {  	[sflag:s9] =	ssyncadd.s32 @!p0 $0xFFFFFE80;
	s9 =	sadd.s32 $0x80, s8  }
0x5c: {  	[tilespmem:s17], [sflag:$0x2] =	stream.indirect.gather [hbm4b:s2+s13], $0x80, s9, s13, $0xb8;
	[tilespmem:$0x11400] =	vst v63  }
0x5d: {  	v37 =	vld [tilespmem:s8+$0x80];
	_ =	sdelay $0x4  }
0x5e: {  	v0 =	vshll.u32 v37, $0x4  }
0x5f: {  	[tilespmem:$0x10980] =	vst v0;
	v38 =	vor.u32 $0x1, v0  }
0x60: {  	v0 =	vor.u32 $0x2, v0;
	[tilespmem:$0x10A00] =	vst v38  }
0x61: {  	[tilespmem:$0x10A80] =	vst v0  }
0x62: {  	v0 =	vld [tilespmem:s8+$0x90];
	_ =	sdelay $0x4  }
0x63: {  	v0 =	vshll.u32 v0, $0x4  }
0x64: {  	[tilespmem:$0x10990] =	vst v0;
	v39 =	vor.u32 $0x1, v0  }
0x65: {  	v0 =	vor.u32 $0x2, v0;
	[tilespmem:$0x10A10] =	vst v39  }
0x66: {  	[tilespmem:$0x10A90] =	vst v0  }
0x67: {  	v0 =	vld [tilespmem:s8+$0xA0];
	_ =	sdelay $0x4  }
0x68: {  	v0 =	vshll.u32 v0, $0x4  }
0x69: {  	[tilespmem:$0x109A0] =	vst v0;
	v40 =	vor.u32 $0x1, v0  }
0x6a: {  	v0 =	vor.u32 $0x2, v0;
	[tilespmem:$0x10A20] =	vst v40  }
0x6b: {  	[tilespmem:$0x10AA0] =	vst v0  }
0x6c: {  	v0 =	vld [tilespmem:s8+$0xB0];
	_ =	sdelay $0x4  }
0x6d: {  	v0 =	vshll.u32 v0, $0x4  }
0x6e: {  	[tilespmem:$0x109B0] =	vst v0;
	v41 =	vor.u32 $0x1, v0  }
0x6f: {  	v0 =	vor.u32 $0x2, v0;
	[tilespmem:$0x10A30] =	vst v41  }
0x70: {  	[tilespmem:$0x10AB0] =	vst v0  }
0x71: {  	v0 =	vld [tilespmem:s8+$0xC0];
	_ =	sdelay $0x4  }
0x72: {  	v0 =	vshll.u32 v0, $0x4  }
0x73: {  	[tilespmem:$0x109C0] =	vst v0;
	v42 =	vor.u32 $0x1, v0  }
0x74: {  	v0 =	vor.u32 $0x2, v0;
	[tilespmem:$0x10A40] =	vst v42  }
0x75: {  	[tilespmem:$0x10AC0] =	vst v0  }
0x76: {  	v0 =	vld [tilespmem:s8+$0xD0];
	_ =	sdelay $0x4  }
0x77: {  	v0 =	vshll.u32 v0, $0x4  }
0x78: {  	[tilespmem:$0x109D0] =	vst v0;
	v43 =	vor.u32 $0x1, v0  }
0x79: {  	v0 =	vor.u32 $0x2, v0;
	[tilespmem:$0x10A50] =	vst v43  }
0x7a: {  	[tilespmem:$0x10AD0] =	vst v0  }
0x7b: {  	v0 =	vld [tilespmem:s8+$0xE0];
	_ =	sdelay $0x4  }
0x7c: {  	v0 =	vshll.u32 v0, $0x4  }
0x7d: {  	[tilespmem:$0x109E0] =	vst v0;
	v44 =	vor.u32 $0x1, v0  }
0x7e: {  	v0 =	vor.u32 $0x2, v0;
	[tilespmem:$0x10A60] =	vst v44  }
0x7f: {  	[tilespmem:$0x10AE0] =	vst v0  }
0x80: {  	v0 =	vld [tilespmem:s8+$0xF0];
	_ =	sdelay $0x4  }
0x81: {  	v0 =	vshll.u32 v0, $0x4  }
0x82: {  	[tilespmem:$0x109F0] =	vst v0;
	v45 =	vor.u32 $0x1, v0  }
0x83: {  	v0 =	vor.u32 $0x2, v0;
	[tilespmem:$0x10A70] =	vst v45  }
0x84: {  	s9 =	rddreg [dreg:$0x4];
	[tilespmem:$0x10AF0] =	vst v0  }
0x85: {  	[tilespmem:s18], [sflag:$0x6] =	stream.indirect.gather [hbm4b:s4+s15], $0x1, s9, s15, $0xb8;
	[tilespmem:$0x11400] =	vst v63  }
0x86: {  	s9 =	simm.s32 @!p0 $0xB  }
0x87: {  	_ =	swait.ge @!p0 [sflag:s9], $0x4000  }
0x88: {  	[sflag:s9] =	ssyncset.done @!p0 $0x0  }
0x89: {  	[sflag:s9] =	ssyncadd.s32 @!p0 $0xFFFFC000;
	s9 =	simm.s32 @!p0 $0xF  }
0x8a: {  	_ =	swait.ge @!p0 [sflag:s9], $0x180  }
0x8b: {  	[sflag:s9] =	ssyncset.done @!p0 $0x0  }
0x8c: {  	[sflag:s9] =	ssyncadd.s32 @!p0 $0xFFFFFE80;
	s9 =	sadd.s32 $0x100, s8  }
0x8d: {  	[tilespmem:s19], [sflag:$0x3] =	stream.indirect.gather [hbm4b:s2+s13], $0x80, s9, s13, $0xb8;
	[tilespmem:$0x11400] =	vst v63  }
0x8e: {  	v46 =	vld [tilespmem:s8+$0x100];
	_ =	sdelay $0x4  }
0x8f: {  	v0 =	vshll.u32 v46, $0x4  }
0x90: {  	[tilespmem:$0x10B00] =	vst v0;
	v47 =	vor.u32 $0x1, v0  }
0x91: {  	v0 =	vor.u32 $0x2, v0;
	[tilespmem:$0x10B80] =	vst v47  }
0x92: {  	[tilespmem:$0x10C00] =	vst v0  }
0x93: {  	v0 =	vld [tilespmem:s8+$0x110];
	_ =	sdelay $0x4  }
0x94: {  	v0 =	vshll.u32 v0, $0x4  }
0x95: {  	[tilespmem:$0x10B10] =	vst v0;
	v48 =	vor.u32 $0x1, v0  }
0x96: {  	v0 =	vor.u32 $0x2, v0;
	[tilespmem:$0x10B90] =	vst v48  }
0x97: {  	[tilespmem:$0x10C10] =	vst v0  }
0x98: {  	v0 =	vld [tilespmem:s8+$0x120];
	_ =	sdelay $0x4  }
0x99: {  	v0 =	vshll.u32 v0, $0x4  }
0x9a: {  	[tilespmem:$0x10B20] =	vst v0;
	v49 =	vor.u32 $0x1, v0  }
0x9b: {  	v0 =	vor.u32 $0x2, v0;
	[tilespmem:$0x10BA0] =	vst v49  }
0x9c: {  	[tilespmem:$0x10C20] =	vst v0  }
0x9d: {  	v0 =	vld [tilespmem:s8+$0x130];
	_ =	sdelay $0x4  }
0x9e: {  	v0 =	vshll.u32 v0, $0x4  }
0x9f: {  	[tilespmem:$0x10B30] =	vst v0;
	v50 =	vor.u32 $0x1, v0  }
0xa0: {  	v0 =	vor.u32 $0x2, v0;
	[tilespmem:$0x10BB0] =	vst v50  }
0xa1: {  	[tilespmem:$0x10C30] =	vst v0  }
0xa2: {  	v0 =	vld [tilespmem:s8+$0x140];
	_ =	sdelay $0x4  }
0xa3: {  	v0 =	vshll.u32 v0, $0x4  }
0xa4: {  	[tilespmem:$0x10B40] =	vst v0;
	v51 =	vor.u32 $0x1, v0  }
0xa5: {  	v0 =	vor.u32 $0x2, v0;
	[tilespmem:$0x10BC0] =	vst v51  }
0xa6: {  	[tilespmem:$0x10C40] =	vst v0  }
0xa7: {  	v0 =	vld [tilespmem:s8+$0x150];
	_ =	sdelay $0x4  }
0xa8: {  	v0 =	vshll.u32 v0, $0x4  }
0xa9: {  	[tilespmem:$0x10B50] =	vst v0;
	v52 =	vor.u32 $0x1, v0  }
0xaa: {  	v0 =	vor.u32 $0x2, v0;
	[tilespmem:$0x10BD0] =	vst v52  }
0xab: {  	[tilespmem:$0x10C50] =	vst v0  }
0xac: {  	v0 =	vld [tilespmem:s8+$0x160];
	_ =	sdelay $0x4  }
0xad: {  	v0 =	vshll.u32 v0, $0x4  }
0xae: {  	[tilespmem:$0x10B60] =	vst v0;
	v53 =	vor.u32 $0x1, v0  }
0xaf: {  	v0 =	vor.u32 $0x2, v0;
	[tilespmem:$0x10BE0] =	vst v53  }
0xb0: {  	[tilespmem:$0x10C60] =	vst v0  }
0xb1: {  	v0 =	vld [tilespmem:s8+$0x170];
	_ =	sdelay $0x4  }
0xb2: {  	v0 =	vshll.u32 v0, $0x4  }
0xb3: {  	[tilespmem:$0x10B70] =	vst v0;
	v54 =	vor.u32 $0x1, v0  }
0xb4: {  	v0 =	vor.u32 $0x2, v0;
	[tilespmem:$0x10BF0] =	vst v54  }
0xb5: {  	s9 =	rddreg [dreg:$0x5];
	[tilespmem:$0x10C70] =	vst v0  }
0xb6: {  	[tilespmem:s20], [sflag:$0x7] =	stream.indirect.gather [hbm4b:s4+s15], $0x1, s9, s15, $0xb8;
	[tilespmem:$0x11400] =	vst v63  }
0xb7: {  	s9 =	simm.s32 @!p0 $0xC  }
0xb8: {  	_ =	swait.ge @!p0 [sflag:s9], $0x4000  }
0xb9: {  	[sflag:s9] =	ssyncset.done @!p0 $0x0  }
0xba: {  	[sflag:s9] =	ssyncadd.s32 @!p0 $0xFFFFC000;
	s9 =	simm.s32 @!p0 $0x10  }
0xbb: {  	_ =	swait.ge @!p0 [sflag:s9], $0x180  }
0xbc: {  	[sflag:s9] =	ssyncset.done @!p0 $0x0  }
0xbd: {  	[sflag:s9] =	ssyncadd.s32 @!p0 $0xFFFFFE80;
	s9 =	sadd.s32 $0x180, s8  }
0xbe: {  	[tilespmem:s21], [sflag:$0x4] =	stream.indirect.gather [hbm4b:s2+s13], $0x80, s9, s13, $0xb8;
	[tilespmem:$0x11400] =	vst v63  }
0xbf: {  	v55 =	vld [tilespmem:s8+$0x180];
	_ =	sdelay $0x4  }
0xc0: {  	v0 =	vshll.u32 v55, $0x4  }
0xc1: {  	[tilespmem:$0x10C80] =	vst v0;
	v56 =	vor.u32 $0x1, v0  }
0xc2: {  	v0 =	vor.u32 $0x2, v0;
	[tilespmem:$0x10D00] =	vst v56  }
0xc3: {  	[tilespmem:$0x10D80] =	vst v0  }
0xc4: {  	v0 =	vld [tilespmem:s8+$0x190];
	_ =	sdelay $0x4  }
0xc5: {  	v0 =	vshll.u32 v0, $0x4  }
0xc6: {  	[tilespmem:$0x10C90] =	vst v0;
	v57 =	vor.u32 $0x1, v0  }
0xc7: {  	v0 =	vor.u32 $0x2, v0;
	[tilespmem:$0x10D10] =	vst v57  }
0xc8: {  	[tilespmem:$0x10D90] =	vst v0  }
0xc9: {  	v0 =	vld [tilespmem:s8+$0x1A0];
	_ =	sdelay $0x4  }
0xca: {  	v0 =	vshll.u32 v0, $0x4  }
0xcb: {  	[tilespmem:$0x10CA0] =	vst v0;
	v58 =	vor.u32 $0x1, v0  }
0xcc: {  	v0 =	vor.u32 $0x2, v0;
	[tilespmem:$0x10D20] =	vst v58  }
0xcd: {  	[tilespmem:$0x10DA0] =	vst v0  }
0xce: {  	v0 =	vld [tilespmem:s8+$0x1B0];
	_ =	sdelay $0x4  }
0xcf: {  	v0 =	vshll.u32 v0, $0x4  }
0xd0: {  	[tilespmem:$0x10CB0] =	vst v0;
	v59 =	vor.u32 $0x1, v0  }
0xd1: {  	v0 =	vor.u32 $0x2, v0;
	[tilespmem:$0x10D30] =	vst v59  }
0xd2: {  	[tilespmem:$0x10DB0] =	vst v0  }
0xd3: {  	v0 =	vld [tilespmem:s8+$0x1C0];
	_ =	sdelay $0x4  }
0xd4: {  	v0 =	vshll.u32 v0, $0x4  }
0xd5: {  	[tilespmem:$0x10CC0] =	vst v0;
	v60 =	vor.u32 $0x1, v0  }
0xd6: {  	v0 =	vor.u32 $0x2, v0;
	[tilespmem:$0x10D40] =	vst v60  }
0xd7: {  	[tilespmem:$0x10DC0] =	vst v0  }
0xd8: {  	v0 =	vld [tilespmem:s8+$0x1D0];
	_ =	sdelay $0x4  }
0xd9: {  	v0 =	vshll.u32 v0, $0x4  }
0xda: {  	[tilespmem:$0x10CD0] =	vst v0;
	v61 =	vor.u32 $0x1, v0  }
0xdb: {  	v0 =	vor.u32 $0x2, v0;
	[tilespmem:$0x10D50] =	vst v61  }
0xdc: {  	[tilespmem:$0x10DD0] =	vst v0  }
0xdd: {  	v0 =	vld [tilespmem:s8+$0x1E0];
	_ =	sdelay $0x4  }
0xde: {  	v0 =	vshll.u32 v0, $0x4  }
0xdf: {  	[tilespmem:$0x10CE0] =	vst v0;
	v62 =	vor.u32 $0x1, v0  }
0xe0: {  	v0 =	vor.u32 $0x2, v0;
	[tilespmem:$0x10D60] =	vst v62  }
0xe1: {  	[tilespmem:$0x10DE0] =	vst v0  }
0xe2: {  	v0 =	vld [tilespmem:s8+$0x1F0];
	_ =	sdelay $0x4  }
0xe3: {  	v0 =	vshll.u32 v0, $0x4  }
0xe4: {  	[tilespmem:$0x10CF0] =	vst v0;
	v63 =	vor.u32 $0x1, v0  }
0xe5: {  	v0 =	vor.u32 $0x2, v0;
	[tilespmem:$0x10D70] =	vst v63  }
0xe6: {  	s9 =	rddreg [dreg:$0x6];
	[tilespmem:$0x10DF0] =	vst v0  }
0xe7: {  	[tilespmem:s22], [sflag:$0x8] =	stream.indirect.gather [hbm4b:s4+s15], $0x1, s9, s15, $0xb8;
	[tilespmem:$0x11400] =	vst v63  }
0xe8: {  	_ =	swait.ge [sflag:s23], $0x4000  }
0xe9: {  	[sflag:s23] =	ssyncset.done $0x0  }
0xea: {  	[sflag:s23] =	ssyncadd.s32 $0xFFFFC000  }
0xeb: {  	_ =	swait.ge [sflag:s24], $0x180  }
0xec: {  	[sflag:s24] =	ssyncset.done $0x0  }
0xed: {  	[sflag:s24] =	ssyncadd.s32 $0xFFFFFE80  }
0xee: {  	[hbm4b:s6+s3] =	stream.linear.scatter [tilespmem:s14], [sflag:$0x9], $0x4000, $0x38;
	[tilespmem:$0x11400] =	vst v63  }
0xef: {  	_ = 	snop  }
0xf0: {  	[hbm4b:s5+s3] =	stream.linear.scatter [tilespmem:s16], [sflag:$0xD], $0x180, $0x38;
	[tilespmem:$0x11400] =	vst v63  }
0xf1: {  	_ =	swait.ge [sflag:s25], $0x4000  }
0xf2: {  	[sflag:s25] =	ssyncset.done $0x0  }
0xf3: {  	[sflag:s25] =	ssyncadd.s32 $0xFFFFC000  }
0xf4: {  	_ =	swait.ge [sflag:s26], $0x180  }
0xf5: {  	[sflag:s26] =	ssyncset.done $0x0  }
0xf6: {  	s9 =	sadd.s32 $0x800, s6;
	[sflag:s26] =	ssyncadd.s32 $0xFFFFFE80  }
0xf7: {  	[hbm4b:s9+s3] =	stream.linear.scatter [tilespmem:s17], [sflag:$0xA], $0x4000, $0x38;
	[tilespmem:$0x11400] =	vst v63  }
0xf8: {  	_ = 	snop  }
0xf9: {  	[hbm4b:s12+s3] =	stream.linear.scatter [tilespmem:s18], [sflag:$0xE], $0x180, $0x38;
	[tilespmem:$0x11400] =	vst v63  }
0xfa: {  	_ =	swait.ge [sflag:s28], $0x4000  }
0xfb: {  	[sflag:s28] =	ssyncset.done $0x0  }
0xfc: {  	[sflag:s28] =	ssyncadd.s32 $0xFFFFC000  }
0xfd: {  	_ =	swait.ge [sflag:s29], $0x180  }
0xfe: {  	[sflag:s29] =	ssyncset.done $0x0  }
0xff: {  	s9 =	sadd.s32 $0x1000, s6;
	[sflag:s29] =	ssyncadd.s32 $0xFFFFFE80  }
0x100: {  	[hbm4b:s9+s3] =	stream.linear.scatter [tilespmem:s19], [sflag:$0xB], $0x4000, $0x38;
	[tilespmem:$0x11400] =	vst v63  }
0x101: {  	_ = 	snop  }
0x102: {  	[hbm4b:s0+s3] =	stream.linear.scatter [tilespmem:s20], [sflag:$0xF], $0x180, $0x38;
	[tilespmem:$0x11400] =	vst v63  }
0x103: {  	_ =	swait.ge [sflag:s30], $0x4000  }
0x104: {  	[sflag:s30] =	ssyncset.done $0x0  }
0x105: {  	[sflag:s30] =	ssyncadd.s32 $0xFFFFC000  }
0x106: {  	s7 =	sadd.s32 $0x800, s7;
	_ =	swait.ge [sflag:s31], $0x180  }
0x107: {  	p0 =	sne.s32 s7, $0x2000;
	[sflag:s31] =	ssyncset.done $0x0  }
.Ltmp0:
0x108: {  	s9 =	sadd.s32 $0x1800, s6;
	[sflag:s31] =	ssyncadd.s32 $0xFFFFFE80;
	(pc) =	sbr.rel @p0 .LBB2_2-.Ltmp0, $4  }
0x109: {  	[hbm4b:s9+s3] =	stream.linear.scatter [tilespmem:s21], [sflag:$0xC], $0x4000, $0x38;
	[tilespmem:$0x11400] =	vst v63  }
0x10a: {  	s5 =	sadd.s32 $0xC0, s5;
	s12 =	sadd.s32 $0xC0, s12  }
0x10b: {  	[hbm4b:s1+s3] =	stream.linear.scatter [tilespmem:s22], [sflag:$0x10], $0x180, $0x38;
	[tilespmem:$0x11400] =	vst v63  }
0x10c: {  	s6 =	sadd.s32 $0x2000, s6;
	s0 =	sadd.s32 $0xC0, s0;
	s1 =	sadd.s32 $0xC0, s1  }
0x10d: {  	s0 =	simm.s32 $0x9  }
0x10e: {  	_ =	swait.ge [sflag:s0], $0x4000  }
0x10f: {  	[sflag:s0] =	ssyncset.done $0x0  }
0x110: {  	s1 =	simm.s32 $0xD;
	[sflag:s0] =	ssyncadd.s32 $0xFFFFC000  }
0x111: {  	_ =	swait.ge [sflag:s1], $0x180  }
0x112: {  	[sflag:s1] =	ssyncset.done $0x0  }
0x113: {  	s5 =	simm.s32 $0xA;
	[sflag:s1] =	ssyncadd.s32 $0xFFFFFE80  }
0x114: {  	_ =	swait.ge [sflag:s5], $0x4000  }
0x115: {  	[sflag:s5] =	ssyncset.done $0x0  }
0x116: {  	s6 =	simm.s32 $0xE;
	[sflag:s5] =	ssyncadd.s32 $0xFFFFC000  }
0x117: {  	_ =	swait.ge [sflag:s6], $0x180  }
0x118: {  	[sflag:s6] =	ssyncset.done $0x0  }
0x119: {  	s7 =	simm.s32 $0xB;
	[sflag:s6] =	ssyncadd.s32 $0xFFFFFE80  }
0x11a: {  	_ =	swait.ge [sflag:s7], $0x4000  }
0x11b: {  	[sflag:s7] =	ssyncset.done $0x0  }
0x11c: {  	s8 =	simm.s32 $0xF;
	[sflag:s7] =	ssyncadd.s32 $0xFFFFC000  }
0x11d: {  	_ =	swait.ge [sflag:s8], $0x180  }
0x11e: {  	[sflag:s8] =	ssyncset.done $0x0  }
0x11f: {  	s9 =	simm.s32 $0xC;
	[sflag:s8] =	ssyncadd.s32 $0xFFFFFE80  }
0x120: {  	_ =	swait.ge [sflag:s9], $0x4000  }
0x121: {  	[sflag:s9] =	ssyncset.done $0x0  }
0x122: {  	[sflag:s9] =	ssyncadd.s32 $0xFFFFC000  }
0x123: {  	_ =	swait.ge [sflag:s10], $0x180  }
0x124: {  	s11 =	sadd.s32 $0x1, s11;
	s12 =	rddreg [dreg:$0x8]  }
0x125: {  	p0 =	sne.s32 s11, s12  }
.Ltmp1:
0x126: {  	_ = 	snop;
	(pc) =	sbr.rel @p0 .LBB2_1-.Ltmp1, $3  }
0x127: {  	_ =	sdelay $0x1  }
0x128: {  	[sflag:s10] =	ssyncset.done $0x0  }
0x129: {  	[sflag:s10] =	ssyncadd.s32 $0xFFFFFE80  }
0x12a: {  	_ =	sfence.sel $0x180000  }
0x12b: {  	[bflag:$0x0] =	sbarrier.arrive $0xFFFF  }
0x12c: {  	_ =	strace $0x90000047  }
0x12d: {  	s0 =	stileid.u32;
	[bflag:$0x2] =	sbarrier.arrive $0xFFFF  }
0x12e: {  	p0 =	sne.s32 s0, $0x0;
	s0 =	rddreg [dreg:$0x2]  }
0x12f: {  	s0 =	sadd.s32 @!p0 $0x100000, s0  }
0x130: {  	[sflag:s0] =	ssyncadd.tile.s32 @!p0 $0x1;
	_ =	shalt  }
.Lfunc_end2:
_tile_overlayer_lowered:
.L_overlay_start_2:
0x131: {  	(tag) =	ssettag $0x2  }
0x132: {  	s0 =	rddreg [dreg:$0x0];
	s2 =	stileid.u32  }
0x133: {  	s1 =	rddreg [dreg:$0x1];
	p0 =	sne.s32 s2, $0x0  }
0x134: {  	s3 =	rddreg [dreg:$0x2];
	[bflag:$0x3] =	sbarrier.arrive $0xFFFF;
	s2 =	simm.s32 @!p0 $0x1C11  }
0x135: {  	[timem:s3], [sflag:s2] =	dma.local @!p0 [hbm:s0], s1  }
0x136: {  	s0 =	simm.s32 @!p0 $0x11  }
0x137: {  	_ =	swait.ge @!p0 [sflag:s0], s1  }
0x138: {  	s1 =	ssub.s32 @!p0 $0x0, s1;
	[sflag:s0] =	ssyncset.done @!p0 $0x0  }
0x139: {  	[sflag:s0] =	ssyncadd.s32 @!p0 s1  }
0x13a: {  	[bflag:$0x3] =	sbarrier.arrive $0xFFFF  }
0x13b: {  	_ =	shalt  }

// kernel: kernel.14.cloned.1.call-start
scs
__scs_entry_jumppad:
0x0: {  	(pc) =	sbr.rel $0x88, $3  }
0x1: {  	(tag) =	ssettag $0x0;
	lr =	simm.s32 $0x1  }
0x2: {  	[smem:$0x3F78] =	sst lr;
	_ =	strace $0xD0000000  }
0x3: {  	_ = 	snop  }
0x4: {  	_ = 	snop  }
0x5: {  	_ = 	snop  }
0x6: {  	_ = 	snop  }
0x7: {  	_ = 	snop  }
__scs_overlays_trampoline_lowered:
0x8: {  	[smem:$0x3F87] =	sst s0  }
0x9: {  	[smem:$0x3F88] =	sst s1  }
0xa: {  	[smem:$0x3F89] =	sst s2  }
0xb: {  	[smem:$0x3F8A] =	sst s3  }
0xc: {  	[smem:$0x3F8B] =	sst s4  }
0xd: {  	[smem:$0x3F8C] =	sst s5  }
0xe: {  	[smem:$0x3F8D] =	sst s6  }
0xf: {  	[smem:$0x3F8E] =	sst s7  }
0x10: {  	[smem:$0x3F8F] =	sst s8  }
0x11: {  	[smem:$0x3F90] =	sst s9;
	s0 =	simm.s32 @!p0 $0x0  }
0x12: {  	s1 =	sld [smem:$0x3F76];
	s0 =	simm.s32 @p0 $0x1  }
0x13: {  	[smem:$0x3F91] =	sst s0;
	s0 =	simm.s32 @!p1 $0x0  }
0x14: {  	s2 =	sld [smem:$0x3F75];
	s0 =	simm.s32 @p1 $0x1  }
0x15: {  	[smem:$0x3F92] =	sst s0;
	s0 =	simm.s32 @!p2 $0x0  }
0x16: {  	s3 =	sld [smem:$0x3FDB];
	s0 =	simm.s32 @p2 $0x1  }
0x17: {  	s4 =	simm.s32 $0x1BF5;
	[smem:$0x3F94] =	sst s0  }
0x18: {  	s0 =	sld [smem:$0x3F77];
	_ =	swait.ge [sflag:s4], $0x0  }
0x19: {  	s7 =	sld [smem:$0x3F78]  }
0x1a: {  	s8 =	sadd.s32 $0xFFFFE003, lr  }
0x1b: {  	s9 =	sadd.s32 $0xFFFFFEF7, lr;
	s5 =	simm.s32 $0xFFFFFFFF;
	p2 =	slt.u32 s8, $0xFFFFF086  }
0x1c: {  	p1 =	slt.u32 s9, $0xF7A;
	s5 =	simm.s32 @!p2 $0x0  }
0x1d: {  	s5 =	simm.s32 @p1 $0x1;
	p0 =	seq.s32 s7, s2  }
0x1e: {  	s7 =	smul.u32 @!p0 $0xF7A, s2;
	p2 =	seq.s32 @!p0 s5, $0x0  }
0x1f: {  	s9 =	smul.u32 $0xF7A, s1;
	s8 =	simm.s32 @!p0 $0x1BF5;
	p2 =	por !p2, p0  }
0x20: {  	[sflag:s8] =	ssyncset.s32 @!p0 $0xFFFFF086;
	s6 =	sadd.s32 @!p0 s3, s7;
	s7 =	simm.s32 @!p0 $0x108  }
0x21: {  	s3 =	sadd.s32 s3, s9;
	s6 =	sadd.s32 @!p0 $0x88, s6;
	s7 =	simm.s32 @p2 $0x1082  }
0x22: {  	[simem:s7], [sflag:s8] =	dma.local @!p0 [hbm:s6], $0xF7A  }
0x23: {  	s9 =	sor.u32 $0xD0000000, s2;
	s6 =	simm.s32 $0x108;
	_ =	swait.ge @!p0 [sflag:s8], $0x0  }
0x24: {  	s3 =	sadd.s32 $0x88, s3;
	s6 =	simm.s32 @!p1 $0x1082;
	[sflag:s4] =	ssyncset.s32 $0xFFFFF086  }
0x25: {  	[simem:s6], [sflag:s4] =	dma.local [hbm:s3], $0xF7A  }
0x26: {  	[smem:$0x3F78] =	sst s1;
	(tag) =	ssettag s2;
	_ =	strace s9  }
0x27: {  	s1 =	sld [smem:$0x3F88]  }
0x28: {  	s2 =	sld [smem:$0x3F89]  }
0x29: {  	s4 =	sld [smem:$0x3F8B]  }
0x2a: {  	p0 =	seq.s32 s5, $0x0;
	s5 =	sld [smem:$0x3F8C]  }
0x2b: {  	s6 =	sld [smem:$0x3F8D]  }
0x2c: {  	s7 =	sld [smem:$0x3F8E]  }
0x2d: {  	s3 =	simm.s32 $0x108;
	s8 =	sld [smem:$0x3F8F]  }
0x2e: {  	s3 =	simm.s32 @!p0 $0x1082;
	s9 =	sld [smem:$0x3F90]  }
0x2f: {  	lr =	sadd.s32 s0, s3;
	s0 =	sld [smem:$0x3F87]  }
0x30: {  	s3 =	sld [smem:$0x3F8A]  }
0x31: {  	[smem:$0x3F93] =	sst s10  }
0x32: {  	s10 =	sld [smem:$0x3F91];
	_ =	sdelay $0x3  }
0x33: {  	p0 =	seq.s32 s10, $0x1;
	s10 =	sld [smem:$0x3F93];
	_ =	sdelay $0x3  }
0x34: {  	[smem:$0x3F93] =	sst s10  }
0x35: {  	s10 =	sld [smem:$0x3F92];
	_ =	sdelay $0x3  }
0x36: {  	p1 =	seq.s32 s10, $0x1;
	s10 =	sld [smem:$0x3F93];
	_ =	sdelay $0x3  }
0x37: {  	[smem:$0x3F93] =	sst s10  }
0x38: {  	s10 =	sld [smem:$0x3F94]  }
0x39: {  	_ = 	snop;
	(pc) =	sbr.ind lr, $3  }
0x3a: {  	_ = 	snop  }
0x3b: {  	_ = 	snop  }
0x3c: {  	p2 =	seq.s32 s10, $0x1;
	s10 =	sld [smem:$0x3F93]  }
0x3d: {  	_ =	shalt  }
0x3e: {  	_ =	shalt  }
0x3f: {  	_ =	shalt  }
0x40: {  	_ =	shalt  }
0x41: {  	_ =	shalt  }
0x42: {  	_ =	shalt  }
0x43: {  	_ =	shalt  }
0x44: {  	_ =	shalt  }
0x45: {  	_ =	shalt  }
0x46: {  	_ =	shalt  }
0x47: {  	_ =	shalt  }
0x48: {  	_ =	shalt  }
0x49: {  	_ =	shalt  }
0x4a: {  	_ =	shalt  }
0x4b: {  	_ =	shalt  }
0x4c: {  	_ =	shalt  }
0x4d: {  	_ =	shalt  }
0x4e: {  	_ =	shalt  }
0x4f: {  	_ =	shalt  }
0x50: {  	_ =	shalt  }
0x51: {  	_ =	shalt  }
0x52: {  	_ =	shalt  }
0x53: {  	_ =	shalt  }
0x54: {  	_ =	shalt  }
0x55: {  	_ =	shalt  }
0x56: {  	_ =	shalt  }
0x57: {  	_ =	shalt  }
0x58: {  	_ =	shalt  }
0x59: {  	_ =	shalt  }
0x5a: {  	_ =	shalt  }
0x5b: {  	_ =	shalt  }
0x5c: {  	_ =	shalt  }
0x5d: {  	_ =	shalt  }
0x5e: {  	_ =	shalt  }
0x5f: {  	_ =	shalt  }
0x60: {  	_ =	shalt  }
0x61: {  	_ =	shalt  }
0x62: {  	_ =	shalt  }
0x63: {  	_ =	shalt  }
0x64: {  	_ =	shalt  }
0x65: {  	_ =	shalt  }
0x66: {  	_ =	shalt  }
0x67: {  	_ =	shalt  }
0x68: {  	_ =	shalt  }
0x69: {  	_ =	shalt  }
0x6a: {  	_ =	shalt  }
0x6b: {  	_ =	shalt  }
0x6c: {  	_ =	shalt  }
0x6d: {  	_ =	shalt  }
0x6e: {  	_ =	shalt  }
0x6f: {  	_ =	shalt  }
0x70: {  	_ =	shalt  }
0x71: {  	_ =	shalt  }
0x72: {  	_ =	shalt  }
0x73: {  	_ =	shalt  }
0x74: {  	_ =	shalt  }
0x75: {  	_ =	shalt  }
0x76: {  	_ =	shalt  }
0x77: {  	_ =	shalt  }
0x78: {  	_ =	shalt  }
0x79: {  	_ =	shalt  }
0x7a: {  	_ =	shalt  }
0x7b: {  	_ =	shalt  }
0x7c: {  	_ =	shalt  }
0x7d: {  	_ =	shalt  }
0x7e: {  	_ =	shalt  }
0x7f: {  	_ =	shalt  }
0x80: {  	_ =	shalt  }
0x81: {  	_ =	shalt  }
0x82: {  	_ =	shalt  }
0x83: {  	_ =	shalt  }
0x84: {  	_ =	shalt  }
0x85: {  	_ =	shalt  }
0x86: {  	_ =	shalt  }
0x87: {  	_ =	shalt  }
.Lfunc_end0:
.L_simem_size_0:
called_computation.1_lowered:
.L_overlay_start_0:
0x88: {  	s2 =	sld [smem:$0x3FD9]  }
0x89: {  	s3 =	sld [smem:$0x3FFE];
	_ =	sdelay $0x1  }
0x8a: {  	s1 =	srdreg.scid  }
0x8b: {  	s0 =	sand.u32 $0x1, s1  }
0x8c: {  	s15 =	sshll.u32 s0, $0xA;
	s2 =	sadd.s32 s3, s2  }
0x8d: {  	s2 =	sadd.s32 s2, s15  }
0x8e: {  	[smem:$0x3F9F] =	sst s2  }
0x8f: {  	_ = 	snop  }
0x90: {  	s2 =	sld [smem:$0x3FD0];
	_ =	sdelay $0x2  }
0x91: {  	s4 =	simm.s32 $0xB;
	s16 =	simm.s32 $0x10  }
0x92: {  	[smem:s16], [sflag:s4] =	dma.local [hbm:s2], $0x1  }
0x93: {  	_ =	swait.eq [sflag:s4], $0x1  }
0x94: {  	[sflag:s4] =	ssyncset.done $0x0  }
0x95: {  	s17 =	sld [smem:$0x13];
	[sflag:s4] =	ssyncadd.s32 $0xFFFFFFFF  }
0x96: {  	s18 =	sld [smem:$0x14];
	(tm) =	ssettm $0x1  }
0x97: {  	s19 =	sld [smem:$0x3FFB];
	_ =	sdelay $0x3  }
0x98: {  	_ =	strace s19  }
0x99: {  	s2 =	sld [smem:$0x3FFC];
	_ =	sdelay $0x3  }
0x9a: {  	_ =	strace s2  }
0x9b: {  	s2 =	sld [smem:$0x3FFD];
	_ =	sdelay $0x3  }
0x9c: {  	_ =	strace s2  }
0x9d: {  	_ =	strace $0x8FFFFFFF  }
0x9e: {  	s20 =	sld [smem:$0x3FDB];
	_ =	sdelay $0x1  }
0x9f: {  	s5 =	simm.s32 $_scs_section_size  }
0xa0: {  	s6 =	simm.s32 $_size__tile_overlayer_lowered;
	s7 =	simm.s32 $_tile_overlayer_lowered  }
0xa1: {  	s8 =	simm.s32 $0x1BFF;
	s21 =	sshll.u32 s7, $0x1;
	s5 =	sadd.s32 s5, s20  }
0xa2: {  	s22 =	simm.s32 $0x0;
	s6 =	sshll.u32 s6, $0x1;
	s7 =	sadd.s32 s21, s5  }
0xa3: {  	[timem:s22], [sflag:s8] =	dma.local [hbm:s7], s6  }
0xa4: {  	_ =	swait.ge [sflag:s8], s6  }
0xa5: {  	s6 =	ssub.s32 $0x0, s6;
	[sflag:s8] =	ssyncset.done $0x0  }
0xa6: {  	[sflag:s8] =	ssyncadd.s32 s6;
	_ =	sdelay $0x1  }
0xa7: {  	s23 =	simm.s32 $0x1B8B  }
0xa8: {  	_ =	swait.ge [sflag:s23], $0x1  }
0xa9: {  	[sflag:s23] =	ssyncset.done $0x0  }
0xaa: {  	[sflag:s23] =	ssyncadd.s32 $0xFFFFFFFF  }
0xab: {  	s6 =	sld [smem:$0x0]  }
0xac: {  	s7 =	sand.u32 $0xFFFFFFFE, s1  }
0xad: {  	p0 =	sne.s32 s1, s7  }
0xae: {  	s7 =	sshll.u32 @p0 s7, $0xE  }
0xaf: {  	s7 =	sadd.s32 @p0 $0x11B8D, s7;
	s8 =	sshll.u32 @p0 s6, $0x11  }
0xb0: {  	s7 =	sor.u32 @p0 s8, s7  }
0xb1: {  	[sflag:s7] =	ssyncadd.remote.s32 @p0 $0x1;
	_ =	sdelay $0x1  }
0xb2: {  	s7 =	simm.s32 @p0 $0x1B8D  }
0xb3: {  	_ =	swait.eq @p0 [sflag:s7], $0x1  }
0xb4: {  	[sflag:s7] =	ssyncadd.s32 @p0 $0xFFFFFFFF  }
0xb5: {  	s8 =	sshll.u32 @!p0 s1, $0xE  }
0xb6: {  	s8 =	sor.u32 @!p0 $0x4000, s8;
	s7 =	simm.s32 @!p0 $0x1B8D  }
0xb7: {  	s6 =	sshll.u32 @!p0 s6, $0x11;
	s8 =	sadd.s32 @!p0 $0x11B8D, s8;
	_ =	swait.eq @!p0 [sflag:s7], $0x1  }
0xb8: {  	s6 =	sor.u32 @!p0 s6, s8;
	[sflag:s7] =	ssyncadd.s32 @!p0 $0xFFFFFFFF  }
0xb9: {  	s25 =	simm.s32 $0x1B8E;
	s24 =	sld [smem:$0x3FFE];
	[sflag:s6] =	ssyncadd.remote.s32 @!p0 $0x1  }
0xba: {  	s26 =	simm.s32 $execute0_lowered;
	[smem:$0x3FD2] =	sst s25  }
0xbb: {  	s7 =	sshll.u32 s26, $0x1;
	_ =	strace $0x80000049;
	[dreg:$0x1] =	wrdreg $0xFFFFFFFF  }
0xbc: {  	s28 =	simm.s32 $_size_execute0_lowered;
	s5 =	sadd.s32 s5, s7;
	[dreg:$0x0] =	wrdreg $0x0  }
0xbd: {  	s7 =	sshll.u32 s28, $0x1;
	[dreg:$0x2] =	wrdreg s5  }
0xbe: {  	[dreg:$0x3] =	wrdreg s7  }
0xbf: {  	[dreg:$0x4] =	wrdreg $0xC0  }
0xc0: {  	_ =	task [dreg:s22], $0x5FFFF  }
0xc1: {  	[dreg:$0x1] =	wrdreg $0xFFFFFFFF  }
0xc2: {  	[dreg:$0x0] =	wrdreg $0x60  }
0xc3: {  	[dreg:$0x2] =	wrdreg s18  }
0xc4: {  	[dreg:$0x3] =	wrdreg s24  }
0xc5: {  	[dreg:$0x4] =	wrdreg s17  }
0xc6: {  	[dreg:$0x5] =	wrdreg $0xA  }
0xc7: {  	_ =	task.clear_ibuf [dreg:s22], $0x6FFFF;
	_ =	strace $0x90000049  }
0xc8: {  	s29 =	simm.s32 $0xA;
	_ =	strace $0x8000004B  }
0xc9: {  	_ =	swait.ge [sflag:s29], $0x1  }
0xca: {  	[sflag:s29] =	ssyncadd.s32 $0xFFFFFFFF  }
0xcb: {  	_ =	strace $0x9000004B  }
0xcc: {  	_ =	sfence  }
0xcd: {  	s30 =	sld [smem:$0x0];
	_ =	sdelay $0x2  }
0xce: {  	s31 =	sshll.u32 s1, $0xD;
	s1 =	sshrl.u32 s1, $0x2  }
0xcf: {  	s4 =	sand.u32 $0x4000, s31;
	s1 =	sadd.s32 s1, s30  }
0xd0: {  	s0 =	sor.u32 s4, s0;
	s1 =	sshll.u32 s1, $0x11  }
0xd1: {  	s0 =	sor.u32 s1, s0  }
0xd2: {  	s0 =	sadd.s32 $0x8F2B, s0  }
0xd3: {  	[sflag:s0] =	ssyncadd.remote.s32 $0x1  }
0xd4: {  	_ =	sfence.sel $0xFFFF  }
0xd5: {  	[dreg:$0x0] =	wrdreg $0xFFFFFFFF;
	(pc) =	sbr.abs _section_cstart, $3  }
0xd6: {  	[dreg:$0x1] =	wrdreg $0xFFFFFFFF  }
0xd7: {  	_ =	task.clear_ibuf [dreg:s22], $0x2FFFF;
	_ =	strace $0x9FFFFFFF  }
0xd8: {  	(tm) =	ssettm $0x7FFFFFFF  }
0xd9: {  	_ =	shalt  }
tec
execute0_lowered:
.L_overlay_start_1:
0x0: {  	(tag) =	ssettag $0x1  }
0x1: {  	s1 =	rddreg [dreg:$0x0]  }
0x2: {  	s0 =	rddreg [dreg:$0x1]  }
0x3: {  	s2 =	rddreg [dreg:$0x2]  }
0x4: {  	s3 =	simm.s32 $0x0;
	s10 =	stileid.u32;
	s4 =	srdreg.scid  }
0x5: {  	s23 =	simm.s32 $0x10800;
	s24 =	simm.s32 $0x10980;
	s25 =	simm.s32 $0x10B00  }
0x6: {  	s26 =	simm.s32 $0x10C80;
	s28 =	simm.s32 $0x3;
	s29 =	simm.s32 $0x7  }
0x7: {  	s30 =	simm.s32 $0x4;
	s31 =	simm.s32 $0x8;
	[smem:$0x7FF] =	sst s3  }
0x8: {  	s5 =	sshll.u32 s10, $0x10;
	s6 =	sand.u32 $0x1, s4;
	s4 =	sadd.s32 $0x111C00, s0  }
0x9: {  	s8 =	sshll.u32 s10, $0xC;
	s10 =	smul.u32 $0x3000, s10;
	_ =	strace $0x8000004A  }
0xa: {  	s5 =	sadd.s32 s5, s0;
	s7 =	ssub.s32 $0x2, s6;
	[dreg:$0x4] =	wrdreg s23  }
0xb: {  	s9 =	sshll.u32 s6, $0xB;
	s13 =	smul.u32 $0x1800, s6;
	[dreg:$0x5] =	wrdreg s24  }
0xc: {  	s0 =	sadd.s32 $0x119C00, s0;
	s15 =	sshll.u32 s6, $0xF;
	[dreg:$0x6] =	wrdreg s25  }
0xd: {  	[dreg:$0x7] =	wrdreg s26;
	s23 =	simm.s32 $0x1;
	s24 =	simm.s32 $0x5  }
0xe: {  	s25 =	simm.s32 $0x2;
	s11 =	sshrl.u32 s7, $0x1;
	s8 =	sor.u32 s9, s8  }
0xf: {  	s26 =	simm.s32 $0x6;
	s7 =	ssub.s32 s7, s11;
	s14 =	sshrl.u32 s8, $0x3  }
0x10: {  	s16 =	sadd.s32 s13, s10;
	s18 =	smul.u32 $0x3, s8;
	s13 =	simm.s32 $0x80  }
0x11: {  	s10 =	simm.s32 $0x10;
	s11 =	simm.s32 $0x0;
	s2 =	sadd.s32 s2, s14  }
0x12: {  	s17 =	sshrl.u32 s16, $0x3;
	s7 =	smax.u32 s7, $0x1;
	s14 =	simm.s32 $0x800  }
0x13: {  	s16 =	simm.s32 $0x10E00;
	[dreg:$0x8] =	wrdreg s2;
	s2 =	sadd.s32 s15, s5  }
0x14: {  	[dreg:$0x9] =	wrdreg s7;
	s19 =	sadd.s32 s17, s0;
	s20 =	sor.u32 $0x480, s18  }
0x15: {  	s21 =	sor.u32 $0x300, s18;
	s6 =	sor.u32 $0x180, s18;
	s15 =	simm.s32 $0x180  }
0x16: {  	s17 =	simm.s32 $0x4800;
	s18 =	simm.s32 $0x10F80;
	s2 =	sadd.s32 $0x11FC00, s2  }
0x17: {  	[dreg:$0xb] =	wrdreg s19;
	s5 =	sshrl.u32 s21, $0x3;
	s6 =	sshrl.u32 s6, $0x3  }
0x18: {  	[dreg:$0xa] =	wrdreg s2;
	s2 =	sshrl.u32 s20, $0x3;
	s22 =	sadd.s32 s5, s0  }
0x19: {  	s19 =	simm.s32 $0x8800;
	s2 =	sadd.s32 s2, s0;
	[dreg:$0xd] =	wrdreg s22  }
0x1a: {  	s21 =	simm.s32 $0xC800;
	s0 =	sadd.s32 s6, s0;
	[dreg:$0xc] =	wrdreg s2  }
0x1b: {  	s20 =	simm.s32 $0x11100;
	s22 =	simm.s32 $0x11280;
	[dreg:$0xe] =	wrdreg s0  }
.LBB2_1:
0x1c: {  	s0 =	rddreg [dreg:$0x8];
	s12 =	simm.s32 $0x11  }
0x1d: {  	[tilespmem:s3], [sflag:$0x11] =	stream.linear.gather [hbm4b:s0+s3], $0x800, $0x38;
	[tilespmem:$0x11400] =	vst v63  }
0x1e: {  	_ =	swait.ge [sflag:s12], $0x800  }
0x1f: {  	s0 =	rddreg [dreg:$0xd]  }
0x20: {  	s2 =	rddreg [dreg:$0xc]  }
0x21: {  	s5 =	rddreg [dreg:$0xb]  }
0x22: {  	[sflag:s12] =	ssyncset.done $0x0;
	s6 =	rddreg [dreg:$0xa]  }
0x23: {  	s7 =	simm.s32 $0x0;
	[sflag:s12] =	ssyncadd.s32 $0xFFFFF800;
	s12 =	rddreg [dreg:$0xe]  }
.LBB2_2:
0x24: {  	p0 =	seq.s32 s7, $0x0  }
0x25: {  	s8 =	simm.s32 @!p0 $0x9  }
0x26: {  	_ =	swait.ge @!p0 [sflag:s8], $0x4000  }
0x27: {  	[sflag:s8] =	ssyncset.done @!p0 $0x0  }
0x28: {  	[sflag:s8] =	ssyncadd.s32 @!p0 $0xFFFFC000;
	s8 =	simm.s32 @!p0 $0xD  }
0x29: {  	_ =	swait.ge @!p0 [sflag:s8], $0x180  }
0x2a: {  	[sflag:s8] =	ssyncset.done @!p0 $0x0  }
0x2b: {  	[sflag:s8] =	ssyncadd.s32 @!p0 $0xFFFFFE80;
	s8 =	sshra.s32 s7, $0x2  }
0x2c: {  	[tilespmem:s14], [sflag:$0x1] =	stream.indirect.gather [hbm4b:s1+s13], $0x80, s8, s13, $0xb8;
	[tilespmem:$0x11400] =	vst v63  }
0x2d: {  	v0 =	vld [tilespmem:s8+$0x0];
	_ =	sdelay $0x4  }
0x2e: {  	v0 =	vshll.u32 v0, $0x4  }
0x2f: {  	[tilespmem:$0x10800] =	vst v0;
	v1 =	vor.u32 $0x1, v0  }
0x30: {  	v0 =	vor.u32 $0x2, v0;
	[tilespmem:$0x10880] =	vst v1  }
0x31: {  	[tilespmem:$0x10900] =	vst v0  }
0x32: {  	v0 =	vld [tilespmem:s8+$0x10];
	_ =	sdelay $0x4  }
0x33: {  	v0 =	vshll.u32 v0, $0x4  }
0x34: {  	[tilespmem:$0x10810] =	vst v0;
	v30 =	vor.u32 $0x1, v0  }
0x35: {  	v0 =	vor.u32 $0x2, v0;
	[tilespmem:$0x10890] =	vst v30  }
0x36: {  	[tilespmem:$0x10910] =	vst v0  }
0x37: {  	v0 =	vld [tilespmem:s8+$0x20];
	_ =	sdelay $0x4  }
0x38: {  	v0 =	vshll.u32 v0, $0x4  }
0x39: {  	[tilespmem:$0x10820] =	vst v0;
	v31 =	vor.u32 $0x1, v0  }
0x3a: {  	v0 =	vor.u32 $0x2, v0;
	[tilespmem:$0x108A0] =	vst v31  }
0x3b: {  	[tilespmem:$0x10920] =	vst v0  }
0x3c: {  	v0 =	vld [tilespmem:s8+$0x30];
	_ =	sdelay $0x4  }
0x3d: {  	v0 =	vshll.u32 v0, $0x4  }
0x3e: {  	[tilespmem:$0x10830] =	vst v0;
	v32 =	vor.u32 $0x1, v0  }
0x3f: {  	v0 =	vor.u32 $0x2, v0;
	[tilespmem:$0x108B0] =	vst v32  }
0x40: {  	[tilespmem:$0x10930] =	vst v0  }
0x41: {  	v0 =	vld [tilespmem:s8+$0x40];
	_ =	sdelay $0x4  }
0x42: {  	v0 =	vshll.u32 v0, $0x4  }
0x43: {  	[tilespmem:$0x10840] =	vst v0;
	v33 =	vor.u32 $0x1, v0  }
0x44: {  	v0 =	vor.u32 $0x2, v0;
	[tilespmem:$0x108C0] =	vst v33  }
0x45: {  	[tilespmem:$0x10940] =	vst v0  }
0x46: {  	v0 =	vld [tilespmem:s8+$0x50];
	_ =	sdelay $0x4  }
0x47: {  	v0 =	vshll.u32 v0, $0x4  }
0x48: {  	[tilespmem:$0x10850] =	vst v0;
	v34 =	vor.u32 $0x1, v0  }
0x49: {  	v0 =	vor.u32 $0x2, v0;
	[tilespmem:$0x108D0] =	vst v34  }
0x4a: {  	[tilespmem:$0x10950] =	vst v0  }
0x4b: {  	v0 =	vld [tilespmem:s8+$0x60];
	_ =	sdelay $0x4  }
0x4c: {  	v0 =	vshll.u32 v0, $0x4  }
0x4d: {  	[tilespmem:$0x10860] =	vst v0;
	v35 =	vor.u32 $0x1, v0  }
0x4e: {  	v0 =	vor.u32 $0x2, v0;
	[tilespmem:$0x108E0] =	vst v35  }
0x4f: {  	[tilespmem:$0x10960] =	vst v0  }
0x50: {  	v0 =	vld [tilespmem:s8+$0x70];
	_ =	sdelay $0x4  }
0x51: {  	v0 =	vshll.u32 v0, $0x4  }
0x52: {  	[tilespmem:$0x10870] =	vst v0;
	v36 =	vor.u32 $0x1, v0  }
0x53: {  	v0 =	vor.u32 $0x2, v0;
	[tilespmem:$0x108F0] =	vst v36  }
0x54: {  	s9 =	rddreg [dreg:$0x4];
	[tilespmem:$0x10970] =	vst v0  }
0x55: {  	[tilespmem:s16], [sflag:$0x5] =	stream.indirect.gather [hbm4b:s4+s15], $0x1, s9, s15, $0xb8;
	[tilespmem:$0x11400] =	vst v63  }
0x56: {  	s9 =	simm.s32 @!p0 $0xA  }
0x57: {  	_ =	swait.ge @!p0 [sflag:s9], $0x4000  }
0x58: {  	[sflag:s9] =	ssyncset.done @!p0 $0x0  }
0x59: {  	[sflag:s9] =	ssyncadd.s32 @!p0 $0xFFFFC000;
	s9 =	simm.s32 @!p0 $0xE  }
0x5a: {  	_ =	swait.ge @!p0 [sflag:s9], $0x180  }
0x5b: {  	[sflag:s9] =	ssyncset.done @!p0 $0x0  }
0x5c: {  	[sflag:s9] =	ssyncadd.s32 @!p0 $0xFFFFFE80;
	s9 =	sadd.s32 $0x80, s8  }
0x5d: {  	[tilespmem:s17], [sflag:$0x2] =	stream.indirect.gather [hbm4b:s1+s13], $0x80, s9, s13, $0xb8;
	[tilespmem:$0x11400] =	vst v63  }
0x5e: {  	v37 =	vld [tilespmem:s8+$0x80];
	_ =	sdelay $0x4  }
0x5f: {  	v0 =	vshll.u32 v37, $0x4  }
0x60: {  	[tilespmem:$0x10980] =	vst v0;
	v38 =	vor.u32 $0x1, v0  }
0x61: {  	v0 =	vor.u32 $0x2, v0;
	[tilespmem:$0x10A00] =	vst v38  }
0x62: {  	[tilespmem:$0x10A80] =	vst v0  }
0x63: {  	v0 =	vld [tilespmem:s8+$0x90];
	_ =	sdelay $0x4  }
0x64: {  	v0 =	vshll.u32 v0, $0x4  }
0x65: {  	[tilespmem:$0x10990] =	vst v0;
	v39 =	vor.u32 $0x1, v0  }
0x66: {  	v0 =	vor.u32 $0x2, v0;
	[tilespmem:$0x10A10] =	vst v39  }
0x67: {  	[tilespmem:$0x10A90] =	vst v0  }
0x68: {  	v0 =	vld [tilespmem:s8+$0xA0];
	_ =	sdelay $0x4  }
0x69: {  	v0 =	vshll.u32 v0, $0x4  }
0x6a: {  	[tilespmem:$0x109A0] =	vst v0;
	v40 =	vor.u32 $0x1, v0  }
0x6b: {  	v0 =	vor.u32 $0x2, v0;
	[tilespmem:$0x10A20] =	vst v40  }
0x6c: {  	[tilespmem:$0x10AA0] =	vst v0  }
0x6d: {  	v0 =	vld [tilespmem:s8+$0xB0];
	_ =	sdelay $0x4  }
0x6e: {  	v0 =	vshll.u32 v0, $0x4  }
0x6f: {  	[tilespmem:$0x109B0] =	vst v0;
	v41 =	vor.u32 $0x1, v0  }
0x70: {  	v0 =	vor.u32 $0x2, v0;
	[tilespmem:$0x10A30] =	vst v41  }
0x71: {  	[tilespmem:$0x10AB0] =	vst v0  }
0x72: {  	v0 =	vld [tilespmem:s8+$0xC0];
	_ =	sdelay $0x4  }
0x73: {  	v0 =	vshll.u32 v0, $0x4  }
0x74: {  	[tilespmem:$0x109C0] =	vst v0;
	v42 =	vor.u32 $0x1, v0  }
0x75: {  	v0 =	vor.u32 $0x2, v0;
	[tilespmem:$0x10A40] =	vst v42  }
0x76: {  	[tilespmem:$0x10AC0] =	vst v0  }
0x77: {  	v0 =	vld [tilespmem:s8+$0xD0];
	_ =	sdelay $0x4  }
0x78: {  	v0 =	vshll.u32 v0, $0x4  }
0x79: {  	[tilespmem:$0x109D0] =	vst v0;
	v43 =	vor.u32 $0x1, v0  }
0x7a: {  	v0 =	vor.u32 $0x2, v0;
	[tilespmem:$0x10A50] =	vst v43  }
0x7b: {  	[tilespmem:$0x10AD0] =	vst v0  }
0x7c: {  	v0 =	vld [tilespmem:s8+$0xE0];
	_ =	sdelay $0x4  }
0x7d: {  	v0 =	vshll.u32 v0, $0x4  }
0x7e: {  	[tilespmem:$0x109E0] =	vst v0;
	v44 =	vor.u32 $0x1, v0  }
0x7f: {  	v0 =	vor.u32 $0x2, v0;
	[tilespmem:$0x10A60] =	vst v44  }
0x80: {  	[tilespmem:$0x10AE0] =	vst v0  }
0x81: {  	v0 =	vld [tilespmem:s8+$0xF0];
	_ =	sdelay $0x4  }
0x82: {  	v0 =	vshll.u32 v0, $0x4  }
0x83: {  	[tilespmem:$0x109F0] =	vst v0;
	v45 =	vor.u32 $0x1, v0  }
0x84: {  	v0 =	vor.u32 $0x2, v0;
	[tilespmem:$0x10A70] =	vst v45  }
0x85: {  	s9 =	rddreg [dreg:$0x5];
	[tilespmem:$0x10AF0] =	vst v0  }
0x86: {  	[tilespmem:s18], [sflag:$0x6] =	stream.indirect.gather [hbm4b:s4+s15], $0x1, s9, s15, $0xb8;
	[tilespmem:$0x11400] =	vst v63  }
0x87: {  	s9 =	simm.s32 @!p0 $0xB  }
0x88: {  	_ =	swait.ge @!p0 [sflag:s9], $0x4000  }
0x89: {  	[sflag:s9] =	ssyncset.done @!p0 $0x0  }
0x8a: {  	[sflag:s9] =	ssyncadd.s32 @!p0 $0xFFFFC000;
	s9 =	simm.s32 @!p0 $0xF  }
0x8b: {  	_ =	swait.ge @!p0 [sflag:s9], $0x180  }
0x8c: {  	[sflag:s9] =	ssyncset.done @!p0 $0x0  }
0x8d: {  	[sflag:s9] =	ssyncadd.s32 @!p0 $0xFFFFFE80;
	s9 =	sadd.s32 $0x100, s8  }
0x8e: {  	[tilespmem:s19], [sflag:$0x3] =	stream.indirect.gather [hbm4b:s1+s13], $0x80, s9, s13, $0xb8;
	[tilespmem:$0x11400] =	vst v63  }
0x8f: {  	v46 =	vld [tilespmem:s8+$0x100];
	_ =	sdelay $0x4  }
0x90: {  	v0 =	vshll.u32 v46, $0x4  }
0x91: {  	[tilespmem:$0x10B00] =	vst v0;
	v47 =	vor.u32 $0x1, v0  }
0x92: {  	v0 =	vor.u32 $0x2, v0;
	[tilespmem:$0x10B80] =	vst v47  }
0x93: {  	[tilespmem:$0x10C00] =	vst v0  }
0x94: {  	v0 =	vld [tilespmem:s8+$0x110];
	_ =	sdelay $0x4  }
0x95: {  	v0 =	vshll.u32 v0, $0x4  }
0x96: {  	[tilespmem:$0x10B10] =	vst v0;
	v48 =	vor.u32 $0x1, v0  }
0x97: {  	v0 =	vor.u32 $0x2, v0;
	[tilespmem:$0x10B90] =	vst v48  }
0x98: {  	[tilespmem:$0x10C10] =	vst v0  }
0x99: {  	v0 =	vld [tilespmem:s8+$0x120];
	_ =	sdelay $0x4  }
0x9a: {  	v0 =	vshll.u32 v0, $0x4  }
0x9b: {  	[tilespmem:$0x10B20] =	vst v0;
	v49 =	vor.u32 $0x1, v0  }
0x9c: {  	v0 =	vor.u32 $0x2, v0;
	[tilespmem:$0x10BA0] =	vst v49  }
0x9d: {  	[tilespmem:$0x10C20] =	vst v0  }
0x9e: {  	v0 =	vld [tilespmem:s8+$0x130];
	_ =	sdelay $0x4  }
0x9f: {  	v0 =	vshll.u32 v0, $0x4  }
0xa0: {  	[tilespmem:$0x10B30] =	vst v0;
	v50 =	vor.u32 $0x1, v0  }
0xa1: {  	v0 =	vor.u32 $0x2, v0;
	[tilespmem:$0x10BB0] =	vst v50  }
0xa2: {  	[tilespmem:$0x10C30] =	vst v0  }
0xa3: {  	v0 =	vld [tilespmem:s8+$0x140];
	_ =	sdelay $0x4  }
0xa4: {  	v0 =	vshll.u32 v0, $0x4  }
0xa5: {  	[tilespmem:$0x10B40] =	vst v0;
	v51 =	vor.u32 $0x1, v0  }
0xa6: {  	v0 =	vor.u32 $0x2, v0;
	[tilespmem:$0x10BC0] =	vst v51  }
0xa7: {  	[tilespmem:$0x10C40] =	vst v0  }
0xa8: {  	v0 =	vld [tilespmem:s8+$0x150];
	_ =	sdelay $0x4  }
0xa9: {  	v0 =	vshll.u32 v0, $0x4  }
0xaa: {  	[tilespmem:$0x10B50] =	vst v0;
	v52 =	vor.u32 $0x1, v0  }
0xab: {  	v0 =	vor.u32 $0x2, v0;
	[tilespmem:$0x10BD0] =	vst v52  }
0xac: {  	[tilespmem:$0x10C50] =	vst v0  }
0xad: {  	v0 =	vld [tilespmem:s8+$0x160];
	_ =	sdelay $0x4  }
0xae: {  	v0 =	vshll.u32 v0, $0x4  }
0xaf: {  	[tilespmem:$0x10B60] =	vst v0;
	v53 =	vor.u32 $0x1, v0  }
0xb0: {  	v0 =	vor.u32 $0x2, v0;
	[tilespmem:$0x10BE0] =	vst v53  }
0xb1: {  	[tilespmem:$0x10C60] =	vst v0  }
0xb2: {  	v0 =	vld [tilespmem:s8+$0x170];
	_ =	sdelay $0x4  }
0xb3: {  	v0 =	vshll.u32 v0, $0x4  }
0xb4: {  	[tilespmem:$0x10B70] =	vst v0;
	v54 =	vor.u32 $0x1, v0  }
0xb5: {  	v0 =	vor.u32 $0x2, v0;
	[tilespmem:$0x10BF0] =	vst v54  }
0xb6: {  	s9 =	rddreg [dreg:$0x6];
	[tilespmem:$0x10C70] =	vst v0  }
0xb7: {  	[tilespmem:s20], [sflag:$0x7] =	stream.indirect.gather [hbm4b:s4+s15], $0x1, s9, s15, $0xb8;
	[tilespmem:$0x11400] =	vst v63  }
0xb8: {  	s9 =	simm.s32 @!p0 $0xC  }
0xb9: {  	_ =	swait.ge @!p0 [sflag:s9], $0x4000  }
0xba: {  	[sflag:s9] =	ssyncset.done @!p0 $0x0  }
0xbb: {  	[sflag:s9] =	ssyncadd.s32 @!p0 $0xFFFFC000;
	s9 =	simm.s32 @!p0 $0x10  }
0xbc: {  	_ =	swait.ge @!p0 [sflag:s9], $0x180  }
0xbd: {  	[sflag:s9] =	ssyncset.done @!p0 $0x0  }
0xbe: {  	[sflag:s9] =	ssyncadd.s32 @!p0 $0xFFFFFE80;
	s9 =	sadd.s32 $0x180, s8  }
0xbf: {  	[tilespmem:s21], [sflag:$0x4] =	stream.indirect.gather [hbm4b:s1+s13], $0x80, s9, s13, $0xb8;
	[tilespmem:$0x11400] =	vst v63  }
0xc0: {  	v55 =	vld [tilespmem:s8+$0x180];
	_ =	sdelay $0x4  }
0xc1: {  	v0 =	vshll.u32 v55, $0x4  }
0xc2: {  	[tilespmem:$0x10C80] =	vst v0;
	v56 =	vor.u32 $0x1, v0  }
0xc3: {  	v0 =	vor.u32 $0x2, v0;
	[tilespmem:$0x10D00] =	vst v56  }
0xc4: {  	[tilespmem:$0x10D80] =	vst v0  }
0xc5: {  	v0 =	vld [tilespmem:s8+$0x190];
	_ =	sdelay $0x4  }
0xc6: {  	v0 =	vshll.u32 v0, $0x4  }
0xc7: {  	[tilespmem:$0x10C90] =	vst v0;
	v57 =	vor.u32 $0x1, v0  }
0xc8: {  	v0 =	vor.u32 $0x2, v0;
	[tilespmem:$0x10D10] =	vst v57  }
0xc9: {  	[tilespmem:$0x10D90] =	vst v0  }
0xca: {  	v0 =	vld [tilespmem:s8+$0x1A0];
	_ =	sdelay $0x4  }
0xcb: {  	v0 =	vshll.u32 v0, $0x4  }
0xcc: {  	[tilespmem:$0x10CA0] =	vst v0;
	v58 =	vor.u32 $0x1, v0  }
0xcd: {  	v0 =	vor.u32 $0x2, v0;
	[tilespmem:$0x10D20] =	vst v58  }
0xce: {  	[tilespmem:$0x10DA0] =	vst v0  }
0xcf: {  	v0 =	vld [tilespmem:s8+$0x1B0];
	_ =	sdelay $0x4  }
0xd0: {  	v0 =	vshll.u32 v0, $0x4  }
0xd1: {  	[tilespmem:$0x10CB0] =	vst v0;
	v59 =	vor.u32 $0x1, v0  }
0xd2: {  	v0 =	vor.u32 $0x2, v0;
	[tilespmem:$0x10D30] =	vst v59  }
0xd3: {  	[tilespmem:$0x10DB0] =	vst v0  }
0xd4: {  	v0 =	vld [tilespmem:s8+$0x1C0];
	_ =	sdelay $0x4  }
0xd5: {  	v0 =	vshll.u32 v0, $0x4  }
0xd6: {  	[tilespmem:$0x10CC0] =	vst v0;
	v60 =	vor.u32 $0x1, v0  }
0xd7: {  	v0 =	vor.u32 $0x2, v0;
	[tilespmem:$0x10D40] =	vst v60  }
0xd8: {  	[tilespmem:$0x10DC0] =	vst v0  }
0xd9: {  	v0 =	vld [tilespmem:s8+$0x1D0];
	_ =	sdelay $0x4  }
0xda: {  	v0 =	vshll.u32 v0, $0x4  }
0xdb: {  	[tilespmem:$0x10CD0] =	vst v0;
	v61 =	vor.u32 $0x1, v0  }
0xdc: {  	v0 =	vor.u32 $0x2, v0;
	[tilespmem:$0x10D50] =	vst v61  }
0xdd: {  	[tilespmem:$0x10DD0] =	vst v0  }
0xde: {  	v0 =	vld [tilespmem:s8+$0x1E0];
	_ =	sdelay $0x4  }
0xdf: {  	v0 =	vshll.u32 v0, $0x4  }
0xe0: {  	[tilespmem:$0x10CE0] =	vst v0;
	v62 =	vor.u32 $0x1, v0  }
0xe1: {  	v0 =	vor.u32 $0x2, v0;
	[tilespmem:$0x10D60] =	vst v62  }
0xe2: {  	[tilespmem:$0x10DE0] =	vst v0  }
0xe3: {  	v0 =	vld [tilespmem:s8+$0x1F0];
	_ =	sdelay $0x4  }
0xe4: {  	v0 =	vshll.u32 v0, $0x4  }
0xe5: {  	[tilespmem:$0x10CF0] =	vst v0;
	v63 =	vor.u32 $0x1, v0  }
0xe6: {  	v0 =	vor.u32 $0x2, v0;
	[tilespmem:$0x10D70] =	vst v63  }
0xe7: {  	s9 =	rddreg [dreg:$0x7];
	[tilespmem:$0x10DF0] =	vst v0  }
0xe8: {  	[tilespmem:s22], [sflag:$0x8] =	stream.indirect.gather [hbm4b:s4+s15], $0x1, s9, s15, $0xb8;
	[tilespmem:$0x11400] =	vst v63  }
0xe9: {  	_ =	swait.ge [sflag:s23], $0x4000  }
0xea: {  	[sflag:s23] =	ssyncset.done $0x0  }
0xeb: {  	[sflag:s23] =	ssyncadd.s32 $0xFFFFC000  }
0xec: {  	_ =	swait.ge [sflag:s24], $0x180  }
0xed: {  	[sflag:s24] =	ssyncset.done $0x0  }
0xee: {  	[sflag:s24] =	ssyncadd.s32 $0xFFFFFE80  }
0xef: {  	[hbm4b:s6+s3] =	stream.linear.scatter [tilespmem:s14], [sflag:$0x9], $0x4000, $0x38;
	[tilespmem:$0x11400] =	vst v63  }
0xf0: {  	_ = 	snop  }
0xf1: {  	[hbm4b:s5+s3] =	stream.linear.scatter [tilespmem:s16], [sflag:$0xD], $0x180, $0x38;
	[tilespmem:$0x11400] =	vst v63  }
0xf2: {  	_ =	swait.ge [sflag:s25], $0x4000  }
0xf3: {  	[sflag:s25] =	ssyncset.done $0x0  }
0xf4: {  	[sflag:s25] =	ssyncadd.s32 $0xFFFFC000  }
0xf5: {  	_ =	swait.ge [sflag:s26], $0x180  }
0xf6: {  	[sflag:s26] =	ssyncset.done $0x0  }
0xf7: {  	s9 =	sadd.s32 $0x800, s6;
	[sflag:s26] =	ssyncadd.s32 $0xFFFFFE80  }
0xf8: {  	[hbm4b:s9+s3] =	stream.linear.scatter [tilespmem:s17], [sflag:$0xA], $0x4000, $0x38;
	[tilespmem:$0x11400] =	vst v63  }
0xf9: {  	_ = 	snop  }
0xfa: {  	[hbm4b:s12+s3] =	stream.linear.scatter [tilespmem:s18], [sflag:$0xE], $0x180, $0x38;
	[tilespmem:$0x11400] =	vst v63  }
0xfb: {  	_ =	swait.ge [sflag:s28], $0x4000  }
0xfc: {  	[sflag:s28] =	ssyncset.done $0x0  }
0xfd: {  	[sflag:s28] =	ssyncadd.s32 $0xFFFFC000  }
0xfe: {  	_ =	swait.ge [sflag:s29], $0x180  }
0xff: {  	[sflag:s29] =	ssyncset.done $0x0  }
0x100: {  	s9 =	sadd.s32 $0x1000, s6;
	[sflag:s29] =	ssyncadd.s32 $0xFFFFFE80  }
0x101: {  	[hbm4b:s9+s3] =	stream.linear.scatter [tilespmem:s19], [sflag:$0xB], $0x4000, $0x38;
	[tilespmem:$0x11400] =	vst v63  }
0x102: {  	_ = 	snop  }
0x103: {  	[hbm4b:s0+s3] =	stream.linear.scatter [tilespmem:s20], [sflag:$0xF], $0x180, $0x38;
	[tilespmem:$0x11400] =	vst v63  }
0x104: {  	_ =	swait.ge [sflag:s30], $0x4000  }
0x105: {  	[sflag:s30] =	ssyncset.done $0x0  }
0x106: {  	[sflag:s30] =	ssyncadd.s32 $0xFFFFC000  }
0x107: {  	s7 =	sadd.s32 $0x800, s7;
	_ =	swait.ge [sflag:s31], $0x180  }
0x108: {  	p0 =	sne.s32 s7, $0x2000;
	[sflag:s31] =	ssyncset.done $0x0  }
.Ltmp0:
0x109: {  	s9 =	sadd.s32 $0x1800, s6;
	[sflag:s31] =	ssyncadd.s32 $0xFFFFFE80;
	(pc) =	sbr.rel @p0 .LBB2_2-.Ltmp0, $4  }
0x10a: {  	[hbm4b:s9+s3] =	stream.linear.scatter [tilespmem:s21], [sflag:$0xC], $0x4000, $0x38;
	[tilespmem:$0x11400] =	vst v63  }
0x10b: {  	s5 =	sadd.s32 $0xC0, s5;
	s12 =	sadd.s32 $0xC0, s12  }
0x10c: {  	[hbm4b:s2+s3] =	stream.linear.scatter [tilespmem:s22], [sflag:$0x10], $0x180, $0x38;
	[tilespmem:$0x11400] =	vst v63  }
0x10d: {  	s6 =	sadd.s32 $0x2000, s6;
	s0 =	sadd.s32 $0xC0, s0;
	s2 =	sadd.s32 $0xC0, s2  }
0x10e: {  	s0 =	simm.s32 $0x9  }
0x10f: {  	_ =	swait.ge [sflag:s0], $0x4000  }
0x110: {  	[sflag:s0] =	ssyncset.done $0x0  }
0x111: {  	s2 =	simm.s32 $0xD;
	[sflag:s0] =	ssyncadd.s32 $0xFFFFC000  }
0x112: {  	_ =	swait.ge [sflag:s2], $0x180  }
0x113: {  	[sflag:s2] =	ssyncset.done $0x0  }
0x114: {  	s5 =	simm.s32 $0xA;
	[sflag:s2] =	ssyncadd.s32 $0xFFFFFE80  }
0x115: {  	_ =	swait.ge [sflag:s5], $0x4000  }
0x116: {  	[sflag:s5] =	ssyncset.done $0x0  }
0x117: {  	s6 =	simm.s32 $0xE;
	[sflag:s5] =	ssyncadd.s32 $0xFFFFC000  }
0x118: {  	_ =	swait.ge [sflag:s6], $0x180  }
0x119: {  	[sflag:s6] =	ssyncset.done $0x0  }
0x11a: {  	s7 =	simm.s32 $0xB;
	[sflag:s6] =	ssyncadd.s32 $0xFFFFFE80  }
0x11b: {  	_ =	swait.ge [sflag:s7], $0x4000  }
0x11c: {  	[sflag:s7] =	ssyncset.done $0x0  }
0x11d: {  	s8 =	simm.s32 $0xF;
	[sflag:s7] =	ssyncadd.s32 $0xFFFFC000  }
0x11e: {  	_ =	swait.ge [sflag:s8], $0x180  }
0x11f: {  	[sflag:s8] =	ssyncset.done $0x0  }
0x120: {  	s9 =	simm.s32 $0xC;
	[sflag:s8] =	ssyncadd.s32 $0xFFFFFE80  }
0x121: {  	_ =	swait.ge [sflag:s9], $0x4000  }
0x122: {  	[sflag:s9] =	ssyncset.done $0x0  }
0x123: {  	[sflag:s9] =	ssyncadd.s32 $0xFFFFC000  }
0x124: {  	_ =	swait.ge [sflag:s10], $0x180  }
0x125: {  	s11 =	sadd.s32 $0x1, s11;
	s12 =	rddreg [dreg:$0x9]  }
0x126: {  	p0 =	sne.s32 s11, s12  }
.Ltmp1:
0x127: {  	_ = 	snop;
	(pc) =	sbr.rel @p0 .LBB2_1-.Ltmp1, $3  }
0x128: {  	_ =	sdelay $0x1  }
0x129: {  	[sflag:s10] =	ssyncset.done $0x0  }
0x12a: {  	[sflag:s10] =	ssyncadd.s32 $0xFFFFFE80  }
0x12b: {  	_ =	sfence.sel $0x180000  }
0x12c: {  	[bflag:$0x0] =	sbarrier.arrive $0xFFFF  }
0x12d: {  	_ =	strace $0x9000004A  }
0x12e: {  	s0 =	stileid.u32;
	[bflag:$0x2] =	sbarrier.arrive $0xFFFF  }
0x12f: {  	p0 =	sne.s32 s0, $0x0;
	s0 =	rddreg [dreg:$0x3]  }
0x130: {  	s0 =	sadd.s32 @!p0 $0x100000, s0  }
0x131: {  	[sflag:s0] =	ssyncadd.tile.s32 @!p0 $0x1;
	_ =	shalt  }
.Lfunc_end2:
_tile_overlayer_lowered:
.L_overlay_start_2:
0x132: {  	(tag) =	ssettag $0x2  }
0x133: {  	s0 =	rddreg [dreg:$0x0];
	s2 =	stileid.u32  }
0x134: {  	s1 =	rddreg [dreg:$0x1];
	p0 =	sne.s32 s2, $0x0  }
0x135: {  	s3 =	rddreg [dreg:$0x2];
	[bflag:$0x3] =	sbarrier.arrive $0xFFFF;
	s2 =	simm.s32 @!p0 $0x1C11  }
0x136: {  	[timem:s3], [sflag:s2] =	dma.local @!p0 [hbm:s0], s1  }
0x137: {  	s0 =	simm.s32 @!p0 $0x11  }
0x138: {  	_ =	swait.ge @!p0 [sflag:s0], s1  }
0x139: {  	s1 =	ssub.s32 @!p0 $0x0, s1;
	[sflag:s0] =	ssyncset.done @!p0 $0x0  }
0x13a: {  	[sflag:s0] =	ssyncadd.s32 @!p0 s1  }
0x13b: {  	[bflag:$0x3] =	sbarrier.arrive $0xFFFF  }
0x13c: {  	_ =	shalt  }

// kernel: kernel.17.cloned.1.call-start
scs
__scs_entry_jumppad:
0x0: {  	(pc) =	sbr.rel $0x88, $3  }
0x1: {  	(tag) =	ssettag $0x0;
	lr =	simm.s32 $0x1  }
0x2: {  	[smem:$0x3F78] =	sst lr;
	_ =	strace $0xD0000000  }
0x3: {  	_ = 	snop  }
0x4: {  	_ = 	snop  }
0x5: {  	_ = 	snop  }
0x6: {  	_ = 	snop  }
0x7: {  	_ = 	snop  }
__scs_overlays_trampoline_lowered:
0x8: {  	[smem:$0x3F87] =	sst s0  }
0x9: {  	[smem:$0x3F88] =	sst s1  }
0xa: {  	[smem:$0x3F89] =	sst s2  }
0xb: {  	[smem:$0x3F8A] =	sst s3  }
0xc: {  	[smem:$0x3F8B] =	sst s4  }
0xd: {  	[smem:$0x3F8C] =	sst s5  }
0xe: {  	[smem:$0x3F8D] =	sst s6  }
0xf: {  	[smem:$0x3F8E] =	sst s7  }
0x10: {  	[smem:$0x3F8F] =	sst s8  }
0x11: {  	[smem:$0x3F90] =	sst s9;
	s0 =	simm.s32 @!p0 $0x0  }
0x12: {  	s1 =	sld [smem:$0x3F76];
	s0 =	simm.s32 @p0 $0x1  }
0x13: {  	[smem:$0x3F91] =	sst s0;
	s0 =	simm.s32 @!p1 $0x0  }
0x14: {  	s2 =	sld [smem:$0x3F75];
	s0 =	simm.s32 @p1 $0x1  }
0x15: {  	[smem:$0x3F92] =	sst s0;
	s0 =	simm.s32 @!p2 $0x0  }
0x16: {  	s3 =	sld [smem:$0x3FDB];
	s0 =	simm.s32 @p2 $0x1  }
0x17: {  	s4 =	simm.s32 $0x1BF5;
	[smem:$0x3F94] =	sst s0  }
0x18: {  	s0 =	sld [smem:$0x3F77];
	_ =	swait.ge [sflag:s4], $0x0  }
0x19: {  	s7 =	sld [smem:$0x3F78]  }
0x1a: {  	s8 =	sadd.s32 $0xFFFFE003, lr  }
0x1b: {  	s9 =	sadd.s32 $0xFFFFFEF7, lr;
	s5 =	simm.s32 $0xFFFFFFFF;
	p2 =	slt.u32 s8, $0xFFFFF086  }
0x1c: {  	p1 =	slt.u32 s9, $0xF7A;
	s5 =	simm.s32 @!p2 $0x0  }
0x1d: {  	s5 =	simm.s32 @p1 $0x1;
	p0 =	seq.s32 s7, s2  }
0x1e: {  	s7 =	smul.u32 @!p0 $0xF7A, s2;
	p2 =	seq.s32 @!p0 s5, $0x0  }
0x1f: {  	s9 =	smul.u32 $0xF7A, s1;
	s8 =	simm.s32 @!p0 $0x1BF5;
	p2 =	por !p2, p0  }
0x20: {  	[sflag:s8] =	ssyncset.s32 @!p0 $0xFFFFF086;
	s6 =	sadd.s32 @!p0 s3, s7;
	s7 =	simm.s32 @!p0 $0x108  }
0x21: {  	s3 =	sadd.s32 s3, s9;
	s6 =	sadd.s32 @!p0 $0x88, s6;
	s7 =	simm.s32 @p2 $0x1082  }
0x22: {  	[simem:s7], [sflag:s8] =	dma.local @!p0 [hbm:s6], $0xF7A  }
0x23: {  	s9 =	sor.u32 $0xD0000000, s2;
	s6 =	simm.s32 $0x108;
	_ =	swait.ge @!p0 [sflag:s8], $0x0  }
0x24: {  	s3 =	sadd.s32 $0x88, s3;
	s6 =	simm.s32 @!p1 $0x1082;
	[sflag:s4] =	ssyncset.s32 $0xFFFFF086  }
0x25: {  	[simem:s6], [sflag:s4] =	dma.local [hbm:s3], $0xF7A  }
0x26: {  	[smem:$0x3F78] =	sst s1;
	(tag) =	ssettag s2;
	_ =	strace s9  }
0x27: {  	s1 =	sld [smem:$0x3F88]  }
0x28: {  	s2 =	sld [smem:$0x3F89]  }
0x29: {  	s4 =	sld [smem:$0x3F8B]  }
0x2a: {  	p0 =	seq.s32 s5, $0x0;
	s5 =	sld [smem:$0x3F8C]  }
0x2b: {  	s6 =	sld [smem:$0x3F8D]  }
0x2c: {  	s7 =	sld [smem:$0x3F8E]  }
0x2d: {  	s3 =	simm.s32 $0x108;
	s8 =	sld [smem:$0x3F8F]  }
0x2e: {  	s3 =	simm.s32 @!p0 $0x1082;
	s9 =	sld [smem:$0x3F90]  }
0x2f: {  	lr =	sadd.s32 s0, s3;
	s0 =	sld [smem:$0x3F87]  }
0x30: {  	s3 =	sld [smem:$0x3F8A]  }
0x31: {  	[smem:$0x3F93] =	sst s10  }
0x32: {  	s10 =	sld [smem:$0x3F91];
	_ =	sdelay $0x3  }
0x33: {  	p0 =	seq.s32 s10, $0x1;
	s10 =	sld [smem:$0x3F93];
	_ =	sdelay $0x3  }
0x34: {  	[smem:$0x3F93] =	sst s10  }
0x35: {  	s10 =	sld [smem:$0x3F92];
	_ =	sdelay $0x3  }
0x36: {  	p1 =	seq.s32 s10, $0x1;
	s10 =	sld [smem:$0x3F93];
	_ =	sdelay $0x3  }
0x37: {  	[smem:$0x3F93] =	sst s10  }
0x38: {  	s10 =	sld [smem:$0x3F94]  }
0x39: {  	_ = 	snop;
	(pc) =	sbr.ind lr, $3  }
0x3a: {  	_ = 	snop  }
0x3b: {  	_ = 	snop  }
0x3c: {  	p2 =	seq.s32 s10, $0x1;
	s10 =	sld [smem:$0x3F93]  }
0x3d: {  	_ =	shalt  }
0x3e: {  	_ =	shalt  }
0x3f: {  	_ =	shalt  }
0x40: {  	_ =	shalt  }
0x41: {  	_ =	shalt  }
0x42: {  	_ =	shalt  }
0x43: {  	_ =	shalt  }
0x44: {  	_ =	shalt  }
0x45: {  	_ =	shalt  }
0x46: {  	_ =	shalt  }
0x47: {  	_ =	shalt  }
0x48: {  	_ =	shalt  }
0x49: {  	_ =	shalt  }
0x4a: {  	_ =	shalt  }
0x4b: {  	_ =	shalt  }
0x4c: {  	_ =	shalt  }
0x4d: {  	_ =	shalt  }
0x4e: {  	_ =	shalt  }
0x4f: {  	_ =	shalt  }
0x50: {  	_ =	shalt  }
0x51: {  	_ =	shalt  }
0x52: {  	_ =	shalt  }
0x53: {  	_ =	shalt  }
0x54: {  	_ =	shalt  }
0x55: {  	_ =	shalt  }
0x56: {  	_ =	shalt  }
0x57: {  	_ =	shalt  }
0x58: {  	_ =	shalt  }
0x59: {  	_ =	shalt  }
0x5a: {  	_ =	shalt  }
0x5b: {  	_ =	shalt  }
0x5c: {  	_ =	shalt  }
0x5d: {  	_ =	shalt  }
0x5e: {  	_ =	shalt  }
0x5f: {  	_ =	shalt  }
0x60: {  	_ =	shalt  }
0x61: {  	_ =	shalt  }
0x62: {  	_ =	shalt  }
0x63: {  	_ =	shalt  }
0x64: {  	_ =	shalt  }
0x65: {  	_ =	shalt  }
0x66: {  	_ =	shalt  }
0x67: {  	_ =	shalt  }
0x68: {  	_ =	shalt  }
0x69: {  	_ =	shalt  }
0x6a: {  	_ =	shalt  }
0x6b: {  	_ =	shalt  }
0x6c: {  	_ =	shalt  }
0x6d: {  	_ =	shalt  }
0x6e: {  	_ =	shalt  }
0x6f: {  	_ =	shalt  }
0x70: {  	_ =	shalt  }
0x71: {  	_ =	shalt  }
0x72: {  	_ =	shalt  }
0x73: {  	_ =	shalt  }
0x74: {  	_ =	shalt  }
0x75: {  	_ =	shalt  }
0x76: {  	_ =	shalt  }
0x77: {  	_ =	shalt  }
0x78: {  	_ =	shalt  }
0x79: {  	_ =	shalt  }
0x7a: {  	_ =	shalt  }
0x7b: {  	_ =	shalt  }
0x7c: {  	_ =	shalt  }
0x7d: {  	_ =	shalt  }
0x7e: {  	_ =	shalt  }
0x7f: {  	_ =	shalt  }
0x80: {  	_ =	shalt  }
0x81: {  	_ =	shalt  }
0x82: {  	_ =	shalt  }
0x83: {  	_ =	shalt  }
0x84: {  	_ =	shalt  }
0x85: {  	_ =	shalt  }
0x86: {  	_ =	shalt  }
0x87: {  	_ =	shalt  }
.Lfunc_end0:
.L_simem_size_0:
called_computation.2_lowered:
.L_overlay_start_0:
0x88: {  	s2 =	sld [smem:$0x3FD9]  }
0x89: {  	s3 =	sld [smem:$0x3FFE];
	_ =	sdelay $0x1  }
0x8a: {  	s1 =	srdreg.scid  }
0x8b: {  	s0 =	sand.u32 $0x1, s1  }
0x8c: {  	s14 =	sshll.u32 s0, $0xA;
	s2 =	sadd.s32 s3, s2  }
0x8d: {  	s2 =	sadd.s32 s2, s14  }
0x8e: {  	[smem:$0x3F9F] =	sst s2  }
0x8f: {  	_ = 	snop  }
0x90: {  	s2 =	sld [smem:$0x3FD0];
	_ =	sdelay $0x2  }
0x91: {  	s15 =	simm.s32 $0xB;
	s4 =	simm.s32 $0x10  }
0x92: {  	[smem:s4], [sflag:s15] =	dma.local [hbm:s2], $0x1  }
0x93: {  	_ =	swait.eq [sflag:s15], $0x1  }
0x94: {  	[sflag:s15] =	ssyncset.done $0x0  }
0x95: {  	[sflag:s15] =	ssyncadd.s32 $0xFFFFFFFF  }
0x96: {  	s16 =	sld [smem:$0x14];
	(tm) =	ssettm $0x1  }
0x97: {  	s17 =	sld [smem:$0x3FFB];
	_ =	sdelay $0x3  }
0x98: {  	_ =	strace s17  }
0x99: {  	s3 =	sld [smem:$0x3FFC];
	_ =	sdelay $0x3  }
0x9a: {  	_ =	strace s3  }
0x9b: {  	s3 =	sld [smem:$0x3FFD];
	_ =	sdelay $0x3  }
0x9c: {  	_ =	strace s3  }
0x9d: {  	_ =	strace $0x8FFFFFFF  }
0x9e: {  	s18 =	sld [smem:$0x3FDB];
	_ =	sdelay $0x1  }
0x9f: {  	s19 =	simm.s32 $_scs_section_size  }
0xa0: {  	s5 =	simm.s32 $_size__tile_overlayer_lowered;
	s6 =	simm.s32 $_tile_overlayer_lowered  }
0xa1: {  	s22 =	simm.s32 $0x1BFF;
	s21 =	sshll.u32 s6, $0x1;
	s3 =	sadd.s32 s19, s18  }
0xa2: {  	s7 =	simm.s32 $0x0;
	s20 =	sshll.u32 s5, $0x1;
	s5 =	sadd.s32 s21, s3  }
0xa3: {  	[timem:s7], [sflag:s22] =	dma.local [hbm:s5], s20  }
0xa4: {  	_ =	swait.ge [sflag:s22], s20  }
0xa5: {  	s4 =	ssub.s32 $0x0, s20;
	[sflag:s22] =	ssyncset.done $0x0  }
0xa6: {  	[sflag:s22] =	ssyncadd.s32 s4;
	_ =	sdelay $0x1  }
0xa7: {  	s23 =	simm.s32 $0x1B8B  }
0xa8: {  	_ =	swait.ge [sflag:s23], $0x1  }
0xa9: {  	[sflag:s23] =	ssyncset.done $0x0  }
0xaa: {  	s25 =	simm.s32 $0x1B8E;
	s24 =	sld [smem:$0x3FFE];
	[sflag:s23] =	ssyncadd.s32 $0xFFFFFFFF  }
0xab: {  	s26 =	simm.s32 $execute0_lowered;
	[smem:$0x3FD2] =	sst s25  }
0xac: {  	s5 =	sshll.u32 s26, $0x1;
	_ =	strace $0x8000004C;
	[dreg:$0x1] =	wrdreg $0xFFFFFFFF  }
0xad: {  	s28 =	simm.s32 $_size_execute0_lowered;
	s3 =	sadd.s32 s3, s5;
	[dreg:$0x0] =	wrdreg $0x0  }
0xae: {  	s5 =	sshll.u32 s28, $0x1;
	[dreg:$0x2] =	wrdreg s3  }
0xaf: {  	[dreg:$0x3] =	wrdreg s5  }
0xb0: {  	[dreg:$0x4] =	wrdreg $0xC0  }
0xb1: {  	_ =	task [dreg:s7], $0x5FFFF  }
0xb2: {  	[dreg:$0x1] =	wrdreg $0xFFFFFFFF  }
0xb3: {  	[dreg:$0x0] =	wrdreg $0x60  }
0xb4: {  	[dreg:$0x2] =	wrdreg s24  }
0xb5: {  	[dreg:$0x3] =	wrdreg s16  }
0xb6: {  	[dreg:$0x4] =	wrdreg $0x9  }
0xb7: {  	_ =	task.clear_ibuf [dreg:s7], $0x5FFFF;
	_ =	strace $0x9000004C  }
0xb8: {  	s29 =	simm.s32 $0x9;
	_ =	strace $0x8000004E  }
0xb9: {  	_ =	swait.ge [sflag:s29], $0x1  }
0xba: {  	[sflag:s29] =	ssyncadd.s32 $0xFFFFFFFF  }
0xbb: {  	_ =	strace $0x9000004E  }
0xbc: {  	_ =	sfence  }
0xbd: {  	s30 =	sld [smem:$0x0];
	_ =	sdelay $0x2  }
0xbe: {  	s31 =	sshll.u32 s1, $0xD;
	s1 =	sshrl.u32 s1, $0x2  }
0xbf: {  	s3 =	sand.u32 $0x4000, s31;
	s1 =	sadd.s32 s1, s30  }
0xc0: {  	s0 =	sor.u32 s3, s0;
	s1 =	sshll.u32 s1, $0x11  }
0xc1: {  	s0 =	sor.u32 s1, s0  }
0xc2: {  	s0 =	sadd.s32 $0x8F2B, s0  }
0xc3: {  	[sflag:s0] =	ssyncadd.remote.s32 $0x1  }
0xc4: {  	_ =	sfence.sel $0xFFFF  }
0xc5: {  	[dreg:$0x0] =	wrdreg $0xFFFFFFFF;
	(pc) =	sbr.abs _section_cstart, $3  }
0xc6: {  	[dreg:$0x1] =	wrdreg $0xFFFFFFFF  }
0xc7: {  	_ =	task.clear_ibuf [dreg:s7], $0x2FFFF;
	_ =	strace $0x9FFFFFFF  }
0xc8: {  	(tm) =	ssettm $0x7FFFFFFF  }
0xc9: {  	_ =	shalt  }
tec
execute0_lowered:
.L_overlay_start_1:
0x0: {  	(tag) =	ssettag $0x1  }
0x1: {  	s0 =	rddreg [dreg:$0x0]  }
0x2: {  	s1 =	rddreg [dreg:$0x1];
	s2 =	simm.s32 $0x0  }
0x3: {  	s3 =	srdreg.scid;
	s10 =	stileid.u32;
	s13 =	simm.s32 $0x80  }
0x4: {  	s23 =	simm.s32 $0x12000;
	s14 =	simm.s32 $0x2000;
	s24 =	simm.s32 $0x12180  }
0x5: {  	s25 =	simm.s32 $0x12300;
	s26 =	simm.s32 $0x12480;
	s28 =	simm.s32 $0x3  }
0x6: {  	s29 =	simm.s32 $0x7;
	s30 =	simm.s32 $0x4;
	s31 =	simm.s32 $0x8  }
0x7: {  	[smem:$0x7FF] =	sst s2;
	s5 =	sand.u32 $0x1, s3;
	s6 =	sshll.u32 s10, $0xE  }
0x8: {  	s3 =	sadd.s32 $0x9C00, s0;
	s4 =	sadd.s32 $0x7C00, s0;
	s9 =	smul.u32 $0xC000, s10  }
0x9: {  	s10 =	sshll.u32 s10, $0x12;
	_ =	strace $0x8000004D;
	[dreg:$0x3] =	wrdreg s23  }
0xa: {  	s7 =	sshll.u32 s5, $0xD;
	s8 =	ssub.s32 $0x2, s5;
	[dreg:$0x4] =	wrdreg s24  }
0xb: {  	s12 =	smul.u32 $0x6000, s5;
	s5 =	sshll.u32 s5, $0x11;
	[dreg:$0x5] =	wrdreg s25  }
0xc: {  	[dreg:$0x6] =	wrdreg s26;
	s23 =	simm.s32 $0x1;
	s24 =	simm.s32 $0x5  }
0xd: {  	s25 =	simm.s32 $0x2;
	s6 =	sor.u32 s7, s6;
	s11 =	sshrl.u32 s8, $0x1  }
0xe: {  	s26 =	simm.s32 $0x6;
	s7 =	sshrl.u32 s6, $0x3;
	s8 =	ssub.s32 s8, s11  }
0xf: {  	s15 =	sadd.s32 s12, s9;
	s6 =	smul.u32 $0x3, s6;
	s11 =	simm.s32 $0x0  }
0x10: {  	s7 =	sadd.s32 s7, s0;
	s0 =	sadd.s32 s10, s0;
	s16 =	sshrl.u32 s15, $0x3  }
0x11: {  	s17 =	smax.u32 s8, $0x1;
	s15 =	simm.s32 $0x180;
	s10 =	simm.s32 $0x10  }
0x12: {  	s7 =	sadd.s32 $0x21FC00, s7;
	s0 =	sadd.s32 s5, s0;
	[dreg:$0x8] =	wrdreg s17  }
0x13: {  	s18 =	sadd.s32 s16, s1;
	s19 =	sor.u32 $0x480, s6;
	s20 =	sor.u32 $0x300, s6  }
0x14: {  	s6 =	sor.u32 $0x180, s6;
	s16 =	simm.s32 $0x12600;
	[dreg:$0x7] =	wrdreg s7  }
0x15: {  	s17 =	simm.s32 $0x6000;
	s0 =	sadd.s32 $0x227C00, s0;
	[dreg:$0xa] =	wrdreg s18  }
0x16: {  	s5 =	sshrl.u32 s20, $0x3;
	s6 =	sshrl.u32 s6, $0x3;
	s18 =	simm.s32 $0x12780  }
0x17: {  	s20 =	simm.s32 $0x12900;
	[dreg:$0x9] =	wrdreg s0;
	s21 =	sadd.s32 s5, s1  }
0x18: {  	s0 =	sshrl.u32 s19, $0x3;
	s22 =	sadd.s32 s6, s1;
	[dreg:$0xc] =	wrdreg s21  }
0x19: {  	s19 =	simm.s32 $0xA000;
	s0 =	sadd.s32 s0, s1;
	[dreg:$0xd] =	wrdreg s22  }
0x1a: {  	s21 =	simm.s32 $0xE000;
	s22 =	simm.s32 $0x12A80;
	[dreg:$0xb] =	wrdreg s0  }
.LBB2_1:
0x1b: {  	s0 =	rddreg [dreg:$0x7];
	s12 =	simm.s32 $0x11  }
0x1c: {  	[tilespmem:s2], [sflag:$0x11] =	stream.linear.gather [hbm4b:s0+s2], $0x2000, $0x38;
	[tilespmem:$0x12C00] =	vst v63  }
0x1d: {  	_ =	swait.ge [sflag:s12], $0x2000  }
0x1e: {  	s0 =	rddreg [dreg:$0xc]  }
0x1f: {  	s1 =	rddreg [dreg:$0xb]  }
0x20: {  	s5 =	rddreg [dreg:$0xa]  }
0x21: {  	[sflag:s12] =	ssyncset.done $0x0;
	s6 =	rddreg [dreg:$0x9]  }
0x22: {  	s7 =	simm.s32 $0x0;
	[sflag:s12] =	ssyncadd.s32 $0xFFFFE000;
	s12 =	rddreg [dreg:$0xd]  }
.LBB2_2:
0x23: {  	p0 =	seq.s32 s7, $0x0  }
0x24: {  	s8 =	simm.s32 @!p0 $0x9  }
0x25: {  	_ =	swait.ge @!p0 [sflag:s8], $0x4000  }
0x26: {  	[sflag:s8] =	ssyncset.done @!p0 $0x0  }
0x27: {  	[sflag:s8] =	ssyncadd.s32 @!p0 $0xFFFFC000;
	s8 =	simm.s32 @!p0 $0xD  }
0x28: {  	_ =	swait.ge @!p0 [sflag:s8], $0x180  }
0x29: {  	[sflag:s8] =	ssyncset.done @!p0 $0x0  }
0x2a: {  	[sflag:s8] =	ssyncadd.s32 @!p0 $0xFFFFFE80;
	s8 =	sshra.s32 s7, $0x2  }
0x2b: {  	[tilespmem:s14], [sflag:$0x1] =	stream.indirect.gather [hbm4b:s3+s13], $0x80, s8, s13, $0xb8;
	[tilespmem:$0x12C00] =	vst v63  }
0x2c: {  	v0 =	vld [tilespmem:s8+$0x0];
	_ =	sdelay $0x4  }
0x2d: {  	v0 =	vshll.u32 v0, $0x4  }
0x2e: {  	[tilespmem:$0x12000] =	vst v0;
	v1 =	vor.u32 $0x1, v0  }
0x2f: {  	v0 =	vor.u32 $0x2, v0;
	[tilespmem:$0x12080] =	vst v1  }
0x30: {  	[tilespmem:$0x12100] =	vst v0  }
0x31: {  	v0 =	vld [tilespmem:s8+$0x10];
	_ =	sdelay $0x4  }
0x32: {  	v0 =	vshll.u32 v0, $0x4  }
0x33: {  	[tilespmem:$0x12010] =	vst v0;
	v30 =	vor.u32 $0x1, v0  }
0x34: {  	v0 =	vor.u32 $0x2, v0;
	[tilespmem:$0x12090] =	vst v30  }
0x35: {  	[tilespmem:$0x12110] =	vst v0  }
0x36: {  	v0 =	vld [tilespmem:s8+$0x20];
	_ =	sdelay $0x4  }
0x37: {  	v0 =	vshll.u32 v0, $0x4  }
0x38: {  	[tilespmem:$0x12020] =	vst v0;
	v31 =	vor.u32 $0x1, v0  }
0x39: {  	v0 =	vor.u32 $0x2, v0;
	[tilespmem:$0x120A0] =	vst v31  }
0x3a: {  	[tilespmem:$0x12120] =	vst v0  }
0x3b: {  	v0 =	vld [tilespmem:s8+$0x30];
	_ =	sdelay $0x4  }
0x3c: {  	v0 =	vshll.u32 v0, $0x4  }
0x3d: {  	[tilespmem:$0x12030] =	vst v0;
	v32 =	vor.u32 $0x1, v0  }
0x3e: {  	v0 =	vor.u32 $0x2, v0;
	[tilespmem:$0x120B0] =	vst v32  }
0x3f: {  	[tilespmem:$0x12130] =	vst v0  }
0x40: {  	v0 =	vld [tilespmem:s8+$0x40];
	_ =	sdelay $0x4  }
0x41: {  	v0 =	vshll.u32 v0, $0x4  }
0x42: {  	[tilespmem:$0x12040] =	vst v0;
	v33 =	vor.u32 $0x1, v0  }
0x43: {  	v0 =	vor.u32 $0x2, v0;
	[tilespmem:$0x120C0] =	vst v33  }
0x44: {  	[tilespmem:$0x12140] =	vst v0  }
0x45: {  	v0 =	vld [tilespmem:s8+$0x50];
	_ =	sdelay $0x4  }
0x46: {  	v0 =	vshll.u32 v0, $0x4  }
0x47: {  	[tilespmem:$0x12050] =	vst v0;
	v34 =	vor.u32 $0x1, v0  }
0x48: {  	v0 =	vor.u32 $0x2, v0;
	[tilespmem:$0x120D0] =	vst v34  }
0x49: {  	[tilespmem:$0x12150] =	vst v0  }
0x4a: {  	v0 =	vld [tilespmem:s8+$0x60];
	_ =	sdelay $0x4  }
0x4b: {  	v0 =	vshll.u32 v0, $0x4  }
0x4c: {  	[tilespmem:$0x12060] =	vst v0;
	v35 =	vor.u32 $0x1, v0  }
0x4d: {  	v0 =	vor.u32 $0x2, v0;
	[tilespmem:$0x120E0] =	vst v35  }
0x4e: {  	[tilespmem:$0x12160] =	vst v0  }
0x4f: {  	v0 =	vld [tilespmem:s8+$0x70];
	_ =	sdelay $0x4  }
0x50: {  	v0 =	vshll.u32 v0, $0x4  }
0x51: {  	[tilespmem:$0x12070] =	vst v0;
	v36 =	vor.u32 $0x1, v0  }
0x52: {  	v0 =	vor.u32 $0x2, v0;
	[tilespmem:$0x120F0] =	vst v36  }
0x53: {  	s9 =	rddreg [dreg:$0x3];
	[tilespmem:$0x12170] =	vst v0  }
0x54: {  	[tilespmem:s16], [sflag:$0x5] =	stream.indirect.gather [hbm4b:s4+s15], $0x1, s9, s15, $0xb8;
	[tilespmem:$0x12C00] =	vst v63  }
0x55: {  	s9 =	simm.s32 @!p0 $0xA  }
0x56: {  	_ =	swait.ge @!p0 [sflag:s9], $0x4000  }
0x57: {  	[sflag:s9] =	ssyncset.done @!p0 $0x0  }
0x58: {  	[sflag:s9] =	ssyncadd.s32 @!p0 $0xFFFFC000;
	s9 =	simm.s32 @!p0 $0xE  }
0x59: {  	_ =	swait.ge @!p0 [sflag:s9], $0x180  }
0x5a: {  	[sflag:s9] =	ssyncset.done @!p0 $0x0  }
0x5b: {  	[sflag:s9] =	ssyncadd.s32 @!p0 $0xFFFFFE80;
	s9 =	sadd.s32 $0x80, s8  }
0x5c: {  	[tilespmem:s17], [sflag:$0x2] =	stream.indirect.gather [hbm4b:s3+s13], $0x80, s9, s13, $0xb8;
	[tilespmem:$0x12C00] =	vst v63  }
0x5d: {  	v37 =	vld [tilespmem:s8+$0x80];
	_ =	sdelay $0x4  }
0x5e: {  	v0 =	vshll.u32 v37, $0x4  }
0x5f: {  	[tilespmem:$0x12180] =	vst v0;
	v38 =	vor.u32 $0x1, v0  }
0x60: {  	v0 =	vor.u32 $0x2, v0;
	[tilespmem:$0x12200] =	vst v38  }
0x61: {  	[tilespmem:$0x12280] =	vst v0  }
0x62: {  	v0 =	vld [tilespmem:s8+$0x90];
	_ =	sdelay $0x4  }
0x63: {  	v0 =	vshll.u32 v0, $0x4  }
0x64: {  	[tilespmem:$0x12190] =	vst v0;
	v39 =	vor.u32 $0x1, v0  }
0x65: {  	v0 =	vor.u32 $0x2, v0;
	[tilespmem:$0x12210] =	vst v39  }
0x66: {  	[tilespmem:$0x12290] =	vst v0  }
0x67: {  	v0 =	vld [tilespmem:s8+$0xA0];
	_ =	sdelay $0x4  }
0x68: {  	v0 =	vshll.u32 v0, $0x4  }
0x69: {  	[tilespmem:$0x121A0] =	vst v0;
	v40 =	vor.u32 $0x1, v0  }
0x6a: {  	v0 =	vor.u32 $0x2, v0;
	[tilespmem:$0x12220] =	vst v40  }
0x6b: {  	[tilespmem:$0x122A0] =	vst v0  }
0x6c: {  	v0 =	vld [tilespmem:s8+$0xB0];
	_ =	sdelay $0x4  }
0x6d: {  	v0 =	vshll.u32 v0, $0x4  }
0x6e: {  	[tilespmem:$0x121B0] =	vst v0;
	v41 =	vor.u32 $0x1, v0  }
0x6f: {  	v0 =	vor.u32 $0x2, v0;
	[tilespmem:$0x12230] =	vst v41  }
0x70: {  	[tilespmem:$0x122B0] =	vst v0  }
0x71: {  	v0 =	vld [tilespmem:s8+$0xC0];
	_ =	sdelay $0x4  }
0x72: {  	v0 =	vshll.u32 v0, $0x4  }
0x73: {  	[tilespmem:$0x121C0] =	vst v0;
	v42 =	vor.u32 $0x1, v0  }
0x74: {  	v0 =	vor.u32 $0x2, v0;
	[tilespmem:$0x12240] =	vst v42  }
0x75: {  	[tilespmem:$0x122C0] =	vst v0  }
0x76: {  	v0 =	vld [tilespmem:s8+$0xD0];
	_ =	sdelay $0x4  }
0x77: {  	v0 =	vshll.u32 v0, $0x4  }
0x78: {  	[tilespmem:$0x121D0] =	vst v0;
	v43 =	vor.u32 $0x1, v0  }
0x79: {  	v0 =	vor.u32 $0x2, v0;
	[tilespmem:$0x12250] =	vst v43  }
0x7a: {  	[tilespmem:$0x122D0] =	vst v0  }
0x7b: {  	v0 =	vld [tilespmem:s8+$0xE0];
	_ =	sdelay $0x4  }
0x7c: {  	v0 =	vshll.u32 v0, $0x4  }
0x7d: {  	[tilespmem:$0x121E0] =	vst v0;
	v44 =	vor.u32 $0x1, v0  }
0x7e: {  	v0 =	vor.u32 $0x2, v0;
	[tilespmem:$0x12260] =	vst v44  }
0x7f: {  	[tilespmem:$0x122E0] =	vst v0  }
0x80: {  	v0 =	vld [tilespmem:s8+$0xF0];
	_ =	sdelay $0x4  }
0x81: {  	v0 =	vshll.u32 v0, $0x4  }
0x82: {  	[tilespmem:$0x121F0] =	vst v0;
	v45 =	vor.u32 $0x1, v0  }
0x83: {  	v0 =	vor.u32 $0x2, v0;
	[tilespmem:$0x12270] =	vst v45  }
0x84: {  	s9 =	rddreg [dreg:$0x4];
	[tilespmem:$0x122F0] =	vst v0  }
0x85: {  	[tilespmem:s18], [sflag:$0x6] =	stream.indirect.gather [hbm4b:s4+s15], $0x1, s9, s15, $0xb8;
	[tilespmem:$0x12C00] =	vst v63  }
0x86: {  	s9 =	simm.s32 @!p0 $0xB  }
0x87: {  	_ =	swait.ge @!p0 [sflag:s9], $0x4000  }
0x88: {  	[sflag:s9] =	ssyncset.done @!p0 $0x0  }
0x89: {  	[sflag:s9] =	ssyncadd.s32 @!p0 $0xFFFFC000;
	s9 =	simm.s32 @!p0 $0xF  }
0x8a: {  	_ =	swait.ge @!p0 [sflag:s9], $0x180  }
0x8b: {  	[sflag:s9] =	ssyncset.done @!p0 $0x0  }
0x8c: {  	[sflag:s9] =	ssyncadd.s32 @!p0 $0xFFFFFE80;
	s9 =	sadd.s32 $0x100, s8  }
0x8d: {  	[tilespmem:s19], [sflag:$0x3] =	stream.indirect.gather [hbm4b:s3+s13], $0x80, s9, s13, $0xb8;
	[tilespmem:$0x12C00] =	vst v63  }
0x8e: {  	v46 =	vld [tilespmem:s8+$0x100];
	_ =	sdelay $0x4  }
0x8f: {  	v0 =	vshll.u32 v46, $0x4  }
0x90: {  	[tilespmem:$0x12300] =	vst v0;
	v47 =	vor.u32 $0x1, v0  }
0x91: {  	v0 =	vor.u32 $0x2, v0;
	[tilespmem:$0x12380] =	vst v47  }
0x92: {  	[tilespmem:$0x12400] =	vst v0  }
0x93: {  	v0 =	vld [tilespmem:s8+$0x110];
	_ =	sdelay $0x4  }
0x94: {  	v0 =	vshll.u32 v0, $0x4  }
0x95: {  	[tilespmem:$0x12310] =	vst v0;
	v48 =	vor.u32 $0x1, v0  }
0x96: {  	v0 =	vor.u32 $0x2, v0;
	[tilespmem:$0x12390] =	vst v48  }
0x97: {  	[tilespmem:$0x12410] =	vst v0  }
0x98: {  	v0 =	vld [tilespmem:s8+$0x120];
	_ =	sdelay $0x4  }
0x99: {  	v0 =	vshll.u32 v0, $0x4  }
0x9a: {  	[tilespmem:$0x12320] =	vst v0;
	v49 =	vor.u32 $0x1, v0  }
0x9b: {  	v0 =	vor.u32 $0x2, v0;
	[tilespmem:$0x123A0] =	vst v49  }
0x9c: {  	[tilespmem:$0x12420] =	vst v0  }
0x9d: {  	v0 =	vld [tilespmem:s8+$0x130];
	_ =	sdelay $0x4  }
0x9e: {  	v0 =	vshll.u32 v0, $0x4  }
0x9f: {  	[tilespmem:$0x12330] =	vst v0;
	v50 =	vor.u32 $0x1, v0  }
0xa0: {  	v0 =	vor.u32 $0x2, v0;
	[tilespmem:$0x123B0] =	vst v50  }
0xa1: {  	[tilespmem:$0x12430] =	vst v0  }
0xa2: {  	v0 =	vld [tilespmem:s8+$0x140];
	_ =	sdelay $0x4  }
0xa3: {  	v0 =	vshll.u32 v0, $0x4  }
0xa4: {  	[tilespmem:$0x12340] =	vst v0;
	v51 =	vor.u32 $0x1, v0  }
0xa5: {  	v0 =	vor.u32 $0x2, v0;
	[tilespmem:$0x123C0] =	vst v51  }
0xa6: {  	[tilespmem:$0x12440] =	vst v0  }
0xa7: {  	v0 =	vld [tilespmem:s8+$0x150];
	_ =	sdelay $0x4  }
0xa8: {  	v0 =	vshll.u32 v0, $0x4  }
0xa9: {  	[tilespmem:$0x12350] =	vst v0;
	v52 =	vor.u32 $0x1, v0  }
0xaa: {  	v0 =	vor.u32 $0x2, v0;
	[tilespmem:$0x123D0] =	vst v52  }
0xab: {  	[tilespmem:$0x12450] =	vst v0  }
0xac: {  	v0 =	vld [tilespmem:s8+$0x160];
	_ =	sdelay $0x4  }
0xad: {  	v0 =	vshll.u32 v0, $0x4  }
0xae: {  	[tilespmem:$0x12360] =	vst v0;
	v53 =	vor.u32 $0x1, v0  }
0xaf: {  	v0 =	vor.u32 $0x2, v0;
	[tilespmem:$0x123E0] =	vst v53  }
0xb0: {  	[tilespmem:$0x12460] =	vst v0  }
0xb1: {  	v0 =	vld [tilespmem:s8+$0x170];
	_ =	sdelay $0x4  }
0xb2: {  	v0 =	vshll.u32 v0, $0x4  }
0xb3: {  	[tilespmem:$0x12370] =	vst v0;
	v54 =	vor.u32 $0x1, v0  }
0xb4: {  	v0 =	vor.u32 $0x2, v0;
	[tilespmem:$0x123F0] =	vst v54  }
0xb5: {  	s9 =	rddreg [dreg:$0x5];
	[tilespmem:$0x12470] =	vst v0  }
0xb6: {  	[tilespmem:s20], [sflag:$0x7] =	stream.indirect.gather [hbm4b:s4+s15], $0x1, s9, s15, $0xb8;
	[tilespmem:$0x12C00] =	vst v63  }
0xb7: {  	s9 =	simm.s32 @!p0 $0xC  }
0xb8: {  	_ =	swait.ge @!p0 [sflag:s9], $0x4000  }
0xb9: {  	[sflag:s9] =	ssyncset.done @!p0 $0x0  }
0xba: {  	[sflag:s9] =	ssyncadd.s32 @!p0 $0xFFFFC000;
	s9 =	simm.s32 @!p0 $0x10  }
0xbb: {  	_ =	swait.ge @!p0 [sflag:s9], $0x180  }
0xbc: {  	[sflag:s9] =	ssyncset.done @!p0 $0x0  }
0xbd: {  	[sflag:s9] =	ssyncadd.s32 @!p0 $0xFFFFFE80;
	s9 =	sadd.s32 $0x180, s8  }
0xbe: {  	[tilespmem:s21], [sflag:$0x4] =	stream.indirect.gather [hbm4b:s3+s13], $0x80, s9, s13, $0xb8;
	[tilespmem:$0x12C00] =	vst v63  }
0xbf: {  	v55 =	vld [tilespmem:s8+$0x180];
	_ =	sdelay $0x4  }
0xc0: {  	v0 =	vshll.u32 v55, $0x4  }
0xc1: {  	[tilespmem:$0x12480] =	vst v0;
	v56 =	vor.u32 $0x1, v0  }
0xc2: {  	v0 =	vor.u32 $0x2, v0;
	[tilespmem:$0x12500] =	vst v56  }
0xc3: {  	[tilespmem:$0x12580] =	vst v0  }
0xc4: {  	v0 =	vld [tilespmem:s8+$0x190];
	_ =	sdelay $0x4  }
0xc5: {  	v0 =	vshll.u32 v0, $0x4  }
0xc6: {  	[tilespmem:$0x12490] =	vst v0;
	v57 =	vor.u32 $0x1, v0  }
0xc7: {  	v0 =	vor.u32 $0x2, v0;
	[tilespmem:$0x12510] =	vst v57  }
0xc8: {  	[tilespmem:$0x12590] =	vst v0  }
0xc9: {  	v0 =	vld [tilespmem:s8+$0x1A0];
	_ =	sdelay $0x4  }
0xca: {  	v0 =	vshll.u32 v0, $0x4  }
0xcb: {  	[tilespmem:$0x124A0] =	vst v0;
	v58 =	vor.u32 $0x1, v0  }
0xcc: {  	v0 =	vor.u32 $0x2, v0;
	[tilespmem:$0x12520] =	vst v58  }
0xcd: {  	[tilespmem:$0x125A0] =	vst v0  }
0xce: {  	v0 =	vld [tilespmem:s8+$0x1B0];
	_ =	sdelay $0x4  }
0xcf: {  	v0 =	vshll.u32 v0, $0x4  }
0xd0: {  	[tilespmem:$0x124B0] =	vst v0;
	v59 =	vor.u32 $0x1, v0  }
0xd1: {  	v0 =	vor.u32 $0x2, v0;
	[tilespmem:$0x12530] =	vst v59  }
0xd2: {  	[tilespmem:$0x125B0] =	vst v0  }
0xd3: {  	v0 =	vld [tilespmem:s8+$0x1C0];
	_ =	sdelay $0x4  }
0xd4: {  	v0 =	vshll.u32 v0, $0x4  }
0xd5: {  	[tilespmem:$0x124C0] =	vst v0;
	v60 =	vor.u32 $0x1, v0  }
0xd6: {  	v0 =	vor.u32 $0x2, v0;
	[tilespmem:$0x12540] =	vst v60  }
0xd7: {  	[tilespmem:$0x125C0] =	vst v0  }
0xd8: {  	v0 =	vld [tilespmem:s8+$0x1D0];
	_ =	sdelay $0x4  }
0xd9: {  	v0 =	vshll.u32 v0, $0x4  }
0xda: {  	[tilespmem:$0x124D0] =	vst v0;
	v61 =	vor.u32 $0x1, v0  }
0xdb: {  	v0 =	vor.u32 $0x2, v0;
	[tilespmem:$0x12550] =	vst v61  }
0xdc: {  	[tilespmem:$0x125D0] =	vst v0  }
0xdd: {  	v0 =	vld [tilespmem:s8+$0x1E0];
	_ =	sdelay $0x4  }
0xde: {  	v0 =	vshll.u32 v0, $0x4  }
0xdf: {  	[tilespmem:$0x124E0] =	vst v0;
	v62 =	vor.u32 $0x1, v0  }
0xe0: {  	v0 =	vor.u32 $0x2, v0;
	[tilespmem:$0x12560] =	vst v62  }
0xe1: {  	[tilespmem:$0x125E0] =	vst v0  }
0xe2: {  	v0 =	vld [tilespmem:s8+$0x1F0];
	_ =	sdelay $0x4  }
0xe3: {  	v0 =	vshll.u32 v0, $0x4  }
0xe4: {  	[tilespmem:$0x124F0] =	vst v0;
	v63 =	vor.u32 $0x1, v0  }
0xe5: {  	v0 =	vor.u32 $0x2, v0;
	[tilespmem:$0x12570] =	vst v63  }
0xe6: {  	s9 =	rddreg [dreg:$0x6];
	[tilespmem:$0x125F0] =	vst v0  }
0xe7: {  	[tilespmem:s22], [sflag:$0x8] =	stream.indirect.gather [hbm4b:s4+s15], $0x1, s9, s15, $0xb8;
	[tilespmem:$0x12C00] =	vst v63  }
0xe8: {  	_ =	swait.ge [sflag:s23], $0x4000  }
0xe9: {  	[sflag:s23] =	ssyncset.done $0x0  }
0xea: {  	[sflag:s23] =	ssyncadd.s32 $0xFFFFC000  }
0xeb: {  	_ =	swait.ge [sflag:s24], $0x180  }
0xec: {  	[sflag:s24] =	ssyncset.done $0x0  }
0xed: {  	[sflag:s24] =	ssyncadd.s32 $0xFFFFFE80  }
0xee: {  	[hbm4b:s6+s2] =	stream.linear.scatter [tilespmem:s14], [sflag:$0x9], $0x4000, $0x38;
	[tilespmem:$0x12C00] =	vst v63  }
0xef: {  	_ = 	snop  }
0xf0: {  	[hbm4b:s5+s2] =	stream.linear.scatter [tilespmem:s16], [sflag:$0xD], $0x180, $0x38;
	[tilespmem:$0x12C00] =	vst v63  }
0xf1: {  	_ =	swait.ge [sflag:s25], $0x4000  }
0xf2: {  	[sflag:s25] =	ssyncset.done $0x0  }
0xf3: {  	[sflag:s25] =	ssyncadd.s32 $0xFFFFC000  }
0xf4: {  	_ =	swait.ge [sflag:s26], $0x180  }
0xf5: {  	[sflag:s26] =	ssyncset.done $0x0  }
0xf6: {  	s9 =	sadd.s32 $0x800, s6;
	[sflag:s26] =	ssyncadd.s32 $0xFFFFFE80  }
0xf7: {  	[hbm4b:s9+s2] =	stream.linear.scatter [tilespmem:s17], [sflag:$0xA], $0x4000, $0x38;
	[tilespmem:$0x12C00] =	vst v63  }
0xf8: {  	_ = 	snop  }
0xf9: {  	[hbm4b:s12+s2] =	stream.linear.scatter [tilespmem:s18], [sflag:$0xE], $0x180, $0x38;
	[tilespmem:$0x12C00] =	vst v63  }
0xfa: {  	_ =	swait.ge [sflag:s28], $0x4000  }
0xfb: {  	[sflag:s28] =	ssyncset.done $0x0  }
0xfc: {  	[sflag:s28] =	ssyncadd.s32 $0xFFFFC000  }
0xfd: {  	_ =	swait.ge [sflag:s29], $0x180  }
0xfe: {  	[sflag:s29] =	ssyncset.done $0x0  }
0xff: {  	s9 =	sadd.s32 $0x1000, s6;
	[sflag:s29] =	ssyncadd.s32 $0xFFFFFE80  }
0x100: {  	[hbm4b:s9+s2] =	stream.linear.scatter [tilespmem:s19], [sflag:$0xB], $0x4000, $0x38;
	[tilespmem:$0x12C00] =	vst v63  }
0x101: {  	_ = 	snop  }
0x102: {  	[hbm4b:s0+s2] =	stream.linear.scatter [tilespmem:s20], [sflag:$0xF], $0x180, $0x38;
	[tilespmem:$0x12C00] =	vst v63  }
0x103: {  	_ =	swait.ge [sflag:s30], $0x4000  }
0x104: {  	[sflag:s30] =	ssyncset.done $0x0  }
0x105: {  	[sflag:s30] =	ssyncadd.s32 $0xFFFFC000  }
0x106: {  	s7 =	sadd.s32 $0x800, s7;
	_ =	swait.ge [sflag:s31], $0x180  }
0x107: {  	p0 =	sne.s32 s7, $0x8000;
	[sflag:s31] =	ssyncset.done $0x0  }
.Ltmp0:
0x108: {  	s9 =	sadd.s32 $0x1800, s6;
	[sflag:s31] =	ssyncadd.s32 $0xFFFFFE80;
	(pc) =	sbr.rel @p0 .LBB2_2-.Ltmp0, $4  }
0x109: {  	[hbm4b:s9+s2] =	stream.linear.scatter [tilespmem:s21], [sflag:$0xC], $0x4000, $0x38;
	[tilespmem:$0x12C00] =	vst v63  }
0x10a: {  	s5 =	sadd.s32 $0xC0, s5;
	s12 =	sadd.s32 $0xC0, s12  }
0x10b: {  	[hbm4b:s1+s2] =	stream.linear.scatter [tilespmem:s22], [sflag:$0x10], $0x180, $0x38;
	[tilespmem:$0x12C00] =	vst v63  }
0x10c: {  	s6 =	sadd.s32 $0x2000, s6;
	s0 =	sadd.s32 $0xC0, s0;
	s1 =	sadd.s32 $0xC0, s1  }
0x10d: {  	s0 =	simm.s32 $0x9  }
0x10e: {  	_ =	swait.ge [sflag:s0], $0x4000  }
0x10f: {  	[sflag:s0] =	ssyncset.done $0x0  }
0x110: {  	s1 =	simm.s32 $0xD;
	[sflag:s0] =	ssyncadd.s32 $0xFFFFC000  }
0x111: {  	_ =	swait.ge [sflag:s1], $0x180  }
0x112: {  	[sflag:s1] =	ssyncset.done $0x0  }
0x113: {  	s5 =	simm.s32 $0xA;
	[sflag:s1] =	ssyncadd.s32 $0xFFFFFE80  }
0x114: {  	_ =	swait.ge [sflag:s5], $0x4000  }
0x115: {  	[sflag:s5] =	ssyncset.done $0x0  }
0x116: {  	s6 =	simm.s32 $0xE;
	[sflag:s5] =	ssyncadd.s32 $0xFFFFC000  }
0x117: {  	_ =	swait.ge [sflag:s6], $0x180  }
0x118: {  	[sflag:s6] =	ssyncset.done $0x0  }
0x119: {  	s7 =	simm.s32 $0xB;
	[sflag:s6] =	ssyncadd.s32 $0xFFFFFE80  }
0x11a: {  	_ =	swait.ge [sflag:s7], $0x4000  }
0x11b: {  	[sflag:s7] =	ssyncset.done $0x0  }
0x11c: {  	s8 =	simm.s32 $0xF;
	[sflag:s7] =	ssyncadd.s32 $0xFFFFC000  }
0x11d: {  	_ =	swait.ge [sflag:s8], $0x180  }
0x11e: {  	[sflag:s8] =	ssyncset.done $0x0  }
0x11f: {  	s9 =	simm.s32 $0xC;
	[sflag:s8] =	ssyncadd.s32 $0xFFFFFE80  }
0x120: {  	_ =	swait.ge [sflag:s9], $0x4000  }
0x121: {  	[sflag:s9] =	ssyncset.done $0x0  }
0x122: {  	[sflag:s9] =	ssyncadd.s32 $0xFFFFC000  }
0x123: {  	_ =	swait.ge [sflag:s10], $0x180  }
0x124: {  	s11 =	sadd.s32 $0x1, s11;
	s12 =	rddreg [dreg:$0x8]  }
0x125: {  	p0 =	sne.s32 s11, s12  }
.Ltmp1:
0x126: {  	_ = 	snop;
	(pc) =	sbr.rel @p0 .LBB2_1-.Ltmp1, $3  }
0x127: {  	_ =	sdelay $0x1  }
0x128: {  	[sflag:s10] =	ssyncset.done $0x0  }
0x129: {  	[sflag:s10] =	ssyncadd.s32 $0xFFFFFE80  }
0x12a: {  	_ =	sfence.sel $0x180000  }
0x12b: {  	[bflag:$0x0] =	sbarrier.arrive $0xFFFF  }
0x12c: {  	_ =	strace $0x9000004D  }
0x12d: {  	s0 =	stileid.u32;
	[bflag:$0x2] =	sbarrier.arrive $0xFFFF  }
0x12e: {  	p0 =	sne.s32 s0, $0x0;
	s0 =	rddreg [dreg:$0x2]  }
0x12f: {  	s0 =	sadd.s32 @!p0 $0x100000, s0  }
0x130: {  	[sflag:s0] =	ssyncadd.tile.s32 @!p0 $0x1;
	_ =	shalt  }
.Lfunc_end2:
_tile_overlayer_lowered:
.L_overlay_start_2:
0x131: {  	(tag) =	ssettag $0x2  }
0x132: {  	s0 =	rddreg [dreg:$0x0];
	s2 =	stileid.u32  }
0x133: {  	s1 =	rddreg [dreg:$0x1];
	p0 =	sne.s32 s2, $0x0  }
0x134: {  	s3 =	rddreg [dreg:$0x2];
	[bflag:$0x3] =	sbarrier.arrive $0xFFFF;
	s2 =	simm.s32 @!p0 $0x1C11  }
0x135: {  	[timem:s3], [sflag:s2] =	dma.local @!p0 [hbm:s0], s1  }
0x136: {  	s0 =	simm.s32 @!p0 $0x11  }
0x137: {  	_ =	swait.ge @!p0 [sflag:s0], s1  }
0x138: {  	s1 =	ssub.s32 @!p0 $0x0, s1;
	[sflag:s0] =	ssyncset.done @!p0 $0x0  }
0x139: {  	[sflag:s0] =	ssyncadd.s32 @!p0 s1  }
0x13a: {  	[bflag:$0x3] =	sbarrier.arrive $0xFFFF  }
0x13b: {  	_ =	shalt  }

</sc_bundles>
